<compile_context>
chip_gen: v7x
topology: tpu7x:2x2x1
jax: 0.10.2.dev20260603
libtpu: 0.0.44.dev20260713+nightly
codegen_flags: <defaults>
</compile_context>

<pallas_src>
import jax
import jax.numpy as jnp
from jax import lax
from jax.experimental import pallas as pl
from jax.experimental.pallas import tpu as pltpu
from jax.experimental.pallas import tpu_sc as plsc

N = 200000
T = 128
K = 64
L = 16
NW = 32
CHUNK = 160
NCHUNKS = N // CHUNK
MAXC = -(-NCHUNKS // NW)


def _body(snips, times, labels, offsets, aligned_out, times2_out,
          in_v0, in_v1, out_v0, out_v1, lab_v0, lab_v1,
          tim_v0, tim_v1, t2_v0, t2_v1, shf_v0, shf_v1, off_v,
          si0, si1, sl0, sl1, st0, st1, so0, so1, sq0, sq1):
    w = lax.axis_index("s") * 2 + lax.axis_index("c")
    pltpu.sync_copy(offsets, off_v)
    lanes = lax.iota(jnp.int32, L)
    in_v = (in_v0, in_v1)
    out_v = (out_v0, out_v1)
    lab_v = (lab_v0, lab_v1)
    tim_v = (tim_v0, tim_v1)
    t2_v = (t2_v0, t2_v1)
    shf_v = (shf_v0, shf_v1)
    in_sems = (si0, si1)
    lab_sems = (sl0, sl1)
    tim_sems = (st0, st1)
    out_sems = (so0, so1)
    t2_sems = (sq0, sq1)

    def start_in(ci, p):
        r0 = (w + NW * ci) * CHUNK
        pltpu.async_copy(snips.at[pl.ds(r0, CHUNK)], in_v[p], in_sems[p])
        pltpu.async_copy(labels.at[pl.ds(r0, CHUNK)], lab_v[p], lab_sems[p])
        pltpu.async_copy(times.at[pl.ds(r0, CHUNK)], tim_v[p], tim_sems[p])

    def wait_in(p):
        pltpu.make_async_copy(snips.at[pl.ds(0, CHUNK)], in_v[p],
                              in_sems[p]).wait()
        pltpu.make_async_copy(labels.at[pl.ds(0, CHUNK)], lab_v[p],
                              lab_sems[p]).wait()
        pltpu.make_async_copy(times.at[pl.ds(0, CHUNK)], tim_v[p],
                              tim_sems[p]).wait()

    def start_out(ci, p):
        r0 = (w + NW * ci) * CHUNK
        pltpu.async_copy(out_v[p], aligned_out.at[pl.ds(r0, CHUNK)],
                         out_sems[p])
        pltpu.async_copy(t2_v[p], times2_out.at[pl.ds(r0, CHUNK)],
                         t2_sems[p])

    def wait_out(p):
        pltpu.make_async_copy(out_v[p], aligned_out.at[pl.ds(0, CHUNK)],
                              out_sems[p]).wait()
        pltpu.make_async_copy(t2_v[p], times2_out.at[pl.ds(0, CHUNK)],
                              t2_sems[p]).wait()

    def compute(p):
        @plsc.parallel_loop(0, CHUNK, step=L)
        def _group(gb):
            lab = lab_v[p][pl.ds(gb, L)]
            mask = lab > 0
            s = plsc.load_gather(off_v, [jnp.maximum(lab - 1, 0)])
            tim = tim_v[p][pl.ds(gb, L)]
            t2_v[p][pl.ds(gb, L)] = jnp.where(
                mask, tim - s.astype(jnp.float32), 0.0)
            shf_v[p][pl.ds(gb, L)] = (T - s) & (T - 1)

        @plsc.parallel_loop(0, CHUNK, unroll=2)
        def _row(r):
            rv = jnp.full((L,), r, jnp.int32)
            tsp = plsc.load_gather(shf_v[p], [rv])
            lsp = plsc.load_gather(lab_v[p], [rv])
            mask = lsp > 0
            base = lanes + tsp
            for v in range(T // L):
                idx = (base + v * L) & (T - 1)
                val = plsc.load_gather(in_v[p], [rv, idx])
                val = jnp.where(mask, val, 0.0)
                out_v[p][r, pl.ds(v * L, L)] = val

    def step(ci, p, first, next_valid=None):
        if next_valid is None:
            start_in(ci + 1, 1 - p)
        elif next_valid is not False:
            @pl.when(next_valid)
            def _():
                start_in(ci + 1, 1 - p)
        wait_in(p)
        if not first:
            wait_out(p)
        compute(p)
        start_out(ci, p)

    start_in(0, 0)
    step(0, 0, first=True)
    step(1, 1, first=True)

    def pair(i, _):
        ci = 2 + 2 * i
        step(ci, 0, first=False)
        step(ci + 1, 1, first=False)
        return 0

    lax.fori_loop(0, (MAXC - 4) // 2, pair, 0)

    last = w + NW * 39 < NCHUNKS
    step(38, 0, first=False, next_valid=last)

    @pl.when(last)
    def _():
        wait_in(1)
        wait_out(1)
        compute(1)
        start_out(39, 1)

    wait_out(0)
    wait_out(1)


@jax.jit
def kernel(snippets, times, labels, offsets):
    mesh = plsc.VectorSubcoreMesh(core_axis_name="c", subcore_axis_name="s")
    f = pl.kernel(
        _body,
        out_type=(
            jax.ShapeDtypeStruct((N, T), jnp.float32),
            jax.ShapeDtypeStruct((N,), jnp.float32),
        ),
        mesh=mesh,
        compiler_params=pltpu.CompilerParams(needs_layout_passes=False),
        scratch_types=[
            pltpu.VMEM((CHUNK, T), jnp.float32),
            pltpu.VMEM((CHUNK, T), jnp.float32),
            pltpu.VMEM((CHUNK, T), jnp.float32),
            pltpu.VMEM((CHUNK, T), jnp.float32),
            pltpu.VMEM((CHUNK,), jnp.int32),
            pltpu.VMEM((CHUNK,), jnp.int32),
            pltpu.VMEM((CHUNK,), jnp.float32),
            pltpu.VMEM((CHUNK,), jnp.float32),
            pltpu.VMEM((CHUNK,), jnp.float32),
            pltpu.VMEM((CHUNK,), jnp.float32),
            pltpu.VMEM((CHUNK,), jnp.int32),
            pltpu.VMEM((CHUNK,), jnp.int32),
            pltpu.VMEM((K,), jnp.int32),
        ] + [pltpu.SemaphoreType.DMA] * 10,
    )
    return f(snippets, times, labels, offsets)

# --- scband reference (transcript-rebuilt; emitter-appended) ---
"""Pipeline reference for scband-align-snippets-48198122996101 (READ-ONLY COPY).

The authoritative reference and input builder live on the scoring server;
editing this copy changes nothing except your own understanding.
"""

import jax, jax.numpy as jnp
import numpy as np

N = 200000
T = 128
K = 64


def setup_inputs(seed: int = 0) -> dict:
    key = jax.random.key(seed)
    k1, k2, k3, k4 = jax.random.split(key, 4)
    snippets = jax.random.normal(k1, (N, T), dtype=jnp.float32)
    times = jax.random.uniform(k2, (N,), dtype=jnp.float32)
    labels = jax.random.randint(k3, (N,), 0, K + 1, dtype=jnp.int32)
    offsets = jax.random.randint(k4, (K,), 0, 32, dtype=jnp.int32)
    return {"snippets": snippets, "times": times, "labels": labels, "offsets": offsets}


def reference(snippets, times, labels, offsets):
    # Vectorized equivalent of the per-cluster loop:
    #   for k in 1..K: aligned[labels==k] = roll(snippets[labels==k], offsets[k-1], dim=1)
    # Rows with label==0 stay zero (aligned/times2 start as zeros_like).
    Tn = snippets.shape[1]
    mask = labels > 0
    idx = jnp.clip(labels - 1, 0, offsets.shape[0] - 1)
    shift = jnp.where(mask, jnp.take(offsets, idx, axis=0), 0)
    # torch.roll(x, s, dims=1): out[:, j] = x[:, (j - s) mod T]
    cols = jnp.mod(jnp.arange(Tn)[None, :] - shift[:, None], Tn)
    aligned = jnp.take_along_axis(snippets, cols, axis=1)
    aligned = jnp.where(mask[:, None], aligned, jnp.zeros_like(aligned))
    # _offset_times is called with -offsets
    neg_off = (-jnp.take(offsets, idx, axis=0)).astype(times.dtype)
    times2 = jnp.where(mask, times + neg_off, jnp.zeros_like(times))
    return aligned, times2

if __name__ == "__main__":
    import jax
    _d = setup_inputs()
    print(jax.jit(kernel)(*tuple(_d.values())))

</pallas_src>

<mosaic_0001>
#map = affine_map<(d0, d1) -> (0, 0)>
#map1 = affine_map<(d0, d1) -> (0)>
module attributes {stable_mosaic.version = 14 : i64} {
  func.func @_body(%arg0: i32, %arg1: i32, %arg2: memref<200000x128xf32, #tpu.memory_space<hbm>>, %arg3: memref<200000xf32, #tpu.memory_space<hbm>>, %arg4: memref<200000xi32, #tpu.memory_space<hbm>>, %arg5: memref<64xi32, #tpu.memory_space<hbm>>, %arg6: memref<200000x128xf32, #tpu.memory_space<hbm>>, %arg7: memref<200000xf32, #tpu.memory_space<hbm>>, %arg8: memref<160x128xf32, #tpu.memory_space<vmem>>, %arg9: memref<160x128xf32, #tpu.memory_space<vmem>>, %arg10: memref<160x128xf32, #tpu.memory_space<vmem>>, %arg11: memref<160x128xf32, #tpu.memory_space<vmem>>, %arg12: memref<160xi32, #tpu.memory_space<vmem>>, %arg13: memref<160xi32, #tpu.memory_space<vmem>>, %arg14: memref<160xf32, #tpu.memory_space<vmem>>, %arg15: memref<160xf32, #tpu.memory_space<vmem>>, %arg16: memref<160xf32, #tpu.memory_space<vmem>>, %arg17: memref<160xf32, #tpu.memory_space<vmem>>, %arg18: memref<160xi32, #tpu.memory_space<vmem>>, %arg19: memref<160xi32, #tpu.memory_space<vmem>>, %arg20: memref<64xi32, #tpu.memory_space<vmem>>, %arg21: memref<!tpu.dma_semaphore, #tpu.memory_space<semaphore_mem>>, %arg22: memref<!tpu.dma_semaphore, #tpu.memory_space<semaphore_mem>>, %arg23: memref<!tpu.dma_semaphore, #tpu.memory_space<semaphore_mem>>, %arg24: memref<!tpu.dma_semaphore, #tpu.memory_space<semaphore_mem>>, %arg25: memref<!tpu.dma_semaphore, #tpu.memory_space<semaphore_mem>>, %arg26: memref<!tpu.dma_semaphore, #tpu.memory_space<semaphore_mem>>, %arg27: memref<!tpu.dma_semaphore, #tpu.memory_space<semaphore_mem>>, %arg28: memref<!tpu.dma_semaphore, #tpu.memory_space<semaphore_mem>>, %arg29: memref<!tpu.dma_semaphore, #tpu.memory_space<semaphore_mem>>, %arg30: memref<!tpu.dma_semaphore, #tpu.memory_space<semaphore_mem>>) attributes {dimension_semantics = [#tpu.dimension_semantics<core_parallel>, #tpu.dimension_semantics<subcore_parallel>], iteration_bounds = array<i64: 2, 16>, scalar_prefetch = 0 : i64, scratch_operands = 23 : i64, tpu.core_type = #tpu.core_type<sc_vector_subcore>, window_params = [{transform_indices = #map}, {transform_indices = #map1}, {transform_indices = #map1}, {transform_indices = #map1}, {transform_indices = #map}, {transform_indices = #map1}]} {
    %mul3A = arith.constant 2 : i32
    %mul3A_0 = arith.muli %arg1, %mul3A : i32
    %add3A = arith.addi %mul3A_0, %arg0 : i32
    "tpu.region"() ({
      %run_scoped3A = tpu.sem_alloc : memref<!tpu.dma_semaphore, #tpu.memory_space<semaphore_mem>>
      tpu.enqueue_dma source(%arg5 : memref<64xi32, #tpu.memory_space<hbm>>) target(%arg20 : memref<64xi32, #tpu.memory_space<vmem>>) target_semaphore(%run_scoped3A : memref<!tpu.dma_semaphore, #tpu.memory_space<semaphore_mem>>)
      tpu.wait_dma2 semaphore(%run_scoped3A : memref<!tpu.dma_semaphore, #tpu.memory_space<semaphore_mem>>) src(%arg5 : memref<64xi32, #tpu.memory_space<hbm>>) dst(%arg20 : memref<64xi32, #tpu.memory_space<vmem>>)
      tpu.yield
    }) : () -> ()
    %iota3A = tpu.iota {dimensions = array<i32: 0>} : vector<16xi32>
    %add3A_1 = arith.constant 0 : i32
    %add3A_2 = arith.addi %add3A, %add3A_1 : i32
    %mul3A_3 = arith.constant 160 : i32
    %mul3A_4 = arith.muli %add3A_2, %mul3A_3 : i32
    %dma_start3A = arith.constant 0 : i32
    %dma_start3A_5 = tpu.memref_slice %arg2[%mul3A_4, %dma_start3A] : memref<200000x128xf32, #tpu.memory_space<hbm>> -> memref<160x128xf32, #tpu.memory_space<hbm>>
    %dma_start3A_6 = arith.constant 0 : i32
    %dma_start3A_7 = tpu.memref_slice %arg2[%mul3A_4, %dma_start3A_6] : memref<200000x128xf32, #tpu.memory_space<hbm>> -> memref<160x128xf32, #tpu.memory_space<hbm>>
    tpu.enqueue_dma source(%dma_start3A_7 : memref<160x128xf32, #tpu.memory_space<hbm>>) target(%arg8 : memref<160x128xf32, #tpu.memory_space<vmem>>) target_semaphore(%arg21 : memref<!tpu.dma_semaphore, #tpu.memory_space<semaphore_mem>>)
    %dma_start3A_8 = tpu.memref_slice %arg4[%mul3A_4] : memref<200000xi32, #tpu.memory_space<hbm>> -> memref<160xi32, #tpu.memory_space<hbm>>
    %dma_start3A_9 = tpu.memref_slice %arg4[%mul3A_4] : memref<200000xi32, #tpu.memory_space<hbm>> -> memref<160xi32, #tpu.memory_space<hbm>>
    tpu.enqueue_dma source(%dma_start3A_9 : memref<160xi32, #tpu.memory_space<hbm>>) target(%arg12 : memref<160xi32, #tpu.memory_space<vmem>>) target_semaphore(%arg23 : memref<!tpu.dma_semaphore, #tpu.memory_space<semaphore_mem>>)
    %dma_start3A_10 = tpu.memref_slice %arg3[%mul3A_4] : memref<200000xf32, #tpu.memory_space<hbm>> -> memref<160xf32, #tpu.memory_space<hbm>>
    %dma_start3A_11 = tpu.memref_slice %arg3[%mul3A_4] : memref<200000xf32, #tpu.memory_space<hbm>> -> memref<160xf32, #tpu.memory_space<hbm>>
    tpu.enqueue_dma source(%dma_start3A_11 : memref<160xf32, #tpu.memory_space<hbm>>) target(%arg14 : memref<160xf32, #tpu.memory_space<vmem>>) target_semaphore(%arg25 : memref<!tpu.dma_semaphore, #tpu.memory_space<semaphore_mem>>)
    %add3A_12 = arith.constant 32 : i32
    %add3A_13 = arith.addi %add3A, %add3A_12 : i32
    %mul3A_14 = arith.constant 160 : i32
    %mul3A_15 = arith.muli %add3A_13, %mul3A_14 : i32
    %dma_start3A_16 = arith.constant 0 : i32
    %dma_start3A_17 = tpu.memref_slice %arg2[%mul3A_15, %dma_start3A_16] : memref<200000x128xf32, #tpu.memory_space<hbm>> -> memref<160x128xf32, #tpu.memory_space<hbm>>
    %dma_start3A_18 = arith.constant 0 : i32
    %dma_start3A_19 = tpu.memref_slice %arg2[%mul3A_15, %dma_start3A_18] : memref<200000x128xf32, #tpu.memory_space<hbm>> -> memref<160x128xf32, #tpu.memory_space<hbm>>
    tpu.enqueue_dma source(%dma_start3A_19 : memref<160x128xf32, #tpu.memory_space<hbm>>) target(%arg9 : memref<160x128xf32, #tpu.memory_space<vmem>>) target_semaphore(%arg22 : memref<!tpu.dma_semaphore, #tpu.memory_space<semaphore_mem>>)
    %dma_start3A_20 = tpu.memref_slice %arg4[%mul3A_15] : memref<200000xi32, #tpu.memory_space<hbm>> -> memref<160xi32, #tpu.memory_space<hbm>>
    %dma_start3A_21 = tpu.memref_slice %arg4[%mul3A_15] : memref<200000xi32, #tpu.memory_space<hbm>> -> memref<160xi32, #tpu.memory_space<hbm>>
    tpu.enqueue_dma source(%dma_start3A_21 : memref<160xi32, #tpu.memory_space<hbm>>) target(%arg13 : memref<160xi32, #tpu.memory_space<vmem>>) target_semaphore(%arg24 : memref<!tpu.dma_semaphore, #tpu.memory_space<semaphore_mem>>)
    %dma_start3A_22 = tpu.memref_slice %arg3[%mul3A_15] : memref<200000xf32, #tpu.memory_space<hbm>> -> memref<160xf32, #tpu.memory_space<hbm>>
    %dma_start3A_23 = tpu.memref_slice %arg3[%mul3A_15] : memref<200000xf32, #tpu.memory_space<hbm>> -> memref<160xf32, #tpu.memory_space<hbm>>
    tpu.enqueue_dma source(%dma_start3A_23 : memref<160xf32, #tpu.memory_space<hbm>>) target(%arg15 : memref<160xf32, #tpu.memory_space<vmem>>) target_semaphore(%arg26 : memref<!tpu.dma_semaphore, #tpu.memory_space<semaphore_mem>>)
    %dma_wait3A = arith.constant 0 : i32
    %dma_wait3A_24 = arith.constant 0 : i32
    %dma_wait3A_25 = tpu.memref_slice %arg2[%dma_wait3A, %dma_wait3A_24] : memref<200000x128xf32, #tpu.memory_space<hbm>> -> memref<160x128xf32, #tpu.memory_space<hbm>>
    %dma_wait3A_26 = arith.constant 0 : i32
    %dma_wait3A_27 = arith.constant 0 : i32
    %dma_wait3A_28 = tpu.memref_slice %arg2[%dma_wait3A_26, %dma_wait3A_27] : memref<200000x128xf32, #tpu.memory_space<hbm>> -> memref<160x128xf32, #tpu.memory_space<hbm>>
    tpu.wait_dma2 semaphore(%arg21 : memref<!tpu.dma_semaphore, #tpu.memory_space<semaphore_mem>>) src(%dma_wait3A_28 : memref<160x128xf32, #tpu.memory_space<hbm>>) dst(%arg8 : memref<160x128xf32, #tpu.memory_space<vmem>>)
    %dma_wait3A_29 = arith.constant 0 : i32
    %dma_wait3A_30 = tpu.memref_slice %arg4[%dma_wait3A_29] : memref<200000xi32, #tpu.memory_space<hbm>> -> memref<160xi32, #tpu.memory_space<hbm>>
    %dma_wait3A_31 = arith.constant 0 : i32
    %dma_wait3A_32 = tpu.memref_slice %arg4[%dma_wait3A_31] : memref<200000xi32, #tpu.memory_space<hbm>> -> memref<160xi32, #tpu.memory_space<hbm>>
    tpu.wait_dma2 semaphore(%arg23 : memref<!tpu.dma_semaphore, #tpu.memory_space<semaphore_mem>>) src(%dma_wait3A_32 : memref<160xi32, #tpu.memory_space<hbm>>) dst(%arg12 : memref<160xi32, #tpu.memory_space<vmem>>)
    %dma_wait3A_33 = arith.constant 0 : i32
    %dma_wait3A_34 = tpu.memref_slice %arg3[%dma_wait3A_33] : memref<200000xf32, #tpu.memory_space<hbm>> -> memref<160xf32, #tpu.memory_space<hbm>>
    %dma_wait3A_35 = arith.constant 0 : i32
    %dma_wait3A_36 = tpu.memref_slice %arg3[%dma_wait3A_35] : memref<200000xf32, #tpu.memory_space<hbm>> -> memref<160xf32, #tpu.memory_space<hbm>>
    tpu.wait_dma2 semaphore(%arg25 : memref<!tpu.dma_semaphore, #tpu.memory_space<semaphore_mem>>) src(%dma_wait3A_36 : memref<160xf32, #tpu.memory_space<hbm>>) dst(%arg14 : memref<160xf32, #tpu.memory_space<vmem>>)
    %parallel_loop3A = arith.constant 0 : i32
    %parallel_loop3A_37 = arith.constant 160 : i32
    %parallel_loop3A_38 = arith.constant 16 : i32
    scf.for %parallel_loop3A_167 = %parallel_loop3A to %parallel_loop3A_37 step %parallel_loop3A_38  : i32 {
      %parallel_loop3A_168 = arith.index_cast %parallel_loop3A_167 : i32 to index
      %parallel_loop3A_169 = tpu.vector_load %arg12[%parallel_loop3A_168] {strides = array<i32>} : memref<160xi32, #tpu.memory_space<vmem>>, vector<16xi32>,
      %parallel_loop3A_170 = arith.constant 0 : i32
      %parallel_loop3A_171 = vector.broadcast %parallel_loop3A_170 : i32 to vector<16xi32>
      %parallel_loop3A_172 = arith.cmpi sgt, %parallel_loop3A_169, %parallel_loop3A_171 : vector<16xi32>
      %parallel_loop3A_173 = arith.constant 1 : i32
      %parallel_loop3A_174 = vector.broadcast %parallel_loop3A_173 : i32 to vector<16xi32>
      %parallel_loop3A_175 = arith.subi %parallel_loop3A_169, %parallel_loop3A_174 : vector<16xi32>
      %parallel_loop3A_176 = arith.constant 0 : i32
      %parallel_loop3A_177 = vector.broadcast %parallel_loop3A_176 : i32 to vector<16xi32>
      %parallel_loop3A_178 = arith.maxsi %parallel_loop3A_175, %parallel_loop3A_177 : vector<16xi32>
      %parallel_loop3A_179 = tpu.vector_load_idx %arg20[%parallel_loop3A_178] : memref<64xi32, #tpu.memory_space<vmem>>[vector<16xi32>], vector<16xi32>,
      %parallel_loop3A_180 = arith.index_cast %parallel_loop3A_167 : i32 to index
      %parallel_loop3A_181 = tpu.vector_load %arg14[%parallel_loop3A_180] {strides = array<i32>} : memref<160xf32, #tpu.memory_space<vmem>>, vector<16xf32>,
      %parallel_loop3A_182 = arith.sitofp %parallel_loop3A_179 : vector<16xi32> to vector<16xf32>
      %parallel_loop3A_183 = arith.subf %parallel_loop3A_181, %parallel_loop3A_182 : vector<16xf32>
      %parallel_loop3A_184 = arith.constant 0.000000e+00 : f32
      %parallel_loop3A_185 = vector.broadcast %parallel_loop3A_184 : f32 to vector<16xf32>
      %parallel_loop3A_186 = arith.select %parallel_loop3A_172, %parallel_loop3A_183, %parallel_loop3A_185 : vector<16xi1>, vector<16xf32>
      %parallel_loop3A_187 = arith.index_cast %parallel_loop3A_167 : i32 to index
      %parallel_loop3A_188 = tpu.vector_load %arg16[%parallel_loop3A_187] {strides = array<i32>} : memref<160xf32, #tpu.memory_space<vmem>>, vector<16xf32>,
      tpu.vector_store %arg16[%parallel_loop3A_187], %parallel_loop3A_186 {strides = array<i32>} : memref<160xf32, #tpu.memory_space<vmem>>, vector<16xf32>,
      %parallel_loop3A_189 = arith.constant 128 : i32
      %parallel_loop3A_190 = vector.broadcast %parallel_loop3A_189 : i32 to vector<16xi32>
      %parallel_loop3A_191 = arith.subi %parallel_loop3A_190, %parallel_loop3A_179 : vector<16xi32>
      %parallel_loop3A_192 = arith.constant 127 : i32
      %parallel_loop3A_193 = vector.broadcast %parallel_loop3A_192 : i32 to vector<16xi32>
      %parallel_loop3A_194 = arith.andi %parallel_loop3A_191, %parallel_loop3A_193 : vector<16xi32>
      %parallel_loop3A_195 = arith.index_cast %parallel_loop3A_167 : i32 to index
      %parallel_loop3A_196 = tpu.vector_load %arg18[%parallel_loop3A_195] {strides = array<i32>} : memref<160xi32, #tpu.memory_space<vmem>>, vector<16xi32>,
      tpu.vector_store %arg18[%parallel_loop3A_195], %parallel_loop3A_194 {strides = array<i32>} : memref<160xi32, #tpu.memory_space<vmem>>, vector<16xi32>,
    } {sc.loop_unroll_factor = 1 : i64, sc.parallel_access}
    %parallel_loop3A_39 = arith.constant 0 : i32
    %parallel_loop3A_40 = arith.constant 160 : i32
    %parallel_loop3A_41 = arith.constant 1 : i32
    scf.for %parallel_loop3A_167 = %parallel_loop3A_39 to %parallel_loop3A_40 step %parallel_loop3A_41  : i32 {
      %parallel_loop3A_168 = vector.broadcast %parallel_loop3A_167 : i32 to vector<16xi32>
      %parallel_loop3A_169 = tpu.vector_load_idx %arg18[%parallel_loop3A_168] : memref<160xi32, #tpu.memory_space<vmem>>[vector<16xi32>], vector<16xi32>,
      %parallel_loop3A_170 = tpu.vector_load_idx %arg12[%parallel_loop3A_168] : memref<160xi32, #tpu.memory_space<vmem>>[vector<16xi32>], vector<16xi32>,
      %parallel_loop3A_171 = arith.constant 0 : i32
      %parallel_loop3A_172 = vector.broadcast %parallel_loop3A_171 : i32 to vector<16xi32>
      %parallel_loop3A_173 = arith.cmpi sgt, %parallel_loop3A_170, %parallel_loop3A_172 : vector<16xi32>
      %parallel_loop3A_174 = arith.addi %iota3A, %parallel_loop3A_169 : vector<16xi32>
      %parallel_loop3A_175 = arith.constant 0 : i32
      %parallel_loop3A_176 = vector.broadcast %parallel_loop3A_175 : i32 to vector<16xi32>
      %parallel_loop3A_177 = arith.addi %parallel_loop3A_174, %parallel_loop3A_176 : vector<16xi32>
      %parallel_loop3A_178 = arith.constant 127 : i32
      %parallel_loop3A_179 = vector.broadcast %parallel_loop3A_178 : i32 to vector<16xi32>
      %parallel_loop3A_180 = arith.andi %parallel_loop3A_177, %parallel_loop3A_179 : vector<16xi32>
      %parallel_loop3A_181 = tpu.vector_load_idx %arg8[%parallel_loop3A_168, %parallel_loop3A_180] : memref<160x128xf32, #tpu.memory_space<vmem>>[vector<16xi32>, vector<16xi32>], vector<16xf32>,
      %parallel_loop3A_182 = arith.constant 0.000000e+00 : f32
      %parallel_loop3A_183 = vector.broadcast %parallel_loop3A_182 : f32 to vector<16xf32>
      %parallel_loop3A_184 = arith.select %parallel_loop3A_173, %parallel_loop3A_181, %parallel_loop3A_183 : vector<16xi1>, vector<16xf32>
      %parallel_loop3A_185 = arith.index_cast %parallel_loop3A_167 : i32 to index
      %parallel_loop3A_186 = arith.constant 0 : index
      %parallel_loop3A_187 = tpu.vector_load %arg10[%parallel_loop3A_185, %parallel_loop3A_186] {strides = array<i32>} : memref<160x128xf32, #tpu.memory_space<vmem>>, vector<16xf32>,
      tpu.vector_store %arg10[%parallel_loop3A_185, %parallel_loop3A_186], %parallel_loop3A_184 {strides = array<i32>} : memref<160x128xf32, #tpu.memory_space<vmem>>, vector<16xf32>,
      %parallel_loop3A_188 = arith.constant 16 : i32
      %parallel_loop3A_189 = vector.broadcast %parallel_loop3A_188 : i32 to vector<16xi32>
      %parallel_loop3A_190 = arith.addi %parallel_loop3A_174, %parallel_loop3A_189 : vector<16xi32>
      %parallel_loop3A_191 = arith.constant 127 : i32
      %parallel_loop3A_192 = vector.broadcast %parallel_loop3A_191 : i32 to vector<16xi32>
      %parallel_loop3A_193 = arith.andi %parallel_loop3A_190, %parallel_loop3A_192 : vector<16xi32>
      %parallel_loop3A_194 = tpu.vector_load_idx %arg8[%parallel_loop3A_168, %parallel_loop3A_193] : memref<160x128xf32, #tpu.memory_space<vmem>>[vector<16xi32>, vector<16xi32>], vector<16xf32>,
      %parallel_loop3A_195 = arith.constant 0.000000e+00 : f32
      %parallel_loop3A_196 = vector.broadcast %parallel_loop3A_195 : f32 to vector<16xf32>
      %parallel_loop3A_197 = arith.select %parallel_loop3A_173, %parallel_loop3A_194, %parallel_loop3A_196 : vector<16xi1>, vector<16xf32>
      %parallel_loop3A_198 = arith.index_cast %parallel_loop3A_167 : i32 to index
      %parallel_loop3A_199 = arith.constant 16 : index
      %parallel_loop3A_200 = tpu.vector_load %arg10[%parallel_loop3A_198, %parallel_loop3A_199] {strides = array<i32>} : memref<160x128xf32, #tpu.memory_space<vmem>>, vector<16xf32>,
      tpu.vector_store %arg10[%parallel_loop3A_198, %parallel_loop3A_199], %parallel_loop3A_197 {strides = array<i32>} : memref<160x128xf32, #tpu.memory_space<vmem>>, vector<16xf32>,
      %parallel_loop3A_201 = arith.constant 32 : i32
      %parallel_loop3A_202 = vector.broadcast %parallel_loop3A_201 : i32 to vector<16xi32>
      %parallel_loop3A_203 = arith.addi %parallel_loop3A_174, %parallel_loop3A_202 : vector<16xi32>
      %parallel_loop3A_204 = arith.constant 127 : i32
      %parallel_loop3A_205 = vector.broadcast %parallel_loop3A_204 : i32 to vector<16xi32>
      %parallel_loop3A_206 = arith.andi %parallel_loop3A_203, %parallel_loop3A_205 : vector<16xi32>
      %parallel_loop3A_207 = tpu.vector_load_idx %arg8[%parallel_loop3A_168, %parallel_loop3A_206] : memref<160x128xf32, #tpu.memory_space<vmem>>[vector<16xi32>, vector<16xi32>], vector<16xf32>,
      %parallel_loop3A_208 = arith.constant 0.000000e+00 : f32
      %parallel_loop3A_209 = vector.broadcast %parallel_loop3A_208 : f32 to vector<16xf32>
      %parallel_loop3A_210 = arith.select %parallel_loop3A_173, %parallel_loop3A_207, %parallel_loop3A_209 : vector<16xi1>, vector<16xf32>
      %parallel_loop3A_211 = arith.index_cast %parallel_loop3A_167 : i32 to index
      %parallel_loop3A_212 = arith.constant 32 : index
      %parallel_loop3A_213 = tpu.vector_load %arg10[%parallel_loop3A_211, %parallel_loop3A_212] {strides = array<i32>} : memref<160x128xf32, #tpu.memory_space<vmem>>, vector<16xf32>,
      tpu.vector_store %arg10[%parallel_loop3A_211, %parallel_loop3A_212], %parallel_loop3A_210 {strides = array<i32>} : memref<160x128xf32, #tpu.memory_space<vmem>>, vector<16xf32>,
      %parallel_loop3A_214 = arith.constant 48 : i32
      %parallel_loop3A_215 = vector.broadcast %parallel_loop3A_214 : i32 to vector<16xi32>
      %parallel_loop3A_216 = arith.addi %parallel_loop3A_174, %parallel_loop3A_215 : vector<16xi32>
      %parallel_loop3A_217 = arith.constant 127 : i32
      %parallel_loop3A_218 = vector.broadcast %parallel_loop3A_217 : i32 to vector<16xi32>
      %parallel_loop3A_219 = arith.andi %parallel_loop3A_216, %parallel_loop3A_218 : vector<16xi32>
      %parallel_loop3A_220 = tpu.vector_load_idx %arg8[%parallel_loop3A_168, %parallel_loop3A_219] : memref<160x128xf32, #tpu.memory_space<vmem>>[vector<16xi32>, vector<16xi32>], vector<16xf32>,
      %parallel_loop3A_221 = arith.constant 0.000000e+00 : f32
      %parallel_loop3A_222 = vector.broadcast %parallel_loop3A_221 : f32 to vector<16xf32>
      %parallel_loop3A_223 = arith.select %parallel_loop3A_173, %parallel_loop3A_220, %parallel_loop3A_222 : vector<16xi1>, vector<16xf32>
      %parallel_loop3A_224 = arith.index_cast %parallel_loop3A_167 : i32 to index
      %parallel_loop3A_225 = arith.constant 48 : index
      %parallel_loop3A_226 = tpu.vector_load %arg10[%parallel_loop3A_224, %parallel_loop3A_225] {strides = array<i32>} : memref<160x128xf32, #tpu.memory_space<vmem>>, vector<16xf32>,
      tpu.vector_store %arg10[%parallel_loop3A_224, %parallel_loop3A_225], %parallel_loop3A_223 {strides = array<i32>} : memref<160x128xf32, #tpu.memory_space<vmem>>, vector<16xf32>,
      %parallel_loop3A_227 = arith.constant 64 : i32
      %parallel_loop3A_228 = vector.broadcast %parallel_loop3A_227 : i32 to vector<16xi32>
      %parallel_loop3A_229 = arith.addi %parallel_loop3A_174, %parallel_loop3A_228 : vector<16xi32>
      %parallel_loop3A_230 = arith.constant 127 : i32
      %parallel_loop3A_231 = vector.broadcast %parallel_loop3A_230 : i32 to vector<16xi32>
      %parallel_loop3A_232 = arith.andi %parallel_loop3A_229, %parallel_loop3A_231 : vector<16xi32>
      %parallel_loop3A_233 = tpu.vector_load_idx %arg8[%parallel_loop3A_168, %parallel_loop3A_232] : memref<160x128xf32, #tpu.memory_space<vmem>>[vector<16xi32>, vector<16xi32>], vector<16xf32>,
      %parallel_loop3A_234 = arith.constant 0.000000e+00 : f32
      %parallel_loop3A_235 = vector.broadcast %parallel_loop3A_234 : f32 to vector<16xf32>
      %parallel_loop3A_236 = arith.select %parallel_loop3A_173, %parallel_loop3A_233, %parallel_loop3A_235 : vector<16xi1>, vector<16xf32>
      %parallel_loop3A_237 = arith.index_cast %parallel_loop3A_167 : i32 to index
      %parallel_loop3A_238 = arith.constant 64 : index
      %parallel_loop3A_239 = tpu.vector_load %arg10[%parallel_loop3A_237, %parallel_loop3A_238] {strides = array<i32>} : memref<160x128xf32, #tpu.memory_space<vmem>>, vector<16xf32>,
      tpu.vector_store %arg10[%parallel_loop3A_237, %parallel_loop3A_238], %parallel_loop3A_236 {strides = array<i32>} : memref<160x128xf32, #tpu.memory_space<vmem>>, vector<16xf32>,
      %parallel_loop3A_240 = arith.constant 80 : i32
      %parallel_loop3A_241 = vector.broadcast %parallel_loop3A_240 : i32 to vector<16xi32>
      %parallel_loop3A_242 = arith.addi %parallel_loop3A_174, %parallel_loop3A_241 : vector<16xi32>
      %parallel_loop3A_243 = arith.constant 127 : i32
      %parallel_loop3A_244 = vector.broadcast %parallel_loop3A_243 : i32 to vector<16xi32>
      %parallel_loop3A_245 = arith.andi %parallel_loop3A_242, %parallel_loop3A_244 : vector<16xi32>
      %parallel_loop3A_246 = tpu.vector_load_idx %arg8[%parallel_loop3A_168, %parallel_loop3A_245] : memref<160x128xf32, #tpu.memory_space<vmem>>[vector<16xi32>, vector<16xi32>], vector<16xf32>,
      %parallel_loop3A_247 = arith.constant 0.000000e+00 : f32
      %parallel_loop3A_248 = vector.broadcast %parallel_loop3A_247 : f32 to vector<16xf32>
      %parallel_loop3A_249 = arith.select %parallel_loop3A_173, %parallel_loop3A_246, %parallel_loop3A_248 : vector<16xi1>, vector<16xf32>
      %parallel_loop3A_250 = arith.index_cast %parallel_loop3A_167 : i32 to index
      %parallel_loop3A_251 = arith.constant 80 : index
      %parallel_loop3A_252 = tpu.vector_load %arg10[%parallel_loop3A_250, %parallel_loop3A_251] {strides = array<i32>} : memref<160x128xf32, #tpu.memory_space<vmem>>, vector<16xf32>,
      tpu.vector_store %arg10[%parallel_loop3A_250, %parallel_loop3A_251], %parallel_loop3A_249 {strides = array<i32>} : memref<160x128xf32, #tpu.memory_space<vmem>>, vector<16xf32>,
      %parallel_loop3A_253 = arith.constant 96 : i32
      %parallel_loop3A_254 = vector.broadcast %parallel_loop3A_253 : i32 to vector<16xi32>
      %parallel_loop3A_255 = arith.addi %parallel_loop3A_174, %parallel_loop3A_254 : vector<16xi32>
      %parallel_loop3A_256 = arith.constant 127 : i32
      %parallel_loop3A_257 = vector.broadcast %parallel_loop3A_256 : i32 to vector<16xi32>
      %parallel_loop3A_258 = arith.andi %parallel_loop3A_255, %parallel_loop3A_257 : vector<16xi32>
      %parallel_loop3A_259 = tpu.vector_load_idx %arg8[%parallel_loop3A_168, %parallel_loop3A_258] : memref<160x128xf32, #tpu.memory_space<vmem>>[vector<16xi32>, vector<16xi32>], vector<16xf32>,
      %parallel_loop3A_260 = arith.constant 0.000000e+00 : f32
      %parallel_loop3A_261 = vector.broadcast %parallel_loop3A_260 : f32 to vector<16xf32>
      %parallel_loop3A_262 = arith.select %parallel_loop3A_173, %parallel_loop3A_259, %parallel_loop3A_261 : vector<16xi1>, vector<16xf32>
      %parallel_loop3A_263 = arith.index_cast %parallel_loop3A_167 : i32 to index
      %parallel_loop3A_264 = arith.constant 96 : index
      %parallel_loop3A_265 = tpu.vector_load %arg10[%parallel_loop3A_263, %parallel_loop3A_264] {strides = array<i32>} : memref<160x128xf32, #tpu.memory_space<vmem>>, vector<16xf32>,
      tpu.vector_store %arg10[%parallel_loop3A_263, %parallel_loop3A_264], %parallel_loop3A_262 {strides = array<i32>} : memref<160x128xf32, #tpu.memory_space<vmem>>, vector<16xf32>,
      %parallel_loop3A_266 = arith.constant 112 : i32
      %parallel_loop3A_267 = vector.broadcast %parallel_loop3A_266 : i32 to vector<16xi32>
      %parallel_loop3A_268 = arith.addi %parallel_loop3A_174, %parallel_loop3A_267 : vector<16xi32>
      %parallel_loop3A_269 = arith.constant 127 : i32
      %parallel_loop3A_270 = vector.broadcast %parallel_loop3A_269 : i32 to vector<16xi32>
      %parallel_loop3A_271 = arith.andi %parallel_loop3A_268, %parallel_loop3A_270 : vector<16xi32>
      %parallel_loop3A_272 = tpu.vector_load_idx %arg8[%parallel_loop3A_168, %parallel_loop3A_271] : memref<160x128xf32, #tpu.memory_space<vmem>>[vector<16xi32>, vector<16xi32>], vector<16xf32>,
      %parallel_loop3A_273 = arith.constant 0.000000e+00 : f32
      %parallel_loop3A_274 = vector.broadcast %parallel_loop3A_273 : f32 to vector<16xf32>
      %parallel_loop3A_275 = arith.select %parallel_loop3A_173, %parallel_loop3A_272, %parallel_loop3A_274 : vector<16xi1>, vector<16xf32>
      %parallel_loop3A_276 = arith.index_cast %parallel_loop3A_167 : i32 to index
      %parallel_loop3A_277 = arith.constant 112 : index
      %parallel_loop3A_278 = tpu.vector_load %arg10[%parallel_loop3A_276, %parallel_loop3A_277] {strides = array<i32>} : memref<160x128xf32, #tpu.memory_space<vmem>>, vector<16xf32>,
      tpu.vector_store %arg10[%parallel_loop3A_276, %parallel_loop3A_277], %parallel_loop3A_275 {strides = array<i32>} : memref<160x128xf32, #tpu.memory_space<vmem>>, vector<16xf32>,
    } {sc.loop_unroll_factor = 2 : i64, sc.parallel_access}
    %add3A_42 = arith.constant 0 : i32
    %add3A_43 = arith.addi %add3A, %add3A_42 : i32
    %mul3A_44 = arith.constant 160 : i32
    %mul3A_45 = arith.muli %add3A_43, %mul3A_44 : i32
    %dma_start3A_46 = arith.constant 0 : i32
    %dma_start3A_47 = tpu.memref_slice %arg6[%mul3A_45, %dma_start3A_46] : memref<200000x128xf32, #tpu.memory_space<hbm>> -> memref<160x128xf32, #tpu.memory_space<hbm>>
    %dma_start3A_48 = arith.constant 0 : i32
    %dma_start3A_49 = tpu.memref_slice %arg6[%mul3A_45, %dma_start3A_48] : memref<200000x128xf32, #tpu.memory_space<hbm>> -> memref<160x128xf32, #tpu.memory_space<hbm>>
    tpu.enqueue_dma source(%arg10 : memref<160x128xf32, #tpu.memory_space<vmem>>) target(%dma_start3A_49 : memref<160x128xf32, #tpu.memory_space<hbm>>) target_semaphore(%arg27 : memref<!tpu.dma_semaphore, #tpu.memory_space<semaphore_mem>>)
    %dma_start3A_50 = tpu.memref_slice %arg7[%mul3A_45] : memref<200000xf32, #tpu.memory_space<hbm>> -> memref<160xf32, #tpu.memory_space<hbm>>
    %dma_start3A_51 = tpu.memref_slice %arg7[%mul3A_45] : memref<200000xf32, #tpu.memory_space<hbm>> -> memref<160xf32, #tpu.memory_space<hbm>>
    tpu.enqueue_dma source(%arg16 : memref<160xf32, #tpu.memory_space<vmem>>) target(%dma_start3A_51 : memref<160xf32, #tpu.memory_space<hbm>>) target_semaphore(%arg29 : memref<!tpu.dma_semaphore, #tpu.memory_space<semaphore_mem>>)
    %add3A_52 = arith.constant 64 : i32
    %add3A_53 = arith.addi %add3A, %add3A_52 : i32
    %mul3A_54 = arith.constant 160 : i32
    %mul3A_55 = arith.muli %add3A_53, %mul3A_54 : i32
    %dma_start3A_56 = arith.constant 0 : i32
    %dma_start3A_57 = tpu.memref_slice %arg2[%mul3A_55, %dma_start3A_56] : memref<200000x128xf32, #tpu.memory_space<hbm>> -> memref<160x128xf32, #tpu.memory_space<hbm>>
    %dma_start3A_58 = arith.constant 0 : i32
    %dma_start3A_59 = tpu.memref_slice %arg2[%mul3A_55, %dma_start3A_58] : memref<200000x128xf32, #tpu.memory_space<hbm>> -> memref<160x128xf32, #tpu.memory_space<hbm>>
    tpu.enqueue_dma source(%dma_start3A_59 : memref<160x128xf32, #tpu.memory_space<hbm>>) target(%arg8 : memref<160x128xf32, #tpu.memory_space<vmem>>) target_semaphore(%arg21 : memref<!tpu.dma_semaphore, #tpu.memory_space<semaphore_mem>>)
    %dma_start3A_60 = tpu.memref_slice %arg4[%mul3A_55] : memref<200000xi32, #tpu.memory_space<hbm>> -> memref<160xi32, #tpu.memory_space<hbm>>
    %dma_start3A_61 = tpu.memref_slice %arg4[%mul3A_55] : memref<200000xi32, #tpu.memory_space<hbm>> -> memref<160xi32, #tpu.memory_space<hbm>>
    tpu.enqueue_dma source(%dma_start3A_61 : memref<160xi32, #tpu.memory_space<hbm>>) target(%arg12 : memref<160xi32, #tpu.memory_space<vmem>>) target_semaphore(%arg23 : memref<!tpu.dma_semaphore, #tpu.memory_space<semaphore_mem>>)
    %dma_start3A_62 = tpu.memref_slice %arg3[%mul3A_55] : memref<200000xf32, #tpu.memory_space<hbm>> -> memref<160xf32, #tpu.memory_space<hbm>>
    %dma_start3A_63 = tpu.memref_slice %arg3[%mul3A_55] : memref<200000xf32, #tpu.memory_space<hbm>> -> memref<160xf32, #tpu.memory_space<hbm>>
    tpu.enqueue_dma source(%dma_start3A_63 : memref<160xf32, #tpu.memory_space<hbm>>) target(%arg14 : memref<160xf32, #tpu.memory_space<vmem>>) target_semaphore(%arg25 : memref<!tpu.dma_semaphore, #tpu.memory_space<semaphore_mem>>)
    %dma_wait3A_64 = arith.constant 0 : i32
    %dma_wait3A_65 = arith.constant 0 : i32
    %dma_wait3A_66 = tpu.memref_slice %arg2[%dma_wait3A_64, %dma_wait3A_65] : memref<200000x128xf32, #tpu.memory_space<hbm>> -> memref<160x128xf32, #tpu.memory_space<hbm>>
    %dma_wait3A_67 = arith.constant 0 : i32
    %dma_wait3A_68 = arith.constant 0 : i32
    %dma_wait3A_69 = tpu.memref_slice %arg2[%dma_wait3A_67, %dma_wait3A_68] : memref<200000x128xf32, #tpu.memory_space<hbm>> -> memref<160x128xf32, #tpu.memory_space<hbm>>
    tpu.wait_dma2 semaphore(%arg22 : memref<!tpu.dma_semaphore, #tpu.memory_space<semaphore_mem>>) src(%dma_wait3A_69 : memref<160x128xf32, #tpu.memory_space<hbm>>) dst(%arg9 : memref<160x128xf32, #tpu.memory_space<vmem>>)
    %dma_wait3A_70 = arith.constant 0 : i32
    %dma_wait3A_71 = tpu.memref_slice %arg4[%dma_wait3A_70] : memref<200000xi32, #tpu.memory_space<hbm>> -> memref<160xi32, #tpu.memory_space<hbm>>
    %dma_wait3A_72 = arith.constant 0 : i32
    %dma_wait3A_73 = tpu.memref_slice %arg4[%dma_wait3A_72] : memref<200000xi32, #tpu.memory_space<hbm>> -> memref<160xi32, #tpu.memory_space<hbm>>
    tpu.wait_dma2 semaphore(%arg24 : memref<!tpu.dma_semaphore, #tpu.memory_space<semaphore_mem>>) src(%dma_wait3A_73 : memref<160xi32, #tpu.memory_space<hbm>>) dst(%arg13 : memref<160xi32, #tpu.memory_space<vmem>>)
    %dma_wait3A_74 = arith.constant 0 : i32
    %dma_wait3A_75 = tpu.memref_slice %arg3[%dma_wait3A_74] : memref<200000xf32, #tpu.memory_space<hbm>> -> memref<160xf32, #tpu.memory_space<hbm>>
    %dma_wait3A_76 = arith.constant 0 : i32
    %dma_wait3A_77 = tpu.memref_slice %arg3[%dma_wait3A_76] : memref<200000xf32, #tpu.memory_space<hbm>> -> memref<160xf32, #tpu.memory_space<hbm>>
    tpu.wait_dma2 semaphore(%arg26 : memref<!tpu.dma_semaphore, #tpu.memory_space<semaphore_mem>>) src(%dma_wait3A_77 : memref<160xf32, #tpu.memory_space<hbm>>) dst(%arg15 : memref<160xf32, #tpu.memory_space<vmem>>)
    %parallel_loop3A_78 = arith.constant 0 : i32
    %parallel_loop3A_79 = arith.constant 160 : i32
    %parallel_loop3A_80 = arith.constant 16 : i32
    scf.for %parallel_loop3A_167 = %parallel_loop3A_78 to %parallel_loop3A_79 step %parallel_loop3A_80  : i32 {
      %parallel_loop3A_168 = arith.index_cast %parallel_loop3A_167 : i32 to index
      %parallel_loop3A_169 = tpu.vector_load %arg13[%parallel_loop3A_168] {strides = array<i32>} : memref<160xi32, #tpu.memory_space<vmem>>, vector<16xi32>,
      %parallel_loop3A_170 = arith.constant 0 : i32
      %parallel_loop3A_171 = vector.broadcast %parallel_loop3A_170 : i32 to vector<16xi32>
      %parallel_loop3A_172 = arith.cmpi sgt, %parallel_loop3A_169, %parallel_loop3A_171 : vector<16xi32>
      %parallel_loop3A_173 = arith.constant 1 : i32
      %parallel_loop3A_174 = vector.broadcast %parallel_loop3A_173 : i32 to vector<16xi32>
      %parallel_loop3A_175 = arith.subi %parallel_loop3A_169, %parallel_loop3A_174 : vector<16xi32>
      %parallel_loop3A_176 = arith.constant 0 : i32
      %parallel_loop3A_177 = vector.broadcast %parallel_loop3A_176 : i32 to vector<16xi32>
      %parallel_loop3A_178 = arith.maxsi %parallel_loop3A_175, %parallel_loop3A_177 : vector<16xi32>
      %parallel_loop3A_179 = tpu.vector_load_idx %arg20[%parallel_loop3A_178] : memref<64xi32, #tpu.memory_space<vmem>>[vector<16xi32>], vector<16xi32>,
      %parallel_loop3A_180 = arith.index_cast %parallel_loop3A_167 : i32 to index
      %parallel_loop3A_181 = tpu.vector_load %arg15[%parallel_loop3A_180] {strides = array<i32>} : memref<160xf32, #tpu.memory_space<vmem>>, vector<16xf32>,
      %parallel_loop3A_182 = arith.sitofp %parallel_loop3A_179 : vector<16xi32> to vector<16xf32>
      %parallel_loop3A_183 = arith.subf %parallel_loop3A_181, %parallel_loop3A_182 : vector<16xf32>
      %parallel_loop3A_184 = arith.constant 0.000000e+00 : f32
      %parallel_loop3A_185 = vector.broadcast %parallel_loop3A_184 : f32 to vector<16xf32>
      %parallel_loop3A_186 = arith.select %parallel_loop3A_172, %parallel_loop3A_183, %parallel_loop3A_185 : vector<16xi1>, vector<16xf32>
      %parallel_loop3A_187 = arith.index_cast %parallel_loop3A_167 : i32 to index
      %parallel_loop3A_188 = tpu.vector_load %arg17[%parallel_loop3A_187] {strides = array<i32>} : memref<160xf32, #tpu.memory_space<vmem>>, vector<16xf32>,
      tpu.vector_store %arg17[%parallel_loop3A_187], %parallel_loop3A_186 {strides = array<i32>} : memref<160xf32, #tpu.memory_space<vmem>>, vector<16xf32>,
      %parallel_loop3A_189 = arith.constant 128 : i32
      %parallel_loop3A_190 = vector.broadcast %parallel_loop3A_189 : i32 to vector<16xi32>
      %parallel_loop3A_191 = arith.subi %parallel_loop3A_190, %parallel_loop3A_179 : vector<16xi32>
      %parallel_loop3A_192 = arith.constant 127 : i32
      %parallel_loop3A_193 = vector.broadcast %parallel_loop3A_192 : i32 to vector<16xi32>
      %parallel_loop3A_194 = arith.andi %parallel_loop3A_191, %parallel_loop3A_193 : vector<16xi32>
      %parallel_loop3A_195 = arith.index_cast %parallel_loop3A_167 : i32 to index
      %parallel_loop3A_196 = tpu.vector_load %arg19[%parallel_loop3A_195] {strides = array<i32>} : memref<160xi32, #tpu.memory_space<vmem>>, vector<16xi32>,
      tpu.vector_store %arg19[%parallel_loop3A_195], %parallel_loop3A_194 {strides = array<i32>} : memref<160xi32, #tpu.memory_space<vmem>>, vector<16xi32>,
    } {sc.loop_unroll_factor = 1 : i64, sc.parallel_access}
    %parallel_loop3A_81 = arith.constant 0 : i32
    %parallel_loop3A_82 = arith.constant 160 : i32
    %parallel_loop3A_83 = arith.constant 1 : i32
    scf.for %parallel_loop3A_167 = %parallel_loop3A_81 to %parallel_loop3A_82 step %parallel_loop3A_83  : i32 {
      %parallel_loop3A_168 = vector.broadcast %parallel_loop3A_167 : i32 to vector<16xi32>
      %parallel_loop3A_169 = tpu.vector_load_idx %arg19[%parallel_loop3A_168] : memref<160xi32, #tpu.memory_space<vmem>>[vector<16xi32>], vector<16xi32>,
      %parallel_loop3A_170 = tpu.vector_load_idx %arg13[%parallel_loop3A_168] : memref<160xi32, #tpu.memory_space<vmem>>[vector<16xi32>], vector<16xi32>,
      %parallel_loop3A_171 = arith.constant 0 : i32
      %parallel_loop3A_172 = vector.broadcast %parallel_loop3A_171 : i32 to vector<16xi32>
      %parallel_loop3A_173 = arith.cmpi sgt, %parallel_loop3A_170, %parallel_loop3A_172 : vector<16xi32>
      %parallel_loop3A_174 = arith.addi %iota3A, %parallel_loop3A_169 : vector<16xi32>
      %parallel_loop3A_175 = arith.constant 0 : i32
      %parallel_loop3A_176 = vector.broadcast %parallel_loop3A_175 : i32 to vector<16xi32>
      %parallel_loop3A_177 = arith.addi %parallel_loop3A_174, %parallel_loop3A_176 : vector<16xi32>
      %parallel_loop3A_178 = arith.constant 127 : i32
      %parallel_loop3A_179 = vector.broadcast %parallel_loop3A_178 : i32 to vector<16xi32>
      %parallel_loop3A_180 = arith.andi %parallel_loop3A_177, %parallel_loop3A_179 : vector<16xi32>
      %parallel_loop3A_181 = tpu.vector_load_idx %arg9[%parallel_loop3A_168, %parallel_loop3A_180] : memref<160x128xf32, #tpu.memory_space<vmem>>[vector<16xi32>, vector<16xi32>], vector<16xf32>,
      %parallel_loop3A_182 = arith.constant 0.000000e+00 : f32
      %parallel_loop3A_183 = vector.broadcast %parallel_loop3A_182 : f32 to vector<16xf32>
      %parallel_loop3A_184 = arith.select %parallel_loop3A_173, %parallel_loop3A_181, %parallel_loop3A_183 : vector<16xi1>, vector<16xf32>
      %parallel_loop3A_185 = arith.index_cast %parallel_loop3A_167 : i32 to index
      %parallel_loop3A_186 = arith.constant 0 : index
      %parallel_loop3A_187 = tpu.vector_load %arg11[%parallel_loop3A_185, %parallel_loop3A_186] {strides = array<i32>} : memref<160x128xf32, #tpu.memory_space<vmem>>, vector<16xf32>,
      tpu.vector_store %arg11[%parallel_loop3A_185, %parallel_loop3A_186], %parallel_loop3A_184 {strides = array<i32>} : memref<160x128xf32, #tpu.memory_space<vmem>>, vector<16xf32>,
      %parallel_loop3A_188 = arith.constant 16 : i32
      %parallel_loop3A_189 = vector.broadcast %parallel_loop3A_188 : i32 to vector<16xi32>
      %parallel_loop3A_190 = arith.addi %parallel_loop3A_174, %parallel_loop3A_189 : vector<16xi32>
      %parallel_loop3A_191 = arith.constant 127 : i32
      %parallel_loop3A_192 = vector.broadcast %parallel_loop3A_191 : i32 to vector<16xi32>
      %parallel_loop3A_193 = arith.andi %parallel_loop3A_190, %parallel_loop3A_192 : vector<16xi32>
      %parallel_loop3A_194 = tpu.vector_load_idx %arg9[%parallel_loop3A_168, %parallel_loop3A_193] : memref<160x128xf32, #tpu.memory_space<vmem>>[vector<16xi32>, vector<16xi32>], vector<16xf32>,
      %parallel_loop3A_195 = arith.constant 0.000000e+00 : f32
      %parallel_loop3A_196 = vector.broadcast %parallel_loop3A_195 : f32 to vector<16xf32>
      %parallel_loop3A_197 = arith.select %parallel_loop3A_173, %parallel_loop3A_194, %parallel_loop3A_196 : vector<16xi1>, vector<16xf32>
      %parallel_loop3A_198 = arith.index_cast %parallel_loop3A_167 : i32 to index
      %parallel_loop3A_199 = arith.constant 16 : index
      %parallel_loop3A_200 = tpu.vector_load %arg11[%parallel_loop3A_198, %parallel_loop3A_199] {strides = array<i32>} : memref<160x128xf32, #tpu.memory_space<vmem>>, vector<16xf32>,
      tpu.vector_store %arg11[%parallel_loop3A_198, %parallel_loop3A_199], %parallel_loop3A_197 {strides = array<i32>} : memref<160x128xf32, #tpu.memory_space<vmem>>, vector<16xf32>,
      %parallel_loop3A_201 = arith.constant 32 : i32
      %parallel_loop3A_202 = vector.broadcast %parallel_loop3A_201 : i32 to vector<16xi32>
      %parallel_loop3A_203 = arith.addi %parallel_loop3A_174, %parallel_loop3A_202 : vector<16xi32>
      %parallel_loop3A_204 = arith.constant 127 : i32
      %parallel_loop3A_205 = vector.broadcast %parallel_loop3A_204 : i32 to vector<16xi32>
      %parallel_loop3A_206 = arith.andi %parallel_loop3A_203, %parallel_loop3A_205 : vector<16xi32>
      %parallel_loop3A_207 = tpu.vector_load_idx %arg9[%parallel_loop3A_168, %parallel_loop3A_206] : memref<160x128xf32, #tpu.memory_space<vmem>>[vector<16xi32>, vector<16xi32>], vector<16xf32>,
      %parallel_loop3A_208 = arith.constant 0.000000e+00 : f32
      %parallel_loop3A_209 = vector.broadcast %parallel_loop3A_208 : f32 to vector<16xf32>
      %parallel_loop3A_210 = arith.select %parallel_loop3A_173, %parallel_loop3A_207, %parallel_loop3A_209 : vector<16xi1>, vector<16xf32>
      %parallel_loop3A_211 = arith.index_cast %parallel_loop3A_167 : i32 to index
      %parallel_loop3A_212 = arith.constant 32 : index
      %parallel_loop3A_213 = tpu.vector_load %arg11[%parallel_loop3A_211, %parallel_loop3A_212] {strides = array<i32>} : memref<160x128xf32, #tpu.memory_space<vmem>>, vector<16xf32>,
      tpu.vector_store %arg11[%parallel_loop3A_211, %parallel_loop3A_212], %parallel_loop3A_210 {strides = array<i32>} : memref<160x128xf32, #tpu.memory_space<vmem>>, vector<16xf32>,
      %parallel_loop3A_214 = arith.constant 48 : i32
      %parallel_loop3A_215 = vector.broadcast %parallel_loop3A_214 : i32 to vector<16xi32>
      %parallel_loop3A_216 = arith.addi %parallel_loop3A_174, %parallel_loop3A_215 : vector<16xi32>
      %parallel_loop3A_217 = arith.constant 127 : i32
      %parallel_loop3A_218 = vector.broadcast %parallel_loop3A_217 : i32 to vector<16xi32>
      %parallel_loop3A_219 = arith.andi %parallel_loop3A_216, %parallel_loop3A_218 : vector<16xi32>
      %parallel_loop3A_220 = tpu.vector_load_idx %arg9[%parallel_loop3A_168, %parallel_loop3A_219] : memref<160x128xf32, #tpu.memory_space<vmem>>[vector<16xi32>, vector<16xi32>], vector<16xf32>,
      %parallel_loop3A_221 = arith.constant 0.000000e+00 : f32
      %parallel_loop3A_222 = vector.broadcast %parallel_loop3A_221 : f32 to vector<16xf32>
      %parallel_loop3A_223 = arith.select %parallel_loop3A_173, %parallel_loop3A_220, %parallel_loop3A_222 : vector<16xi1>, vector<16xf32>
      %parallel_loop3A_224 = arith.index_cast %parallel_loop3A_167 : i32 to index
      %parallel_loop3A_225 = arith.constant 48 : index
      %parallel_loop3A_226 = tpu.vector_load %arg11[%parallel_loop3A_224, %parallel_loop3A_225] {strides = array<i32>} : memref<160x128xf32, #tpu.memory_space<vmem>>, vector<16xf32>,
      tpu.vector_store %arg11[%parallel_loop3A_224, %parallel_loop3A_225], %parallel_loop3A_223 {strides = array<i32>} : memref<160x128xf32, #tpu.memory_space<vmem>>, vector<16xf32>,
      %parallel_loop3A_227 = arith.constant 64 : i32
      %parallel_loop3A_228 = vector.broadcast %parallel_loop3A_227 : i32 to vector<16xi32>
      %parallel_loop3A_229 = arith.addi %parallel_loop3A_174, %parallel_loop3A_228 : vector<16xi32>
      %parallel_loop3A_230 = arith.constant 127 : i32
      %parallel_loop3A_231 = vector.broadcast %parallel_loop3A_230 : i32 to vector<16xi32>
      %parallel_loop3A_232 = arith.andi %parallel_loop3A_229, %parallel_loop3A_231 : vector<16xi32>
      %parallel_loop3A_233 = tpu.vector_load_idx %arg9[%parallel_loop3A_168, %parallel_loop3A_232] : memref<160x128xf32, #tpu.memory_space<vmem>>[vector<16xi32>, vector<16xi32>], vector<16xf32>,
      %parallel_loop3A_234 = arith.constant 0.000000e+00 : f32
      %parallel_loop3A_235 = vector.broadcast %parallel_loop3A_234 : f32 to vector<16xf32>
      %parallel_loop3A_236 = arith.select %parallel_loop3A_173, %parallel_loop3A_233, %parallel_loop3A_235 : vector<16xi1>, vector<16xf32>
      %parallel_loop3A_237 = arith.index_cast %parallel_loop3A_167 : i32 to index
      %parallel_loop3A_238 = arith.constant 64 : index
      %parallel_loop3A_239 = tpu.vector_load %arg11[%parallel_loop3A_237, %parallel_loop3A_238] {strides = array<i32>} : memref<160x128xf32, #tpu.memory_space<vmem>>, vector<16xf32>,
      tpu.vector_store %arg11[%parallel_loop3A_237, %parallel_loop3A_238], %parallel_loop3A_236 {strides = array<i32>} : memref<160x128xf32, #tpu.memory_space<vmem>>, vector<16xf32>,
      %parallel_loop3A_240 = arith.constant 80 : i32
      %parallel_loop3A_241 = vector.broadcast %parallel_loop3A_240 : i32 to vector<16xi32>
      %parallel_loop3A_242 = arith.addi %parallel_loop3A_174, %parallel_loop3A_241 : vector<16xi32>
      %parallel_loop3A_243 = arith.constant 127 : i32
      %parallel_loop3A_244 = vector.broadcast %parallel_loop3A_243 : i32 to vector<16xi32>
      %parallel_loop3A_245 = arith.andi %parallel_loop3A_242, %parallel_loop3A_244 : vector<16xi32>
      %parallel_loop3A_246 = tpu.vector_load_idx %arg9[%parallel_loop3A_168, %parallel_loop3A_245] : memref<160x128xf32, #tpu.memory_space<vmem>>[vector<16xi32>, vector<16xi32>], vector<16xf32>,
      %parallel_loop3A_247 = arith.constant 0.000000e+00 : f32
      %parallel_loop3A_248 = vector.broadcast %parallel_loop3A_247 : f32 to vector<16xf32>
      %parallel_loop3A_249 = arith.select %parallel_loop3A_173, %parallel_loop3A_246, %parallel_loop3A_248 : vector<16xi1>, vector<16xf32>
      %parallel_loop3A_250 = arith.index_cast %parallel_loop3A_167 : i32 to index
      %parallel_loop3A_251 = arith.constant 80 : index
      %parallel_loop3A_252 = tpu.vector_load %arg11[%parallel_loop3A_250, %parallel_loop3A_251] {strides = array<i32>} : memref<160x128xf32, #tpu.memory_space<vmem>>, vector<16xf32>,
      tpu.vector_store %arg11[%parallel_loop3A_250, %parallel_loop3A_251], %parallel_loop3A_249 {strides = array<i32>} : memref<160x128xf32, #tpu.memory_space<vmem>>, vector<16xf32>,
      %parallel_loop3A_253 = arith.constant 96 : i32
      %parallel_loop3A_254 = vector.broadcast %parallel_loop3A_253 : i32 to vector<16xi32>
      %parallel_loop3A_255 = arith.addi %parallel_loop3A_174, %parallel_loop3A_254 : vector<16xi32>
      %parallel_loop3A_256 = arith.constant 127 : i32
      %parallel_loop3A_257 = vector.broadcast %parallel_loop3A_256 : i32 to vector<16xi32>
      %parallel_loop3A_258 = arith.andi %parallel_loop3A_255, %parallel_loop3A_257 : vector<16xi32>
      %parallel_loop3A_259 = tpu.vector_load_idx %arg9[%parallel_loop3A_168, %parallel_loop3A_258] : memref<160x128xf32, #tpu.memory_space<vmem>>[vector<16xi32>, vector<16xi32>], vector<16xf32>,
      %parallel_loop3A_260 = arith.constant 0.000000e+00 : f32
      %parallel_loop3A_261 = vector.broadcast %parallel_loop3A_260 : f32 to vector<16xf32>
      %parallel_loop3A_262 = arith.select %parallel_loop3A_173, %parallel_loop3A_259, %parallel_loop3A_261 : vector<16xi1>, vector<16xf32>
      %parallel_loop3A_263 = arith.index_cast %parallel_loop3A_167 : i32 to index
      %parallel_loop3A_264 = arith.constant 96 : index
      %parallel_loop3A_265 = tpu.vector_load %arg11[%parallel_loop3A_263, %parallel_loop3A_264] {strides = array<i32>} : memref<160x128xf32, #tpu.memory_space<vmem>>, vector<16xf32>,
      tpu.vector_store %arg11[%parallel_loop3A_263, %parallel_loop3A_264], %parallel_loop3A_262 {strides = array<i32>} : memref<160x128xf32, #tpu.memory_space<vmem>>, vector<16xf32>,
      %parallel_loop3A_266 = arith.constant 112 : i32
      %parallel_loop3A_267 = vector.broadcast %parallel_loop3A_266 : i32 to vector<16xi32>
      %parallel_loop3A_268 = arith.addi %parallel_loop3A_174, %parallel_loop3A_267 : vector<16xi32>
      %parallel_loop3A_269 = arith.constant 127 : i32
      %parallel_loop3A_270 = vector.broadcast %parallel_loop3A_269 : i32 to vector<16xi32>
      %parallel_loop3A_271 = arith.andi %parallel_loop3A_268, %parallel_loop3A_270 : vector<16xi32>
      %parallel_loop3A_272 = tpu.vector_load_idx %arg9[%parallel_loop3A_168, %parallel_loop3A_271] : memref<160x128xf32, #tpu.memory_space<vmem>>[vector<16xi32>, vector<16xi32>], vector<16xf32>,
      %parallel_loop3A_273 = arith.constant 0.000000e+00 : f32
      %parallel_loop3A_274 = vector.broadcast %parallel_loop3A_273 : f32 to vector<16xf32>
      %parallel_loop3A_275 = arith.select %parallel_loop3A_173, %parallel_loop3A_272, %parallel_loop3A_274 : vector<16xi1>, vector<16xf32>
      %parallel_loop3A_276 = arith.index_cast %parallel_loop3A_167 : i32 to index
      %parallel_loop3A_277 = arith.constant 112 : index
      %parallel_loop3A_278 = tpu.vector_load %arg11[%parallel_loop3A_276, %parallel_loop3A_277] {strides = array<i32>} : memref<160x128xf32, #tpu.memory_space<vmem>>, vector<16xf32>,
      tpu.vector_store %arg11[%parallel_loop3A_276, %parallel_loop3A_277], %parallel_loop3A_275 {strides = array<i32>} : memref<160x128xf32, #tpu.memory_space<vmem>>, vector<16xf32>,
    } {sc.loop_unroll_factor = 2 : i64, sc.parallel_access}
    %add3A_84 = arith.constant 32 : i32
    %add3A_85 = arith.addi %add3A, %add3A_84 : i32
    %mul3A_86 = arith.constant 160 : i32
    %mul3A_87 = arith.muli %add3A_85, %mul3A_86 : i32
    %dma_start3A_88 = arith.constant 0 : i32
    %dma_start3A_89 = tpu.memref_slice %arg6[%mul3A_87, %dma_start3A_88] : memref<200000x128xf32, #tpu.memory_space<hbm>> -> memref<160x128xf32, #tpu.memory_space<hbm>>
    %dma_start3A_90 = arith.constant 0 : i32
    %dma_start3A_91 = tpu.memref_slice %arg6[%mul3A_87, %dma_start3A_90] : memref<200000x128xf32, #tpu.memory_space<hbm>> -> memref<160x128xf32, #tpu.memory_space<hbm>>
    tpu.enqueue_dma source(%arg11 : memref<160x128xf32, #tpu.memory_space<vmem>>) target(%dma_start3A_91 : memref<160x128xf32, #tpu.memory_space<hbm>>) target_semaphore(%arg28 : memref<!tpu.dma_semaphore, #tpu.memory_space<semaphore_mem>>)
    %dma_start3A_92 = tpu.memref_slice %arg7[%mul3A_87] : memref<200000xf32, #tpu.memory_space<hbm>> -> memref<160xf32, #tpu.memory_space<hbm>>
    %dma_start3A_93 = tpu.memref_slice %arg7[%mul3A_87] : memref<200000xf32, #tpu.memory_space<hbm>> -> memref<160xf32, #tpu.memory_space<hbm>>
    tpu.enqueue_dma source(%arg17 : memref<160xf32, #tpu.memory_space<vmem>>) target(%dma_start3A_93 : memref<160xf32, #tpu.memory_space<hbm>>) target_semaphore(%arg30 : memref<!tpu.dma_semaphore, #tpu.memory_space<semaphore_mem>>)
    %scan3A = arith.constant 0 : i32
    %scan3A_94 = arith.constant 0 : i32
    %scan3A_95 = arith.constant 18 : i32
    %scan3A_96 = arith.addi %scan3A_94, %scan3A_95 : i32
    %scan3A_97 = arith.constant 1 : i32
    %scan3A_98 = scf.for %scan3A_167 = %scan3A_94 to %scan3A_96 step %scan3A_97 iter_args(%scan3A_168 = %scan3A) -> (i32)  : i32 {
      %mul3A_169 = arith.constant 2 : i32
      %mul3A_170 = arith.muli %mul3A_169, %scan3A_167 : i32
      %add3A_171 = arith.constant 2 : i32
      %add3A_172 = arith.addi %add3A_171, %mul3A_170 : i32
      %add3A_173 = arith.constant 1 : i32
      %add3A_174 = arith.addi %add3A_172, %add3A_173 : i32
      %mul3A_175 = arith.constant 32 : i32
      %mul3A_176 = arith.muli %mul3A_175, %add3A_174 : i32
      %add3A_177 = arith.addi %add3A, %mul3A_176 : i32
      %mul3A_178 = arith.constant 160 : i32
      %mul3A_179 = arith.muli %add3A_177, %mul3A_178 : i32
      %dma_start3A_180 = arith.constant 0 : i32
      %dma_start3A_181 = tpu.memref_slice %arg2[%mul3A_179, %dma_start3A_180] : memref<200000x128xf32, #tpu.memory_space<hbm>> -> memref<160x128xf32, #tpu.memory_space<hbm>>
      %dma_start3A_182 = arith.constant 0 : i32
      %dma_start3A_183 = tpu.memref_slice %arg2[%mul3A_179, %dma_start3A_182] : memref<200000x128xf32, #tpu.memory_space<hbm>> -> memref<160x128xf32, #tpu.memory_space<hbm>>
      tpu.enqueue_dma source(%dma_start3A_183 : memref<160x128xf32, #tpu.memory_space<hbm>>) target(%arg9 : memref<160x128xf32, #tpu.memory_space<vmem>>) target_semaphore(%arg22 : memref<!tpu.dma_semaphore, #tpu.memory_space<semaphore_mem>>)
      %dma_start3A_184 = tpu.memref_slice %arg4[%mul3A_179] : memref<200000xi32, #tpu.memory_space<hbm>> -> memref<160xi32, #tpu.memory_space<hbm>>
      %dma_start3A_185 = tpu.memref_slice %arg4[%mul3A_179] : memref<200000xi32, #tpu.memory_space<hbm>> -> memref<160xi32, #tpu.memory_space<hbm>>
      tpu.enqueue_dma source(%dma_start3A_185 : memref<160xi32, #tpu.memory_space<hbm>>) target(%arg13 : memref<160xi32, #tpu.memory_space<vmem>>) target_semaphore(%arg24 : memref<!tpu.dma_semaphore, #tpu.memory_space<semaphore_mem>>)
      %dma_start3A_186 = tpu.memref_slice %arg3[%mul3A_179] : memref<200000xf32, #tpu.memory_space<hbm>> -> memref<160xf32, #tpu.memory_space<hbm>>
      %dma_start3A_187 = tpu.memref_slice %arg3[%mul3A_179] : memref<200000xf32, #tpu.memory_space<hbm>> -> memref<160xf32, #tpu.memory_space<hbm>>
      tpu.enqueue_dma source(%dma_start3A_187 : memref<160xf32, #tpu.memory_space<hbm>>) target(%arg15 : memref<160xf32, #tpu.memory_space<vmem>>) target_semaphore(%arg26 : memref<!tpu.dma_semaphore, #tpu.memory_space<semaphore_mem>>)
      %dma_wait3A_188 = arith.constant 0 : i32
      %dma_wait3A_189 = arith.constant 0 : i32
      %dma_wait3A_190 = tpu.memref_slice %arg2[%dma_wait3A_188, %dma_wait3A_189] : memref<200000x128xf32, #tpu.memory_space<hbm>> -> memref<160x128xf32, #tpu.memory_space<hbm>>
      %dma_wait3A_191 = arith.constant 0 : i32
      %dma_wait3A_192 = arith.constant 0 : i32
      %dma_wait3A_193 = tpu.memref_slice %arg2[%dma_wait3A_191, %dma_wait3A_192] : memref<200000x128xf32, #tpu.memory_space<hbm>> -> memref<160x128xf32, #tpu.memory_space<hbm>>
      tpu.wait_dma2 semaphore(%arg21 : memref<!tpu.dma_semaphore, #tpu.memory_space<semaphore_mem>>) src(%dma_wait3A_193 : memref<160x128xf32, #tpu.memory_space<hbm>>) dst(%arg8 : memref<160x128xf32, #tpu.memory_space<vmem>>)
      %dma_wait3A_194 = arith.constant 0 : i32
      %dma_wait3A_195 = tpu.memref_slice %arg4[%dma_wait3A_194] : memref<200000xi32, #tpu.memory_space<hbm>> -> memref<160xi32, #tpu.memory_space<hbm>>
      %dma_wait3A_196 = arith.constant 0 : i32
      %dma_wait3A_197 = tpu.memref_slice %arg4[%dma_wait3A_196] : memref<200000xi32, #tpu.memory_space<hbm>> -> memref<160xi32, #tpu.memory_space<hbm>>
      tpu.wait_dma2 semaphore(%arg23 : memref<!tpu.dma_semaphore, #tpu.memory_space<semaphore_mem>>) src(%dma_wait3A_197 : memref<160xi32, #tpu.memory_space<hbm>>) dst(%arg12 : memref<160xi32, #tpu.memory_space<vmem>>)
      %dma_wait3A_198 = arith.constant 0 : i32
      %dma_wait3A_199 = tpu.memref_slice %arg3[%dma_wait3A_198] : memref<200000xf32, #tpu.memory_space<hbm>> -> memref<160xf32, #tpu.memory_space<hbm>>
      %dma_wait3A_200 = arith.constant 0 : i32
      %dma_wait3A_201 = tpu.memref_slice %arg3[%dma_wait3A_200] : memref<200000xf32, #tpu.memory_space<hbm>> -> memref<160xf32, #tpu.memory_space<hbm>>
      tpu.wait_dma2 semaphore(%arg25 : memref<!tpu.dma_semaphore, #tpu.memory_space<semaphore_mem>>) src(%dma_wait3A_201 : memref<160xf32, #tpu.memory_space<hbm>>) dst(%arg14 : memref<160xf32, #tpu.memory_space<vmem>>)
      %dma_wait3A_202 = arith.constant 0 : i32
      %dma_wait3A_203 = arith.constant 0 : i32
      %dma_wait3A_204 = tpu.memref_slice %arg6[%dma_wait3A_202, %dma_wait3A_203] : memref<200000x128xf32, #tpu.memory_space<hbm>> -> memref<160x128xf32, #tpu.memory_space<hbm>>
      %dma_wait3A_205 = arith.constant 0 : i32
      %dma_wait3A_206 = arith.constant 0 : i32
      %dma_wait3A_207 = tpu.memref_slice %arg6[%dma_wait3A_205, %dma_wait3A_206] : memref<200000x128xf32, #tpu.memory_space<hbm>> -> memref<160x128xf32, #tpu.memory_space<hbm>>
      tpu.wait_dma2 semaphore(%arg27 : memref<!tpu.dma_semaphore, #tpu.memory_space<semaphore_mem>>) src(%arg10 : memref<160x128xf32, #tpu.memory_space<vmem>>) dst(%dma_wait3A_207 : memref<160x128xf32, #tpu.memory_space<hbm>>)
      %dma_wait3A_208 = arith.constant 0 : i32
      %dma_wait3A_209 = tpu.memref_slice %arg7[%dma_wait3A_208] : memref<200000xf32, #tpu.memory_space<hbm>> -> memref<160xf32, #tpu.memory_space<hbm>>
      %dma_wait3A_210 = arith.constant 0 : i32
      %dma_wait3A_211 = tpu.memref_slice %arg7[%dma_wait3A_210] : memref<200000xf32, #tpu.memory_space<hbm>> -> memref<160xf32, #tpu.memory_space<hbm>>
      tpu.wait_dma2 semaphore(%arg29 : memref<!tpu.dma_semaphore, #tpu.memory_space<semaphore_mem>>) src(%arg16 : memref<160xf32, #tpu.memory_space<vmem>>) dst(%dma_wait3A_211 : memref<160xf32, #tpu.memory_space<hbm>>)
      %parallel_loop3A_212 = arith.constant 0 : i32
      %parallel_loop3A_213 = arith.constant 160 : i32
      %parallel_loop3A_214 = arith.constant 16 : i32
      scf.for %parallel_loop3A_288 = %parallel_loop3A_212 to %parallel_loop3A_213 step %parallel_loop3A_214  : i32 {
        %parallel_loop3A_289 = arith.index_cast %parallel_loop3A_288 : i32 to index
        %parallel_loop3A_290 = tpu.vector_load %arg12[%parallel_loop3A_289] {strides = array<i32>} : memref<160xi32, #tpu.memory_space<vmem>>, vector<16xi32>,
        %parallel_loop3A_291 = arith.constant 0 : i32
        %parallel_loop3A_292 = vector.broadcast %parallel_loop3A_291 : i32 to vector<16xi32>
        %parallel_loop3A_293 = arith.cmpi sgt, %parallel_loop3A_290, %parallel_loop3A_292 : vector<16xi32>
        %parallel_loop3A_294 = arith.constant 1 : i32
        %parallel_loop3A_295 = vector.broadcast %parallel_loop3A_294 : i32 to vector<16xi32>
        %parallel_loop3A_296 = arith.subi %parallel_loop3A_290, %parallel_loop3A_295 : vector<16xi32>
        %parallel_loop3A_297 = arith.constant 0 : i32
        %parallel_loop3A_298 = vector.broadcast %parallel_loop3A_297 : i32 to vector<16xi32>
        %parallel_loop3A_299 = arith.maxsi %parallel_loop3A_296, %parallel_loop3A_298 : vector<16xi32>
        %parallel_loop3A_300 = tpu.vector_load_idx %arg20[%parallel_loop3A_299] : memref<64xi32, #tpu.memory_space<vmem>>[vector<16xi32>], vector<16xi32>,
        %parallel_loop3A_301 = arith.index_cast %parallel_loop3A_288 : i32 to index
        %parallel_loop3A_302 = tpu.vector_load %arg14[%parallel_loop3A_301] {strides = array<i32>} : memref<160xf32, #tpu.memory_space<vmem>>, vector<16xf32>,
        %parallel_loop3A_303 = arith.sitofp %parallel_loop3A_300 : vector<16xi32> to vector<16xf32>
        %parallel_loop3A_304 = arith.subf %parallel_loop3A_302, %parallel_loop3A_303 : vector<16xf32>
        %parallel_loop3A_305 = arith.constant 0.000000e+00 : f32
        %parallel_loop3A_306 = vector.broadcast %parallel_loop3A_305 : f32 to vector<16xf32>
        %parallel_loop3A_307 = arith.select %parallel_loop3A_293, %parallel_loop3A_304, %parallel_loop3A_306 : vector<16xi1>, vector<16xf32>
        %parallel_loop3A_308 = arith.index_cast %parallel_loop3A_288 : i32 to index
        %parallel_loop3A_309 = tpu.vector_load %arg16[%parallel_loop3A_308] {strides = array<i32>} : memref<160xf32, #tpu.memory_space<vmem>>, vector<16xf32>,
        tpu.vector_store %arg16[%parallel_loop3A_308], %parallel_loop3A_307 {strides = array<i32>} : memref<160xf32, #tpu.memory_space<vmem>>, vector<16xf32>,
        %parallel_loop3A_310 = arith.constant 128 : i32
        %parallel_loop3A_311 = vector.broadcast %parallel_loop3A_310 : i32 to vector<16xi32>
        %parallel_loop3A_312 = arith.subi %parallel_loop3A_311, %parallel_loop3A_300 : vector<16xi32>
        %parallel_loop3A_313 = arith.constant 127 : i32
        %parallel_loop3A_314 = vector.broadcast %parallel_loop3A_313 : i32 to vector<16xi32>
        %parallel_loop3A_315 = arith.andi %parallel_loop3A_312, %parallel_loop3A_314 : vector<16xi32>
        %parallel_loop3A_316 = arith.index_cast %parallel_loop3A_288 : i32 to index
        %parallel_loop3A_317 = tpu.vector_load %arg18[%parallel_loop3A_316] {strides = array<i32>} : memref<160xi32, #tpu.memory_space<vmem>>, vector<16xi32>,
        tpu.vector_store %arg18[%parallel_loop3A_316], %parallel_loop3A_315 {strides = array<i32>} : memref<160xi32, #tpu.memory_space<vmem>>, vector<16xi32>,
      } {sc.loop_unroll_factor = 1 : i64, sc.parallel_access}
      %parallel_loop3A_215 = arith.constant 0 : i32
      %parallel_loop3A_216 = arith.constant 160 : i32
      %parallel_loop3A_217 = arith.constant 1 : i32
      scf.for %parallel_loop3A_288 = %parallel_loop3A_215 to %parallel_loop3A_216 step %parallel_loop3A_217  : i32 {
        %parallel_loop3A_289 = vector.broadcast %parallel_loop3A_288 : i32 to vector<16xi32>
        %parallel_loop3A_290 = tpu.vector_load_idx %arg18[%parallel_loop3A_289] : memref<160xi32, #tpu.memory_space<vmem>>[vector<16xi32>], vector<16xi32>,
        %parallel_loop3A_291 = tpu.vector_load_idx %arg12[%parallel_loop3A_289] : memref<160xi32, #tpu.memory_space<vmem>>[vector<16xi32>], vector<16xi32>,
        %parallel_loop3A_292 = arith.constant 0 : i32
        %parallel_loop3A_293 = vector.broadcast %parallel_loop3A_292 : i32 to vector<16xi32>
        %parallel_loop3A_294 = arith.cmpi sgt, %parallel_loop3A_291, %parallel_loop3A_293 : vector<16xi32>
        %parallel_loop3A_295 = arith.addi %iota3A, %parallel_loop3A_290 : vector<16xi32>
        %parallel_loop3A_296 = arith.constant 0 : i32
        %parallel_loop3A_297 = vector.broadcast %parallel_loop3A_296 : i32 to vector<16xi32>
        %parallel_loop3A_298 = arith.addi %parallel_loop3A_295, %parallel_loop3A_297 : vector<16xi32>
        %parallel_loop3A_299 = arith.constant 127 : i32
        %parallel_loop3A_300 = vector.broadcast %parallel_loop3A_299 : i32 to vector<16xi32>
        %parallel_loop3A_301 = arith.andi %parallel_loop3A_298, %parallel_loop3A_300 : vector<16xi32>
        %parallel_loop3A_302 = tpu.vector_load_idx %arg8[%parallel_loop3A_289, %parallel_loop3A_301] : memref<160x128xf32, #tpu.memory_space<vmem>>[vector<16xi32>, vector<16xi32>], vector<16xf32>,
        %parallel_loop3A_303 = arith.constant 0.000000e+00 : f32
        %parallel_loop3A_304 = vector.broadcast %parallel_loop3A_303 : f32 to vector<16xf32>
        %parallel_loop3A_305 = arith.select %parallel_loop3A_294, %parallel_loop3A_302, %parallel_loop3A_304 : vector<16xi1>, vector<16xf32>
        %parallel_loop3A_306 = arith.index_cast %parallel_loop3A_288 : i32 to index
        %parallel_loop3A_307 = arith.constant 0 : index
        %parallel_loop3A_308 = tpu.vector_load %arg10[%parallel_loop3A_306, %parallel_loop3A_307] {strides = array<i32>} : memref<160x128xf32, #tpu.memory_space<vmem>>, vector<16xf32>,
        tpu.vector_store %arg10[%parallel_loop3A_306, %parallel_loop3A_307], %parallel_loop3A_305 {strides = array<i32>} : memref<160x128xf32, #tpu.memory_space<vmem>>, vector<16xf32>,
        %parallel_loop3A_309 = arith.constant 16 : i32
        %parallel_loop3A_310 = vector.broadcast %parallel_loop3A_309 : i32 to vector<16xi32>
        %parallel_loop3A_311 = arith.addi %parallel_loop3A_295, %parallel_loop3A_310 : vector<16xi32>
        %parallel_loop3A_312 = arith.constant 127 : i32
        %parallel_loop3A_313 = vector.broadcast %parallel_loop3A_312 : i32 to vector<16xi32>
        %parallel_loop3A_314 = arith.andi %parallel_loop3A_311, %parallel_loop3A_313 : vector<16xi32>
        %parallel_loop3A_315 = tpu.vector_load_idx %arg8[%parallel_loop3A_289, %parallel_loop3A_314] : memref<160x128xf32, #tpu.memory_space<vmem>>[vector<16xi32>, vector<16xi32>], vector<16xf32>,
        %parallel_loop3A_316 = arith.constant 0.000000e+00 : f32
        %parallel_loop3A_317 = vector.broadcast %parallel_loop3A_316 : f32 to vector<16xf32>
        %parallel_loop3A_318 = arith.select %parallel_loop3A_294, %parallel_loop3A_315, %parallel_loop3A_317 : vector<16xi1>, vector<16xf32>
        %parallel_loop3A_319 = arith.index_cast %parallel_loop3A_288 : i32 to index
        %parallel_loop3A_320 = arith.constant 16 : index
        %parallel_loop3A_321 = tpu.vector_load %arg10[%parallel_loop3A_319, %parallel_loop3A_320] {strides = array<i32>} : memref<160x128xf32, #tpu.memory_space<vmem>>, vector<16xf32>,
        tpu.vector_store %arg10[%parallel_loop3A_319, %parallel_loop3A_320], %parallel_loop3A_318 {strides = array<i32>} : memref<160x128xf32, #tpu.memory_space<vmem>>, vector<16xf32>,
        %parallel_loop3A_322 = arith.constant 32 : i32
        %parallel_loop3A_323 = vector.broadcast %parallel_loop3A_322 : i32 to vector<16xi32>
        %parallel_loop3A_324 = arith.addi %parallel_loop3A_295, %parallel_loop3A_323 : vector<16xi32>
        %parallel_loop3A_325 = arith.constant 127 : i32
        %parallel_loop3A_326 = vector.broadcast %parallel_loop3A_325 : i32 to vector<16xi32>
        %parallel_loop3A_327 = arith.andi %parallel_loop3A_324, %parallel_loop3A_326 : vector<16xi32>
        %parallel_loop3A_328 = tpu.vector_load_idx %arg8[%parallel_loop3A_289, %parallel_loop3A_327] : memref<160x128xf32, #tpu.memory_space<vmem>>[vector<16xi32>, vector<16xi32>], vector<16xf32>,
        %parallel_loop3A_329 = arith.constant 0.000000e+00 : f32
        %parallel_loop3A_330 = vector.broadcast %parallel_loop3A_329 : f32 to vector<16xf32>
        %parallel_loop3A_331 = arith.select %parallel_loop3A_294, %parallel_loop3A_328, %parallel_loop3A_330 : vector<16xi1>, vector<16xf32>
        %parallel_loop3A_332 = arith.index_cast %parallel_loop3A_288 : i32 to index
        %parallel_loop3A_333 = arith.constant 32 : index
        %parallel_loop3A_334 = tpu.vector_load %arg10[%parallel_loop3A_332, %parallel_loop3A_333] {strides = array<i32>} : memref<160x128xf32, #tpu.memory_space<vmem>>, vector<16xf32>,
        tpu.vector_store %arg10[%parallel_loop3A_332, %parallel_loop3A_333], %parallel_loop3A_331 {strides = array<i32>} : memref<160x128xf32, #tpu.memory_space<vmem>>, vector<16xf32>,
        %parallel_loop3A_335 = arith.constant 48 : i32
        %parallel_loop3A_336 = vector.broadcast %parallel_loop3A_335 : i32 to vector<16xi32>
        %parallel_loop3A_337 = arith.addi %parallel_loop3A_295, %parallel_loop3A_336 : vector<16xi32>
        %parallel_loop3A_338 = arith.constant 127 : i32
        %parallel_loop3A_339 = vector.broadcast %parallel_loop3A_338 : i32 to vector<16xi32>
        %parallel_loop3A_340 = arith.andi %parallel_loop3A_337, %parallel_loop3A_339 : vector<16xi32>
        %parallel_loop3A_341 = tpu.vector_load_idx %arg8[%parallel_loop3A_289, %parallel_loop3A_340] : memref<160x128xf32, #tpu.memory_space<vmem>>[vector<16xi32>, vector<16xi32>], vector<16xf32>,
        %parallel_loop3A_342 = arith.constant 0.000000e+00 : f32
        %parallel_loop3A_343 = vector.broadcast %parallel_loop3A_342 : f32 to vector<16xf32>
        %parallel_loop3A_344 = arith.select %parallel_loop3A_294, %parallel_loop3A_341, %parallel_loop3A_343 : vector<16xi1>, vector<16xf32>
        %parallel_loop3A_345 = arith.index_cast %parallel_loop3A_288 : i32 to index
        %parallel_loop3A_346 = arith.constant 48 : index
        %parallel_loop3A_347 = tpu.vector_load %arg10[%parallel_loop3A_345, %parallel_loop3A_346] {strides = array<i32>} : memref<160x128xf32, #tpu.memory_space<vmem>>, vector<16xf32>,
        tpu.vector_store %arg10[%parallel_loop3A_345, %parallel_loop3A_346], %parallel_loop3A_344 {strides = array<i32>} : memref<160x128xf32, #tpu.memory_space<vmem>>, vector<16xf32>,
        %parallel_loop3A_348 = arith.constant 64 : i32
        %parallel_loop3A_349 = vector.broadcast %parallel_loop3A_348 : i32 to vector<16xi32>
        %parallel_loop3A_350 = arith.addi %parallel_loop3A_295, %parallel_loop3A_349 : vector<16xi32>
        %parallel_loop3A_351 = arith.constant 127 : i32
        %parallel_loop3A_352 = vector.broadcast %parallel_loop3A_351 : i32 to vector<16xi32>
        %parallel_loop3A_353 = arith.andi %parallel_loop3A_350, %parallel_loop3A_352 : vector<16xi32>
        %parallel_loop3A_354 = tpu.vector_load_idx %arg8[%parallel_loop3A_289, %parallel_loop3A_353] : memref<160x128xf32, #tpu.memory_space<vmem>>[vector<16xi32>, vector<16xi32>], vector<16xf32>,
        %parallel_loop3A_355 = arith.constant 0.000000e+00 : f32
        %parallel_loop3A_356 = vector.broadcast %parallel_loop3A_355 : f32 to vector<16xf32>
        %parallel_loop3A_357 = arith.select %parallel_loop3A_294, %parallel_loop3A_354, %parallel_loop3A_356 : vector<16xi1>, vector<16xf32>
        %parallel_loop3A_358 = arith.index_cast %parallel_loop3A_288 : i32 to index
        %parallel_loop3A_359 = arith.constant 64 : index
        %parallel_loop3A_360 = tpu.vector_load %arg10[%parallel_loop3A_358, %parallel_loop3A_359] {strides = array<i32>} : memref<160x128xf32, #tpu.memory_space<vmem>>, vector<16xf32>,
        tpu.vector_store %arg10[%parallel_loop3A_358, %parallel_loop3A_359], %parallel_loop3A_357 {strides = array<i32>} : memref<160x128xf32, #tpu.memory_space<vmem>>, vector<16xf32>,
        %parallel_loop3A_361 = arith.constant 80 : i32
        %parallel_loop3A_362 = vector.broadcast %parallel_loop3A_361 : i32 to vector<16xi32>
        %parallel_loop3A_363 = arith.addi %parallel_loop3A_295, %parallel_loop3A_362 : vector<16xi32>
        %parallel_loop3A_364 = arith.constant 127 : i32
        %parallel_loop3A_365 = vector.broadcast %parallel_loop3A_364 : i32 to vector<16xi32>
        %parallel_loop3A_366 = arith.andi %parallel_loop3A_363, %parallel_loop3A_365 : vector<16xi32>
        %parallel_loop3A_367 = tpu.vector_load_idx %arg8[%parallel_loop3A_289, %parallel_loop3A_366] : memref<160x128xf32, #tpu.memory_space<vmem>>[vector<16xi32>, vector<16xi32>], vector<16xf32>,
        %parallel_loop3A_368 = arith.constant 0.000000e+00 : f32
        %parallel_loop3A_369 = vector.broadcast %parallel_loop3A_368 : f32 to vector<16xf32>
        %parallel_loop3A_370 = arith.select %parallel_loop3A_294, %parallel_loop3A_367, %parallel_loop3A_369 : vector<16xi1>, vector<16xf32>
        %parallel_loop3A_371 = arith.index_cast %parallel_loop3A_288 : i32 to index
        %parallel_loop3A_372 = arith.constant 80 : index
        %parallel_loop3A_373 = tpu.vector_load %arg10[%parallel_loop3A_371, %parallel_loop3A_372] {strides = array<i32>} : memref<160x128xf32, #tpu.memory_space<vmem>>, vector<16xf32>,
        tpu.vector_store %arg10[%parallel_loop3A_371, %parallel_loop3A_372], %parallel_loop3A_370 {strides = array<i32>} : memref<160x128xf32, #tpu.memory_space<vmem>>, vector<16xf32>,
        %parallel_loop3A_374 = arith.constant 96 : i32
        %parallel_loop3A_375 = vector.broadcast %parallel_loop3A_374 : i32 to vector<16xi32>
        %parallel_loop3A_376 = arith.addi %parallel_loop3A_295, %parallel_loop3A_375 : vector<16xi32>
        %parallel_loop3A_377 = arith.constant 127 : i32
        %parallel_loop3A_378 = vector.broadcast %parallel_loop3A_377 : i32 to vector<16xi32>
        %parallel_loop3A_379 = arith.andi %parallel_loop3A_376, %parallel_loop3A_378 : vector<16xi32>
        %parallel_loop3A_380 = tpu.vector_load_idx %arg8[%parallel_loop3A_289, %parallel_loop3A_379] : memref<160x128xf32, #tpu.memory_space<vmem>>[vector<16xi32>, vector<16xi32>], vector<16xf32>,
        %parallel_loop3A_381 = arith.constant 0.000000e+00 : f32
        %parallel_loop3A_382 = vector.broadcast %parallel_loop3A_381 : f32 to vector<16xf32>
        %parallel_loop3A_383 = arith.select %parallel_loop3A_294, %parallel_loop3A_380, %parallel_loop3A_382 : vector<16xi1>, vector<16xf32>
        %parallel_loop3A_384 = arith.index_cast %parallel_loop3A_288 : i32 to index
        %parallel_loop3A_385 = arith.constant 96 : index
        %parallel_loop3A_386 = tpu.vector_load %arg10[%parallel_loop3A_384, %parallel_loop3A_385] {strides = array<i32>} : memref<160x128xf32, #tpu.memory_space<vmem>>, vector<16xf32>,
        tpu.vector_store %arg10[%parallel_loop3A_384, %parallel_loop3A_385], %parallel_loop3A_383 {strides = array<i32>} : memref<160x128xf32, #tpu.memory_space<vmem>>, vector<16xf32>,
        %parallel_loop3A_387 = arith.constant 112 : i32
        %parallel_loop3A_388 = vector.broadcast %parallel_loop3A_387 : i32 to vector<16xi32>
        %parallel_loop3A_389 = arith.addi %parallel_loop3A_295, %parallel_loop3A_388 : vector<16xi32>
        %parallel_loop3A_390 = arith.constant 127 : i32
        %parallel_loop3A_391 = vector.broadcast %parallel_loop3A_390 : i32 to vector<16xi32>
        %parallel_loop3A_392 = arith.andi %parallel_loop3A_389, %parallel_loop3A_391 : vector<16xi32>
        %parallel_loop3A_393 = tpu.vector_load_idx %arg8[%parallel_loop3A_289, %parallel_loop3A_392] : memref<160x128xf32, #tpu.memory_space<vmem>>[vector<16xi32>, vector<16xi32>], vector<16xf32>,
        %parallel_loop3A_394 = arith.constant 0.000000e+00 : f32
        %parallel_loop3A_395 = vector.broadcast %parallel_loop3A_394 : f32 to vector<16xf32>
        %parallel_loop3A_396 = arith.select %parallel_loop3A_294, %parallel_loop3A_393, %parallel_loop3A_395 : vector<16xi1>, vector<16xf32>
        %parallel_loop3A_397 = arith.index_cast %parallel_loop3A_288 : i32 to index
        %parallel_loop3A_398 = arith.constant 112 : index
        %parallel_loop3A_399 = tpu.vector_load %arg10[%parallel_loop3A_397, %parallel_loop3A_398] {strides = array<i32>} : memref<160x128xf32, #tpu.memory_space<vmem>>, vector<16xf32>,
        tpu.vector_store %arg10[%parallel_loop3A_397, %parallel_loop3A_398], %parallel_loop3A_396 {strides = array<i32>} : memref<160x128xf32, #tpu.memory_space<vmem>>, vector<16xf32>,
      } {sc.loop_unroll_factor = 2 : i64, sc.parallel_access}
      %mul3A_218 = arith.constant 32 : i32
      %mul3A_219 = arith.muli %mul3A_218, %add3A_172 : i32
      %add3A_220 = arith.addi %add3A, %mul3A_219 : i32
      %mul3A_221 = arith.constant 160 : i32
      %mul3A_222 = arith.muli %add3A_220, %mul3A_221 : i32
      %dma_start3A_223 = arith.constant 0 : i32
      %dma_start3A_224 = tpu.memref_slice %arg6[%mul3A_222, %dma_start3A_223] : memref<200000x128xf32, #tpu.memory_space<hbm>> -> memref<160x128xf32, #tpu.memory_space<hbm>>
      %dma_start3A_225 = arith.constant 0 : i32
      %dma_start3A_226 = tpu.memref_slice %arg6[%mul3A_222, %dma_start3A_225] : memref<200000x128xf32, #tpu.memory_space<hbm>> -> memref<160x128xf32, #tpu.memory_space<hbm>>
      tpu.enqueue_dma source(%arg10 : memref<160x128xf32, #tpu.memory_space<vmem>>) target(%dma_start3A_226 : memref<160x128xf32, #tpu.memory_space<hbm>>) target_semaphore(%arg27 : memref<!tpu.dma_semaphore, #tpu.memory_space<semaphore_mem>>)
      %dma_start3A_227 = tpu.memref_slice %arg7[%mul3A_222] : memref<200000xf32, #tpu.memory_space<hbm>> -> memref<160xf32, #tpu.memory_space<hbm>>
      %dma_start3A_228 = tpu.memref_slice %arg7[%mul3A_222] : memref<200000xf32, #tpu.memory_space<hbm>> -> memref<160xf32, #tpu.memory_space<hbm>>
      tpu.enqueue_dma source(%arg16 : memref<160xf32, #tpu.memory_space<vmem>>) target(%dma_start3A_228 : memref<160xf32, #tpu.memory_space<hbm>>) target_semaphore(%arg29 : memref<!tpu.dma_semaphore, #tpu.memory_space<semaphore_mem>>)
      %add3A_229 = arith.constant 1 : i32
      %add3A_230 = arith.addi %add3A_172, %add3A_229 : i32
      %add3A_231 = arith.constant 1 : i32
      %add3A_232 = arith.addi %add3A_230, %add3A_231 : i32
      %mul3A_233 = arith.constant 32 : i32
      %mul3A_234 = arith.muli %mul3A_233, %add3A_232 : i32
      %add3A_235 = arith.addi %add3A, %mul3A_234 : i32
      %mul3A_236 = arith.constant 160 : i32
      %mul3A_237 = arith.muli %add3A_235, %mul3A_236 : i32
      %dma_start3A_238 = arith.constant 0 : i32
      %dma_start3A_239 = tpu.memref_slice %arg2[%mul3A_237, %dma_start3A_238] : memref<200000x128xf32, #tpu.memory_space<hbm>> -> memref<160x128xf32, #tpu.memory_space<hbm>>
      %dma_start3A_240 = arith.constant 0 : i32
      %dma_start3A_241 = tpu.memref_slice %arg2[%mul3A_237, %dma_start3A_240] : memref<200000x128xf32, #tpu.memory_space<hbm>> -> memref<160x128xf32, #tpu.memory_space<hbm>>
      tpu.enqueue_dma source(%dma_start3A_241 : memref<160x128xf32, #tpu.memory_space<hbm>>) target(%arg8 : memref<160x128xf32, #tpu.memory_space<vmem>>) target_semaphore(%arg21 : memref<!tpu.dma_semaphore, #tpu.memory_space<semaphore_mem>>)
      %dma_start3A_242 = tpu.memref_slice %arg4[%mul3A_237] : memref<200000xi32, #tpu.memory_space<hbm>> -> memref<160xi32, #tpu.memory_space<hbm>>
      %dma_start3A_243 = tpu.memref_slice %arg4[%mul3A_237] : memref<200000xi32, #tpu.memory_space<hbm>> -> memref<160xi32, #tpu.memory_space<hbm>>
      tpu.enqueue_dma source(%dma_start3A_243 : memref<160xi32, #tpu.memory_space<hbm>>) target(%arg12 : memref<160xi32, #tpu.memory_space<vmem>>) target_semaphore(%arg23 : memref<!tpu.dma_semaphore, #tpu.memory_space<semaphore_mem>>)
      %dma_start3A_244 = tpu.memref_slice %arg3[%mul3A_237] : memref<200000xf32, #tpu.memory_space<hbm>> -> memref<160xf32, #tpu.memory_space<hbm>>
      %dma_start3A_245 = tpu.memref_slice %arg3[%mul3A_237] : memref<200000xf32, #tpu.memory_space<hbm>> -> memref<160xf32, #tpu.memory_space<hbm>>
      tpu.enqueue_dma source(%dma_start3A_245 : memref<160xf32, #tpu.memory_space<hbm>>) target(%arg14 : memref<160xf32, #tpu.memory_space<vmem>>) target_semaphore(%arg25 : memref<!tpu.dma_semaphore, #tpu.memory_space<semaphore_mem>>)
      %dma_wait3A_246 = arith.constant 0 : i32
      %dma_wait3A_247 = arith.constant 0 : i32
      %dma_wait3A_248 = tpu.memref_slice %arg2[%dma_wait3A_246, %dma_wait3A_247] : memref<200000x128xf32, #tpu.memory_space<hbm>> -> memref<160x128xf32, #tpu.memory_space<hbm>>
      %dma_wait3A_249 = arith.constant 0 : i32
      %dma_wait3A_250 = arith.constant 0 : i32
      %dma_wait3A_251 = tpu.memref_slice %arg2[%dma_wait3A_249, %dma_wait3A_250] : memref<200000x128xf32, #tpu.memory_space<hbm>> -> memref<160x128xf32, #tpu.memory_space<hbm>>
      tpu.wait_dma2 semaphore(%arg22 : memref<!tpu.dma_semaphore, #tpu.memory_space<semaphore_mem>>) src(%dma_wait3A_251 : memref<160x128xf32, #tpu.memory_space<hbm>>) dst(%arg9 : memref<160x128xf32, #tpu.memory_space<vmem>>)
      %dma_wait3A_252 = arith.constant 0 : i32
      %dma_wait3A_253 = tpu.memref_slice %arg4[%dma_wait3A_252] : memref<200000xi32, #tpu.memory_space<hbm>> -> memref<160xi32, #tpu.memory_space<hbm>>
      %dma_wait3A_254 = arith.constant 0 : i32
      %dma_wait3A_255 = tpu.memref_slice %arg4[%dma_wait3A_254] : memref<200000xi32, #tpu.memory_space<hbm>> -> memref<160xi32, #tpu.memory_space<hbm>>
      tpu.wait_dma2 semaphore(%arg24 : memref<!tpu.dma_semaphore, #tpu.memory_space<semaphore_mem>>) src(%dma_wait3A_255 : memref<160xi32, #tpu.memory_space<hbm>>) dst(%arg13 : memref<160xi32, #tpu.memory_space<vmem>>)
      %dma_wait3A_256 = arith.constant 0 : i32
      %dma_wait3A_257 = tpu.memref_slice %arg3[%dma_wait3A_256] : memref<200000xf32, #tpu.memory_space<hbm>> -> memref<160xf32, #tpu.memory_space<hbm>>
      %dma_wait3A_258 = arith.constant 0 : i32
      %dma_wait3A_259 = tpu.memref_slice %arg3[%dma_wait3A_258] : memref<200000xf32, #tpu.memory_space<hbm>> -> memref<160xf32, #tpu.memory_space<hbm>>
      tpu.wait_dma2 semaphore(%arg26 : memref<!tpu.dma_semaphore, #tpu.memory_space<semaphore_mem>>) src(%dma_wait3A_259 : memref<160xf32, #tpu.memory_space<hbm>>) dst(%arg15 : memref<160xf32, #tpu.memory_space<vmem>>)
      %dma_wait3A_260 = arith.constant 0 : i32
      %dma_wait3A_261 = arith.constant 0 : i32
      %dma_wait3A_262 = tpu.memref_slice %arg6[%dma_wait3A_260, %dma_wait3A_261] : memref<200000x128xf32, #tpu.memory_space<hbm>> -> memref<160x128xf32, #tpu.memory_space<hbm>>
      %dma_wait3A_263 = arith.constant 0 : i32
      %dma_wait3A_264 = arith.constant 0 : i32
      %dma_wait3A_265 = tpu.memref_slice %arg6[%dma_wait3A_263, %dma_wait3A_264] : memref<200000x128xf32, #tpu.memory_space<hbm>> -> memref<160x128xf32, #tpu.memory_space<hbm>>
      tpu.wait_dma2 semaphore(%arg28 : memref<!tpu.dma_semaphore, #tpu.memory_space<semaphore_mem>>) src(%arg11 : memref<160x128xf32, #tpu.memory_space<vmem>>) dst(%dma_wait3A_265 : memref<160x128xf32, #tpu.memory_space<hbm>>)
      %dma_wait3A_266 = arith.constant 0 : i32
      %dma_wait3A_267 = tpu.memref_slice %arg7[%dma_wait3A_266] : memref<200000xf32, #tpu.memory_space<hbm>> -> memref<160xf32, #tpu.memory_space<hbm>>
      %dma_wait3A_268 = arith.constant 0 : i32
      %dma_wait3A_269 = tpu.memref_slice %arg7[%dma_wait3A_268] : memref<200000xf32, #tpu.memory_space<hbm>> -> memref<160xf32, #tpu.memory_space<hbm>>
      tpu.wait_dma2 semaphore(%arg30 : memref<!tpu.dma_semaphore, #tpu.memory_space<semaphore_mem>>) src(%arg17 : memref<160xf32, #tpu.memory_space<vmem>>) dst(%dma_wait3A_269 : memref<160xf32, #tpu.memory_space<hbm>>)
      %parallel_loop3A_270 = arith.constant 0 : i32
      %parallel_loop3A_271 = arith.constant 160 : i32
      %parallel_loop3A_272 = arith.constant 16 : i32
      scf.for %parallel_loop3A_288 = %parallel_loop3A_270 to %parallel_loop3A_271 step %parallel_loop3A_272  : i32 {
        %parallel_loop3A_289 = arith.index_cast %parallel_loop3A_288 : i32 to index
        %parallel_loop3A_290 = tpu.vector_load %arg13[%parallel_loop3A_289] {strides = array<i32>} : memref<160xi32, #tpu.memory_space<vmem>>, vector<16xi32>,
        %parallel_loop3A_291 = arith.constant 0 : i32
        %parallel_loop3A_292 = vector.broadcast %parallel_loop3A_291 : i32 to vector<16xi32>
        %parallel_loop3A_293 = arith.cmpi sgt, %parallel_loop3A_290, %parallel_loop3A_292 : vector<16xi32>
        %parallel_loop3A_294 = arith.constant 1 : i32
        %parallel_loop3A_295 = vector.broadcast %parallel_loop3A_294 : i32 to vector<16xi32>
        %parallel_loop3A_296 = arith.subi %parallel_loop3A_290, %parallel_loop3A_295 : vector<16xi32>
        %parallel_loop3A_297 = arith.constant 0 : i32
        %parallel_loop3A_298 = vector.broadcast %parallel_loop3A_297 : i32 to vector<16xi32>
        %parallel_loop3A_299 = arith.maxsi %parallel_loop3A_296, %parallel_loop3A_298 : vector<16xi32>
        %parallel_loop3A_300 = tpu.vector_load_idx %arg20[%parallel_loop3A_299] : memref<64xi32, #tpu.memory_space<vmem>>[vector<16xi32>], vector<16xi32>,
        %parallel_loop3A_301 = arith.index_cast %parallel_loop3A_288 : i32 to index
        %parallel_loop3A_302 = tpu.vector_load %arg15[%parallel_loop3A_301] {strides = array<i32>} : memref<160xf32, #tpu.memory_space<vmem>>, vector<16xf32>,
        %parallel_loop3A_303 = arith.sitofp %parallel_loop3A_300 : vector<16xi32> to vector<16xf32>
        %parallel_loop3A_304 = arith.subf %parallel_loop3A_302, %parallel_loop3A_303 : vector<16xf32>
        %parallel_loop3A_305 = arith.constant 0.000000e+00 : f32
        %parallel_loop3A_306 = vector.broadcast %parallel_loop3A_305 : f32 to vector<16xf32>
        %parallel_loop3A_307 = arith.select %parallel_loop3A_293, %parallel_loop3A_304, %parallel_loop3A_306 : vector<16xi1>, vector<16xf32>
        %parallel_loop3A_308 = arith.index_cast %parallel_loop3A_288 : i32 to index
        %parallel_loop3A_309 = tpu.vector_load %arg17[%parallel_loop3A_308] {strides = array<i32>} : memref<160xf32, #tpu.memory_space<vmem>>, vector<16xf32>,
        tpu.vector_store %arg17[%parallel_loop3A_308], %parallel_loop3A_307 {strides = array<i32>} : memref<160xf32, #tpu.memory_space<vmem>>, vector<16xf32>,
        %parallel_loop3A_310 = arith.constant 128 : i32
        %parallel_loop3A_311 = vector.broadcast %parallel_loop3A_310 : i32 to vector<16xi32>
        %parallel_loop3A_312 = arith.subi %parallel_loop3A_311, %parallel_loop3A_300 : vector<16xi32>
        %parallel_loop3A_313 = arith.constant 127 : i32
        %parallel_loop3A_314 = vector.broadcast %parallel_loop3A_313 : i32 to vector<16xi32>
        %parallel_loop3A_315 = arith.andi %parallel_loop3A_312, %parallel_loop3A_314 : vector<16xi32>
        %parallel_loop3A_316 = arith.index_cast %parallel_loop3A_288 : i32 to index
        %parallel_loop3A_317 = tpu.vector_load %arg19[%parallel_loop3A_316] {strides = array<i32>} : memref<160xi32, #tpu.memory_space<vmem>>, vector<16xi32>,
        tpu.vector_store %arg19[%parallel_loop3A_316], %parallel_loop3A_315 {strides = array<i32>} : memref<160xi32, #tpu.memory_space<vmem>>, vector<16xi32>,
      } {sc.loop_unroll_factor = 1 : i64, sc.parallel_access}
      %parallel_loop3A_273 = arith.constant 0 : i32
      %parallel_loop3A_274 = arith.constant 160 : i32
      %parallel_loop3A_275 = arith.constant 1 : i32
      scf.for %parallel_loop3A_288 = %parallel_loop3A_273 to %parallel_loop3A_274 step %parallel_loop3A_275  : i32 {
        %parallel_loop3A_289 = vector.broadcast %parallel_loop3A_288 : i32 to vector<16xi32>
        %parallel_loop3A_290 = tpu.vector_load_idx %arg19[%parallel_loop3A_289] : memref<160xi32, #tpu.memory_space<vmem>>[vector<16xi32>], vector<16xi32>,
        %parallel_loop3A_291 = tpu.vector_load_idx %arg13[%parallel_loop3A_289] : memref<160xi32, #tpu.memory_space<vmem>>[vector<16xi32>], vector<16xi32>,
        %parallel_loop3A_292 = arith.constant 0 : i32
        %parallel_loop3A_293 = vector.broadcast %parallel_loop3A_292 : i32 to vector<16xi32>
        %parallel_loop3A_294 = arith.cmpi sgt, %parallel_loop3A_291, %parallel_loop3A_293 : vector<16xi32>
        %parallel_loop3A_295 = arith.addi %iota3A, %parallel_loop3A_290 : vector<16xi32>
        %parallel_loop3A_296 = arith.constant 0 : i32
        %parallel_loop3A_297 = vector.broadcast %parallel_loop3A_296 : i32 to vector<16xi32>
        %parallel_loop3A_298 = arith.addi %parallel_loop3A_295, %parallel_loop3A_297 : vector<16xi32>
        %parallel_loop3A_299 = arith.constant 127 : i32
        %parallel_loop3A_300 = vector.broadcast %parallel_loop3A_299 : i32 to vector<16xi32>
        %parallel_loop3A_301 = arith.andi %parallel_loop3A_298, %parallel_loop3A_300 : vector<16xi32>
        %parallel_loop3A_302 = tpu.vector_load_idx %arg9[%parallel_loop3A_289, %parallel_loop3A_301] : memref<160x128xf32, #tpu.memory_space<vmem>>[vector<16xi32>, vector<16xi32>], vector<16xf32>,
        %parallel_loop3A_303 = arith.constant 0.000000e+00 : f32
        %parallel_loop3A_304 = vector.broadcast %parallel_loop3A_303 : f32 to vector<16xf32>
        %parallel_loop3A_305 = arith.select %parallel_loop3A_294, %parallel_loop3A_302, %parallel_loop3A_304 : vector<16xi1>, vector<16xf32>
        %parallel_loop3A_306 = arith.index_cast %parallel_loop3A_288 : i32 to index
        %parallel_loop3A_307 = arith.constant 0 : index
        %parallel_loop3A_308 = tpu.vector_load %arg11[%parallel_loop3A_306, %parallel_loop3A_307] {strides = array<i32>} : memref<160x128xf32, #tpu.memory_space<vmem>>, vector<16xf32>,
        tpu.vector_store %arg11[%parallel_loop3A_306, %parallel_loop3A_307], %parallel_loop3A_305 {strides = array<i32>} : memref<160x128xf32, #tpu.memory_space<vmem>>, vector<16xf32>,
        %parallel_loop3A_309 = arith.constant 16 : i32
        %parallel_loop3A_310 = vector.broadcast %parallel_loop3A_309 : i32 to vector<16xi32>
        %parallel_loop3A_311 = arith.addi %parallel_loop3A_295, %parallel_loop3A_310 : vector<16xi32>
        %parallel_loop3A_312 = arith.constant 127 : i32
        %parallel_loop3A_313 = vector.broadcast %parallel_loop3A_312 : i32 to vector<16xi32>
        %parallel_loop3A_314 = arith.andi %parallel_loop3A_311, %parallel_loop3A_313 : vector<16xi32>
        %parallel_loop3A_315 = tpu.vector_load_idx %arg9[%parallel_loop3A_289, %parallel_loop3A_314] : memref<160x128xf32, #tpu.memory_space<vmem>>[vector<16xi32>, vector<16xi32>], vector<16xf32>,
        %parallel_loop3A_316 = arith.constant 0.000000e+00 : f32
        %parallel_loop3A_317 = vector.broadcast %parallel_loop3A_316 : f32 to vector<16xf32>
        %parallel_loop3A_318 = arith.select %parallel_loop3A_294, %parallel_loop3A_315, %parallel_loop3A_317 : vector<16xi1>, vector<16xf32>
        %parallel_loop3A_319 = arith.index_cast %parallel_loop3A_288 : i32 to index
        %parallel_loop3A_320 = arith.constant 16 : index
        %parallel_loop3A_321 = tpu.vector_load %arg11[%parallel_loop3A_319, %parallel_loop3A_320] {strides = array<i32>} : memref<160x128xf32, #tpu.memory_space<vmem>>, vector<16xf32>,
        tpu.vector_store %arg11[%parallel_loop3A_319, %parallel_loop3A_320], %parallel_loop3A_318 {strides = array<i32>} : memref<160x128xf32, #tpu.memory_space<vmem>>, vector<16xf32>,
        %parallel_loop3A_322 = arith.constant 32 : i32
        %parallel_loop3A_323 = vector.broadcast %parallel_loop3A_322 : i32 to vector<16xi32>
        %parallel_loop3A_324 = arith.addi %parallel_loop3A_295, %parallel_loop3A_323 : vector<16xi32>
        %parallel_loop3A_325 = arith.constant 127 : i32
        %parallel_loop3A_326 = vector.broadcast %parallel_loop3A_325 : i32 to vector<16xi32>
        %parallel_loop3A_327 = arith.andi %parallel_loop3A_324, %parallel_loop3A_326 : vector<16xi32>
        %parallel_loop3A_328 = tpu.vector_load_idx %arg9[%parallel_loop3A_289, %parallel_loop3A_327] : memref<160x128xf32, #tpu.memory_space<vmem>>[vector<16xi32>, vector<16xi32>], vector<16xf32>,
        %parallel_loop3A_329 = arith.constant 0.000000e+00 : f32
        %parallel_loop3A_330 = vector.broadcast %parallel_loop3A_329 : f32 to vector<16xf32>
        %parallel_loop3A_331 = arith.select %parallel_loop3A_294, %parallel_loop3A_328, %parallel_loop3A_330 : vector<16xi1>, vector<16xf32>
        %parallel_loop3A_332 = arith.index_cast %parallel_loop3A_288 : i32 to index
        %parallel_loop3A_333 = arith.constant 32 : index
        %parallel_loop3A_334 = tpu.vector_load %arg11[%parallel_loop3A_332, %parallel_loop3A_333] {strides = array<i32>} : memref<160x128xf32, #tpu.memory_space<vmem>>, vector<16xf32>,
        tpu.vector_store %arg11[%parallel_loop3A_332, %parallel_loop3A_333], %parallel_loop3A_331 {strides = array<i32>} : memref<160x128xf32, #tpu.memory_space<vmem>>, vector<16xf32>,
        %parallel_loop3A_335 = arith.constant 48 : i32
        %parallel_loop3A_336 = vector.broadcast %parallel_loop3A_335 : i32 to vector<16xi32>
        %parallel_loop3A_337 = arith.addi %parallel_loop3A_295, %parallel_loop3A_336 : vector<16xi32>
        %parallel_loop3A_338 = arith.constant 127 : i32
        %parallel_loop3A_339 = vector.broadcast %parallel_loop3A_338 : i32 to vector<16xi32>
        %parallel_loop3A_340 = arith.andi %parallel_loop3A_337, %parallel_loop3A_339 : vector<16xi32>
        %parallel_loop3A_341 = tpu.vector_load_idx %arg9[%parallel_loop3A_289, %parallel_loop3A_340] : memref<160x128xf32, #tpu.memory_space<vmem>>[vector<16xi32>, vector<16xi32>], vector<16xf32>,
        %parallel_loop3A_342 = arith.constant 0.000000e+00 : f32
        %parallel_loop3A_343 = vector.broadcast %parallel_loop3A_342 : f32 to vector<16xf32>
        %parallel_loop3A_344 = arith.select %parallel_loop3A_294, %parallel_loop3A_341, %parallel_loop3A_343 : vector<16xi1>, vector<16xf32>
        %parallel_loop3A_345 = arith.index_cast %parallel_loop3A_288 : i32 to index
        %parallel_loop3A_346 = arith.constant 48 : index
        %parallel_loop3A_347 = tpu.vector_load %arg11[%parallel_loop3A_345, %parallel_loop3A_346] {strides = array<i32>} : memref<160x128xf32, #tpu.memory_space<vmem>>, vector<16xf32>,
        tpu.vector_store %arg11[%parallel_loop3A_345, %parallel_loop3A_346], %parallel_loop3A_344 {strides = array<i32>} : memref<160x128xf32, #tpu.memory_space<vmem>>, vector<16xf32>,
        %parallel_loop3A_348 = arith.constant 64 : i32
        %parallel_loop3A_349 = vector.broadcast %parallel_loop3A_348 : i32 to vector<16xi32>
        %parallel_loop3A_350 = arith.addi %parallel_loop3A_295, %parallel_loop3A_349 : vector<16xi32>
        %parallel_loop3A_351 = arith.constant 127 : i32
        %parallel_loop3A_352 = vector.broadcast %parallel_loop3A_351 : i32 to vector<16xi32>
        %parallel_loop3A_353 = arith.andi %parallel_loop3A_350, %parallel_loop3A_352 : vector<16xi32>
        %parallel_loop3A_354 = tpu.vector_load_idx %arg9[%parallel_loop3A_289, %parallel_loop3A_353] : memref<160x128xf32, #tpu.memory_space<vmem>>[vector<16xi32>, vector<16xi32>], vector<16xf32>,
        %parallel_loop3A_355 = arith.constant 0.000000e+00 : f32
        %parallel_loop3A_356 = vector.broadcast %parallel_loop3A_355 : f32 to vector<16xf32>
        %parallel_loop3A_357 = arith.select %parallel_loop3A_294, %parallel_loop3A_354, %parallel_loop3A_356 : vector<16xi1>, vector<16xf32>
        %parallel_loop3A_358 = arith.index_cast %parallel_loop3A_288 : i32 to index
        %parallel_loop3A_359 = arith.constant 64 : index
        %parallel_loop3A_360 = tpu.vector_load %arg11[%parallel_loop3A_358, %parallel_loop3A_359] {strides = array<i32>} : memref<160x128xf32, #tpu.memory_space<vmem>>, vector<16xf32>,
        tpu.vector_store %arg11[%parallel_loop3A_358, %parallel_loop3A_359], %parallel_loop3A_357 {strides = array<i32>} : memref<160x128xf32, #tpu.memory_space<vmem>>, vector<16xf32>,
        %parallel_loop3A_361 = arith.constant 80 : i32
        %parallel_loop3A_362 = vector.broadcast %parallel_loop3A_361 : i32 to vector<16xi32>
        %parallel_loop3A_363 = arith.addi %parallel_loop3A_295, %parallel_loop3A_362 : vector<16xi32>
        %parallel_loop3A_364 = arith.constant 127 : i32
        %parallel_loop3A_365 = vector.broadcast %parallel_loop3A_364 : i32 to vector<16xi32>
        %parallel_loop3A_366 = arith.andi %parallel_loop3A_363, %parallel_loop3A_365 : vector<16xi32>
        %parallel_loop3A_367 = tpu.vector_load_idx %arg9[%parallel_loop3A_289, %parallel_loop3A_366] : memref<160x128xf32, #tpu.memory_space<vmem>>[vector<16xi32>, vector<16xi32>], vector<16xf32>,
        %parallel_loop3A_368 = arith.constant 0.000000e+00 : f32
        %parallel_loop3A_369 = vector.broadcast %parallel_loop3A_368 : f32 to vector<16xf32>
        %parallel_loop3A_370 = arith.select %parallel_loop3A_294, %parallel_loop3A_367, %parallel_loop3A_369 : vector<16xi1>, vector<16xf32>
        %parallel_loop3A_371 = arith.index_cast %parallel_loop3A_288 : i32 to index
        %parallel_loop3A_372 = arith.constant 80 : index
        %parallel_loop3A_373 = tpu.vector_load %arg11[%parallel_loop3A_371, %parallel_loop3A_372] {strides = array<i32>} : memref<160x128xf32, #tpu.memory_space<vmem>>, vector<16xf32>,
        tpu.vector_store %arg11[%parallel_loop3A_371, %parallel_loop3A_372], %parallel_loop3A_370 {strides = array<i32>} : memref<160x128xf32, #tpu.memory_space<vmem>>, vector<16xf32>,
        %parallel_loop3A_374 = arith.constant 96 : i32
        %parallel_loop3A_375 = vector.broadcast %parallel_loop3A_374 : i32 to vector<16xi32>
        %parallel_loop3A_376 = arith.addi %parallel_loop3A_295, %parallel_loop3A_375 : vector<16xi32>
        %parallel_loop3A_377 = arith.constant 127 : i32
        %parallel_loop3A_378 = vector.broadcast %parallel_loop3A_377 : i32 to vector<16xi32>
        %parallel_loop3A_379 = arith.andi %parallel_loop3A_376, %parallel_loop3A_378 : vector<16xi32>
        %parallel_loop3A_380 = tpu.vector_load_idx %arg9[%parallel_loop3A_289, %parallel_loop3A_379] : memref<160x128xf32, #tpu.memory_space<vmem>>[vector<16xi32>, vector<16xi32>], vector<16xf32>,
        %parallel_loop3A_381 = arith.constant 0.000000e+00 : f32
        %parallel_loop3A_382 = vector.broadcast %parallel_loop3A_381 : f32 to vector<16xf32>
        %parallel_loop3A_383 = arith.select %parallel_loop3A_294, %parallel_loop3A_380, %parallel_loop3A_382 : vector<16xi1>, vector<16xf32>
        %parallel_loop3A_384 = arith.index_cast %parallel_loop3A_288 : i32 to index
        %parallel_loop3A_385 = arith.constant 96 : index
        %parallel_loop3A_386 = tpu.vector_load %arg11[%parallel_loop3A_384, %parallel_loop3A_385] {strides = array<i32>} : memref<160x128xf32, #tpu.memory_space<vmem>>, vector<16xf32>,
        tpu.vector_store %arg11[%parallel_loop3A_384, %parallel_loop3A_385], %parallel_loop3A_383 {strides = array<i32>} : memref<160x128xf32, #tpu.memory_space<vmem>>, vector<16xf32>,
        %parallel_loop3A_387 = arith.constant 112 : i32
        %parallel_loop3A_388 = vector.broadcast %parallel_loop3A_387 : i32 to vector<16xi32>
        %parallel_loop3A_389 = arith.addi %parallel_loop3A_295, %parallel_loop3A_388 : vector<16xi32>
        %parallel_loop3A_390 = arith.constant 127 : i32
        %parallel_loop3A_391 = vector.broadcast %parallel_loop3A_390 : i32 to vector<16xi32>
        %parallel_loop3A_392 = arith.andi %parallel_loop3A_389, %parallel_loop3A_391 : vector<16xi32>
        %parallel_loop3A_393 = tpu.vector_load_idx %arg9[%parallel_loop3A_289, %parallel_loop3A_392] : memref<160x128xf32, #tpu.memory_space<vmem>>[vector<16xi32>, vector<16xi32>], vector<16xf32>,
        %parallel_loop3A_394 = arith.constant 0.000000e+00 : f32
        %parallel_loop3A_395 = vector.broadcast %parallel_loop3A_394 : f32 to vector<16xf32>
        %parallel_loop3A_396 = arith.select %parallel_loop3A_294, %parallel_loop3A_393, %parallel_loop3A_395 : vector<16xi1>, vector<16xf32>
        %parallel_loop3A_397 = arith.index_cast %parallel_loop3A_288 : i32 to index
        %parallel_loop3A_398 = arith.constant 112 : index
        %parallel_loop3A_399 = tpu.vector_load %arg11[%parallel_loop3A_397, %parallel_loop3A_398] {strides = array<i32>} : memref<160x128xf32, #tpu.memory_space<vmem>>, vector<16xf32>,
        tpu.vector_store %arg11[%parallel_loop3A_397, %parallel_loop3A_398], %parallel_loop3A_396 {strides = array<i32>} : memref<160x128xf32, #tpu.memory_space<vmem>>, vector<16xf32>,
      } {sc.loop_unroll_factor = 2 : i64, sc.parallel_access}
      %mul3A_276 = arith.constant 32 : i32
      %mul3A_277 = arith.muli %mul3A_276, %add3A_230 : i32
      %add3A_278 = arith.addi %add3A, %mul3A_277 : i32
      %mul3A_279 = arith.constant 160 : i32
      %mul3A_280 = arith.muli %add3A_278, %mul3A_279 : i32
      %dma_start3A_281 = arith.constant 0 : i32
      %dma_start3A_282 = tpu.memref_slice %arg6[%mul3A_280, %dma_start3A_281] : memref<200000x128xf32, #tpu.memory_space<hbm>> -> memref<160x128xf32, #tpu.memory_space<hbm>>
      %dma_start3A_283 = arith.constant 0 : i32
      %dma_start3A_284 = tpu.memref_slice %arg6[%mul3A_280, %dma_start3A_283] : memref<200000x128xf32, #tpu.memory_space<hbm>> -> memref<160x128xf32, #tpu.memory_space<hbm>>
      tpu.enqueue_dma source(%arg11 : memref<160x128xf32, #tpu.memory_space<vmem>>) target(%dma_start3A_284 : memref<160x128xf32, #tpu.memory_space<hbm>>) target_semaphore(%arg28 : memref<!tpu.dma_semaphore, #tpu.memory_space<semaphore_mem>>)
      %dma_start3A_285 = tpu.memref_slice %arg7[%mul3A_280] : memref<200000xf32, #tpu.memory_space<hbm>> -> memref<160xf32, #tpu.memory_space<hbm>>
      %dma_start3A_286 = tpu.memref_slice %arg7[%mul3A_280] : memref<200000xf32, #tpu.memory_space<hbm>> -> memref<160xf32, #tpu.memory_space<hbm>>
      tpu.enqueue_dma source(%arg17 : memref<160xf32, #tpu.memory_space<vmem>>) target(%dma_start3A_286 : memref<160xf32, #tpu.memory_space<hbm>>) target_semaphore(%arg30 : memref<!tpu.dma_semaphore, #tpu.memory_space<semaphore_mem>>)
      %scan3A_287 = arith.constant 0 : i32
      scf.yield %scan3A_287 : i32
    }
    %scan3A_99 = arith.constant 18 : i32
    %add3A_100 = arith.constant 1248 : i32
    %add3A_101 = arith.addi %add3A, %add3A_100 : i32
    %lt3A = arith.constant 1250 : i32
    %lt3A_102 = arith.cmpi slt, %add3A_101, %lt3A : i32
    %convert_element_type3A = arith.extui %lt3A_102 : i1 to i32
    %cond3A = arith.constant 0 : i32
    %cond3A_103 = arith.cmpi ne, %convert_element_type3A, %cond3A : i32
    scf.if %cond3A_103 {
      %add3A_167 = arith.constant 1248 : i32
      %add3A_168 = arith.addi %add3A, %add3A_167 : i32
      %mul3A_169 = arith.constant 160 : i32
      %mul3A_170 = arith.muli %add3A_168, %mul3A_169 : i32
      %dma_start3A_171 = arith.constant 0 : i32
      %dma_start3A_172 = tpu.memref_slice %arg2[%mul3A_170, %dma_start3A_171] : memref<200000x128xf32, #tpu.memory_space<hbm>> -> memref<160x128xf32, #tpu.memory_space<hbm>>
      %dma_start3A_173 = arith.constant 0 : i32
      %dma_start3A_174 = tpu.memref_slice %arg2[%mul3A_170, %dma_start3A_173] : memref<200000x128xf32, #tpu.memory_space<hbm>> -> memref<160x128xf32, #tpu.memory_space<hbm>>
      tpu.enqueue_dma source(%dma_start3A_174 : memref<160x128xf32, #tpu.memory_space<hbm>>) target(%arg9 : memref<160x128xf32, #tpu.memory_space<vmem>>) target_semaphore(%arg22 : memref<!tpu.dma_semaphore, #tpu.memory_space<semaphore_mem>>)
      %dma_start3A_175 = tpu.memref_slice %arg4[%mul3A_170] : memref<200000xi32, #tpu.memory_space<hbm>> -> memref<160xi32, #tpu.memory_space<hbm>>
      %dma_start3A_176 = tpu.memref_slice %arg4[%mul3A_170] : memref<200000xi32, #tpu.memory_space<hbm>> -> memref<160xi32, #tpu.memory_space<hbm>>
      tpu.enqueue_dma source(%dma_start3A_176 : memref<160xi32, #tpu.memory_space<hbm>>) target(%arg13 : memref<160xi32, #tpu.memory_space<vmem>>) target_semaphore(%arg24 : memref<!tpu.dma_semaphore, #tpu.memory_space<semaphore_mem>>)
      %dma_start3A_177 = tpu.memref_slice %arg3[%mul3A_170] : memref<200000xf32, #tpu.memory_space<hbm>> -> memref<160xf32, #tpu.memory_space<hbm>>
      %dma_start3A_178 = tpu.memref_slice %arg3[%mul3A_170] : memref<200000xf32, #tpu.memory_space<hbm>> -> memref<160xf32, #tpu.memory_space<hbm>>
      tpu.enqueue_dma source(%dma_start3A_178 : memref<160xf32, #tpu.memory_space<hbm>>) target(%arg15 : memref<160xf32, #tpu.memory_space<vmem>>) target_semaphore(%arg26 : memref<!tpu.dma_semaphore, #tpu.memory_space<semaphore_mem>>)
    } else {
    }
    %dma_wait3A_104 = arith.constant 0 : i32
    %dma_wait3A_105 = arith.constant 0 : i32
    %dma_wait3A_106 = tpu.memref_slice %arg2[%dma_wait3A_104, %dma_wait3A_105] : memref<200000x128xf32, #tpu.memory_space<hbm>> -> memref<160x128xf32, #tpu.memory_space<hbm>>
    %dma_wait3A_107 = arith.constant 0 : i32
    %dma_wait3A_108 = arith.constant 0 : i32
    %dma_wait3A_109 = tpu.memref_slice %arg2[%dma_wait3A_107, %dma_wait3A_108] : memref<200000x128xf32, #tpu.memory_space<hbm>> -> memref<160x128xf32, #tpu.memory_space<hbm>>
    tpu.wait_dma2 semaphore(%arg21 : memref<!tpu.dma_semaphore, #tpu.memory_space<semaphore_mem>>) src(%dma_wait3A_109 : memref<160x128xf32, #tpu.memory_space<hbm>>) dst(%arg8 : memref<160x128xf32, #tpu.memory_space<vmem>>)
    %dma_wait3A_110 = arith.constant 0 : i32
    %dma_wait3A_111 = tpu.memref_slice %arg4[%dma_wait3A_110] : memref<200000xi32, #tpu.memory_space<hbm>> -> memref<160xi32, #tpu.memory_space<hbm>>
    %dma_wait3A_112 = arith.constant 0 : i32
    %dma_wait3A_113 = tpu.memref_slice %arg4[%dma_wait3A_112] : memref<200000xi32, #tpu.memory_space<hbm>> -> memref<160xi32, #tpu.memory_space<hbm>>
    tpu.wait_dma2 semaphore(%arg23 : memref<!tpu.dma_semaphore, #tpu.memory_space<semaphore_mem>>) src(%dma_wait3A_113 : memref<160xi32, #tpu.memory_space<hbm>>) dst(%arg12 : memref<160xi32, #tpu.memory_space<vmem>>)
    %dma_wait3A_114 = arith.constant 0 : i32
    %dma_wait3A_115 = tpu.memref_slice %arg3[%dma_wait3A_114] : memref<200000xf32, #tpu.memory_space<hbm>> -> memref<160xf32, #tpu.memory_space<hbm>>
    %dma_wait3A_116 = arith.constant 0 : i32
    %dma_wait3A_117 = tpu.memref_slice %arg3[%dma_wait3A_116] : memref<200000xf32, #tpu.memory_space<hbm>> -> memref<160xf32, #tpu.memory_space<hbm>>
    tpu.wait_dma2 semaphore(%arg25 : memref<!tpu.dma_semaphore, #tpu.memory_space<semaphore_mem>>) src(%dma_wait3A_117 : memref<160xf32, #tpu.memory_space<hbm>>) dst(%arg14 : memref<160xf32, #tpu.memory_space<vmem>>)
    %dma_wait3A_118 = arith.constant 0 : i32
    %dma_wait3A_119 = arith.constant 0 : i32
    %dma_wait3A_120 = tpu.memref_slice %arg6[%dma_wait3A_118, %dma_wait3A_119] : memref<200000x128xf32, #tpu.memory_space<hbm>> -> memref<160x128xf32, #tpu.memory_space<hbm>>
    %dma_wait3A_121 = arith.constant 0 : i32
    %dma_wait3A_122 = arith.constant 0 : i32
    %dma_wait3A_123 = tpu.memref_slice %arg6[%dma_wait3A_121, %dma_wait3A_122] : memref<200000x128xf32, #tpu.memory_space<hbm>> -> memref<160x128xf32, #tpu.memory_space<hbm>>
    tpu.wait_dma2 semaphore(%arg27 : memref<!tpu.dma_semaphore, #tpu.memory_space<semaphore_mem>>) src(%arg10 : memref<160x128xf32, #tpu.memory_space<vmem>>) dst(%dma_wait3A_123 : memref<160x128xf32, #tpu.memory_space<hbm>>)
    %dma_wait3A_124 = arith.constant 0 : i32
    %dma_wait3A_125 = tpu.memref_slice %arg7[%dma_wait3A_124] : memref<200000xf32, #tpu.memory_space<hbm>> -> memref<160xf32, #tpu.memory_space<hbm>>
    %dma_wait3A_126 = arith.constant 0 : i32
    %dma_wait3A_127 = tpu.memref_slice %arg7[%dma_wait3A_126] : memref<200000xf32, #tpu.memory_space<hbm>> -> memref<160xf32, #tpu.memory_space<hbm>>
    tpu.wait_dma2 semaphore(%arg29 : memref<!tpu.dma_semaphore, #tpu.memory_space<semaphore_mem>>) src(%arg16 : memref<160xf32, #tpu.memory_space<vmem>>) dst(%dma_wait3A_127 : memref<160xf32, #tpu.memory_space<hbm>>)
    %parallel_loop3A_128 = arith.constant 0 : i32
    %parallel_loop3A_129 = arith.constant 160 : i32
    %parallel_loop3A_130 = arith.constant 16 : i32
    scf.for %parallel_loop3A_167 = %parallel_loop3A_128 to %parallel_loop3A_129 step %parallel_loop3A_130  : i32 {
      %parallel_loop3A_168 = arith.index_cast %parallel_loop3A_167 : i32 to index
      %parallel_loop3A_169 = tpu.vector_load %arg12[%parallel_loop3A_168] {strides = array<i32>} : memref<160xi32, #tpu.memory_space<vmem>>, vector<16xi32>,
      %parallel_loop3A_170 = arith.constant 0 : i32
      %parallel_loop3A_171 = vector.broadcast %parallel_loop3A_170 : i32 to vector<16xi32>
      %parallel_loop3A_172 = arith.cmpi sgt, %parallel_loop3A_169, %parallel_loop3A_171 : vector<16xi32>
      %parallel_loop3A_173 = arith.constant 1 : i32
      %parallel_loop3A_174 = vector.broadcast %parallel_loop3A_173 : i32 to vector<16xi32>
      %parallel_loop3A_175 = arith.subi %parallel_loop3A_169, %parallel_loop3A_174 : vector<16xi32>
      %parallel_loop3A_176 = arith.constant 0 : i32
      %parallel_loop3A_177 = vector.broadcast %parallel_loop3A_176 : i32 to vector<16xi32>
      %parallel_loop3A_178 = arith.maxsi %parallel_loop3A_175, %parallel_loop3A_177 : vector<16xi32>
      %parallel_loop3A_179 = tpu.vector_load_idx %arg20[%parallel_loop3A_178] : memref<64xi32, #tpu.memory_space<vmem>>[vector<16xi32>], vector<16xi32>,
      %parallel_loop3A_180 = arith.index_cast %parallel_loop3A_167 : i32 to index
      %parallel_loop3A_181 = tpu.vector_load %arg14[%parallel_loop3A_180] {strides = array<i32>} : memref<160xf32, #tpu.memory_space<vmem>>, vector<16xf32>,
      %parallel_loop3A_182 = arith.sitofp %parallel_loop3A_179 : vector<16xi32> to vector<16xf32>
      %parallel_loop3A_183 = arith.subf %parallel_loop3A_181, %parallel_loop3A_182 : vector<16xf32>
      %parallel_loop3A_184 = arith.constant 0.000000e+00 : f32
      %parallel_loop3A_185 = vector.broadcast %parallel_loop3A_184 : f32 to vector<16xf32>
      %parallel_loop3A_186 = arith.select %parallel_loop3A_172, %parallel_loop3A_183, %parallel_loop3A_185 : vector<16xi1>, vector<16xf32>
      %parallel_loop3A_187 = arith.index_cast %parallel_loop3A_167 : i32 to index
      %parallel_loop3A_188 = tpu.vector_load %arg16[%parallel_loop3A_187] {strides = array<i32>} : memref<160xf32, #tpu.memory_space<vmem>>, vector<16xf32>,
      tpu.vector_store %arg16[%parallel_loop3A_187], %parallel_loop3A_186 {strides = array<i32>} : memref<160xf32, #tpu.memory_space<vmem>>, vector<16xf32>,
      %parallel_loop3A_189 = arith.constant 128 : i32
      %parallel_loop3A_190 = vector.broadcast %parallel_loop3A_189 : i32 to vector<16xi32>
      %parallel_loop3A_191 = arith.subi %parallel_loop3A_190, %parallel_loop3A_179 : vector<16xi32>
      %parallel_loop3A_192 = arith.constant 127 : i32
      %parallel_loop3A_193 = vector.broadcast %parallel_loop3A_192 : i32 to vector<16xi32>
      %parallel_loop3A_194 = arith.andi %parallel_loop3A_191, %parallel_loop3A_193 : vector<16xi32>
      %parallel_loop3A_195 = arith.index_cast %parallel_loop3A_167 : i32 to index
      %parallel_loop3A_196 = tpu.vector_load %arg18[%parallel_loop3A_195] {strides = array<i32>} : memref<160xi32, #tpu.memory_space<vmem>>, vector<16xi32>,
      tpu.vector_store %arg18[%parallel_loop3A_195], %parallel_loop3A_194 {strides = array<i32>} : memref<160xi32, #tpu.memory_space<vmem>>, vector<16xi32>,
    } {sc.loop_unroll_factor = 1 : i64, sc.parallel_access}
    %parallel_loop3A_131 = arith.constant 0 : i32
    %parallel_loop3A_132 = arith.constant 160 : i32
    %parallel_loop3A_133 = arith.constant 1 : i32
    scf.for %parallel_loop3A_167 = %parallel_loop3A_131 to %parallel_loop3A_132 step %parallel_loop3A_133  : i32 {
      %parallel_loop3A_168 = vector.broadcast %parallel_loop3A_167 : i32 to vector<16xi32>
      %parallel_loop3A_169 = tpu.vector_load_idx %arg18[%parallel_loop3A_168] : memref<160xi32, #tpu.memory_space<vmem>>[vector<16xi32>], vector<16xi32>,
      %parallel_loop3A_170 = tpu.vector_load_idx %arg12[%parallel_loop3A_168] : memref<160xi32, #tpu.memory_space<vmem>>[vector<16xi32>], vector<16xi32>,
      %parallel_loop3A_171 = arith.constant 0 : i32
      %parallel_loop3A_172 = vector.broadcast %parallel_loop3A_171 : i32 to vector<16xi32>
      %parallel_loop3A_173 = arith.cmpi sgt, %parallel_loop3A_170, %parallel_loop3A_172 : vector<16xi32>
      %parallel_loop3A_174 = arith.addi %iota3A, %parallel_loop3A_169 : vector<16xi32>
      %parallel_loop3A_175 = arith.constant 0 : i32
      %parallel_loop3A_176 = vector.broadcast %parallel_loop3A_175 : i32 to vector<16xi32>
      %parallel_loop3A_177 = arith.addi %parallel_loop3A_174, %parallel_loop3A_176 : vector<16xi32>
      %parallel_loop3A_178 = arith.constant 127 : i32
      %parallel_loop3A_179 = vector.broadcast %parallel_loop3A_178 : i32 to vector<16xi32>
      %parallel_loop3A_180 = arith.andi %parallel_loop3A_177, %parallel_loop3A_179 : vector<16xi32>
      %parallel_loop3A_181 = tpu.vector_load_idx %arg8[%parallel_loop3A_168, %parallel_loop3A_180] : memref<160x128xf32, #tpu.memory_space<vmem>>[vector<16xi32>, vector<16xi32>], vector<16xf32>,
      %parallel_loop3A_182 = arith.constant 0.000000e+00 : f32
      %parallel_loop3A_183 = vector.broadcast %parallel_loop3A_182 : f32 to vector<16xf32>
      %parallel_loop3A_184 = arith.select %parallel_loop3A_173, %parallel_loop3A_181, %parallel_loop3A_183 : vector<16xi1>, vector<16xf32>
      %parallel_loop3A_185 = arith.index_cast %parallel_loop3A_167 : i32 to index
      %parallel_loop3A_186 = arith.constant 0 : index
      %parallel_loop3A_187 = tpu.vector_load %arg10[%parallel_loop3A_185, %parallel_loop3A_186] {strides = array<i32>} : memref<160x128xf32, #tpu.memory_space<vmem>>, vector<16xf32>,
      tpu.vector_store %arg10[%parallel_loop3A_185, %parallel_loop3A_186], %parallel_loop3A_184 {strides = array<i32>} : memref<160x128xf32, #tpu.memory_space<vmem>>, vector<16xf32>,
      %parallel_loop3A_188 = arith.constant 16 : i32
      %parallel_loop3A_189 = vector.broadcast %parallel_loop3A_188 : i32 to vector<16xi32>
      %parallel_loop3A_190 = arith.addi %parallel_loop3A_174, %parallel_loop3A_189 : vector<16xi32>
      %parallel_loop3A_191 = arith.constant 127 : i32
      %parallel_loop3A_192 = vector.broadcast %parallel_loop3A_191 : i32 to vector<16xi32>
      %parallel_loop3A_193 = arith.andi %parallel_loop3A_190, %parallel_loop3A_192 : vector<16xi32>
      %parallel_loop3A_194 = tpu.vector_load_idx %arg8[%parallel_loop3A_168, %parallel_loop3A_193] : memref<160x128xf32, #tpu.memory_space<vmem>>[vector<16xi32>, vector<16xi32>], vector<16xf32>,
      %parallel_loop3A_195 = arith.constant 0.000000e+00 : f32
      %parallel_loop3A_196 = vector.broadcast %parallel_loop3A_195 : f32 to vector<16xf32>
      %parallel_loop3A_197 = arith.select %parallel_loop3A_173, %parallel_loop3A_194, %parallel_loop3A_196 : vector<16xi1>, vector<16xf32>
      %parallel_loop3A_198 = arith.index_cast %parallel_loop3A_167 : i32 to index
      %parallel_loop3A_199 = arith.constant 16 : index
      %parallel_loop3A_200 = tpu.vector_load %arg10[%parallel_loop3A_198, %parallel_loop3A_199] {strides = array<i32>} : memref<160x128xf32, #tpu.memory_space<vmem>>, vector<16xf32>,
      tpu.vector_store %arg10[%parallel_loop3A_198, %parallel_loop3A_199], %parallel_loop3A_197 {strides = array<i32>} : memref<160x128xf32, #tpu.memory_space<vmem>>, vector<16xf32>,
      %parallel_loop3A_201 = arith.constant 32 : i32
      %parallel_loop3A_202 = vector.broadcast %parallel_loop3A_201 : i32 to vector<16xi32>
      %parallel_loop3A_203 = arith.addi %parallel_loop3A_174, %parallel_loop3A_202 : vector<16xi32>
      %parallel_loop3A_204 = arith.constant 127 : i32
      %parallel_loop3A_205 = vector.broadcast %parallel_loop3A_204 : i32 to vector<16xi32>
      %parallel_loop3A_206 = arith.andi %parallel_loop3A_203, %parallel_loop3A_205 : vector<16xi32>
      %parallel_loop3A_207 = tpu.vector_load_idx %arg8[%parallel_loop3A_168, %parallel_loop3A_206] : memref<160x128xf32, #tpu.memory_space<vmem>>[vector<16xi32>, vector<16xi32>], vector<16xf32>,
      %parallel_loop3A_208 = arith.constant 0.000000e+00 : f32
      %parallel_loop3A_209 = vector.broadcast %parallel_loop3A_208 : f32 to vector<16xf32>
      %parallel_loop3A_210 = arith.select %parallel_loop3A_173, %parallel_loop3A_207, %parallel_loop3A_209 : vector<16xi1>, vector<16xf32>
      %parallel_loop3A_211 = arith.index_cast %parallel_loop3A_167 : i32 to index
      %parallel_loop3A_212 = arith.constant 32 : index
      %parallel_loop3A_213 = tpu.vector_load %arg10[%parallel_loop3A_211, %parallel_loop3A_212] {strides = array<i32>} : memref<160x128xf32, #tpu.memory_space<vmem>>, vector<16xf32>,
      tpu.vector_store %arg10[%parallel_loop3A_211, %parallel_loop3A_212], %parallel_loop3A_210 {strides = array<i32>} : memref<160x128xf32, #tpu.memory_space<vmem>>, vector<16xf32>,
      %parallel_loop3A_214 = arith.constant 48 : i32
      %parallel_loop3A_215 = vector.broadcast %parallel_loop3A_214 : i32 to vector<16xi32>
      %parallel_loop3A_216 = arith.addi %parallel_loop3A_174, %parallel_loop3A_215 : vector<16xi32>
      %parallel_loop3A_217 = arith.constant 127 : i32
      %parallel_loop3A_218 = vector.broadcast %parallel_loop3A_217 : i32 to vector<16xi32>
      %parallel_loop3A_219 = arith.andi %parallel_loop3A_216, %parallel_loop3A_218 : vector<16xi32>
      %parallel_loop3A_220 = tpu.vector_load_idx %arg8[%parallel_loop3A_168, %parallel_loop3A_219] : memref<160x128xf32, #tpu.memory_space<vmem>>[vector<16xi32>, vector<16xi32>], vector<16xf32>,
      %parallel_loop3A_221 = arith.constant 0.000000e+00 : f32
      %parallel_loop3A_222 = vector.broadcast %parallel_loop3A_221 : f32 to vector<16xf32>
      %parallel_loop3A_223 = arith.select %parallel_loop3A_173, %parallel_loop3A_220, %parallel_loop3A_222 : vector<16xi1>, vector<16xf32>
      %parallel_loop3A_224 = arith.index_cast %parallel_loop3A_167 : i32 to index
      %parallel_loop3A_225 = arith.constant 48 : index
      %parallel_loop3A_226 = tpu.vector_load %arg10[%parallel_loop3A_224, %parallel_loop3A_225] {strides = array<i32>} : memref<160x128xf32, #tpu.memory_space<vmem>>, vector<16xf32>,
      tpu.vector_store %arg10[%parallel_loop3A_224, %parallel_loop3A_225], %parallel_loop3A_223 {strides = array<i32>} : memref<160x128xf32, #tpu.memory_space<vmem>>, vector<16xf32>,
      %parallel_loop3A_227 = arith.constant 64 : i32
      %parallel_loop3A_228 = vector.broadcast %parallel_loop3A_227 : i32 to vector<16xi32>
      %parallel_loop3A_229 = arith.addi %parallel_loop3A_174, %parallel_loop3A_228 : vector<16xi32>
      %parallel_loop3A_230 = arith.constant 127 : i32
      %parallel_loop3A_231 = vector.broadcast %parallel_loop3A_230 : i32 to vector<16xi32>
      %parallel_loop3A_232 = arith.andi %parallel_loop3A_229, %parallel_loop3A_231 : vector<16xi32>
      %parallel_loop3A_233 = tpu.vector_load_idx %arg8[%parallel_loop3A_168, %parallel_loop3A_232] : memref<160x128xf32, #tpu.memory_space<vmem>>[vector<16xi32>, vector<16xi32>], vector<16xf32>,
      %parallel_loop3A_234 = arith.constant 0.000000e+00 : f32
      %parallel_loop3A_235 = vector.broadcast %parallel_loop3A_234 : f32 to vector<16xf32>
      %parallel_loop3A_236 = arith.select %parallel_loop3A_173, %parallel_loop3A_233, %parallel_loop3A_235 : vector<16xi1>, vector<16xf32>
      %parallel_loop3A_237 = arith.index_cast %parallel_loop3A_167 : i32 to index
      %parallel_loop3A_238 = arith.constant 64 : index
      %parallel_loop3A_239 = tpu.vector_load %arg10[%parallel_loop3A_237, %parallel_loop3A_238] {strides = array<i32>} : memref<160x128xf32, #tpu.memory_space<vmem>>, vector<16xf32>,
      tpu.vector_store %arg10[%parallel_loop3A_237, %parallel_loop3A_238], %parallel_loop3A_236 {strides = array<i32>} : memref<160x128xf32, #tpu.memory_space<vmem>>, vector<16xf32>,
      %parallel_loop3A_240 = arith.constant 80 : i32
      %parallel_loop3A_241 = vector.broadcast %parallel_loop3A_240 : i32 to vector<16xi32>
      %parallel_loop3A_242 = arith.addi %parallel_loop3A_174, %parallel_loop3A_241 : vector<16xi32>
      %parallel_loop3A_243 = arith.constant 127 : i32
      %parallel_loop3A_244 = vector.broadcast %parallel_loop3A_243 : i32 to vector<16xi32>
      %parallel_loop3A_245 = arith.andi %parallel_loop3A_242, %parallel_loop3A_244 : vector<16xi32>
      %parallel_loop3A_246 = tpu.vector_load_idx %arg8[%parallel_loop3A_168, %parallel_loop3A_245] : memref<160x128xf32, #tpu.memory_space<vmem>>[vector<16xi32>, vector<16xi32>], vector<16xf32>,
      %parallel_loop3A_247 = arith.constant 0.000000e+00 : f32
      %parallel_loop3A_248 = vector.broadcast %parallel_loop3A_247 : f32 to vector<16xf32>
      %parallel_loop3A_249 = arith.select %parallel_loop3A_173, %parallel_loop3A_246, %parallel_loop3A_248 : vector<16xi1>, vector<16xf32>
      %parallel_loop3A_250 = arith.index_cast %parallel_loop3A_167 : i32 to index
      %parallel_loop3A_251 = arith.constant 80 : index
      %parallel_loop3A_252 = tpu.vector_load %arg10[%parallel_loop3A_250, %parallel_loop3A_251] {strides = array<i32>} : memref<160x128xf32, #tpu.memory_space<vmem>>, vector<16xf32>,
      tpu.vector_store %arg10[%parallel_loop3A_250, %parallel_loop3A_251], %parallel_loop3A_249 {strides = array<i32>} : memref<160x128xf32, #tpu.memory_space<vmem>>, vector<16xf32>,
      %parallel_loop3A_253 = arith.constant 96 : i32
      %parallel_loop3A_254 = vector.broadcast %parallel_loop3A_253 : i32 to vector<16xi32>
      %parallel_loop3A_255 = arith.addi %parallel_loop3A_174, %parallel_loop3A_254 : vector<16xi32>
      %parallel_loop3A_256 = arith.constant 127 : i32
      %parallel_loop3A_257 = vector.broadcast %parallel_loop3A_256 : i32 to vector<16xi32>
      %parallel_loop3A_258 = arith.andi %parallel_loop3A_255, %parallel_loop3A_257 : vector<16xi32>
      %parallel_loop3A_259 = tpu.vector_load_idx %arg8[%parallel_loop3A_168, %parallel_loop3A_258] : memref<160x128xf32, #tpu.memory_space<vmem>>[vector<16xi32>, vector<16xi32>], vector<16xf32>,
      %parallel_loop3A_260 = arith.constant 0.000000e+00 : f32
      %parallel_loop3A_261 = vector.broadcast %parallel_loop3A_260 : f32 to vector<16xf32>
      %parallel_loop3A_262 = arith.select %parallel_loop3A_173, %parallel_loop3A_259, %parallel_loop3A_261 : vector<16xi1>, vector<16xf32>
      %parallel_loop3A_263 = arith.index_cast %parallel_loop3A_167 : i32 to index
      %parallel_loop3A_264 = arith.constant 96 : index
      %parallel_loop3A_265 = tpu.vector_load %arg10[%parallel_loop3A_263, %parallel_loop3A_264] {strides = array<i32>} : memref<160x128xf32, #tpu.memory_space<vmem>>, vector<16xf32>,
      tpu.vector_store %arg10[%parallel_loop3A_263, %parallel_loop3A_264], %parallel_loop3A_262 {strides = array<i32>} : memref<160x128xf32, #tpu.memory_space<vmem>>, vector<16xf32>,
      %parallel_loop3A_266 = arith.constant 112 : i32
      %parallel_loop3A_267 = vector.broadcast %parallel_loop3A_266 : i32 to vector<16xi32>
      %parallel_loop3A_268 = arith.addi %parallel_loop3A_174, %parallel_loop3A_267 : vector<16xi32>
      %parallel_loop3A_269 = arith.constant 127 : i32
      %parallel_loop3A_270 = vector.broadcast %parallel_loop3A_269 : i32 to vector<16xi32>
      %parallel_loop3A_271 = arith.andi %parallel_loop3A_268, %parallel_loop3A_270 : vector<16xi32>
      %parallel_loop3A_272 = tpu.vector_load_idx %arg8[%parallel_loop3A_168, %parallel_loop3A_271] : memref<160x128xf32, #tpu.memory_space<vmem>>[vector<16xi32>, vector<16xi32>], vector<16xf32>,
      %parallel_loop3A_273 = arith.constant 0.000000e+00 : f32
      %parallel_loop3A_274 = vector.broadcast %parallel_loop3A_273 : f32 to vector<16xf32>
      %parallel_loop3A_275 = arith.select %parallel_loop3A_173, %parallel_loop3A_272, %parallel_loop3A_274 : vector<16xi1>, vector<16xf32>
      %parallel_loop3A_276 = arith.index_cast %parallel_loop3A_167 : i32 to index
      %parallel_loop3A_277 = arith.constant 112 : index
      %parallel_loop3A_278 = tpu.vector_load %arg10[%parallel_loop3A_276, %parallel_loop3A_277] {strides = array<i32>} : memref<160x128xf32, #tpu.memory_space<vmem>>, vector<16xf32>,
      tpu.vector_store %arg10[%parallel_loop3A_276, %parallel_loop3A_277], %parallel_loop3A_275 {strides = array<i32>} : memref<160x128xf32, #tpu.memory_space<vmem>>, vector<16xf32>,
    } {sc.loop_unroll_factor = 2 : i64, sc.parallel_access}
    %add3A_134 = arith.constant 1216 : i32
    %add3A_135 = arith.addi %add3A, %add3A_134 : i32
    %mul3A_136 = arith.constant 160 : i32
    %mul3A_137 = arith.muli %add3A_135, %mul3A_136 : i32
    %dma_start3A_138 = arith.constant 0 : i32
    %dma_start3A_139 = tpu.memref_slice %arg6[%mul3A_137, %dma_start3A_138] : memref<200000x128xf32, #tpu.memory_space<hbm>> -> memref<160x128xf32, #tpu.memory_space<hbm>>
    %dma_start3A_140 = arith.constant 0 : i32
    %dma_start3A_141 = tpu.memref_slice %arg6[%mul3A_137, %dma_start3A_140] : memref<200000x128xf32, #tpu.memory_space<hbm>> -> memref<160x128xf32, #tpu.memory_space<hbm>>
    tpu.enqueue_dma source(%arg10 : memref<160x128xf32, #tpu.memory_space<vmem>>) target(%dma_start3A_141 : memref<160x128xf32, #tpu.memory_space<hbm>>) target_semaphore(%arg27 : memref<!tpu.dma_semaphore, #tpu.memory_space<semaphore_mem>>)
    %dma_start3A_142 = tpu.memref_slice %arg7[%mul3A_137] : memref<200000xf32, #tpu.memory_space<hbm>> -> memref<160xf32, #tpu.memory_space<hbm>>
    %dma_start3A_143 = tpu.memref_slice %arg7[%mul3A_137] : memref<200000xf32, #tpu.memory_space<hbm>> -> memref<160xf32, #tpu.memory_space<hbm>>
    tpu.enqueue_dma source(%arg16 : memref<160xf32, #tpu.memory_space<vmem>>) target(%dma_start3A_143 : memref<160xf32, #tpu.memory_space<hbm>>) target_semaphore(%arg29 : memref<!tpu.dma_semaphore, #tpu.memory_space<semaphore_mem>>)
    %convert_element_type3A_144 = arith.extui %lt3A_102 : i1 to i32
    %cond3A_145 = arith.constant 0 : i32
    %cond3A_146 = arith.cmpi ne, %convert_element_type3A_144, %cond3A_145 : i32
    scf.if %cond3A_146 {
      %dma_wait3A_167 = arith.constant 0 : i32
      %dma_wait3A_168 = arith.constant 0 : i32
      %dma_wait3A_169 = tpu.memref_slice %arg2[%dma_wait3A_167, %dma_wait3A_168] : memref<200000x128xf32, #tpu.memory_space<hbm>> -> memref<160x128xf32, #tpu.memory_space<hbm>>
      %dma_wait3A_170 = arith.constant 0 : i32
      %dma_wait3A_171 = arith.constant 0 : i32
      %dma_wait3A_172 = tpu.memref_slice %arg2[%dma_wait3A_170, %dma_wait3A_171] : memref<200000x128xf32, #tpu.memory_space<hbm>> -> memref<160x128xf32, #tpu.memory_space<hbm>>
      tpu.wait_dma2 semaphore(%arg22 : memref<!tpu.dma_semaphore, #tpu.memory_space<semaphore_mem>>) src(%dma_wait3A_172 : memref<160x128xf32, #tpu.memory_space<hbm>>) dst(%arg9 : memref<160x128xf32, #tpu.memory_space<vmem>>)
      %dma_wait3A_173 = arith.constant 0 : i32
      %dma_wait3A_174 = tpu.memref_slice %arg4[%dma_wait3A_173] : memref<200000xi32, #tpu.memory_space<hbm>> -> memref<160xi32, #tpu.memory_space<hbm>>
      %dma_wait3A_175 = arith.constant 0 : i32
      %dma_wait3A_176 = tpu.memref_slice %arg4[%dma_wait3A_175] : memref<200000xi32, #tpu.memory_space<hbm>> -> memref<160xi32, #tpu.memory_space<hbm>>
      tpu.wait_dma2 semaphore(%arg24 : memref<!tpu.dma_semaphore, #tpu.memory_space<semaphore_mem>>) src(%dma_wait3A_176 : memref<160xi32, #tpu.memory_space<hbm>>) dst(%arg13 : memref<160xi32, #tpu.memory_space<vmem>>)
      %dma_wait3A_177 = arith.constant 0 : i32
      %dma_wait3A_178 = tpu.memref_slice %arg3[%dma_wait3A_177] : memref<200000xf32, #tpu.memory_space<hbm>> -> memref<160xf32, #tpu.memory_space<hbm>>
      %dma_wait3A_179 = arith.constant 0 : i32
      %dma_wait3A_180 = tpu.memref_slice %arg3[%dma_wait3A_179] : memref<200000xf32, #tpu.memory_space<hbm>> -> memref<160xf32, #tpu.memory_space<hbm>>
      tpu.wait_dma2 semaphore(%arg26 : memref<!tpu.dma_semaphore, #tpu.memory_space<semaphore_mem>>) src(%dma_wait3A_180 : memref<160xf32, #tpu.memory_space<hbm>>) dst(%arg15 : memref<160xf32, #tpu.memory_space<vmem>>)
      %dma_wait3A_181 = arith.constant 0 : i32
      %dma_wait3A_182 = arith.constant 0 : i32
      %dma_wait3A_183 = tpu.memref_slice %arg6[%dma_wait3A_181, %dma_wait3A_182] : memref<200000x128xf32, #tpu.memory_space<hbm>> -> memref<160x128xf32, #tpu.memory_space<hbm>>
      %dma_wait3A_184 = arith.constant 0 : i32
      %dma_wait3A_185 = arith.constant 0 : i32
      %dma_wait3A_186 = tpu.memref_slice %arg6[%dma_wait3A_184, %dma_wait3A_185] : memref<200000x128xf32, #tpu.memory_space<hbm>> -> memref<160x128xf32, #tpu.memory_space<hbm>>
      tpu.wait_dma2 semaphore(%arg28 : memref<!tpu.dma_semaphore, #tpu.memory_space<semaphore_mem>>) src(%arg11 : memref<160x128xf32, #tpu.memory_space<vmem>>) dst(%dma_wait3A_186 : memref<160x128xf32, #tpu.memory_space<hbm>>)
      %dma_wait3A_187 = arith.constant 0 : i32
      %dma_wait3A_188 = tpu.memref_slice %arg7[%dma_wait3A_187] : memref<200000xf32, #tpu.memory_space<hbm>> -> memref<160xf32, #tpu.memory_space<hbm>>
      %dma_wait3A_189 = arith.constant 0 : i32
      %dma_wait3A_190 = tpu.memref_slice %arg7[%dma_wait3A_189] : memref<200000xf32, #tpu.memory_space<hbm>> -> memref<160xf32, #tpu.memory_space<hbm>>
      tpu.wait_dma2 semaphore(%arg30 : memref<!tpu.dma_semaphore, #tpu.memory_space<semaphore_mem>>) src(%arg17 : memref<160xf32, #tpu.memory_space<vmem>>) dst(%dma_wait3A_190 : memref<160xf32, #tpu.memory_space<hbm>>)
      %parallel_loop3A_191 = arith.constant 0 : i32
      %parallel_loop3A_192 = arith.constant 160 : i32
      %parallel_loop3A_193 = arith.constant 16 : i32
      scf.for %parallel_loop3A_207 = %parallel_loop3A_191 to %parallel_loop3A_192 step %parallel_loop3A_193  : i32 {
        %parallel_loop3A_208 = arith.index_cast %parallel_loop3A_207 : i32 to index
        %parallel_loop3A_209 = tpu.vector_load %arg13[%parallel_loop3A_208] {strides = array<i32>} : memref<160xi32, #tpu.memory_space<vmem>>, vector<16xi32>,
        %parallel_loop3A_210 = arith.constant 0 : i32
        %parallel_loop3A_211 = vector.broadcast %parallel_loop3A_210 : i32 to vector<16xi32>
        %parallel_loop3A_212 = arith.cmpi sgt, %parallel_loop3A_209, %parallel_loop3A_211 : vector<16xi32>
        %parallel_loop3A_213 = arith.constant 1 : i32
        %parallel_loop3A_214 = vector.broadcast %parallel_loop3A_213 : i32 to vector<16xi32>
        %parallel_loop3A_215 = arith.subi %parallel_loop3A_209, %parallel_loop3A_214 : vector<16xi32>
        %parallel_loop3A_216 = arith.constant 0 : i32
        %parallel_loop3A_217 = vector.broadcast %parallel_loop3A_216 : i32 to vector<16xi32>
        %parallel_loop3A_218 = arith.maxsi %parallel_loop3A_215, %parallel_loop3A_217 : vector<16xi32>
        %parallel_loop3A_219 = tpu.vector_load_idx %arg20[%parallel_loop3A_218] : memref<64xi32, #tpu.memory_space<vmem>>[vector<16xi32>], vector<16xi32>,
        %parallel_loop3A_220 = arith.index_cast %parallel_loop3A_207 : i32 to index
        %parallel_loop3A_221 = tpu.vector_load %arg15[%parallel_loop3A_220] {strides = array<i32>} : memref<160xf32, #tpu.memory_space<vmem>>, vector<16xf32>,
        %parallel_loop3A_222 = arith.sitofp %parallel_loop3A_219 : vector<16xi32> to vector<16xf32>
        %parallel_loop3A_223 = arith.subf %parallel_loop3A_221, %parallel_loop3A_222 : vector<16xf32>
        %parallel_loop3A_224 = arith.constant 0.000000e+00 : f32
        %parallel_loop3A_225 = vector.broadcast %parallel_loop3A_224 : f32 to vector<16xf32>
        %parallel_loop3A_226 = arith.select %parallel_loop3A_212, %parallel_loop3A_223, %parallel_loop3A_225 : vector<16xi1>, vector<16xf32>
        %parallel_loop3A_227 = arith.index_cast %parallel_loop3A_207 : i32 to index
        %parallel_loop3A_228 = tpu.vector_load %arg17[%parallel_loop3A_227] {strides = array<i32>} : memref<160xf32, #tpu.memory_space<vmem>>, vector<16xf32>,
        tpu.vector_store %arg17[%parallel_loop3A_227], %parallel_loop3A_226 {strides = array<i32>} : memref<160xf32, #tpu.memory_space<vmem>>, vector<16xf32>,
        %parallel_loop3A_229 = arith.constant 128 : i32
        %parallel_loop3A_230 = vector.broadcast %parallel_loop3A_229 : i32 to vector<16xi32>
        %parallel_loop3A_231 = arith.subi %parallel_loop3A_230, %parallel_loop3A_219 : vector<16xi32>
        %parallel_loop3A_232 = arith.constant 127 : i32
        %parallel_loop3A_233 = vector.broadcast %parallel_loop3A_232 : i32 to vector<16xi32>
        %parallel_loop3A_234 = arith.andi %parallel_loop3A_231, %parallel_loop3A_233 : vector<16xi32>
        %parallel_loop3A_235 = arith.index_cast %parallel_loop3A_207 : i32 to index
        %parallel_loop3A_236 = tpu.vector_load %arg19[%parallel_loop3A_235] {strides = array<i32>} : memref<160xi32, #tpu.memory_space<vmem>>, vector<16xi32>,
        tpu.vector_store %arg19[%parallel_loop3A_235], %parallel_loop3A_234 {strides = array<i32>} : memref<160xi32, #tpu.memory_space<vmem>>, vector<16xi32>,
      } {sc.loop_unroll_factor = 1 : i64, sc.parallel_access}
      %parallel_loop3A_194 = arith.constant 0 : i32
      %parallel_loop3A_195 = arith.constant 160 : i32
      %parallel_loop3A_196 = arith.constant 1 : i32
      scf.for %parallel_loop3A_207 = %parallel_loop3A_194 to %parallel_loop3A_195 step %parallel_loop3A_196  : i32 {
        %parallel_loop3A_208 = vector.broadcast %parallel_loop3A_207 : i32 to vector<16xi32>
        %parallel_loop3A_209 = tpu.vector_load_idx %arg19[%parallel_loop3A_208] : memref<160xi32, #tpu.memory_space<vmem>>[vector<16xi32>], vector<16xi32>,
        %parallel_loop3A_210 = tpu.vector_load_idx %arg13[%parallel_loop3A_208] : memref<160xi32, #tpu.memory_space<vmem>>[vector<16xi32>], vector<16xi32>,
        %parallel_loop3A_211 = arith.constant 0 : i32
        %parallel_loop3A_212 = vector.broadcast %parallel_loop3A_211 : i32 to vector<16xi32>
        %parallel_loop3A_213 = arith.cmpi sgt, %parallel_loop3A_210, %parallel_loop3A_212 : vector<16xi32>
        %parallel_loop3A_214 = arith.addi %iota3A, %parallel_loop3A_209 : vector<16xi32>
        %parallel_loop3A_215 = arith.constant 0 : i32
        %parallel_loop3A_216 = vector.broadcast %parallel_loop3A_215 : i32 to vector<16xi32>
        %parallel_loop3A_217 = arith.addi %parallel_loop3A_214, %parallel_loop3A_216 : vector<16xi32>
        %parallel_loop3A_218 = arith.constant 127 : i32
        %parallel_loop3A_219 = vector.broadcast %parallel_loop3A_218 : i32 to vector<16xi32>
        %parallel_loop3A_220 = arith.andi %parallel_loop3A_217, %parallel_loop3A_219 : vector<16xi32>
        %parallel_loop3A_221 = tpu.vector_load_idx %arg9[%parallel_loop3A_208, %parallel_loop3A_220] : memref<160x128xf32, #tpu.memory_space<vmem>>[vector<16xi32>, vector<16xi32>], vector<16xf32>,
        %parallel_loop3A_222 = arith.constant 0.000000e+00 : f32
        %parallel_loop3A_223 = vector.broadcast %parallel_loop3A_222 : f32 to vector<16xf32>
        %parallel_loop3A_224 = arith.select %parallel_loop3A_213, %parallel_loop3A_221, %parallel_loop3A_223 : vector<16xi1>, vector<16xf32>
        %parallel_loop3A_225 = arith.index_cast %parallel_loop3A_207 : i32 to index
        %parallel_loop3A_226 = arith.constant 0 : index
        %parallel_loop3A_227 = tpu.vector_load %arg11[%parallel_loop3A_225, %parallel_loop3A_226] {strides = array<i32>} : memref<160x128xf32, #tpu.memory_space<vmem>>, vector<16xf32>,
        tpu.vector_store %arg11[%parallel_loop3A_225, %parallel_loop3A_226], %parallel_loop3A_224 {strides = array<i32>} : memref<160x128xf32, #tpu.memory_space<vmem>>, vector<16xf32>,
        %parallel_loop3A_228 = arith.constant 16 : i32
        %parallel_loop3A_229 = vector.broadcast %parallel_loop3A_228 : i32 to vector<16xi32>
        %parallel_loop3A_230 = arith.addi %parallel_loop3A_214, %parallel_loop3A_229 : vector<16xi32>
        %parallel_loop3A_231 = arith.constant 127 : i32
        %parallel_loop3A_232 = vector.broadcast %parallel_loop3A_231 : i32 to vector<16xi32>
        %parallel_loop3A_233 = arith.andi %parallel_loop3A_230, %parallel_loop3A_232 : vector<16xi32>
        %parallel_loop3A_234 = tpu.vector_load_idx %arg9[%parallel_loop3A_208, %parallel_loop3A_233] : memref<160x128xf32, #tpu.memory_space<vmem>>[vector<16xi32>, vector<16xi32>], vector<16xf32>,
        %parallel_loop3A_235 = arith.constant 0.000000e+00 : f32
        %parallel_loop3A_236 = vector.broadcast %parallel_loop3A_235 : f32 to vector<16xf32>
        %parallel_loop3A_237 = arith.select %parallel_loop3A_213, %parallel_loop3A_234, %parallel_loop3A_236 : vector<16xi1>, vector<16xf32>
        %parallel_loop3A_238 = arith.index_cast %parallel_loop3A_207 : i32 to index
        %parallel_loop3A_239 = arith.constant 16 : index
        %parallel_loop3A_240 = tpu.vector_load %arg11[%parallel_loop3A_238, %parallel_loop3A_239] {strides = array<i32>} : memref<160x128xf32, #tpu.memory_space<vmem>>, vector<16xf32>,
        tpu.vector_store %arg11[%parallel_loop3A_238, %parallel_loop3A_239], %parallel_loop3A_237 {strides = array<i32>} : memref<160x128xf32, #tpu.memory_space<vmem>>, vector<16xf32>,
        %parallel_loop3A_241 = arith.constant 32 : i32
        %parallel_loop3A_242 = vector.broadcast %parallel_loop3A_241 : i32 to vector<16xi32>
        %parallel_loop3A_243 = arith.addi %parallel_loop3A_214, %parallel_loop3A_242 : vector<16xi32>
        %parallel_loop3A_244 = arith.constant 127 : i32
        %parallel_loop3A_245 = vector.broadcast %parallel_loop3A_244 : i32 to vector<16xi32>
        %parallel_loop3A_246 = arith.andi %parallel_loop3A_243, %parallel_loop3A_245 : vector<16xi32>
        %parallel_loop3A_247 = tpu.vector_load_idx %arg9[%parallel_loop3A_208, %parallel_loop3A_246] : memref<160x128xf32, #tpu.memory_space<vmem>>[vector<16xi32>, vector<16xi32>], vector<16xf32>,
        %parallel_loop3A_248 = arith.constant 0.000000e+00 : f32
        %parallel_loop3A_249 = vector.broadcast %parallel_loop3A_248 : f32 to vector<16xf32>
        %parallel_loop3A_250 = arith.select %parallel_loop3A_213, %parallel_loop3A_247, %parallel_loop3A_249 : vector<16xi1>, vector<16xf32>
        %parallel_loop3A_251 = arith.index_cast %parallel_loop3A_207 : i32 to index
        %parallel_loop3A_252 = arith.constant 32 : index
        %parallel_loop3A_253 = tpu.vector_load %arg11[%parallel_loop3A_251, %parallel_loop3A_252] {strides = array<i32>} : memref<160x128xf32, #tpu.memory_space<vmem>>, vector<16xf32>,
        tpu.vector_store %arg11[%parallel_loop3A_251, %parallel_loop3A_252], %parallel_loop3A_250 {strides = array<i32>} : memref<160x128xf32, #tpu.memory_space<vmem>>, vector<16xf32>,
        %parallel_loop3A_254 = arith.constant 48 : i32
        %parallel_loop3A_255 = vector.broadcast %parallel_loop3A_254 : i32 to vector<16xi32>
        %parallel_loop3A_256 = arith.addi %parallel_loop3A_214, %parallel_loop3A_255 : vector<16xi32>
        %parallel_loop3A_257 = arith.constant 127 : i32
        %parallel_loop3A_258 = vector.broadcast %parallel_loop3A_257 : i32 to vector<16xi32>
        %parallel_loop3A_259 = arith.andi %parallel_loop3A_256, %parallel_loop3A_258 : vector<16xi32>
        %parallel_loop3A_260 = tpu.vector_load_idx %arg9[%parallel_loop3A_208, %parallel_loop3A_259] : memref<160x128xf32, #tpu.memory_space<vmem>>[vector<16xi32>, vector<16xi32>], vector<16xf32>,
        %parallel_loop3A_261 = arith.constant 0.000000e+00 : f32
        %parallel_loop3A_262 = vector.broadcast %parallel_loop3A_261 : f32 to vector<16xf32>
        %parallel_loop3A_263 = arith.select %parallel_loop3A_213, %parallel_loop3A_260, %parallel_loop3A_262 : vector<16xi1>, vector<16xf32>
        %parallel_loop3A_264 = arith.index_cast %parallel_loop3A_207 : i32 to index
        %parallel_loop3A_265 = arith.constant 48 : index
        %parallel_loop3A_266 = tpu.vector_load %arg11[%parallel_loop3A_264, %parallel_loop3A_265] {strides = array<i32>} : memref<160x128xf32, #tpu.memory_space<vmem>>, vector<16xf32>,
        tpu.vector_store %arg11[%parallel_loop3A_264, %parallel_loop3A_265], %parallel_loop3A_263 {strides = array<i32>} : memref<160x128xf32, #tpu.memory_space<vmem>>, vector<16xf32>,
        %parallel_loop3A_267 = arith.constant 64 : i32
        %parallel_loop3A_268 = vector.broadcast %parallel_loop3A_267 : i32 to vector<16xi32>
        %parallel_loop3A_269 = arith.addi %parallel_loop3A_214, %parallel_loop3A_268 : vector<16xi32>
        %parallel_loop3A_270 = arith.constant 127 : i32
        %parallel_loop3A_271 = vector.broadcast %parallel_loop3A_270 : i32 to vector<16xi32>
        %parallel_loop3A_272 = arith.andi %parallel_loop3A_269, %parallel_loop3A_271 : vector<16xi32>
        %parallel_loop3A_273 = tpu.vector_load_idx %arg9[%parallel_loop3A_208, %parallel_loop3A_272] : memref<160x128xf32, #tpu.memory_space<vmem>>[vector<16xi32>, vector<16xi32>], vector<16xf32>,
        %parallel_loop3A_274 = arith.constant 0.000000e+00 : f32
        %parallel_loop3A_275 = vector.broadcast %parallel_loop3A_274 : f32 to vector<16xf32>
        %parallel_loop3A_276 = arith.select %parallel_loop3A_213, %parallel_loop3A_273, %parallel_loop3A_275 : vector<16xi1>, vector<16xf32>
        %parallel_loop3A_277 = arith.index_cast %parallel_loop3A_207 : i32 to index
        %parallel_loop3A_278 = arith.constant 64 : index
        %parallel_loop3A_279 = tpu.vector_load %arg11[%parallel_loop3A_277, %parallel_loop3A_278] {strides = array<i32>} : memref<160x128xf32, #tpu.memory_space<vmem>>, vector<16xf32>,
        tpu.vector_store %arg11[%parallel_loop3A_277, %parallel_loop3A_278], %parallel_loop3A_276 {strides = array<i32>} : memref<160x128xf32, #tpu.memory_space<vmem>>, vector<16xf32>,
        %parallel_loop3A_280 = arith.constant 80 : i32
        %parallel_loop3A_281 = vector.broadcast %parallel_loop3A_280 : i32 to vector<16xi32>
        %parallel_loop3A_282 = arith.addi %parallel_loop3A_214, %parallel_loop3A_281 : vector<16xi32>
        %parallel_loop3A_283 = arith.constant 127 : i32
        %parallel_loop3A_284 = vector.broadcast %parallel_loop3A_283 : i32 to vector<16xi32>
        %parallel_loop3A_285 = arith.andi %parallel_loop3A_282, %parallel_loop3A_284 : vector<16xi32>
        %parallel_loop3A_286 = tpu.vector_load_idx %arg9[%parallel_loop3A_208, %parallel_loop3A_285] : memref<160x128xf32, #tpu.memory_space<vmem>>[vector<16xi32>, vector<16xi32>], vector<16xf32>,
        %parallel_loop3A_287 = arith.constant 0.000000e+00 : f32
        %parallel_loop3A_288 = vector.broadcast %parallel_loop3A_287 : f32 to vector<16xf32>
        %parallel_loop3A_289 = arith.select %parallel_loop3A_213, %parallel_loop3A_286, %parallel_loop3A_288 : vector<16xi1>, vector<16xf32>
        %parallel_loop3A_290 = arith.index_cast %parallel_loop3A_207 : i32 to index
        %parallel_loop3A_291 = arith.constant 80 : index
        %parallel_loop3A_292 = tpu.vector_load %arg11[%parallel_loop3A_290, %parallel_loop3A_291] {strides = array<i32>} : memref<160x128xf32, #tpu.memory_space<vmem>>, vector<16xf32>,
        tpu.vector_store %arg11[%parallel_loop3A_290, %parallel_loop3A_291], %parallel_loop3A_289 {strides = array<i32>} : memref<160x128xf32, #tpu.memory_space<vmem>>, vector<16xf32>,
        %parallel_loop3A_293 = arith.constant 96 : i32
        %parallel_loop3A_294 = vector.broadcast %parallel_loop3A_293 : i32 to vector<16xi32>
        %parallel_loop3A_295 = arith.addi %parallel_loop3A_214, %parallel_loop3A_294 : vector<16xi32>
        %parallel_loop3A_296 = arith.constant 127 : i32
        %parallel_loop3A_297 = vector.broadcast %parallel_loop3A_296 : i32 to vector<16xi32>
        %parallel_loop3A_298 = arith.andi %parallel_loop3A_295, %parallel_loop3A_297 : vector<16xi32>
        %parallel_loop3A_299 = tpu.vector_load_idx %arg9[%parallel_loop3A_208, %parallel_loop3A_298] : memref<160x128xf32, #tpu.memory_space<vmem>>[vector<16xi32>, vector<16xi32>], vector<16xf32>,
        %parallel_loop3A_300 = arith.constant 0.000000e+00 : f32
        %parallel_loop3A_301 = vector.broadcast %parallel_loop3A_300 : f32 to vector<16xf32>
        %parallel_loop3A_302 = arith.select %parallel_loop3A_213, %parallel_loop3A_299, %parallel_loop3A_301 : vector<16xi1>, vector<16xf32>
        %parallel_loop3A_303 = arith.index_cast %parallel_loop3A_207 : i32 to index
        %parallel_loop3A_304 = arith.constant 96 : index
        %parallel_loop3A_305 = tpu.vector_load %arg11[%parallel_loop3A_303, %parallel_loop3A_304] {strides = array<i32>} : memref<160x128xf32, #tpu.memory_space<vmem>>, vector<16xf32>,
        tpu.vector_store %arg11[%parallel_loop3A_303, %parallel_loop3A_304], %parallel_loop3A_302 {strides = array<i32>} : memref<160x128xf32, #tpu.memory_space<vmem>>, vector<16xf32>,
        %parallel_loop3A_306 = arith.constant 112 : i32
        %parallel_loop3A_307 = vector.broadcast %parallel_loop3A_306 : i32 to vector<16xi32>
        %parallel_loop3A_308 = arith.addi %parallel_loop3A_214, %parallel_loop3A_307 : vector<16xi32>
        %parallel_loop3A_309 = arith.constant 127 : i32
        %parallel_loop3A_310 = vector.broadcast %parallel_loop3A_309 : i32 to vector<16xi32>
        %parallel_loop3A_311 = arith.andi %parallel_loop3A_308, %parallel_loop3A_310 : vector<16xi32>
        %parallel_loop3A_312 = tpu.vector_load_idx %arg9[%parallel_loop3A_208, %parallel_loop3A_311] : memref<160x128xf32, #tpu.memory_space<vmem>>[vector<16xi32>, vector<16xi32>], vector<16xf32>,
        %parallel_loop3A_313 = arith.constant 0.000000e+00 : f32
        %parallel_loop3A_314 = vector.broadcast %parallel_loop3A_313 : f32 to vector<16xf32>
        %parallel_loop3A_315 = arith.select %parallel_loop3A_213, %parallel_loop3A_312, %parallel_loop3A_314 : vector<16xi1>, vector<16xf32>
        %parallel_loop3A_316 = arith.index_cast %parallel_loop3A_207 : i32 to index
        %parallel_loop3A_317 = arith.constant 112 : index
        %parallel_loop3A_318 = tpu.vector_load %arg11[%parallel_loop3A_316, %parallel_loop3A_317] {strides = array<i32>} : memref<160x128xf32, #tpu.memory_space<vmem>>, vector<16xf32>,
        tpu.vector_store %arg11[%parallel_loop3A_316, %parallel_loop3A_317], %parallel_loop3A_315 {strides = array<i32>} : memref<160x128xf32, #tpu.memory_space<vmem>>, vector<16xf32>,
      } {sc.loop_unroll_factor = 2 : i64, sc.parallel_access}
      %add3A_197 = arith.constant 1248 : i32
      %add3A_198 = arith.addi %add3A, %add3A_197 : i32
      %mul3A_199 = arith.constant 160 : i32
      %mul3A_200 = arith.muli %add3A_198, %mul3A_199 : i32
      %dma_start3A_201 = arith.constant 0 : i32
      %dma_start3A_202 = tpu.memref_slice %arg6[%mul3A_200, %dma_start3A_201] : memref<200000x128xf32, #tpu.memory_space<hbm>> -> memref<160x128xf32, #tpu.memory_space<hbm>>
      %dma_start3A_203 = arith.constant 0 : i32
      %dma_start3A_204 = tpu.memref_slice %arg6[%mul3A_200, %dma_start3A_203] : memref<200000x128xf32, #tpu.memory_space<hbm>> -> memref<160x128xf32, #tpu.memory_space<hbm>>
      tpu.enqueue_dma source(%arg11 : memref<160x128xf32, #tpu.memory_space<vmem>>) target(%dma_start3A_204 : memref<160x128xf32, #tpu.memory_space<hbm>>) target_semaphore(%arg28 : memref<!tpu.dma_semaphore, #tpu.memory_space<semaphore_mem>>)
      %dma_start3A_205 = tpu.memref_slice %arg7[%mul3A_200] : memref<200000xf32, #tpu.memory_space<hbm>> -> memref<160xf32, #tpu.memory_space<hbm>>
      %dma_start3A_206 = tpu.memref_slice %arg7[%mul3A_200] : memref<200000xf32, #tpu.memory_space<hbm>> -> memref<160xf32, #tpu.memory_space<hbm>>
      tpu.enqueue_dma source(%arg17 : memref<160xf32, #tpu.memory_space<vmem>>) target(%dma_start3A_206 : memref<160xf32, #tpu.memory_space<hbm>>) target_semaphore(%arg30 : memref<!tpu.dma_semaphore, #tpu.memory_space<semaphore_mem>>)
    } else {
    }
    %dma_wait3A_147 = arith.constant 0 : i32
    %dma_wait3A_148 = arith.constant 0 : i32
    %dma_wait3A_149 = tpu.memref_slice %arg6[%dma_wait3A_147, %dma_wait3A_148] : memref<200000x128xf32, #tpu.memory_space<hbm>> -> memref<160x128xf32, #tpu.memory_space<hbm>>
    %dma_wait3A_150 = arith.constant 0 : i32
    %dma_wait3A_151 = arith.constant 0 : i32
    %dma_wait3A_152 = tpu.memref_slice %arg6[%dma_wait3A_150, %dma_wait3A_151] : memref<200000x128xf32, #tpu.memory_space<hbm>> -> memref<160x128xf32, #tpu.memory_space<hbm>>
    tpu.wait_dma2 semaphore(%arg27 : memref<!tpu.dma_semaphore, #tpu.memory_space<semaphore_mem>>) src(%arg10 : memref<160x128xf32, #tpu.memory_space<vmem>>) dst(%dma_wait3A_152 : memref<160x128xf32, #tpu.memory_space<hbm>>)
    %dma_wait3A_153 = arith.constant 0 : i32
    %dma_wait3A_154 = tpu.memref_slice %arg7[%dma_wait3A_153] : memref<200000xf32, #tpu.memory_space<hbm>> -> memref<160xf32, #tpu.memory_space<hbm>>
    %dma_wait3A_155 = arith.constant 0 : i32
    %dma_wait3A_156 = tpu.memref_slice %arg7[%dma_wait3A_155] : memref<200000xf32, #tpu.memory_space<hbm>> -> memref<160xf32, #tpu.memory_space<hbm>>
    tpu.wait_dma2 semaphore(%arg29 : memref<!tpu.dma_semaphore, #tpu.memory_space<semaphore_mem>>) src(%arg16 : memref<160xf32, #tpu.memory_space<vmem>>) dst(%dma_wait3A_156 : memref<160xf32, #tpu.memory_space<hbm>>)
    %dma_wait3A_157 = arith.constant 0 : i32
    %dma_wait3A_158 = arith.constant 0 : i32
    %dma_wait3A_159 = tpu.memref_slice %arg6[%dma_wait3A_157, %dma_wait3A_158] : memref<200000x128xf32, #tpu.memory_space<hbm>> -> memref<160x128xf32, #tpu.memory_space<hbm>>
    %dma_wait3A_160 = arith.constant 0 : i32
    %dma_wait3A_161 = arith.constant 0 : i32
    %dma_wait3A_162 = tpu.memref_slice %arg6[%dma_wait3A_160, %dma_wait3A_161] : memref<200000x128xf32, #tpu.memory_space<hbm>> -> memref<160x128xf32, #tpu.memory_space<hbm>>
    tpu.wait_dma2 semaphore(%arg28 : memref<!tpu.dma_semaphore, #tpu.memory_space<semaphore_mem>>) src(%arg11 : memref<160x128xf32, #tpu.memory_space<vmem>>) dst(%dma_wait3A_162 : memref<160x128xf32, #tpu.memory_space<hbm>>)
    %dma_wait3A_163 = arith.constant 0 : i32
    %dma_wait3A_164 = tpu.memref_slice %arg7[%dma_wait3A_163] : memref<200000xf32, #tpu.memory_space<hbm>> -> memref<160xf32, #tpu.memory_space<hbm>>
    %dma_wait3A_165 = arith.constant 0 : i32
    %dma_wait3A_166 = tpu.memref_slice %arg7[%dma_wait3A_165] : memref<200000xf32, #tpu.memory_space<hbm>> -> memref<160xf32, #tpu.memory_space<hbm>>
    tpu.wait_dma2 semaphore(%arg30 : memref<!tpu.dma_semaphore, #tpu.memory_space<semaphore_mem>>) src(%arg17 : memref<160xf32, #tpu.memory_space<vmem>>) dst(%dma_wait3A_166 : memref<160xf32, #tpu.memory_space<hbm>>)
    return
  }
}

</mosaic_0001>

<sc_bundles>
// kernel: kernel.3.cloned.1.call-start
scs
__scs_entry_jumppad:
0x0: {  	(pc) =	sbr.rel $0x88, $3  }
0x1: {  	(tag) =	ssettag $0x0;
	lr =	simm.s32 $0x1  }
0x2: {  	[smem:$0x3F9D] =	sst lr;
	_ =	strace $0xD0000000  }
0x3: {  	_ = 	snop  }
0x4: {  	_ = 	snop  }
0x5: {  	_ = 	snop  }
0x6: {  	_ = 	snop  }
0x7: {  	_ = 	snop  }
__scs_overlays_trampoline_lowered:
0x8: {  	[smem:$0x3FAC] =	sst s0  }
0x9: {  	[smem:$0x3FAD] =	sst s1  }
0xa: {  	[smem:$0x3FAE] =	sst s2  }
0xb: {  	[smem:$0x3FAF] =	sst s3  }
0xc: {  	[smem:$0x3FB0] =	sst s4  }
0xd: {  	[smem:$0x3FB1] =	sst s5  }
0xe: {  	[smem:$0x3FB2] =	sst s6  }
0xf: {  	[smem:$0x3FB3] =	sst s7  }
0x10: {  	[smem:$0x3FB4] =	sst s8  }
0x11: {  	[smem:$0x3FB5] =	sst s9;
	s0 =	simm.s32 @!p0 $0x0  }
0x12: {  	s1 =	sld [smem:$0x3F9B];
	s0 =	simm.s32 @p0 $0x1  }
0x13: {  	[smem:$0x3FB6] =	sst s0;
	s0 =	simm.s32 @!p1 $0x0  }
0x14: {  	s2 =	sld [smem:$0x3F9A];
	s0 =	simm.s32 @p1 $0x1  }
0x15: {  	[smem:$0x3FB7] =	sst s0;
	s0 =	simm.s32 @!p2 $0x0  }
0x16: {  	s3 =	sld [smem:$0x3FDB];
	s0 =	simm.s32 @p2 $0x1  }
0x17: {  	s4 =	simm.s32 $0x1BF5;
	[smem:$0x3FB9] =	sst s0  }
0x18: {  	s0 =	sld [smem:$0x3F9C];
	_ =	swait.ge [sflag:s4], $0x0  }
0x19: {  	s7 =	sld [smem:$0x3F9D]  }
0x1a: {  	s8 =	sadd.s32 $0xFFFFE003, lr  }
0x1b: {  	s9 =	sadd.s32 $0xFFFFFEF7, lr;
	s5 =	simm.s32 $0xFFFFFFFF;
	p2 =	slt.u32 s8, $0xFFFFF086  }
0x1c: {  	p1 =	slt.u32 s9, $0xF7A;
	s5 =	simm.s32 @!p2 $0x0  }
0x1d: {  	s5 =	simm.s32 @p1 $0x1;
	p0 =	seq.s32 s7, s2  }
0x1e: {  	s7 =	smul.u32 @!p0 $0xF7A, s2;
	p2 =	seq.s32 @!p0 s5, $0x0  }
0x1f: {  	s9 =	smul.u32 $0xF7A, s1;
	s8 =	simm.s32 @!p0 $0x1BF5;
	p2 =	por !p2, p0  }
0x20: {  	[sflag:s8] =	ssyncset.s32 @!p0 $0xFFFFF086;
	s6 =	sadd.s32 @!p0 s3, s7;
	s7 =	simm.s32 @!p0 $0x108  }
0x21: {  	s3 =	sadd.s32 s3, s9;
	s6 =	sadd.s32 @!p0 $0x88, s6;
	s7 =	simm.s32 @p2 $0x1082  }
0x22: {  	[simem:s7], [sflag:s8] =	dma.local @!p0 [hbm:s6], $0xF7A  }
0x23: {  	s9 =	sor.u32 $0xD0000000, s2;
	s6 =	simm.s32 $0x108;
	_ =	swait.ge @!p0 [sflag:s8], $0x0  }
0x24: {  	s3 =	sadd.s32 $0x88, s3;
	s6 =	simm.s32 @!p1 $0x1082;
	[sflag:s4] =	ssyncset.s32 $0xFFFFF086  }
0x25: {  	[simem:s6], [sflag:s4] =	dma.local [hbm:s3], $0xF7A  }
0x26: {  	[smem:$0x3F9D] =	sst s1;
	(tag) =	ssettag s2;
	_ =	strace s9  }
0x27: {  	s1 =	sld [smem:$0x3FAD]  }
0x28: {  	s2 =	sld [smem:$0x3FAE]  }
0x29: {  	s4 =	sld [smem:$0x3FB0]  }
0x2a: {  	p0 =	seq.s32 s5, $0x0;
	s5 =	sld [smem:$0x3FB1]  }
0x2b: {  	s6 =	sld [smem:$0x3FB2]  }
0x2c: {  	s7 =	sld [smem:$0x3FB3]  }
0x2d: {  	s3 =	simm.s32 $0x108;
	s8 =	sld [smem:$0x3FB4]  }
0x2e: {  	s3 =	simm.s32 @!p0 $0x1082;
	s9 =	sld [smem:$0x3FB5]  }
0x2f: {  	lr =	sadd.s32 s0, s3;
	s0 =	sld [smem:$0x3FAC]  }
0x30: {  	s3 =	sld [smem:$0x3FAF]  }
0x31: {  	[smem:$0x3FB8] =	sst s10  }
0x32: {  	s10 =	sld [smem:$0x3FB6];
	_ =	sdelay $0x3  }
0x33: {  	p0 =	seq.s32 s10, $0x1;
	s10 =	sld [smem:$0x3FB8];
	_ =	sdelay $0x3  }
0x34: {  	[smem:$0x3FB8] =	sst s10  }
0x35: {  	s10 =	sld [smem:$0x3FB7];
	_ =	sdelay $0x3  }
0x36: {  	p1 =	seq.s32 s10, $0x1;
	s10 =	sld [smem:$0x3FB8];
	_ =	sdelay $0x3  }
0x37: {  	[smem:$0x3FB8] =	sst s10  }
0x38: {  	s10 =	sld [smem:$0x3FB9]  }
0x39: {  	_ = 	snop;
	(pc) =	sbr.ind lr, $3  }
0x3a: {  	_ = 	snop  }
0x3b: {  	_ = 	snop  }
0x3c: {  	p2 =	seq.s32 s10, $0x1;
	s10 =	sld [smem:$0x3FB8]  }
0x3d: {  	_ =	shalt  }
0x3e: {  	_ =	shalt  }
0x3f: {  	_ =	shalt  }
0x40: {  	_ =	shalt  }
0x41: {  	_ =	shalt  }
0x42: {  	_ =	shalt  }
0x43: {  	_ =	shalt  }
0x44: {  	_ =	shalt  }
0x45: {  	_ =	shalt  }
0x46: {  	_ =	shalt  }
0x47: {  	_ =	shalt  }
0x48: {  	_ =	shalt  }
0x49: {  	_ =	shalt  }
0x4a: {  	_ =	shalt  }
0x4b: {  	_ =	shalt  }
0x4c: {  	_ =	shalt  }
0x4d: {  	_ =	shalt  }
0x4e: {  	_ =	shalt  }
0x4f: {  	_ =	shalt  }
0x50: {  	_ =	shalt  }
0x51: {  	_ =	shalt  }
0x52: {  	_ =	shalt  }
0x53: {  	_ =	shalt  }
0x54: {  	_ =	shalt  }
0x55: {  	_ =	shalt  }
0x56: {  	_ =	shalt  }
0x57: {  	_ =	shalt  }
0x58: {  	_ =	shalt  }
0x59: {  	_ =	shalt  }
0x5a: {  	_ =	shalt  }
0x5b: {  	_ =	shalt  }
0x5c: {  	_ =	shalt  }
0x5d: {  	_ =	shalt  }
0x5e: {  	_ =	shalt  }
0x5f: {  	_ =	shalt  }
0x60: {  	_ =	shalt  }
0x61: {  	_ =	shalt  }
0x62: {  	_ =	shalt  }
0x63: {  	_ =	shalt  }
0x64: {  	_ =	shalt  }
0x65: {  	_ =	shalt  }
0x66: {  	_ =	shalt  }
0x67: {  	_ =	shalt  }
0x68: {  	_ =	shalt  }
0x69: {  	_ =	shalt  }
0x6a: {  	_ =	shalt  }
0x6b: {  	_ =	shalt  }
0x6c: {  	_ =	shalt  }
0x6d: {  	_ =	shalt  }
0x6e: {  	_ =	shalt  }
0x6f: {  	_ =	shalt  }
0x70: {  	_ =	shalt  }
0x71: {  	_ =	shalt  }
0x72: {  	_ =	shalt  }
0x73: {  	_ =	shalt  }
0x74: {  	_ =	shalt  }
0x75: {  	_ =	shalt  }
0x76: {  	_ =	shalt  }
0x77: {  	_ =	shalt  }
0x78: {  	_ =	shalt  }
0x79: {  	_ =	shalt  }
0x7a: {  	_ =	shalt  }
0x7b: {  	_ =	shalt  }
0x7c: {  	_ =	shalt  }
0x7d: {  	_ =	shalt  }
0x7e: {  	_ =	shalt  }
0x7f: {  	_ =	shalt  }
0x80: {  	_ =	shalt  }
0x81: {  	_ =	shalt  }
0x82: {  	_ =	shalt  }
0x83: {  	_ =	shalt  }
0x84: {  	_ =	shalt  }
0x85: {  	_ =	shalt  }
0x86: {  	_ =	shalt  }
0x87: {  	_ =	shalt  }
.Lfunc_end0:
.L_simem_size_0:
called_computation_lowered:
.L_overlay_start_0:
0x88: {  	s2 =	sld [smem:$0x3FD9]  }
0x89: {  	s3 =	sld [smem:$0x3FFE];
	_ =	sdelay $0x1  }
0x8a: {  	s1 =	srdreg.scid  }
0x8b: {  	s0 =	sand.u32 $0x1, s1  }
0x8c: {  	s15 =	sshll.u32 s0, $0xA;
	s2 =	sadd.s32 s3, s2  }
0x8d: {  	s2 =	sadd.s32 s2, s15  }
0x8e: {  	[smem:$0x3FC4] =	sst s2  }
0x8f: {  	_ = 	snop  }
0x90: {  	s2 =	sld [smem:$0x3FC9]  }
0x91: {  	s16 =	sld [smem:$0x3FD0]  }
0x92: {  	s4 =	sld [smem:$0x3FC8]  }
0x93: {  	s5 =	sld [smem:$0x3FC7]  }
0x94: {  	s7 =	simm.s32 $0xA;
	s8 =	simm.s32 $0x10;
	s6 =	sld [smem:$0x3FC6]  }
0x95: {  	[smem:s8], [sflag:s7] =	dma.local [hbm:s16], $0x1  }
0x96: {  	_ =	swait.eq [sflag:s7], $0x1  }
0x97: {  	[sflag:s7] =	ssyncset.done $0x0  }
0x98: {  	s17 =	sld [smem:$0x10];
	[sflag:s7] =	ssyncadd.s32 $0xFFFFFFFF  }
0x99: {  	s18 =	sld [smem:$0x11];
	(tm) =	ssettm $0x1  }
0x9a: {  	s19 =	sld [smem:$0x3FFB];
	_ =	sdelay $0x3  }
0x9b: {  	_ =	strace s19  }
0x9c: {  	s8 =	sld [smem:$0x3FFC];
	_ =	sdelay $0x3  }
0x9d: {  	_ =	strace s8  }
0x9e: {  	s8 =	sld [smem:$0x3FFD];
	_ =	sdelay $0x3  }
0x9f: {  	_ =	strace s8  }
0xa0: {  	_ =	strace $0x8FFFFFFF  }
0xa1: {  	s20 =	sld [smem:$0x3FDB];
	_ =	sdelay $0x1  }
0xa2: {  	s9 =	simm.s32 $_scs_section_size  }
0xa3: {  	s10 =	simm.s32 $_size__tile_overlayer_lowered;
	s11 =	simm.s32 $_tile_overlayer_lowered  }
0xa4: {  	s23 =	simm.s32 $0x1BFF;
	s22 =	sshll.u32 s11, $0x1;
	s8 =	sadd.s32 s9, s20  }
0xa5: {  	s12 =	simm.s32 $0x0;
	s21 =	sshll.u32 s10, $0x1;
	s10 =	sadd.s32 s22, s8  }
0xa6: {  	[timem:s12], [sflag:s23] =	dma.local [hbm:s10], s21  }
0xa7: {  	_ =	swait.ge [sflag:s23], s21  }
0xa8: {  	s9 =	ssub.s32 $0x0, s21;
	[sflag:s23] =	ssyncset.done $0x0  }
0xa9: {  	[sflag:s23] =	ssyncadd.s32 s9;
	_ =	sdelay $0x1  }
0xaa: {  	s24 =	simm.s32 $0x1B8B  }
0xab: {  	_ =	swait.ge [sflag:s24], $0x1  }
0xac: {  	[sflag:s24] =	ssyncset.done $0x0  }
0xad: {  	s25 =	simm.s32 $0x1B8E;
	[sflag:s24] =	ssyncadd.s32 $0xFFFFFFFF  }
0xae: {  	s26 =	simm.s32 $execute0_lowered;
	[smem:$0x3FD2] =	sst s25  }
0xaf: {  	s9 =	sshll.u32 s26, $0x1;
	_ =	strace $0x80000046;
	[dreg:$0x1] =	wrdreg $0xFFFFFFFF  }
0xb0: {  	s28 =	simm.s32 $_size_execute0_lowered;
	s8 =	sadd.s32 s8, s9;
	[dreg:$0x0] =	wrdreg $0x0  }
0xb1: {  	s9 =	sshll.u32 s28, $0x1;
	[dreg:$0x2] =	wrdreg s8  }
0xb2: {  	[dreg:$0x3] =	wrdreg s9  }
0xb3: {  	[dreg:$0x4] =	wrdreg $0xC0  }
0xb4: {  	_ =	task [dreg:s12], $0x5FFFF  }
0xb5: {  	[dreg:$0x1] =	wrdreg $0xFFFFFFFF  }
0xb6: {  	[dreg:$0x0] =	wrdreg $0x60  }
0xb7: {  	[dreg:$0x2] =	wrdreg s2  }
0xb8: {  	[dreg:$0x3] =	wrdreg s4  }
0xb9: {  	[dreg:$0x4] =	wrdreg s5  }
0xba: {  	[dreg:$0x5] =	wrdreg s6  }
0xbb: {  	[dreg:$0x6] =	wrdreg s17  }
0xbc: {  	[dreg:$0x7] =	wrdreg s18  }
0xbd: {  	[dreg:$0x8] =	wrdreg $0x9  }
0xbe: {  	_ =	task.clear_ibuf [dreg:s12], $0x9FFFF;
	_ =	strace $0x90000046  }
0xbf: {  	s29 =	simm.s32 $0x9;
	_ =	strace $0x80000048  }
0xc0: {  	_ =	swait.ge [sflag:s29], $0x1  }
0xc1: {  	[sflag:s29] =	ssyncadd.s32 $0xFFFFFFFF  }
0xc2: {  	_ =	strace $0x90000048  }
0xc3: {  	_ =	sfence  }
0xc4: {  	s30 =	sld [smem:$0x0];
	_ =	sdelay $0x2  }
0xc5: {  	s31 =	sshll.u32 s1, $0xD;
	s1 =	sshrl.u32 s1, $0x2  }
0xc6: {  	s3 =	sand.u32 $0x4000, s31;
	s1 =	sadd.s32 s1, s30  }
0xc7: {  	s0 =	sor.u32 s3, s0;
	s1 =	sshll.u32 s1, $0x11  }
0xc8: {  	s0 =	sor.u32 s1, s0  }
0xc9: {  	s0 =	sadd.s32 $0x8F2B, s0  }
0xca: {  	[sflag:s0] =	ssyncadd.remote.s32 $0x1  }
0xcb: {  	_ =	sfence.sel $0xFFFF  }
0xcc: {  	[dreg:$0x0] =	wrdreg $0xFFFFFFFF;
	(pc) =	sbr.abs _section_cstart, $3  }
0xcd: {  	[dreg:$0x1] =	wrdreg $0xFFFFFFFF  }
0xce: {  	_ =	task.clear_ibuf [dreg:s12], $0x2FFFF;
	_ =	strace $0x9FFFFFFF  }
0xcf: {  	(tm) =	ssettm $0x7FFFFFFF  }
tec
execute0_lowered:
.L_overlay_start_1:
0x0: {  	(tag) =	ssettag $0x1  }
0x1: {  	s10 =	rddreg [dreg:$0x0]  }
0x2: {  	s11 =	rddreg [dreg:$0x1]  }
0x3: {  	s12 =	rddreg [dreg:$0x2]  }
0x4: {  	s0 =	srdreg.scid;
	s13 =	rddreg [dreg:$0x4]  }
0x5: {  	s1 =	stileid.u32;
	s14 =	rddreg [dreg:$0x5];
	s7 =	simm.s32 $0x0  }
0x6: {  	s28 =	simm.s32 $0x14800;
	s0 =	sand.u32 $0x1, s0;
	s2 =	sshll.u32 s1, $0x1  }
0x7: {  	s29 =	simm.s32 $0x7;
	s30 =	simm.s32 $0x9;
	s2 =	sor.u32 s0, s2  }
0x8: {  	s31 =	simm.s32 $0xA;
	[smem:$0x7FF] =	sst s7;
	s3 =	smul.u32 $0xA00, s2  }
0x9: {  	p0 =	sne.s32 s1, $0x0;
	s0 =	ssub.s32 $0x2, s0;
	s6 =	smul.u32 $0x14, s2  }
0xa: {  	_ =	strace $0x80000047;
	s4 =	smul.u32 $0xA0, s2;
	s8 =	sadd.s32 s10, s3  }
0xb: {  	s5 =	sshrl.u32 s0, $0x1;
	s20 =	sadd.s32 s12, s6;
	[dreg:$0x7] =	wrdreg s8  }
0xc: {  	s16 =	sor.u32 $0x4E0, s2;
	s9 =	sadd.s32 s11, s6;
	[dreg:$0x8] =	wrdreg s20  }
0xd: {  	s0 =	ssub.s32 s0, s5;
	s3 =	sadd.s32 s13, s3;
	[dreg:$0x9] =	wrdreg s9  }
0xe: {  	s19 =	sadd.s32 $0x1400, s4;
	s6 =	sadd.s32 s14, s6;
	[dreg:$0xd] =	wrdreg s3  }
0xf: {  	s0 =	smax.u32 s0, $0x1;
	s21 =	sshll.u32 s19, $0x4;
	[dreg:$0xe] =	wrdreg s6  }
0x10: {  	s5 =	sshrl.u32 s19, $0x3;
	s19 =	sor.u32 $0x60, s2;
	[dreg:$0x1e] =	wrdreg s0  }
0x11: {  	s17 =	smul.u32 $0xA00, s16;
	s20 =	sor.u32 $0x40, s2;
	[dreg:$0x14] =	wrdreg s19  }
0x12: {  	s25 =	sadd.s32 $0x2800, s4;
	s2 =	sor.u32 $0x80, s2;
	[dreg:$0x15] =	wrdreg s20  }
0x13: {  	s4 =	sadd.s32 $0x2F800, s4;
	s1 =	sadd.s32 s13, s17;
	[dreg:$0x16] =	wrdreg s2  }
0x14: {  	s26 =	sshll.u32 s25, $0x4;
	s22 =	sadd.s32 s10, s21;
	[dreg:$0x1a] =	wrdreg s1  }
0x15: {  	s9 =	sshrl.u32 s25, $0x3;
	s23 =	sadd.s32 s12, s5;
	[dreg:$0xa] =	wrdreg s22  }
0x16: {  	s18 =	sshll.u32 s4, $0x4;
	s24 =	sadd.s32 s11, s5;
	[dreg:$0xb] =	wrdreg s23  }
0x17: {  	s4 =	sshrl.u32 s4, $0x3;
	s3 =	sadd.s32 s10, s26;
	[dreg:$0xc] =	wrdreg s24  }
0x18: {  	s8 =	simm.s32 $0x14100;
	s6 =	sadd.s32 s12, s9;
	[dreg:$0xf] =	wrdreg s3  }
0x19: {  	s9 =	sadd.s32 s11, s9;
	s15 =	sadd.s32 s13, s21;
	[dreg:$0x10] =	wrdreg s6  }
0x1a: {  	s5 =	sadd.s32 s14, s5;
	s21 =	sadd.s32 s13, s18;
	[dreg:$0x11] =	wrdreg s9  }
0x1b: {  	s13 =	simm.s32 $0x14600;
	s18 =	simm.s32 $0x2;
	[dreg:$0x12] =	wrdreg s15  }
0x1c: {  	s19 =	simm.s32 $0x4;
	s20 =	simm.s32 $0x6;
	[dreg:$0x13] =	wrdreg s5  }
0x1d: {  	s3 =	smul.u32 $0x14, s16;
	[dreg:$0x17] =	wrdreg s21;
	s22 =	sadd.s32 s14, s4  }
0x1e: {  	s23 =	sadd.s32 s10, s17;
	s21 =	smov.u32 s14;
	s10 =	simm.s32 $0x1  }
0x1f: {  	s4 =	simm.s32 $0x8;
	s17 =	simm.s32 $0x0;
	[dreg:$0x18] =	wrdreg s22  }
.Ltmp0:
0x20: {  	[dreg:$0x19] =	wrdreg s23;
	s23 =	smov.u32 s12;
	(pc) =	sbr.rel .LBB2_1-.Ltmp0, $4  }
0x21: {  	v0 =	vlaneseq.u32;
	s22 =	smov.u32 s11;
	s24 =	sadd.s32 s12, s3;
	s25 =	sadd.s32 s11, s3  }
0x22: {  	v1 =	vor.u32 $0x10, v0;
	s26 =	sadd.s32 s14, s3;
	s3 =	simm.s32 $0x5000;
	[dreg:$0x1b] =	wrdreg s24  }
0x23: {  	v2 =	vor.u32 $0x20, v0;
	v3 =	vor.u32 $0x30, v0;
	v4 =	vor.u32 $0x40, v0;
	s11 =	simm.s32 $0x3;
	s12 =	simm.s32 $0x5;
	[dreg:$0x1c] =	wrdreg s25  }
0x24: {  	v5 =	vor.u32 $0x50, v0;
	v6 =	vor.u32 $0x60, v0;
	v7 =	vor.u32 $0x70, v0;
	s14 =	simm.s32 $0x14000;
	[dreg:$0x1d] =	wrdreg s26;
	s24 =	simm.s32 $0x14700  }
.LBB2_67:
0x25: {  	v8 =	vmov v9;
	s1 =	simm.s32 $0xF080;
	s15 =	simm.s32 $0xF080  }
.LBB2_76:
0x26: {  	v28 =	vmov s5;
	_ =	sdelay $0x1  }
0x27: {  	v22 =	vnsel @p1 vm7, $0x0, v23  }
0x28: {  	[tilespmem:s1+$0xFFFFFF80] =	vst @p1 v22  }
0x29: {  	v23 =	vld.idx.msk @p1 [tilespmem:v27+s3+$0x0], $0xffff  }
0x2a: {  	v22 =	vld.idx.msk [tilespmem:v28+s24+$0x0], $0xffff  }
0x2b: {  	v26 =	vadd.s32 @p1 v2, v24  }
0x2c: {  	v29 =	vnsel @p2 vm4, $0x0, v29;
	v39 =	vadd.s32 @p2 v5, v35;
	vm8 =	vmmov @p1 vm7  }
0x2d: {  	vm7 =	vmmov @p2 vm4;
	v51 =	vadd.s32 v0, v8;
	v27 =	vmovc @p1 v21;
	v21 =	vand.u32 @p1 $0x7F, v26  }
0x2e: {  	[tilespmem:s1+$0x0] =	vst @p1 v32;
	v40 =	vadd.s32 @p1 v2, v13;
	v38 =	vor.u32 @p1 v27, v21;
	v21 =	vnsel @p1 vm8, $0x0, v23  }
0x2f: {  	v32 =	vld.idx.msk @p1 [tilespmem:v25+s3+$0x0], $0xffff;
	v25 =	vand.u32 $0x7F, v51;
	[tilespmem:s1+$0xFFFFFF90] =	vst @p1 v21;
	v21 =	vshll.u32 v15, $0x7;
	v50 =	vadd.s32 v0, v22  }
0x30: {  	v23 =	vshll.u32 v28, $0x7;
	v41 =	vor.u32 v21, v25;
	v52 =	vand.u32 $0x7F, v50  }
0x31: {  	vm4 =	vmmov @p2 vm6;
	v26 =	vnsel @p3 vm2, $0x0, v33;
	v28 =	vld.idx.msk [tilespmem:v28+s8+$0x0], $0xffff;
	v33 =	vor.u32 v23, v52  }
0x32: {  	v55 =	vadd.s32 v1, v8;
	v60 =	vadd.s32 v2, v8;
	v63 =	vadd.s32 v3, v8  }
0x33: {  	v30 =	vld.idx.msk @p2 [tilespmem:v30+s3+$0x0], $0xffff;
	v11 =	vpsel p1, v13, v11;
	v43 =	vadd.s32 v4, v8;
	v39 =	vand.u32 @p2 $0x7F, v39  }
0x34: {  	v53 =	vld.idx.msk [tilespmem:v15+s8+$0x0], $0xffff;
	v39 =	vor.u32 @p2 v36, v39;
	v25 =	vand.u32 @p1 $0x7F, v40;
	v40 =	vadd.s32 @p2 v5, v34  }
0x35: {  	[tilespmem:s2+$0xFFFFFFB0] =	vst @p2 v29;
	v29 =	vor.u32 @p1 v14, v25;
	v40 =	vand.u32 @p2 $0x7F, v40;
	v25 =	vnsel @p3 vm5, $0x0, v37;
	v41 =	vld.idx.msk [tilespmem:v41+s3+$0x0], $0xffff  }
0x36: {  	v54 =	vadd.s32 v1, v22;
	vm11 =	vgt.s32 v28, $0x0;
	v28 =	vand.u32 $0x7F, v55;
	v33 =	vld.idx.msk [tilespmem:v33+s3+$0x0], $0xffff  }
0x37: {  	v37 =	vor.u32 @p2 v17, v40;
	v40 =	vand.u32 $0x7F, v54;
	v28 =	vor.u32 v21, v28  }
0x38: {  	v30 =	vnsel @p2 vm6, $0x0, v30;
	v15 =	vadd.s32 @p2 v6, v35;
	v40 =	vor.u32 v23, v40  }
0x39: {  	s5 =	sadd.s32 @p1 $0x100, s1;
	vm12 =	vgt.s32 v53, $0x0;
	v32 =	vnsel @p1 vm3, $0x0, v32;
	[tilespmem:s2+$0x40] =	vst @p2 v30;
	v15 =	vand.u32 @p2 $0x7F, v15  }
0x3a: {  	s15 =	smov.u32 @p1 s5;
	v31 =	vld.idx.msk @p2 [tilespmem:v31+s3+$0x0], $0xffff;
	v30 =	vadd.s32 @p1 v3, v24;
	[tilespmem:s1+$0x10] =	vst @p1 v32;
	v42 =	vor.u32 @p2 v36, v15;
	v57 =	vnsel vm12, $0x0, v41  }
0x3b: {  	v32 =	vld.idx.msk @p2 [tilespmem:v39+s3+$0x0], $0xffff;
	v15 =	vand.u32 @p1 $0x7F, v30;
	v30 =	vadd.s32 @p2 v7, v35;
	[tilespmem:s15+$0xFFFFFF80] =	vst v57;
	v56 =	vnsel vm11, $0x0, v33  }
0x3c: {  	v12 =	vpsel p1, v14, v12;
	v35 =	vor.u32 @p1 v27, v15;
	v15 =	vand.u32 @p2 $0x7F, v30;
	v28 =	vld.idx.msk [tilespmem:v28+s3+$0x0], $0xffff;
	[tilespmem:s15+$0x0] =	vst v56  }
0x3d: {  	v59 =	vadd.s32 v2, v22;
	v15 =	vor.u32 @p2 v36, v15;
	v36 =	vand.u32 $0x7F, v60;
	v58 =	vld.idx.msk [tilespmem:v40+s3+$0x0], $0xffff  }
0x3e: {  	v9 =	vpsel p1, v24, v9;
	v36 =	vor.u32 v21, v36;
	v29 =	vld.idx.msk @p1 [tilespmem:v29+s3+$0x0], $0xffff;
	v33 =	vand.u32 $0x7F, v59  }
0x3f: {  	v49 =	vadd.s32 v5, v8;
	v31 =	vnsel @p2 vm7, $0x0, v31;
	v38 =	vld.idx.msk @p1 [tilespmem:v38+s3+$0x0], $0xffff;
	v33 =	vor.u32 v23, v33  }
0x40: {  	vm6 =	vmmov vm12;
	v39 =	vadd.s32 @p1 v3, v13;
	[tilespmem:s2+$0xFFFFFFC0] =	vst @p2 v31;
	v32 =	vnsel @p2 vm4, $0x0, v32  }
0x41: {  	v39 =	vand.u32 @p1 $0x7F, v39;
	v31 =	vadd.s32 @p2 v6, v34;
	[tilespmem:s2+$0x50] =	vst @p2 v32;
	v28 =	vnsel vm6, $0x0, v28  }
0x42: {  	v31 =	vand.u32 @p2 $0x7F, v31;
	v32 =	vld.idx.msk @p2 [tilespmem:v37+s3+$0x0], $0xffff;
	v37 =	vor.u32 @p1 v14, v39;
	[tilespmem:s15+$0xFFFFFF90] =	vst v28;
	v30 =	vnsel vm11, $0x0, v58  }
0x43: {  	v34 =	vadd.s32 @p2 v7, v34;
	v62 =	vadd.s32 v3, v22;
	v29 =	vnsel @p1 vm3, $0x0, v29;
	v40 =	vld.idx.msk [tilespmem:v36+s3+$0x0], $0xffff;
	[tilespmem:s15+$0x10] =	vst v30  }
0x44: {  	v38 =	vnsel @p1 vm8, $0x0, v38;
	[tilespmem:s1+$0x20] =	vst @p1 v29;
	v29 =	vand.u32 $0x7F, v63;
	v30 =	vadd.s32 @p1 v4, v13;
	v61 =	vld.idx.msk [tilespmem:v33+s3+$0x0], $0xffff  }
0x45: {  	[tilespmem:s1+$0xFFFFFFA0] =	vst @p1 v38;
	v29 =	vor.u32 v21, v29;
	v33 =	vand.u32 $0x7F, v62;
	v30 =	vand.u32 @p1 $0x7F, v30  }
0x46: {  	v31 =	vor.u32 @p2 v17, v31;
	v35 =	vld.idx.msk @p1 [tilespmem:v35+s3+$0x0], $0xffff;
	v33 =	vor.u32 v23, v33;
	v30 =	vor.u32 @p1 v14, v30  }
0x47: {  	v34 =	vand.u32 @p2 $0x7F, v34;
	v36 =	vld.idx.msk @p1 [tilespmem:v37+s3+$0x0], $0xffff;
	v18 =	vpsel p1, v30, v18;
	v30 =	vadd.s32 @p1 v4, v24  }
0x48: {  	v17 =	vor.u32 @p2 v17, v34;
	v34 =	vnsel vm6, $0x0, v40;
	v30 =	vand.u32 @p1 $0x7F, v30  }
0x49: {  	vm0 =	vmmov @p1 vm8;
	v38 =	vld.idx.msk @p2 [tilespmem:v42+s3+$0x0], $0xffff;
	[tilespmem:s15+$0xFFFFFFA0] =	vst v34;
	v30 =	vor.u32 @p1 v27, v30;
	v28 =	vnsel vm11, $0x0, v61  }
0x4a: {  	v51 =	vand.u32 $0x7F, v49;
	v42 =	vadd.s32 v4, v22;
	v29 =	vld.idx.msk [tilespmem:v29+s3+$0x0], $0xffff;
	v19 =	vpsel p1, v30, v19;
	[tilespmem:s15+$0x20] =	vst v28  }
0x4b: {  	vm3 =	vmmov @p1 vm3;
	v16 =	vpsel p1, v35, v16;
	v13 =	vand.u32 $0x7F, v43;
	v41 =	vld.idx.msk [tilespmem:v33+s3+$0x0], $0xffff  }
0x4c: {  	v13 =	vor.u32 v21, v13;
	v28 =	vnsel @p1 vm3, $0x0, v36;
	v33 =	vand.u32 $0x7F, v42  }
0x4d: {  	s9 =	smov.u32 @p1 s1;
	vm7 =	vmmov @p2 vm7;
	v16 =	vnsel @p1 vm0, $0x0, v16;
	v24 =	vmovc @p1 v27;
	[tilespmem:s1+$0x30] =	vst @p1 v28;
	v44 =	vor.u32 v23, v33  }
0x4e: {  	vm5 =	vmmov vm11;
	[tilespmem:s9+$0xFFFFFFB0] =	vst @p1 v16;
	v10 =	vpsel p1, v24, v10;
	v28 =	vadd.s32 @p1 v5, v11;
	v18 =	vld.idx.msk @p1 [tilespmem:v18+s3+$0x0], $0xffff  }
0x4f: {  	v27 =	vadd.s32 @p1 v5, v9;
	v16 =	vand.u32 @p1 $0x7F, v28;
	v46 =	vnsel vm6, $0x0, v29;
	v19 =	vld.idx.msk @p1 [tilespmem:v19+s3+$0x0], $0xffff  }
0x50: {  	v24 =	vand.u32 @p1 $0x7F, v27;
	v16 =	vor.u32 @p1 v12, v16;
	[tilespmem:s15+$0xFFFFFFB0] =	vst v46;
	v45 =	vnsel vm5, $0x0, v41  }
0x51: {  	vm13 =	vmmov vm6;
	v47 =	vadd.s32 v5, v22;
	v24 =	vor.u32 @p1 v10, v24;
	v13 =	vld.idx.msk [tilespmem:v13+s3+$0x0], $0xffff;
	[tilespmem:s15+$0x30] =	vst v45  }
0x52: {  	v48 =	vand.u32 $0x7F, v47;
	v54 =	vadd.s32 v6, v8;
	vm1 =	vmmov @p1 vm3;
	v14 =	vld.idx.msk [tilespmem:v44+s3+$0x0], $0xffff  }
0x53: {  	v27 =	vor.u32 v21, v51;
	vm3 =	vmmov @p1 vm0;
	v18 =	vnsel @p1 vm1, $0x0, v18  }
0x54: {  	v8 =	vadd.s32 v7, v8;
	v50 =	vor.u32 v23, v48;
	[tilespmem:s9+$0x40] =	vst @p1 v18;
	v19 =	vnsel @p1 vm3, $0x0, v19  }
0x55: {  	vm15 =	vmmov vm13;
	v52 =	vadd.s32 v6, v22;
	v28 =	vadd.s32 @p1 v6, v11;
	v16 =	vld.idx.msk @p1 [tilespmem:v16+s3+$0x0], $0xffff;
	[tilespmem:s9+$0xFFFFFFC0] =	vst @p1 v19  }
0x56: {  	v19 =	vand.u32 @p1 $0x7F, v28;
	v28 =	vadd.s32 @p1 v6, v9;
	v13 =	vnsel vm13, $0x0, v13;
	v24 =	vld.idx.msk @p1 [tilespmem:v24+s3+$0x0], $0xffff  }
0x57: {  	v19 =	vor.u32 @p1 v12, v19;
	v28 =	vand.u32 @p1 $0x7F, v28;
	[tilespmem:s15+$0xFFFFFFC0] =	vst v13;
	v14 =	vnsel vm5, $0x0, v14  }
0x58: {  	v17 =	vpsel p2, v17, v0;
	v32 =	vnsel @p2 vm7, $0x0, v32;
	v27 =	vld.idx.msk [tilespmem:v27+s3+$0x0], $0xffff;
	[tilespmem:s15+$0x40] =	vst v14;
	v14 =	vor.u32 @p1 v10, v28  }
0x59: {  	v53 =	vand.u32 $0x7F, v52;
	[tilespmem:s2+$0xFFFFFFD0] =	vst @p2 v32;
	vm1 =	vmmov @p1 vm1;
	v28 =	vand.u32 $0x7F, v54;
	v18 =	vld.idx.msk [tilespmem:v50+s3+$0x0], $0xffff  }
0x5a: {  	v30 =	vld.idx.msk @p2 [tilespmem:v31+s3+$0x0], $0xffff;
	s1 =	smov.u32 @p1 s9;
	vm6 =	vmmov @p1 vm3;
	v13 =	vnsel @p1 vm1, $0x0, v16;
	v55 =	vor.u32 v21, v28  }
0x5b: {  	v8 =	vand.u32 $0x7F, v8;
	v16 =	vor.u32 v23, v53;
	[tilespmem:s1+$0x50] =	vst @p1 v13;
	v13 =	vnsel @p1 vm6, $0x0, v24  }
0x5c: {  	vm14 =	vmmov vm5;
	v32 =	vnsel @p2 vm4, $0x0, v38;
	v11 =	vadd.s32 @p1 v7, v11;
	v19 =	vld.idx.msk @p1 [tilespmem:v19+s3+$0x0], $0xffff;
	[tilespmem:s1+$0xFFFFFFD0] =	vst @p1 v13  }
0x5d: {  	[tilespmem:s2+$0x60] =	vst @p2 v32;
	v11 =	vand.u32 @p1 $0x7F, v11;
	v9 =	vadd.s32 @p1 v7, v9;
	v57 =	vnsel vm15, $0x0, v27;
	v13 =	vld.idx.msk @p1 [tilespmem:v14+s3+$0x0], $0xffff  }
0x5e: {  	v15 =	vld.idx.msk @p2 [tilespmem:v15+s3+$0x0], $0xffff;
	v11 =	vor.u32 @p1 v12, v11;
	v9 =	vand.u32 @p1 $0x7F, v9;
	[tilespmem:s15+$0xFFFFFFD0] =	vst v57;
	v56 =	vnsel vm14, $0x0, v18  }
0x5f: {  	vm0 =	vmmov @p2 vm7;
	v29 =	vpsel p2, v30, v0;
	v9 =	vor.u32 @p1 v10, v9;
	v61 =	vld.idx.msk [tilespmem:v55+s3+$0x0], $0xffff;
	[tilespmem:s15+$0x50] =	vst v56  }
0x60: {  	[tilespmem:s0+$0xFFFFFFE0] =	vst @p3 v26;
	v59 =	vadd.s32 v7, v22;
	s2 =	smov.u32 @p2 s2;
	v9 =	vpsel p1, v9, v0;
	v14 =	vnsel @p2 vm0, $0x0, v29;
	v58 =	vld.idx.msk [tilespmem:v16+s3+$0x0], $0xffff  }
0x61: {  	v8 =	vor.u32 v21, v8;
	v60 =	vand.u32 $0x7F, v59;
	v18 =	vld.idx.msk @p3 [tilespmem:v20+s3+$0x0], $0xffff;
	[tilespmem:s2+$0xFFFFFFE0] =	vst @p2 v14;
	v14 =	vnsel @p1 vm1, $0x0, v19  }
0x62: {  	v12 =	vor.u32 v23, v60;
	vm6 =	vmmov @p1 vm6;
	v17 =	vld.idx.msk @p2 [tilespmem:v17+s3+$0x0], $0xffff;
	[tilespmem:s1+$0x60] =	vst @p1 v14;
	v13 =	vpsel p1, v13, v0  }
0x63: {  	[tilespmem:s0+$0x70] =	vst @p3 v25;
	s1 =	smov.u32 @p1 s1;
	v11 =	vld.idx.msk @p1 [tilespmem:v11+s3+$0x0], $0xffff;
	v13 =	vnsel @p1 vm6, $0x0, v13  }
0x64: {  	v62 =	vnsel vm15, $0x0, v61;
	[tilespmem:s1+$0xFFFFFFE0] =	vst @p1 v13  }
0x65: {  	[tilespmem:s15+$0xFFFFFFE0] =	vst v62;
	v10 =	vnsel vm14, $0x0, v58;
	v9 =	vld.idx.msk @p1 [tilespmem:v9+s3+$0x0], $0xffff  }
0x66: {  	v14 =	vpsel p2, v15, v0;
	v13 =	vnsel @p3 vm2, $0x0, v18;
	vm2 =	vmmov @p2 vm4;
	v8 =	vld.idx.msk [tilespmem:v8+s3+$0x0], $0xffff;
	[tilespmem:s15+$0x60] =	vst v10  }
0x67: {  	[tilespmem:s0+$0xFFFFFFF0] =	vst @p3 v13;
	v10 =	vnsel @p2 vm2, $0x0, v14;
	v12 =	vld.idx.msk [tilespmem:v12+s3+$0x0], $0xffff  }
0x68: {  	v11 =	vpsel p1, v11, v0;
	[tilespmem:s2+$0x70] =	vst @p2 v10;
	v10 =	vnsel @p2 vm0, $0x0, v17;
	vm0 =	vmmov @p1 vm1  }
0x69: {  	[tilespmem:s2+$0xFFFFFFF0] =	vst @p2 v10;
	v10 =	vnsel @p1 vm0, $0x0, v11  }
0x6a: {  	[tilespmem:s1+$0x70] =	vst @p1 v10;
	v9 =	vnsel @p1 vm6, $0x0, v9  }
0x6b: {  	v8 =	vnsel vm15, $0x0, v8;
	[tilespmem:s1+$0xFFFFFFF0] =	vst @p1 v9  }
0x6c: {  	[tilespmem:s15+$0xFFFFFFF0] =	vst v8;
	v63 =	vnsel vm14, $0x0, v12  }
0x6d: {  	[tilespmem:s15+$0x70] =	vst v63  }
0x6e: {  	s16 =	simm.s32 $0xF000;
	s0 =	rddreg [dreg:$0x1a]  }
0x6f: {  	[hbm4b:s0+s7] =	stream.linear.scatter [tilespmem:s16], [sflag:$0x8], $0x5000, $0x38;
	[tilespmem:$0x14880] =	vst v63  }
0x70: {  	s26 =	simm.s32 $0x14500;
	s25 =	rddreg [dreg:$0x1d]  }
0x71: {  	[hbm4b:s25+s7] =	stream.linear.scatter [tilespmem:s26], [sflag:$0xA], $0xA0, $0x38;
	[tilespmem:$0x14880] =	vst v63  }
.LBB2_77:
0x72: {  	_ =	swait.ge [sflag:s29], $0x5000  }
0x73: {  	[sflag:s29] =	ssyncset.done $0x0  }
0x74: {  	[sflag:s29] =	ssyncadd.s32 $0xFFFFB000  }
0x75: {  	_ =	swait.ge [sflag:s30], $0xA0  }
0x76: {  	[sflag:s30] =	ssyncset.done $0x0  }
0x77: {  	[sflag:s30] =	ssyncadd.s32 $0xFFFFFF60  }
0x78: {  	_ =	swait.ge [sflag:s4], $0x5000  }
0x79: {  	[sflag:s4] =	ssyncset.done $0x0  }
0x7a: {  	[sflag:s4] =	ssyncadd.s32 $0xFFFFB000  }
0x7b: {  	_ =	swait.ge [sflag:s31], $0xA0  }
0x7c: {  	s17 =	sadd.s32 $0x1, s17;
	s0 =	rddreg [dreg:$0x1e]  }
0x7d: {  	p1 =	sne.s32 s17, s0  }
.Ltmp1:
0x7e: {  	_ = 	snop;
	(pc) =	sbr.rel @!p1 .LBB2_78-.Ltmp1, $3  }
0x7f: {  	_ =	sdelay $0x1  }
0x80: {  	[sflag:s31] =	ssyncset.done $0x0  }
0x81: {  	[sflag:s31] =	ssyncadd.s32 $0xFFFFFF60  }
.LBB2_1:
0x82: {  	s0 =	rddreg [dreg:$0x3];
	s16 =	simm.s32 $0xB  }
0x83: {  	[tilespmem:s28], [sflag:$0xB] =	stream.linear.gather [hbm4b:s0+s7], $0x80, $0x38;
	[tilespmem:$0x14880] =	vst v63  }
0x84: {  	_ =	swait.ge [sflag:s16], $0x80  }
0x85: {  	[sflag:s16] =	ssyncset.done $0x0  }
0x86: {  	s25 =	rddreg [dreg:$0x7];
	[sflag:s16] =	ssyncadd.s32 $0xFFFFFF80  }
0x87: {  	[tilespmem:s7], [sflag:$0x1] =	stream.linear.gather [hbm4b:s25+s7], $0x5000, $0x38;
	[tilespmem:$0x14880] =	vst v63  }
0x88: {  	s26 =	rddreg [dreg:$0x8]  }
0x89: {  	[tilespmem:s14], [sflag:$0x3] =	stream.linear.gather [hbm4b:s26+s7], $0xA0, $0x38;
	[tilespmem:$0x14880] =	vst v63  }
0x8a: {  	s2 =	simm.s32 $0x14200;
	s1 =	rddreg [dreg:$0x9]  }
0x8b: {  	[tilespmem:s2], [sflag:$0x5] =	stream.linear.gather [hbm4b:s1+s7], $0xA0, $0x38;
	[tilespmem:$0x14880] =	vst v63  }
0x8c: {  	s5 =	rddreg [dreg:$0xa]  }
0x8d: {  	[tilespmem:s3], [sflag:$0x2] =	stream.linear.gather [hbm4b:s5+s7], $0x5000, $0x38;
	[tilespmem:$0x14880] =	vst v63  }
0x8e: {  	s6 =	rddreg [dreg:$0xb]  }
0x8f: {  	[tilespmem:s8], [sflag:$0x4] =	stream.linear.gather [hbm4b:s6+s7], $0xA0, $0x38;
	[tilespmem:$0x14880] =	vst v63  }
0x90: {  	s9 =	rddreg [dreg:$0xc];
	s1 =	simm.s32 $0x14300  }
0x91: {  	[tilespmem:s1], [sflag:$0x6] =	stream.linear.gather [hbm4b:s9+s7], $0xA0, $0x38;
	[tilespmem:$0x14880] =	vst v63  }
0x92: {  	_ =	swait.ge [sflag:s10], $0x5000  }
0x93: {  	[sflag:s10] =	ssyncset.done $0x0  }
0x94: {  	[sflag:s10] =	ssyncadd.s32 $0xFFFFB000  }
0x95: {  	_ =	swait.ge [sflag:s11], $0xA0  }
0x96: {  	[sflag:s11] =	ssyncset.done $0x0  }
0x97: {  	[sflag:s11] =	ssyncadd.s32 $0xFFFFFF60  }
0x98: {  	_ =	swait.ge [sflag:s12], $0xA0  }
0x99: {  	[sflag:s12] =	ssyncset.done $0x0  }
0x9a: {  	[sflag:s12] =	ssyncadd.s32 $0xFFFFFF60  }
0x9b: {  	v8 =	vld [tilespmem:s14+$0x0];
	_ =	sdelay $0x4  }
0x9c: {  	v9 =	vadd.s32 $0xFFFFFFFF, v8  }
0x9d: {  	s15 =	simm.s32 $0x14010;
	vm0 =	vgt.s32 v9, $0x0  }
0x9e: {  	v10 =	vld [tilespmem:s15+$0x0];
	v9 =	vnsel vm0, $0x0, v9;
	_ =	sdelay $0x2  }
0x9f: {  	s16 =	simm.s32 $0x14020  }
0xa0: {  	v11 =	vld [tilespmem:s16+$0x0]  }
0xa1: {  	v13 =	vld.idx.msk [tilespmem:v9+s28+$0x0], $0xffff;
	v9 =	vadd.s32 $0xFFFFFFFF, v10  }
0xa2: {  	vm13 =	vgt.s32 v9, $0x0  }
0xa3: {  	v12 =	vld [tilespmem:s2+$0x0];
	v14 =	vnsel vm13, $0x0, v9;
	_ =	sdelay $0x1  }
0xa4: {  	s25 =	simm.s32 $0x14030  }
0xa5: {  	s5 =	simm.s32 $0x14040;
	v16 =	vadd.s32 $0xFFFFFFFF, v11;
	v9 =	vld [tilespmem:s25+$0x0];
	v15 =	vcvt.s32.f32 v13  }
0xa6: {  	vm14 =	vgt.s32 v8, $0x0;
	v8 =	vld [tilespmem:s5+$0x0];
	vm15 =	vgt.s32 v16, $0x0  }
0xa7: {  	v15 =	vsub.f32 v12, v15;
	v12 =	vld.idx.msk [tilespmem:v14+s28+$0x0], $0xffff;
	v14 =	vnsel vm15, $0x0, v16  }
0xa8: {  	s2 =	simm.s32 $0x14210  }
0xa9: {  	s26 =	simm.s32 $0x14400;
	v17 =	vsub.s32 $0x0, v13;
	v13 =	vld [tilespmem:s2+$0x0];
	v15 =	vnsel vm14, $0x0, v15  }
0xaa: {  	s0 =	simm.s32 $0x14410;
	s6 =	simm.s32 $0x40;
	s1 =	simm.s32 $0x14600;
	v16 =	vadd.s32 $0xFFFFFFFF, v9;
	[tilespmem:s26+$0x0] =	vst v15;
	v15 =	vand.u32 $0x7F, v17  }
.LBB2_2:
0xab: {  	s6 =	sadd.s32 $0x10, s6  }
0xac: {  	s5 =	sadd.s32 $0x10, s5;
	vm0 =	vgt.s32 v16, $0x0;
	v17 =	vcvt.s32.f32 v12;
	[tilespmem:s1+$0x0] =	vst v15;
	s1 =	sadd.s32 $0x10, s1;
	v15 =	vmovc v12;
	v12 =	vld.idx.msk [tilespmem:v14+s28+$0x0], $0xffff;
	v18 =	vmov v8;
	p1 =	slt.u32 s6, $0x90  }
.Ltmp2:
0xad: {  	v8 =	vld [tilespmem:s5+$0x0];
	v14 =	vnsel vm0, $0x0, v16;
	(pc) =	sbr.rel @p1 .LBB2_2-.Ltmp2, $4  }
0xae: {  	s2 =	sadd.s32 $0x10, s2;
	v16 =	vsub.f32 v13, v17  }
0xaf: {  	vm0 =	vgt.s32 v10, $0x0;
	v10 =	vmovc v11;
	v11 =	vmov v9;
	v9 =	vmov v18;
	v13 =	vld [tilespmem:s2+$0x0]  }
0xb0: {  	v15 =	vsub.s32 $0x0, v15;
	v17 =	vnsel vm0, $0x0, v16  }
0xb1: {  	v15 =	vand.u32 $0x7F, v15;
	v16 =	vadd.s32 $0xFFFFFFFF, v9;
	[tilespmem:s0+$0x0] =	vst v17;
	s0 =	sadd.s32 $0x10, s0  }
0xb2: {  	vm0 =	vgt.s32 v16, $0x0  }
0xb3: {  	v17 =	vadd.s32 $0xFFFFFFFF, v8;
	v16 =	vnsel vm0, $0x0, v16  }
0xb4: {  	vm11 =	vgt.s32 v17, $0x0  }
0xb5: {  	v17 =	vnsel vm11, $0x0, v17  }
0xb6: {  	v14 =	vld.idx.msk [tilespmem:v14+s28+$0x0], $0xffff;
	s2 =	sadd.s32 $0x10, s2  }
0xb7: {  	v18 =	vld [tilespmem:s2+$0x0]  }
0xb8: {  	v19 =	vcvt.s32.f32 v12;
	s2 =	sadd.s32 $0x10, s2;
	v16 =	vld.idx.msk [tilespmem:v16+s28+$0x0], $0xffff  }
0xb9: {  	v20 =	vld [tilespmem:s2+$0x0]  }
0xba: {  	v13 =	vsub.f32 v13, v19;
	v17 =	vld.idx.msk [tilespmem:v17+s28+$0x0], $0xffff  }
0xbb: {  	vm12 =	vgt.s32 v10, $0x0;
	s2 =	sadd.s32 $0x10, s2;
	v21 =	vcvt.s32.f32 v14  }
0xbc: {  	vm13 =	vgt.s32 v11, $0x0;
	v11 =	vsub.s32 $0x0, v12;
	v63 =	vld [tilespmem:s2+$0x0];
	v13 =	vnsel vm12, $0x0, v13  }
0xbd: {  	s16 =	sadd.s32 $0x10, s1;
	v11 =	vand.u32 $0x7F, v11;
	[tilespmem:s0+$0x0] =	vst v13;
	v10 =	vsub.f32 v18, v21;
	v62 =	vcvt.s32.f32 v16  }
0xbe: {  	vm14 =	vgt.s32 v9, $0x0;
	[tilespmem:s16+$0x0] =	vst v11;
	v11 =	vsub.s32 $0x0, v14  }
0xbf: {  	[tilespmem:s1+$0x0] =	vst v15;
	s25 =	sadd.s32 $0x10, s0;
	s26 =	simm.s32 $0x0;
	v10 =	vnsel vm13, $0x0, v10;
	v9 =	vcvt.s32.f32 v17;
	v12 =	vsub.f32 v20, v62  }
0xc0: {  	s1 =	sadd.s32 $0x10, s16;
	v15 =	vmov s26;
	[tilespmem:s25+$0x0] =	vst v10;
	v10 =	vand.u32 $0x7F, v11  }
0xc1: {  	p4 =	por $0x1, $0x1;
	s0 =	sadd.s32 $0x10, s25;
	[tilespmem:s1+$0x0] =	vst v10;
	v10 =	vsub.s32 $0x0, v16;
	v9 =	vsub.f32 v63, v9;
	v11 =	vnsel vm14, $0x0, v12  }
.Ltmp3:
0xc2: {  	vm15 =	vgt.s32 v8, $0x0;
	s1 =	sadd.s32 $0x10, s1;
	v10 =	vand.u32 $0x7F, v10;
	[tilespmem:s0+$0x0] =	vst v11;
	(pc) =	sbr.rel @!p4 .LBB2_4-.Ltmp3, $4  }
0xc3: {  	s0 =	sadd.s32 $0x10, s0;
	v8 =	vnsel vm15, $0x0, v9;
	v9 =	vsub.s32 $0x0, v17;
	[tilespmem:s1+$0x0] =	vst v10  }
0xc4: {  	s1 =	sadd.s32 $0x10, s1;
	[tilespmem:s0+$0x0] =	vst v8;
	v8 =	vand.u32 $0x7F, v9  }
0xc5: {  	s9 =	simm.s32 $0xA080;
	p1 =	por $0x0, $0x0;
	p2 =	por $0x0, $0x0;
	[tilespmem:s1+$0x0] =	vst v8  }
0xc6: {  	p3 =	por $0x0, $0x0;
	s2 =	simm.s32 $0x1;
	s0 =	simm.s32 $0x2;
	v9 =	vld.idx.msk [tilespmem:v15+s13+$0x0], $0xffff  }
0xc7: {  	v8 =	vmov s2;
	_ =	sdelay $0x4  }
0xc8: {  	v11 =	vld.idx.msk [tilespmem:v8+s13+$0x0], $0xffff;
	_ =	sdelay $0x4  }
0xc9: {  	v10 =	vadd.s32 v0, v11  }
0xca: {  	v12 =	vshll.u32 v8, $0x7;
	v10 =	vand.u32 $0x7F, v10  }
0xcb: {  	v13 =	vor.u32 v12, v10;
	_ =	sdelay $0x1  }
0xcc: {  	v14 =	vadd.s32 v0, v9  }
0xcd: {  	v16 =	vld.idx.msk [tilespmem:v15+s14+$0x0], $0xffff;
	v14 =	vand.u32 $0x7F, v14;
	v10 =	vshll.u32 v15, $0x7  }
0xce: {  	v8 =	vld.idx.msk [tilespmem:v8+s14+$0x0], $0xffff;
	v14 =	vor.u32 v10, v14  }
0xcf: {  	p4 =	por $0x1, $0x1;
	v15 =	vmov s0;
	v13 =	vld.idx.msk [tilespmem:v13+s7+$0x0], $0xffff  }
.Ltmp4:
0xd0: {  	_ = 	snop;
	(pc) =	sbr.rel @!p4 .LBB2_6-.Ltmp4, $4  }
0xd1: {  	_ = 	snop  }
0xd2: {  	v18 =	vadd.s32 v1, v9;
	vm7 =	vgt.s32 v16, $0x0;
	v17 =	vadd.s32 v1, v11  }
0xd3: {  	vm3 =	vgt.s32 v8, $0x0;
	v17 =	vand.u32 $0x7F, v17;
	v23 =	vld.idx.msk [tilespmem:v14+s7+$0x0], $0xffff;
	v14 =	vand.u32 $0x7F, v18  }
0xd4: {  	s2 =	simm.s32 $0x3;
	p1 =	por $0x1, $0x1;
	v25 =	vor.u32 v12, v17;
	s0 =	simm.s32 $0x4;
	v8 =	vld.idx.msk [tilespmem:v15+s13+$0x0], $0xffff;
	v27 =	vor.u32 v10, v14;
	v32 =	vnsel vm3, $0x0, v13  }
0xd5: {  	_ =	sdelay $0x1  }
0xd6: {  	v16 =	vmov s2  }
0xd7: {  	[tilespmem:s9+$0x0] =	vst v32  }
0xd8: {  	v17 =	vadd.s32 v2, v11;
	v14 =	vld.idx.msk [tilespmem:v25+s7+$0x0], $0xffff;
	v13 =	vnsel vm7, $0x0, v23  }
0xd9: {  	[tilespmem:s9+$0xFFFFFF80] =	vst v13;
	v13 =	vand.u32 $0x7F, v17  }
0xda: {  	v17 =	vld.idx.msk [tilespmem:v27+s7+$0x0], $0xffff;
	v18 =	vor.u32 v12, v13  }
0xdb: {  	v13 =	vld.idx.msk [tilespmem:v16+s13+$0x0], $0xffff;
	_ =	sdelay $0x1  }
0xdc: {  	v19 =	vadd.s32 v2, v9;
	v14 =	vnsel vm3, $0x0, v14  }
0xdd: {  	v19 =	vand.u32 $0x7F, v19;
	[tilespmem:s9+$0x10] =	vst v14  }
0xde: {  	vm0 =	vmmov vm7;
	v19 =	vor.u32 v10, v19;
	v14 =	vadd.s32 v3, v11;
	v18 =	vld.idx.msk [tilespmem:v18+s7+$0x0], $0xffff  }
0xdf: {  	v21 =	vand.u32 $0x7F, v14;
	v17 =	vnsel vm0, $0x0, v17;
	v20 =	vadd.s32 v0, v13  }
0xe0: {  	v14 =	vshll.u32 v16, $0x7;
	[tilespmem:s9+$0xFFFFFF90] =	vst v17;
	v17 =	vand.u32 $0x7F, v20;
	v20 =	vor.u32 v12, v21  }
0xe1: {  	v24 =	vld.idx.msk [tilespmem:v15+s14+$0x0], $0xffff;
	v22 =	vor.u32 v14, v17  }
0xe2: {  	v26 =	vld.idx.msk [tilespmem:v16+s14+$0x0], $0xffff;
	v21 =	vadd.s32 v0, v8  }
0xe3: {  	v19 =	vld.idx.msk [tilespmem:v19+s7+$0x0], $0xffff;
	v17 =	vshll.u32 v15, $0x7;
	v21 =	vand.u32 $0x7F, v21;
	v15 =	vnsel vm3, $0x0, v18  }
0xe4: {  	v23 =	vadd.s32 v3, v9;
	v21 =	vor.u32 v17, v21;
	[tilespmem:s9+$0x20] =	vst v15  }
0xe5: {  	v27 =	vadd.s32 v1, v8;
	v18 =	vand.u32 $0x7F, v23;
	v15 =	vmov s0;
	v20 =	vld.idx.msk [tilespmem:v20+s7+$0x0], $0xffff  }
0xe6: {  	vm1 =	vmmov vm3;
	p4 =	por $0x1, $0x1;
	v27 =	vand.u32 $0x7F, v27;
	v16 =	vor.u32 v10, v18;
	v28 =	vld.idx.msk [tilespmem:v22+s7+$0x0], $0xffff  }
.Ltmp5:
0xe7: {  	vm7 =	vgt.s32 v24, $0x0;
	v25 =	vadd.s32 v1, v13;
	v27 =	vor.u32 v17, v27;
	(pc) =	sbr.rel @!p4 .LBB2_8-.Ltmp5, $4  }
0xe8: {  	vm3 =	vgt.s32 v26, $0x0;
	v18 =	vnsel vm0, $0x0, v19;
	v22 =	vadd.s32 v4, v11  }
0xe9: {  	v19 =	vadd.s32 v4, v9;
	v23 =	vld.idx.msk [tilespmem:v21+s7+$0x0], $0xffff;
	v21 =	vand.u32 $0x7F, v22;
	v22 =	vand.u32 $0x7F, v25  }
0xea: {  	s2 =	simm.s32 $0x5;
	[tilespmem:s9+$0xFFFFFFA0] =	vst v18;
	v19 =	vand.u32 $0x7F, v19;
	v25 =	vor.u32 v14, v22;
	v22 =	vld.idx.msk [tilespmem:v15+s13+$0x0], $0xffff;
	v20 =	vnsel vm1, $0x0, v20  }
0xeb: {  	s15 =	simm.s32 $0xA180;
	p2 =	por $0x1, $0x1;
	s0 =	simm.s32 $0x6;
	v18 =	vor.u32 v12, v21;
	v19 =	vor.u32 v10, v19;
	v16 =	vld.idx.msk [tilespmem:v16+s7+$0x0], $0xffff;
	v32 =	vnsel vm3, $0x0, v28;
	[tilespmem:s9+$0x30] =	vst v20  }
0xec: {  	_ =	sdelay $0x3  }
0xed: {  	v20 =	vmov s2;
	v26 =	vld.idx.msk [tilespmem:v18+s7+$0x0], $0xffff;
	[tilespmem:s15+$0x0] =	vst v32;
	v24 =	vadd.s32 v5, v11;
	vm2 =	vmmov vm0  }
0xee: {  	v28 =	vadd.s32 v2, v13;
	vm4 =	vmmov vm7;
	v25 =	vld.idx.msk [tilespmem:v25+s7+$0x0], $0xffff;
	v21 =	vnsel vm7, $0x0, v23  }
0xef: {  	vm5 =	vmmov vm1;
	[tilespmem:s15+$0xFFFFFF80] =	vst v21;
	v21 =	vand.u32 $0x7F, v24;
	v23 =	vnsel vm0, $0x0, v16  }
0xf0: {  	v24 =	vadd.s32 v2, v8;
	v27 =	vld.idx.msk [tilespmem:v27+s7+$0x0], $0xffff;
	[tilespmem:s9+$0xFFFFFFB0] =	vst v23;
	v23 =	vand.u32 $0x7F, v28;
	v28 =	vor.u32 v12, v21  }
0xf1: {  	v61 =	vadd.s32 v3, v8;
	v30 =	vand.u32 $0x7F, v24;
	v29 =	vld.idx.msk [tilespmem:v19+s7+$0x0], $0xffff;
	v23 =	vor.u32 v14, v23  }
0xf2: {  	v60 =	vadd.s32 v0, v22;
	v21 =	vadd.s32 v5, v9;
	v24 =	vld.idx.msk [tilespmem:v20+s13+$0x0], $0xffff;
	v30 =	vor.u32 v17, v30  }
0xf3: {  	v26 =	vnsel vm1, $0x0, v26;
	v21 =	vand.u32 $0x7F, v21;
	v25 =	vnsel vm3, $0x0, v25  }
0xf4: {  	[tilespmem:s9+$0x40] =	vst v26;
	v26 =	vand.u32 $0x7F, v60;
	v31 =	vor.u32 v10, v21;
	v21 =	vshll.u32 v15, $0x7  }
0xf5: {  	[tilespmem:s15+$0x10] =	vst v25;
	v27 =	vnsel vm4, $0x0, v27;
	v25 =	vld.idx.msk [tilespmem:v28+s7+$0x0], $0xffff;
	v28 =	vor.u32 v21, v26;
	v26 =	vadd.s32 v6, v11  }
0xf6: {  	[tilespmem:s15+$0xFFFFFF90] =	vst v27;
	v23 =	vld.idx.msk [tilespmem:v23+s7+$0x0], $0xffff;
	v27 =	vnsel vm2, $0x0, v29;
	v29 =	vadd.s32 v3, v13;
	v26 =	vand.u32 $0x7F, v26  }
0xf7: {  	[tilespmem:s9+$0xFFFFFFC0] =	vst v27;
	v27 =	vadd.s32 v0, v24;
	v29 =	vand.u32 $0x7F, v29;
	v33 =	vor.u32 v12, v26  }
0xf8: {  	v30 =	vld.idx.msk [tilespmem:v30+s7+$0x0], $0xffff;
	v26 =	vshll.u32 v20, $0x7;
	v27 =	vand.u32 $0x7F, v27;
	v29 =	vor.u32 v14, v29  }
0xf9: {  	v34 =	vadd.s32 v6, v9;
	vm6 =	vmmov vm3;
	v31 =	vld.idx.msk [tilespmem:v31+s7+$0x0], $0xffff;
	v27 =	vor.u32 v26, v27  }
0xfa: {  	v35 =	vld.idx.msk [tilespmem:v15+s14+$0x0], $0xffff;
	v62 =	vadd.s32 v7, v9;
	v32 =	vand.u32 $0x7F, v61;
	v25 =	vnsel vm5, $0x0, v25  }
0xfb: {  	v34 =	vand.u32 $0x7F, v34;
	v32 =	vor.u32 v17, v32;
	v20 =	vld.idx.msk [tilespmem:v20+s14+$0x0], $0xffff;
	v23 =	vnsel vm3, $0x0, v23;
	[tilespmem:s9+$0x50] =	vst v25  }
0xfc: {  	v38 =	vadd.s32 v4, v8;
	v34 =	vor.u32 v10, v34;
	v15 =	vmov s0;
	[tilespmem:s15+$0x20] =	vst v23;
	v36 =	vld.idx.msk [tilespmem:v33+s7+$0x0], $0xffff  }
0xfd: {  	vm2 =	vmmov vm2;
	v25 =	vnsel vm4, $0x0, v30;
	v23 =	vadd.s32 v7, v11;
	v37 =	vld.idx.msk [tilespmem:v29+s7+$0x0], $0xffff  }
0xfe: {  	v31 =	vnsel vm2, $0x0, v31;
	v29 =	vadd.s32 v4, v13;
	v23 =	vand.u32 $0x7F, v23;
	v39 =	vld.idx.msk [tilespmem:v27+s7+$0x0], $0xffff  }
0xff: {  	p4 =	por $0x1, $0x1;
	[tilespmem:s15+$0xFFFFFFA0] =	vst v25;
	v27 =	vadd.s32 v1, v24;
	v29 =	vand.u32 $0x7F, v29;
	v40 =	vor.u32 v12, v23;
	v23 =	vld.idx.msk [tilespmem:v28+s7+$0x0], $0xffff  }
.Ltmp6:
0x100: {  	v25 =	vadd.s32 v1, v22;
	[tilespmem:s9+$0xFFFFFFD0] =	vst v31;
	v27 =	vand.u32 $0x7F, v27;
	v30 =	vor.u32 v14, v29;
	v29 =	vld.idx.msk [tilespmem:v32+s7+$0x0], $0xffff;
	(pc) =	sbr.rel @!p4 .LBB2_10-.Ltmp6, $4  }
0x101: {  	v41 =	vand.u32 $0x7F, v62;
	v28 =	vand.u32 $0x7F, v25;
	v33 =	vld.idx.msk [tilespmem:v34+s7+$0x0], $0xffff;
	v25 =	vor.u32 v26, v27  }
0x102: {  	v31 =	vand.u32 $0x7F, v38;
	v27 =	vor.u32 v21, v28;
	v63 =	vnsel vm5, $0x0, v36  }
0x103: {  	s2 =	simm.s32 $0x7;
	s5 =	simm.s32 $0x8;
	p3 =	por $0x1, $0x1;
	vm3 =	vgt.s32 v20, $0x0;
	v31 =	vor.u32 v17, v31;
	v28 =	vld.idx.msk [tilespmem:v15+s13+$0x0], $0xffff;
	v20 =	vnsel vm6, $0x0, v37;
	[tilespmem:s9+$0x60] =	vst v63  }
0x104: {  	s1 =	simm.s32 $0xA180;
	s16 =	simm.s32 $0xA080;
	vm7 =	vgt.s32 v35, $0x0;
	s0 =	simm.s32 $0xA280;
	v32 =	vnsel vm3, $0x0, v39;
	[tilespmem:s15+$0x30] =	vst v20;
	v20 =	vor.u32 v10, v41;
	v37 =	vld.idx.msk [tilespmem:v40+s7+$0x0], $0xffff  }
.LBB2_11:
0x105: {  	p4 =	slt.u32 s5, $0x9E;
	v35 =	vmov s2;
	v23 =	vnsel vm7, $0x0, v23;
	[tilespmem:s0+$0x0] =	vst v32;
	v29 =	vnsel vm4, $0x0, v29;
	v30 =	vld.idx.msk [tilespmem:v30+s7+$0x0], $0xffff;
	v34 =	vmovc v21  }
0x106: {  	v21 =	vadd.s32 v5, v13;
	vm8 =	vmmov vm4;
	[tilespmem:s0+$0xFFFFFF80] =	vst v23;
	v23 =	vld.idx.msk [tilespmem:v25+s7+$0x0], $0xffff;
	v25 =	vnsel vm2, $0x0, v33  }
0x107: {  	v32 =	vadd.s32 v2, v24;
	vm4 =	vmmov vm7;
	v21 =	vand.u32 $0x7F, v21;
	v27 =	vld.idx.msk [tilespmem:v27+s7+$0x0], $0xffff;
	[tilespmem:s1+$0xFFFFFFB0] =	vst v29  }
0x108: {  	v32 =	vand.u32 $0x7F, v32;
	v29 =	vadd.s32 v2, v22;
	v33 =	vor.u32 v14, v21;
	v31 =	vld.idx.msk [tilespmem:v31+s7+$0x0], $0xffff;
	[tilespmem:s16+$0xFFFFFFE0] =	vst v25  }
0x109: {  	v21 =	vand.u32 $0x7F, v29;
	v25 =	vor.u32 v26, v32;
	v29 =	vadd.s32 v5, v8;
	v20 =	vld.idx.msk [tilespmem:v20+s7+$0x0], $0xffff  }
0x10a: {  	v36 =	vor.u32 v34, v21;
	v21 =	vand.u32 $0x7F, v29;
	v29 =	vnsel vm5, $0x0, v37;
	v32 =	vld.idx.msk [tilespmem:v35+s13+$0x0], $0xffff  }
0x10b: {  	vm5 =	vmmov vm6;
	v37 =	vor.u32 v17, v21;
	v30 =	vnsel vm6, $0x0, v30;
	[tilespmem:s16+$0x70] =	vst v29  }
0x10c: {  	v21 =	vshll.u32 v15, $0x7;
	v29 =	vadd.s32 v0, v28;
	v23 =	vnsel vm3, $0x0, v23;
	[tilespmem:s1+$0x40] =	vst v30  }
0x10d: {  	v29 =	vand.u32 $0x7F, v29;
	v27 =	vnsel vm4, $0x0, v27;
	v30 =	vadd.s32 v3, v22;
	[tilespmem:s0+$0x10] =	vst v23;
	v33 =	vld.idx.msk [tilespmem:v33+s7+$0x0], $0xffff  }
0x10e: {  	v23 =	vor.u32 v21, v29;
	v29 =	vadd.s32 v6, v13;
	[tilespmem:s0+$0xFFFFFF90] =	vst v27;
	v25 =	vld.idx.msk [tilespmem:v25+s7+$0x0], $0xffff;
	v27 =	vnsel vm8, $0x0, v31  }
0x10f: {  	v20 =	vnsel vm2, $0x0, v20;
	v31 =	vld.idx.msk [tilespmem:v36+s7+$0x0], $0xffff;
	v36 =	vadd.s32 v3, v24;
	[tilespmem:s1+$0xFFFFFFC0] =	vst v27;
	v27 =	vand.u32 $0x7F, v29  }
0x110: {  	v29 =	vadd.s32 v0, v32;
	v36 =	vand.u32 $0x7F, v36;
	v37 =	vld.idx.msk [tilespmem:v37+s7+$0x0], $0xffff;
	v27 =	vor.u32 v14, v27;
	[tilespmem:s16+$0xFFFFFFF0] =	vst v20;
	s16 =	smov.u32 s1;
	s1 =	smov.u32 s0  }
0x111: {  	v38 =	vshll.u32 v35, $0x7;
	v20 =	vand.u32 $0x7F, v29;
	v29 =	vor.u32 v26, v36  }
0x112: {  	v20 =	vor.u32 v38, v20;
	v36 =	vld.idx.msk [tilespmem:v15+s14+$0x0], $0xffff;
	v15 =	vand.u32 $0x7F, v30;
	v30 =	vadd.s32 v6, v8  }
0x113: {  	v23 =	vld.idx.msk [tilespmem:v23+s7+$0x0], $0xffff;
	v39 =	vor.u32 v34, v15;
	v15 =	vand.u32 $0x7F, v30;
	v30 =	vnsel vm5, $0x0, v33  }
0x114: {  	vm6 =	vmmov vm3;
	v25 =	vnsel vm3, $0x0, v25;
	v35 =	vld.idx.msk [tilespmem:v35+s14+$0x0], $0xffff;
	v33 =	vor.u32 v17, v15;
	[tilespmem:s16+$0x50] =	vst v30  }
0x115: {  	vm2 =	vmmov vm8;
	v15 =	vmov s5;
	v30 =	vnsel vm4, $0x0, v31;
	[tilespmem:s0+$0x20] =	vst v25;
	v31 =	vld.idx.msk [tilespmem:v27+s7+$0x0], $0xffff  }
0x116: {  	v41 =	vadd.s32 v7, v13;
	v8 =	vadd.s32 v7, v8;
	v25 =	vnsel vm2, $0x0, v37;
	[tilespmem:s0+$0xFFFFFFA0] =	vst v30;
	v40 =	vld.idx.msk [tilespmem:v29+s7+$0x0], $0xffff  }
0x117: {  	v37 =	vadd.s32 v4, v22;
	v27 =	vadd.s32 v4, v24;
	v30 =	vand.u32 $0x7F, v41;
	v20 =	vld.idx.msk [tilespmem:v20+s7+$0x0], $0xffff;
	[tilespmem:s16+$0xFFFFFFD0] =	vst v25  }
0x118: {  	v13 =	vmovc v24;
	v27 =	vand.u32 $0x7F, v27;
	v25 =	vadd.s32 v1, v32;
	v29 =	vld.idx.msk [tilespmem:v39+s7+$0x0], $0xffff;
	v39 =	vor.u32 v14, v30  }
.Ltmp7:
0x119: {  	v42 =	vadd.s32 v1, v28;
	v24 =	vmovc v32;
	v25 =	vand.u32 $0x7F, v25;
	v30 =	vor.u32 v26, v27;
	v33 =	vld.idx.msk [tilespmem:v33+s7+$0x0], $0xffff;
	(pc) =	sbr.rel @p4 .LBB2_11-.Ltmp7, $4  }
0x11a: {  	v41 =	vand.u32 $0x7F, v8;
	v27 =	vand.u32 $0x7F, v42;
	v14 =	vmovc v26;
	v26 =	vmovc v38;
	v25 =	vor.u32 v38, v25  }
0x11b: {  	v8 =	vmovc v22;
	v22 =	vmovc v28;
	v32 =	vand.u32 $0x7F, v37;
	v27 =	vor.u32 v21, v27;
	v37 =	vnsel vm5, $0x0, v31  }
0x11c: {  	vm3 =	vgt.s32 v35, $0x0;
	v31 =	vor.u32 v34, v32;
	v35 =	vnsel vm6, $0x0, v40;
	v28 =	vld.idx.msk [tilespmem:v15+s13+$0x0], $0xffff;
	[tilespmem:s16+$0x60] =	vst v37  }
0x11d: {  	s2 =	sadd.s32 $0x1, s5;
	s5 =	sadd.s32 $0x2, s5;
	s0 =	sadd.s32 $0x100, s0;
	vm7 =	vgt.s32 v36, $0x0;
	v32 =	vnsel vm3, $0x0, v20;
	v20 =	vor.u32 v17, v41;
	v17 =	vmovc v34;
	[tilespmem:s1+$0x30] =	vst v35;
	v37 =	vld.idx.msk [tilespmem:v39+s7+$0x0], $0xffff  }
0x11e: {  	_ =	sdelay $0x1  }
0x11f: {  	v35 =	vmov v13;
	v36 =	vmov v14  }
0x120: {  	v34 =	vmovc v8;
	v13 =	vmovc v24;
	v24 =	vmov v22;
	v14 =	vmov v26;
	v8 =	vmov v28  }
.LBB2_13:
0x121: {  	v28 =	vmov s2;
	_ =	sdelay $0x3  }
0x122: {  	v22 =	vnsel @p1 vm7, $0x0, v23  }
0x123: {  	[tilespmem:s0+$0xFFFFFF80] =	vst @p1 v22;
	v22 =	vld.idx.msk [tilespmem:v28+s13+$0x0], $0xffff  }
0x124: {  	v23 =	vld.idx.msk @p1 [tilespmem:v27+s7+$0x0], $0xffff  }
0x125: {  	v26 =	vadd.s32 @p1 v2, v24  }
0x126: {  	v29 =	vnsel @p2 vm4, $0x0, v29;
	v39 =	vadd.s32 @p2 v5, v35;
	vm8 =	vmmov @p1 vm7  }
0x127: {  	[tilespmem:s0+$0x0] =	vst @p1 v32;
	vm7 =	vmmov @p2 vm4;
	v61 =	vadd.s32 v0, v8;
	v27 =	vmovc @p1 v21;
	v21 =	vand.u32 @p1 $0x7F, v26  }
0x128: {  	v32 =	vld.idx.msk @p1 [tilespmem:v25+s7+$0x0], $0xffff;
	v25 =	vand.u32 $0x7F, v61;
	v38 =	vor.u32 @p1 v27, v21;
	v60 =	vadd.s32 v0, v22  }
0x129: {  	v30 =	vld.idx.msk @p2 [tilespmem:v30+s7+$0x0], $0xffff;
	v21 =	vnsel @p1 vm8, $0x0, v23;
	v23 =	vshll.u32 v28, $0x7;
	v62 =	vand.u32 $0x7F, v60  }
0x12a: {  	v26 =	vnsel @p3 vm2, $0x0, v33;
	[tilespmem:s0+$0xFFFFFF90] =	vst @p1 v21;
	v21 =	vshll.u32 v15, $0x7;
	v33 =	vor.u32 v23, v62  }
0x12b: {  	v40 =	vadd.s32 @p1 v2, v13;
	vm4 =	vmmov @p2 vm6;
	v41 =	vor.u32 v21, v25  }
0x12c: {  	v44 =	vadd.s32 v1, v8;
	v48 =	vadd.s32 v2, v8;
	v39 =	vand.u32 @p2 $0x7F, v39;
	v28 =	vld.idx.msk [tilespmem:v28+s14+$0x0], $0xffff  }
0x12d: {  	v51 =	vadd.s32 v3, v8;
	v11 =	vpsel p1, v13, v11;
	v39 =	vor.u32 @p2 v36, v39;
	v15 =	vld.idx.msk [tilespmem:v15+s14+$0x0], $0xffff  }
0x12e: {  	v30 =	vnsel @p2 vm6, $0x0, v30;
	v25 =	vand.u32 @p1 $0x7F, v40;
	v40 =	vadd.s32 @p2 v5, v34  }
0x12f: {  	[tilespmem:s1+$0xFFFFFFB0] =	vst @p2 v29;
	v29 =	vor.u32 @p1 v14, v25;
	v40 =	vand.u32 @p2 $0x7F, v40;
	v63 =	vadd.s32 v1, v22;
	v33 =	vld.idx.msk [tilespmem:v33+s7+$0x0], $0xffff  }
0x130: {  	v25 =	vnsel @p3 vm5, $0x0, v37;
	v37 =	vor.u32 @p2 v17, v40;
	v40 =	vand.u32 $0x7F, v63;
	v41 =	vld.idx.msk [tilespmem:v41+s7+$0x0], $0xffff  }
0x131: {  	vm14 =	vgt.s32 v28, $0x0;
	v28 =	vand.u32 $0x7F, v44;
	v40 =	vor.u32 v23, v40  }
0x132: {  	vm15 =	vgt.s32 v15, $0x0;
	v15 =	vadd.s32 @p2 v6, v35;
	v28 =	vor.u32 v21, v28  }
0x133: {  	s2 =	sadd.s32 @p1 $0x100, s0;
	v12 =	vpsel p1, v14, v12;
	v32 =	vnsel @p1 vm3, $0x0, v32;
	[tilespmem:s1+$0x40] =	vst @p2 v30;
	v15 =	vand.u32 @p2 $0x7F, v15  }
0x134: {  	v9 =	vpsel p1, v24, v9;
	s15 =	smov.u32 @p1 s2;
	v31 =	vld.idx.msk @p2 [tilespmem:v31+s7+$0x0], $0xffff;
	[tilespmem:s0+$0x10] =	vst @p1 v32;
	v42 =	vor.u32 @p2 v36, v15;
	v15 =	vnsel vm14, $0x0, v33  }
0x135: {  	v59 =	vadd.s32 v5, v8;
	v30 =	vadd.s32 @p1 v3, v24;
	v32 =	vld.idx.msk @p2 [tilespmem:v39+s7+$0x0], $0xffff;
	v45 =	vnsel vm15, $0x0, v41;
	[tilespmem:s15+$0x0] =	vst v15  }
0x136: {  	v47 =	vadd.s32 v2, v22;
	[tilespmem:s15+$0xFFFFFF80] =	vst v45;
	v15 =	vand.u32 @p1 $0x7F, v30;
	v30 =	vadd.s32 @p2 v7, v35;
	v46 =	vld.idx.msk [tilespmem:v40+s7+$0x0], $0xffff  }
0x137: {  	v28 =	vld.idx.msk [tilespmem:v28+s7+$0x0], $0xffff;
	v33 =	vand.u32 $0x7F, v47;
	v35 =	vor.u32 @p1 v27, v15;
	v15 =	vand.u32 @p2 $0x7F, v30  }
0x138: {  	v38 =	vld.idx.msk @p1 [tilespmem:v38+s7+$0x0], $0xffff;
	v33 =	vor.u32 v23, v33;
	v15 =	vor.u32 @p2 v36, v15;
	v36 =	vand.u32 $0x7F, v48  }
0x139: {  	v31 =	vnsel @p2 vm7, $0x0, v31;
	v39 =	vadd.s32 @p1 v3, v13;
	v29 =	vld.idx.msk @p1 [tilespmem:v29+s7+$0x0], $0xffff;
	v36 =	vor.u32 v21, v36  }
0x13a: {  	vm0 =	vmmov @p1 vm8;
	v39 =	vand.u32 @p1 $0x7F, v39;
	[tilespmem:s1+$0xFFFFFFC0] =	vst @p2 v31;
	v32 =	vnsel @p2 vm4, $0x0, v32  }
0x13b: {  	[tilespmem:s1+$0x50] =	vst @p2 v32;
	vm6 =	vmmov vm15;
	v32 =	vld.idx.msk @p2 [tilespmem:v37+s7+$0x0], $0xffff;
	v37 =	vor.u32 @p1 v14, v39;
	v30 =	vnsel vm14, $0x0, v46  }
0x13c: {  	vm7 =	vmmov @p2 vm7;
	v31 =	vadd.s32 @p2 v6, v34;
	v28 =	vnsel vm6, $0x0, v28;
	[tilespmem:s15+$0x10] =	vst v30  }
0x13d: {  	v34 =	vadd.s32 @p2 v7, v34;
	v50 =	vadd.s32 v3, v22;
	v38 =	vnsel @p1 vm8, $0x0, v38;
	[tilespmem:s15+$0xFFFFFF90] =	vst v28;
	v49 =	vld.idx.msk [tilespmem:v33+s7+$0x0], $0xffff  }
0x13e: {  	v29 =	vnsel @p1 vm3, $0x0, v29;
	v30 =	vadd.s32 @p1 v4, v13;
	v52 =	vld.idx.msk [tilespmem:v36+s7+$0x0], $0xffff;
	v33 =	vand.u32 $0x7F, v50  }
0x13f: {  	[tilespmem:s0+$0x20] =	vst @p1 v29;
	v29 =	vand.u32 $0x7F, v51;
	v30 =	vand.u32 @p1 $0x7F, v30;
	v33 =	vor.u32 v23, v33  }
0x140: {  	v31 =	vand.u32 @p2 $0x7F, v31;
	[tilespmem:s0+$0xFFFFFFA0] =	vst @p1 v38;
	v29 =	vor.u32 v21, v29;
	v36 =	vld.idx.msk @p1 [tilespmem:v37+s7+$0x0], $0xffff;
	v30 =	vor.u32 @p1 v14, v30  }
0x141: {  	v31 =	vor.u32 @p2 v17, v31;
	v35 =	vld.idx.msk @p1 [tilespmem:v35+s7+$0x0], $0xffff;
	v18 =	vpsel p1, v30, v18;
	v30 =	vadd.s32 @p1 v4, v24  }
0x142: {  	v34 =	vand.u32 @p2 $0x7F, v34;
	v30 =	vand.u32 @p1 $0x7F, v30;
	v28 =	vnsel vm14, $0x0, v49  }
0x143: {  	v17 =	vor.u32 @p2 v17, v34;
	v30 =	vor.u32 @p1 v27, v30;
	v34 =	vnsel vm6, $0x0, v52;
	[tilespmem:s15+$0x20] =	vst v28  }
0x144: {  	v54 =	vadd.s32 v4, v22;
	vm3 =	vmmov @p1 vm3;
	v19 =	vpsel p1, v30, v19;
	[tilespmem:s15+$0xFFFFFFA0] =	vst v34;
	v53 =	vld.idx.msk [tilespmem:v33+s7+$0x0], $0xffff  }
0x145: {  	v13 =	vadd.s32 v4, v8;
	v28 =	vnsel @p1 vm3, $0x0, v36;
	v29 =	vld.idx.msk [tilespmem:v29+s7+$0x0], $0xffff;
	v33 =	vand.u32 $0x7F, v54  }
0x146: {  	v13 =	vand.u32 $0x7F, v13;
	v16 =	vpsel p1, v35, v16;
	[tilespmem:s0+$0x30] =	vst @p1 v28;
	v14 =	vor.u32 v23, v33  }
0x147: {  	s9 =	smov.u32 @p1 s0;
	v13 =	vor.u32 v21, v13;
	v16 =	vnsel @p1 vm0, $0x0, v16;
	v28 =	vadd.s32 @p1 v5, v11;
	v18 =	vld.idx.msk @p1 [tilespmem:v18+s7+$0x0], $0xffff  }
0x148: {  	v57 =	vadd.s32 v5, v22;
	vm5 =	vmmov vm14;
	[tilespmem:s9+$0xFFFFFFB0] =	vst @p1 v16;
	v16 =	vand.u32 @p1 $0x7F, v28  }
0x149: {  	v24 =	vmovc @p1 v27;
	v27 =	vadd.s32 @p1 v5, v9;
	v16 =	vor.u32 @p1 v12, v16;
	v19 =	vld.idx.msk @p1 [tilespmem:v19+s7+$0x0], $0xffff;
	v55 =	vnsel vm5, $0x0, v53  }
0x14a: {  	v10 =	vpsel p1, v24, v10;
	v24 =	vand.u32 @p1 $0x7F, v27;
	v56 =	vnsel vm6, $0x0, v29;
	[tilespmem:s15+$0x30] =	vst v55  }
0x14b: {  	v61 =	vadd.s32 v6, v22;
	vm1 =	vmmov @p1 vm3;
	v24 =	vor.u32 @p1 v10, v24;
	[tilespmem:s15+$0xFFFFFFB0] =	vst v56;
	v14 =	vld.idx.msk [tilespmem:v14+s7+$0x0], $0xffff  }
0x14c: {  	v58 =	vand.u32 $0x7F, v57;
	v60 =	vand.u32 $0x7F, v59;
	v18 =	vnsel @p1 vm1, $0x0, v18;
	v13 =	vld.idx.msk [tilespmem:v13+s7+$0x0], $0xffff  }
0x14d: {  	v62 =	vadd.s32 v6, v8;
	vm3 =	vmmov @p1 vm0;
	[tilespmem:s9+$0x40] =	vst @p1 v18;
	v18 =	vor.u32 v23, v58  }
0x14e: {  	v17 =	vpsel p2, v17, v0;
	v27 =	vor.u32 v21, v60;
	v16 =	vld.idx.msk @p1 [tilespmem:v16+s7+$0x0], $0xffff;
	v19 =	vnsel @p1 vm3, $0x0, v19  }
0x14f: {  	vm9 =	vmmov vm6;
	v38 =	vld.idx.msk @p2 [tilespmem:v42+s7+$0x0], $0xffff;
	v32 =	vnsel @p2 vm7, $0x0, v32;
	v28 =	vadd.s32 @p1 v6, v11;
	[tilespmem:s9+$0xFFFFFFC0] =	vst @p1 v19  }
0x150: {  	[tilespmem:s1+$0xFFFFFFD0] =	vst @p2 v32;
	v19 =	vand.u32 @p1 $0x7F, v28;
	v28 =	vadd.s32 @p1 v6, v9;
	v24 =	vld.idx.msk @p1 [tilespmem:v24+s7+$0x0], $0xffff;
	v14 =	vnsel vm5, $0x0, v14  }
0x151: {  	v30 =	vld.idx.msk @p2 [tilespmem:v31+s7+$0x0], $0xffff;
	v19 =	vor.u32 @p1 v12, v19;
	v28 =	vand.u32 @p1 $0x7F, v28;
	v13 =	vnsel vm9, $0x0, v13;
	[tilespmem:s15+$0x40] =	vst v14  }
0x152: {  	vm10 =	vmmov vm5;
	vm1 =	vmmov @p1 vm1;
	v14 =	vor.u32 @p1 v10, v28;
	[tilespmem:s15+$0xFFFFFFC0] =	vst v13;
	v18 =	vld.idx.msk [tilespmem:v18+s7+$0x0], $0xffff  }
0x153: {  	vm11 =	vmmov vm9;
	v13 =	vnsel @p1 vm1, $0x0, v16;
	v16 =	vand.u32 $0x7F, v61;
	v27 =	vld.idx.msk [tilespmem:v27+s7+$0x0], $0xffff  }
0x154: {  	s0 =	smov.u32 @p1 s9;
	vm6 =	vmmov @p1 vm3;
	v28 =	vand.u32 $0x7F, v62;
	v16 =	vor.u32 v23, v16  }
0x155: {  	v11 =	vadd.s32 @p1 v7, v11;
	[tilespmem:s0+$0x50] =	vst @p1 v13;
	v63 =	vor.u32 v21, v28;
	v13 =	vnsel @p1 vm6, $0x0, v24  }
0x156: {  	v32 =	vnsel @p2 vm4, $0x0, v38;
	v8 =	vadd.s32 v7, v8;
	v11 =	vand.u32 @p1 $0x7F, v11;
	v19 =	vld.idx.msk @p1 [tilespmem:v19+s7+$0x0], $0xffff;
	[tilespmem:s0+$0xFFFFFFD0] =	vst @p1 v13  }
0x157: {  	[tilespmem:s1+$0x60] =	vst @p2 v32;
	v11 =	vor.u32 @p1 v12, v11;
	v9 =	vadd.s32 @p1 v7, v9;
	v13 =	vld.idx.msk @p1 [tilespmem:v14+s7+$0x0], $0xffff;
	v14 =	vnsel vm10, $0x0, v18  }
0x158: {  	v15 =	vld.idx.msk @p2 [tilespmem:v15+s7+$0x0], $0xffff;
	v29 =	vpsel p2, v30, v0;
	v9 =	vand.u32 @p1 $0x7F, v9;
	v12 =	vnsel vm11, $0x0, v27;
	[tilespmem:s15+$0x50] =	vst v14  }
0x159: {  	vm0 =	vmmov @p2 vm7;
	v9 =	vor.u32 @p1 v10, v9;
	[tilespmem:s15+$0xFFFFFFD0] =	vst v12;
	v10 =	vld.idx.msk [tilespmem:v16+s7+$0x0], $0xffff;
	v16 =	vadd.s32 v7, v22  }
0x15a: {  	[tilespmem:s16+$0xFFFFFFE0] =	vst @p3 v26;
	s1 =	smov.u32 @p2 s1;
	v9 =	vpsel p1, v9, v0;
	v14 =	vnsel @p2 vm0, $0x0, v29;
	v12 =	vand.u32 $0x7F, v16;
	v16 =	vld.idx.msk [tilespmem:v63+s7+$0x0], $0xffff  }
0x15b: {  	v8 =	vand.u32 $0x7F, v8;
	v18 =	vld.idx.msk @p3 [tilespmem:v20+s7+$0x0], $0xffff;
	[tilespmem:s1+$0xFFFFFFE0] =	vst @p2 v14;
	v14 =	vnsel @p1 vm1, $0x0, v19;
	v12 =	vor.u32 v23, v12  }
0x15c: {  	v8 =	vor.u32 v21, v8;
	vm6 =	vmmov @p1 vm6;
	v17 =	vld.idx.msk @p2 [tilespmem:v17+s7+$0x0], $0xffff;
	[tilespmem:s0+$0x60] =	vst @p1 v14;
	v13 =	vpsel p1, v13, v0  }
0x15d: {  	[tilespmem:s16+$0x70] =	vst @p3 v25;
	s0 =	smov.u32 @p1 s0;
	v11 =	vld.idx.msk @p1 [tilespmem:v11+s7+$0x0], $0xffff;
	v13 =	vnsel @p1 vm6, $0x0, v13  }
0x15e: {  	[tilespmem:s0+$0xFFFFFFE0] =	vst @p1 v13;
	v10 =	vnsel vm10, $0x0, v10  }
0x15f: {  	v9 =	vld.idx.msk @p1 [tilespmem:v9+s7+$0x0], $0xffff;
	[tilespmem:s15+$0x60] =	vst v10;
	v10 =	vnsel vm11, $0x0, v16  }
0x160: {  	v14 =	vpsel p2, v15, v0;
	v13 =	vnsel @p3 vm2, $0x0, v18;
	vm2 =	vmmov @p2 vm4;
	v12 =	vld.idx.msk [tilespmem:v12+s7+$0x0], $0xffff;
	[tilespmem:s15+$0xFFFFFFE0] =	vst v10  }
0x161: {  	[tilespmem:s16+$0xFFFFFFF0] =	vst @p3 v13;
	v10 =	vnsel @p2 vm2, $0x0, v14;
	v8 =	vld.idx.msk [tilespmem:v8+s7+$0x0], $0xffff  }
0x162: {  	v11 =	vpsel p1, v11, v0;
	[tilespmem:s1+$0x70] =	vst @p2 v10;
	v10 =	vnsel @p2 vm0, $0x0, v17;
	vm0 =	vmmov @p1 vm1  }
0x163: {  	[tilespmem:s1+$0xFFFFFFF0] =	vst @p2 v10;
	v10 =	vnsel @p1 vm0, $0x0, v11  }
0x164: {  	[tilespmem:s0+$0x70] =	vst @p1 v10;
	v9 =	vnsel @p1 vm6, $0x0, v9  }
0x165: {  	[tilespmem:s0+$0xFFFFFFF0] =	vst @p1 v9;
	v9 =	vnsel vm10, $0x0, v12  }
0x166: {  	[tilespmem:s15+$0x70] =	vst v9;
	v8 =	vnsel vm11, $0x0, v8  }
0x167: {  	[tilespmem:s15+$0xFFFFFFF0] =	vst v8  }
0x168: {  	s15 =	simm.s32 $0xA000;
	s0 =	rddreg [dreg:$0xd]  }
0x169: {  	[hbm4b:s0+s7] =	stream.linear.scatter [tilespmem:s15], [sflag:$0x7], $0x5000, $0x38;
	[tilespmem:$0x14880] =	vst v63  }
0x16a: {  	s25 =	simm.s32 $0x14400;
	s16 =	rddreg [dreg:$0xe]  }
0x16b: {  	[hbm4b:s16+s7] =	stream.linear.scatter [tilespmem:s25], [sflag:$0x9], $0xA0, $0x38;
	[tilespmem:$0x14880] =	vst v63  }
0x16c: {  	s26 =	rddreg [dreg:$0xf]  }
0x16d: {  	[tilespmem:s7], [sflag:$0x1] =	stream.linear.gather [hbm4b:s26+s7], $0x5000, $0x38;
	[tilespmem:$0x14880] =	vst v63  }
0x16e: {  	s1 =	rddreg [dreg:$0x10]  }
0x16f: {  	[tilespmem:s14], [sflag:$0x3] =	stream.linear.gather [hbm4b:s1+s7], $0xA0, $0x38;
	[tilespmem:$0x14880] =	vst v63  }
0x170: {  	s5 =	simm.s32 $0x14200;
	s2 =	rddreg [dreg:$0x11]  }
0x171: {  	[tilespmem:s5], [sflag:$0x5] =	stream.linear.gather [hbm4b:s2+s7], $0xA0, $0x38;
	[tilespmem:$0x14880] =	vst v63  }
0x172: {  	_ =	swait.ge [sflag:s18], $0x5000  }
0x173: {  	[sflag:s18] =	ssyncset.done $0x0  }
0x174: {  	[sflag:s18] =	ssyncadd.s32 $0xFFFFB000  }
0x175: {  	_ =	swait.ge [sflag:s19], $0xA0  }
0x176: {  	[sflag:s19] =	ssyncset.done $0x0  }
0x177: {  	[sflag:s19] =	ssyncadd.s32 $0xFFFFFF60  }
0x178: {  	_ =	swait.ge [sflag:s20], $0xA0  }
0x179: {  	[sflag:s20] =	ssyncset.done $0x0  }
0x17a: {  	s6 =	simm.s32 $0x14100;
	[sflag:s20] =	ssyncadd.s32 $0xFFFFFF60  }
0x17b: {  	v8 =	vld [tilespmem:s6+$0x0];
	_ =	sdelay $0x4  }
0x17c: {  	v9 =	vadd.s32 $0xFFFFFFFF, v8  }
0x17d: {  	s9 =	simm.s32 $0x14110;
	vm12 =	vgt.s32 v9, $0x0  }
0x17e: {  	v10 =	vld [tilespmem:s9+$0x0];
	v9 =	vnsel vm12, $0x0, v9;
	_ =	sdelay $0x2  }
0x17f: {  	s16 =	simm.s32 $0x14120  }
0x180: {  	v11 =	vld [tilespmem:s16+$0x0]  }
0x181: {  	v13 =	vld.idx.msk [tilespmem:v9+s28+$0x0], $0xffff;
	v9 =	vadd.s32 $0xFFFFFFFF, v10  }
0x182: {  	s15 =	simm.s32 $0x14300;
	vm13 =	vgt.s32 v9, $0x0  }
0x183: {  	v12 =	vld [tilespmem:s15+$0x0];
	v14 =	vnsel vm13, $0x0, v9;
	_ =	sdelay $0x1  }
0x184: {  	s25 =	simm.s32 $0x14130  }
0x185: {  	s5 =	simm.s32 $0x14140;
	v16 =	vadd.s32 $0xFFFFFFFF, v11;
	v9 =	vld [tilespmem:s25+$0x0];
	v15 =	vcvt.s32.f32 v13  }
0x186: {  	vm14 =	vgt.s32 v8, $0x0;
	v8 =	vld [tilespmem:s5+$0x0];
	vm15 =	vgt.s32 v16, $0x0  }
0x187: {  	v15 =	vsub.f32 v12, v15;
	v12 =	vld.idx.msk [tilespmem:v14+s28+$0x0], $0xffff;
	v14 =	vnsel vm15, $0x0, v16  }
0x188: {  	s2 =	simm.s32 $0x14310  }
0x189: {  	s26 =	simm.s32 $0x14500;
	v17 =	vsub.s32 $0x0, v13;
	v13 =	vld [tilespmem:s2+$0x0];
	v15 =	vnsel vm14, $0x0, v15  }
0x18a: {  	s0 =	simm.s32 $0x14700;
	s1 =	simm.s32 $0x14510;
	s6 =	simm.s32 $0x40;
	v16 =	vadd.s32 $0xFFFFFFFF, v9;
	[tilespmem:s26+$0x0] =	vst v15;
	v15 =	vand.u32 $0x7F, v17  }
.LBB2_14:
0x18b: {  	s6 =	sadd.s32 $0x10, s6  }
0x18c: {  	s5 =	sadd.s32 $0x10, s5;
	vm0 =	vgt.s32 v16, $0x0;
	v17 =	vcvt.s32.f32 v12;
	[tilespmem:s0+$0x0] =	vst v15;
	s0 =	sadd.s32 $0x10, s0;
	v15 =	vmovc v12;
	v12 =	vld.idx.msk [tilespmem:v14+s28+$0x0], $0xffff;
	v18 =	vmov v8;
	p1 =	slt.u32 s6, $0x90  }
.Ltmp8:
0x18d: {  	v8 =	vld [tilespmem:s5+$0x0];
	v14 =	vnsel vm0, $0x0, v16;
	(pc) =	sbr.rel @p1 .LBB2_14-.Ltmp8, $4  }
0x18e: {  	s2 =	sadd.s32 $0x10, s2;
	v16 =	vsub.f32 v13, v17  }
0x18f: {  	vm0 =	vgt.s32 v10, $0x0;
	v10 =	vmovc v11;
	v11 =	vmov v9;
	v9 =	vmov v18;
	v13 =	vld [tilespmem:s2+$0x0]  }
0x190: {  	v15 =	vsub.s32 $0x0, v15;
	v17 =	vnsel vm0, $0x0, v16  }
0x191: {  	v15 =	vand.u32 $0x7F, v15;
	v16 =	vadd.s32 $0xFFFFFFFF, v9;
	[tilespmem:s1+$0x0] =	vst v17;
	s1 =	sadd.s32 $0x10, s1  }
0x192: {  	vm0 =	vgt.s32 v16, $0x0  }
0x193: {  	v17 =	vadd.s32 $0xFFFFFFFF, v8;
	v16 =	vnsel vm0, $0x0, v16  }
0x194: {  	vm11 =	vgt.s32 v17, $0x0  }
0x195: {  	v17 =	vnsel vm11, $0x0, v17  }
0x196: {  	v14 =	vld.idx.msk [tilespmem:v14+s28+$0x0], $0xffff;
	s2 =	sadd.s32 $0x10, s2  }
0x197: {  	v18 =	vld [tilespmem:s2+$0x0]  }
0x198: {  	v19 =	vcvt.s32.f32 v12;
	s2 =	sadd.s32 $0x10, s2;
	v16 =	vld.idx.msk [tilespmem:v16+s28+$0x0], $0xffff  }
0x199: {  	v20 =	vld [tilespmem:s2+$0x0]  }
0x19a: {  	v13 =	vsub.f32 v13, v19;
	v17 =	vld.idx.msk [tilespmem:v17+s28+$0x0], $0xffff  }
0x19b: {  	vm12 =	vgt.s32 v10, $0x0;
	s2 =	sadd.s32 $0x10, s2;
	v21 =	vcvt.s32.f32 v14  }
0x19c: {  	vm13 =	vgt.s32 v11, $0x0;
	v11 =	vsub.s32 $0x0, v12;
	v63 =	vld [tilespmem:s2+$0x0];
	v13 =	vnsel vm12, $0x0, v13  }
0x19d: {  	s25 =	sadd.s32 $0x10, s0;
	v11 =	vand.u32 $0x7F, v11;
	[tilespmem:s1+$0x0] =	vst v13;
	v10 =	vsub.f32 v18, v21;
	v62 =	vcvt.s32.f32 v16  }
0x19e: {  	vm14 =	vgt.s32 v9, $0x0;
	[tilespmem:s25+$0x0] =	vst v11;
	v11 =	vsub.s32 $0x0, v14  }
0x19f: {  	[tilespmem:s0+$0x0] =	vst v15;
	s26 =	sadd.s32 $0x10, s1;
	s9 =	simm.s32 $0x0;
	v10 =	vnsel vm13, $0x0, v10;
	v9 =	vcvt.s32.f32 v17;
	v12 =	vsub.f32 v20, v62  }
0x1a0: {  	s0 =	sadd.s32 $0x10, s25;
	v15 =	vmov s9;
	[tilespmem:s26+$0x0] =	vst v10;
	v10 =	vand.u32 $0x7F, v11  }
0x1a1: {  	p4 =	por $0x1, $0x1;
	s1 =	sadd.s32 $0x10, s26;
	[tilespmem:s0+$0x0] =	vst v10;
	v10 =	vsub.s32 $0x0, v16;
	v9 =	vsub.f32 v63, v9;
	v11 =	vnsel vm14, $0x0, v12  }
.Ltmp9:
0x1a2: {  	vm15 =	vgt.s32 v8, $0x0;
	s0 =	sadd.s32 $0x10, s0;
	v10 =	vand.u32 $0x7F, v10;
	[tilespmem:s1+$0x0] =	vst v11;
	(pc) =	sbr.rel @!p4 .LBB2_16-.Ltmp9, $4  }
0x1a3: {  	s1 =	sadd.s32 $0x10, s1;
	v8 =	vnsel vm15, $0x0, v9;
	v9 =	vsub.s32 $0x0, v17;
	[tilespmem:s0+$0x0] =	vst v10  }
0x1a4: {  	s15 =	simm.s32 $0xF080;
	s0 =	sadd.s32 $0x10, s0;
	[tilespmem:s1+$0x0] =	vst v8;
	v8 =	vand.u32 $0x7F, v9  }
0x1a5: {  	p1 =	por $0x0, $0x0;
	p2 =	por $0x0, $0x0;
	p3 =	por $0x0, $0x0;
	[tilespmem:s0+$0x0] =	vst v8  }
0x1a6: {  	s2 =	simm.s32 $0x1;
	s0 =	simm.s32 $0x2;
	v9 =	vld.idx.msk [tilespmem:v15+s24+$0x0], $0xffff;
	[dreg:$0x1f] =	wrdreg s17  }
0x1a7: {  	v8 =	vmov s2;
	_ =	sdelay $0x4  }
0x1a8: {  	v11 =	vld.idx.msk [tilespmem:v8+s24+$0x0], $0xffff;
	_ =	sdelay $0x4  }
0x1a9: {  	v10 =	vadd.s32 v0, v11  }
0x1aa: {  	v12 =	vshll.u32 v8, $0x7;
	v10 =	vand.u32 $0x7F, v10  }
0x1ab: {  	v13 =	vor.u32 v12, v10;
	_ =	sdelay $0x1  }
0x1ac: {  	v14 =	vadd.s32 v0, v9  }
0x1ad: {  	v16 =	vld.idx.msk [tilespmem:v15+s8+$0x0], $0xffff;
	v14 =	vand.u32 $0x7F, v14;
	v10 =	vshll.u32 v15, $0x7  }
0x1ae: {  	v8 =	vld.idx.msk [tilespmem:v8+s8+$0x0], $0xffff;
	v14 =	vor.u32 v10, v14  }
0x1af: {  	p4 =	por $0x1, $0x1;
	v15 =	vmov s0;
	v13 =	vld.idx.msk [tilespmem:v13+s3+$0x0], $0xffff  }
.Ltmp10:
0x1b0: {  	_ = 	snop;
	(pc) =	sbr.rel @!p4 .LBB2_18-.Ltmp10, $4  }
0x1b1: {  	_ = 	snop  }
0x1b2: {  	v18 =	vadd.s32 v1, v9;
	vm7 =	vgt.s32 v16, $0x0;
	v17 =	vadd.s32 v1, v11  }
0x1b3: {  	vm3 =	vgt.s32 v8, $0x0;
	v17 =	vand.u32 $0x7F, v17;
	v23 =	vld.idx.msk [tilespmem:v14+s3+$0x0], $0xffff;
	v14 =	vand.u32 $0x7F, v18  }
0x1b4: {  	s2 =	simm.s32 $0x3;
	p1 =	por $0x1, $0x1;
	v25 =	vor.u32 v12, v17;
	s0 =	simm.s32 $0x4;
	v8 =	vld.idx.msk [tilespmem:v15+s24+$0x0], $0xffff;
	v27 =	vor.u32 v10, v14;
	v32 =	vnsel vm3, $0x0, v13  }
0x1b5: {  	_ =	sdelay $0x1  }
0x1b6: {  	v16 =	vmov s2  }
0x1b7: {  	[tilespmem:s15+$0x0] =	vst v32  }
0x1b8: {  	v17 =	vadd.s32 v2, v11;
	v14 =	vld.idx.msk [tilespmem:v25+s3+$0x0], $0xffff;
	v13 =	vnsel vm7, $0x0, v23  }
0x1b9: {  	[tilespmem:s15+$0xFFFFFF80] =	vst v13;
	v13 =	vand.u32 $0x7F, v17  }
0x1ba: {  	v17 =	vld.idx.msk [tilespmem:v27+s3+$0x0], $0xffff;
	v18 =	vor.u32 v12, v13  }
0x1bb: {  	v13 =	vld.idx.msk [tilespmem:v16+s24+$0x0], $0xffff;
	_ =	sdelay $0x1  }
0x1bc: {  	v19 =	vadd.s32 v2, v9;
	v14 =	vnsel vm3, $0x0, v14  }
0x1bd: {  	v19 =	vand.u32 $0x7F, v19;
	[tilespmem:s15+$0x10] =	vst v14  }
0x1be: {  	vm0 =	vmmov vm7;
	v19 =	vor.u32 v10, v19;
	v14 =	vadd.s32 v3, v11;
	v18 =	vld.idx.msk [tilespmem:v18+s3+$0x0], $0xffff  }
0x1bf: {  	v21 =	vand.u32 $0x7F, v14;
	v17 =	vnsel vm0, $0x0, v17;
	v20 =	vadd.s32 v0, v13  }
0x1c0: {  	v14 =	vshll.u32 v16, $0x7;
	[tilespmem:s15+$0xFFFFFF90] =	vst v17;
	v17 =	vand.u32 $0x7F, v20;
	v20 =	vor.u32 v12, v21  }
0x1c1: {  	v24 =	vld.idx.msk [tilespmem:v15+s8+$0x0], $0xffff;
	v22 =	vor.u32 v14, v17  }
0x1c2: {  	v26 =	vld.idx.msk [tilespmem:v16+s8+$0x0], $0xffff;
	v21 =	vadd.s32 v0, v8  }
0x1c3: {  	v19 =	vld.idx.msk [tilespmem:v19+s3+$0x0], $0xffff;
	v17 =	vshll.u32 v15, $0x7;
	v21 =	vand.u32 $0x7F, v21;
	v15 =	vnsel vm3, $0x0, v18  }
0x1c4: {  	v23 =	vadd.s32 v3, v9;
	v21 =	vor.u32 v17, v21;
	[tilespmem:s15+$0x20] =	vst v15  }
0x1c5: {  	v27 =	vadd.s32 v1, v8;
	v18 =	vand.u32 $0x7F, v23;
	v15 =	vmov s0;
	v20 =	vld.idx.msk [tilespmem:v20+s3+$0x0], $0xffff  }
0x1c6: {  	vm1 =	vmmov vm3;
	p4 =	por $0x1, $0x1;
	v27 =	vand.u32 $0x7F, v27;
	v16 =	vor.u32 v10, v18;
	v28 =	vld.idx.msk [tilespmem:v22+s3+$0x0], $0xffff  }
.Ltmp11:
0x1c7: {  	vm7 =	vgt.s32 v24, $0x0;
	v25 =	vadd.s32 v1, v13;
	v27 =	vor.u32 v17, v27;
	(pc) =	sbr.rel @!p4 .LBB2_20-.Ltmp11, $4  }
0x1c8: {  	vm3 =	vgt.s32 v26, $0x0;
	v18 =	vnsel vm0, $0x0, v19;
	v22 =	vadd.s32 v4, v11  }
0x1c9: {  	v19 =	vadd.s32 v4, v9;
	v23 =	vld.idx.msk [tilespmem:v21+s3+$0x0], $0xffff;
	v21 =	vand.u32 $0x7F, v22;
	v22 =	vand.u32 $0x7F, v25  }
0x1ca: {  	s2 =	simm.s32 $0x5;
	[tilespmem:s15+$0xFFFFFFA0] =	vst v18;
	v19 =	vand.u32 $0x7F, v19;
	v25 =	vor.u32 v14, v22;
	v22 =	vld.idx.msk [tilespmem:v15+s24+$0x0], $0xffff;
	v20 =	vnsel vm1, $0x0, v20  }
0x1cb: {  	s16 =	simm.s32 $0xF180;
	p2 =	por $0x1, $0x1;
	s0 =	simm.s32 $0x6;
	v18 =	vor.u32 v12, v21;
	v19 =	vor.u32 v10, v19;
	v16 =	vld.idx.msk [tilespmem:v16+s3+$0x0], $0xffff;
	v32 =	vnsel vm3, $0x0, v28;
	[tilespmem:s15+$0x30] =	vst v20  }
0x1cc: {  	_ =	sdelay $0x3  }
0x1cd: {  	v20 =	vmov s2;
	v26 =	vld.idx.msk [tilespmem:v18+s3+$0x0], $0xffff;
	[tilespmem:s16+$0x0] =	vst v32;
	v24 =	vadd.s32 v5, v11;
	vm2 =	vmmov vm0  }
0x1ce: {  	v28 =	vadd.s32 v2, v13;
	vm4 =	vmmov vm7;
	v25 =	vld.idx.msk [tilespmem:v25+s3+$0x0], $0xffff;
	v21 =	vnsel vm7, $0x0, v23  }
0x1cf: {  	vm5 =	vmmov vm1;
	[tilespmem:s16+$0xFFFFFF80] =	vst v21;
	v21 =	vand.u32 $0x7F, v24;
	v23 =	vnsel vm0, $0x0, v16  }
0x1d0: {  	v24 =	vadd.s32 v2, v8;
	v27 =	vld.idx.msk [tilespmem:v27+s3+$0x0], $0xffff;
	[tilespmem:s15+$0xFFFFFFB0] =	vst v23;
	v23 =	vand.u32 $0x7F, v28;
	v28 =	vor.u32 v12, v21  }
0x1d1: {  	v61 =	vadd.s32 v3, v8;
	v30 =	vand.u32 $0x7F, v24;
	v29 =	vld.idx.msk [tilespmem:v19+s3+$0x0], $0xffff;
	v23 =	vor.u32 v14, v23  }
0x1d2: {  	v60 =	vadd.s32 v0, v22;
	v21 =	vadd.s32 v5, v9;
	v24 =	vld.idx.msk [tilespmem:v20+s24+$0x0], $0xffff;
	v30 =	vor.u32 v17, v30  }
0x1d3: {  	v26 =	vnsel vm1, $0x0, v26;
	v21 =	vand.u32 $0x7F, v21;
	v25 =	vnsel vm3, $0x0, v25  }
0x1d4: {  	[tilespmem:s15+$0x40] =	vst v26;
	v26 =	vand.u32 $0x7F, v60;
	v31 =	vor.u32 v10, v21;
	v21 =	vshll.u32 v15, $0x7  }
0x1d5: {  	[tilespmem:s16+$0x10] =	vst v25;
	v27 =	vnsel vm4, $0x0, v27;
	v25 =	vld.idx.msk [tilespmem:v28+s3+$0x0], $0xffff;
	v28 =	vor.u32 v21, v26;
	v26 =	vadd.s32 v6, v11  }
0x1d6: {  	[tilespmem:s16+$0xFFFFFF90] =	vst v27;
	v23 =	vld.idx.msk [tilespmem:v23+s3+$0x0], $0xffff;
	v27 =	vnsel vm2, $0x0, v29;
	v29 =	vadd.s32 v3, v13;
	v26 =	vand.u32 $0x7F, v26  }
0x1d7: {  	[tilespmem:s15+$0xFFFFFFC0] =	vst v27;
	v27 =	vadd.s32 v0, v24;
	v29 =	vand.u32 $0x7F, v29;
	v33 =	vor.u32 v12, v26  }
0x1d8: {  	v30 =	vld.idx.msk [tilespmem:v30+s3+$0x0], $0xffff;
	v26 =	vshll.u32 v20, $0x7;
	v27 =	vand.u32 $0x7F, v27;
	v29 =	vor.u32 v14, v29  }
0x1d9: {  	v34 =	vadd.s32 v6, v9;
	vm6 =	vmmov vm3;
	v31 =	vld.idx.msk [tilespmem:v31+s3+$0x0], $0xffff;
	v27 =	vor.u32 v26, v27  }
0x1da: {  	v35 =	vld.idx.msk [tilespmem:v15+s8+$0x0], $0xffff;
	v62 =	vadd.s32 v7, v9;
	v32 =	vand.u32 $0x7F, v61;
	v25 =	vnsel vm5, $0x0, v25  }
0x1db: {  	v34 =	vand.u32 $0x7F, v34;
	v32 =	vor.u32 v17, v32;
	v20 =	vld.idx.msk [tilespmem:v20+s8+$0x0], $0xffff;
	v23 =	vnsel vm3, $0x0, v23;
	[tilespmem:s15+$0x50] =	vst v25  }
0x1dc: {  	v38 =	vadd.s32 v4, v8;
	v34 =	vor.u32 v10, v34;
	v15 =	vmov s0;
	[tilespmem:s16+$0x20] =	vst v23;
	v36 =	vld.idx.msk [tilespmem:v33+s3+$0x0], $0xffff  }
0x1dd: {  	vm2 =	vmmov vm2;
	v25 =	vnsel vm4, $0x0, v30;
	v23 =	vadd.s32 v7, v11;
	v37 =	vld.idx.msk [tilespmem:v29+s3+$0x0], $0xffff  }
0x1de: {  	v31 =	vnsel vm2, $0x0, v31;
	v29 =	vadd.s32 v4, v13;
	v23 =	vand.u32 $0x7F, v23;
	v39 =	vld.idx.msk [tilespmem:v27+s3+$0x0], $0xffff  }
0x1df: {  	p4 =	por $0x1, $0x1;
	[tilespmem:s16+$0xFFFFFFA0] =	vst v25;
	v27 =	vadd.s32 v1, v24;
	v29 =	vand.u32 $0x7F, v29;
	v40 =	vor.u32 v12, v23;
	v23 =	vld.idx.msk [tilespmem:v28+s3+$0x0], $0xffff  }
.Ltmp12:
0x1e0: {  	v25 =	vadd.s32 v1, v22;
	[tilespmem:s15+$0xFFFFFFD0] =	vst v31;
	v27 =	vand.u32 $0x7F, v27;
	v30 =	vor.u32 v14, v29;
	v29 =	vld.idx.msk [tilespmem:v32+s3+$0x0], $0xffff;
	(pc) =	sbr.rel @!p4 .LBB2_22-.Ltmp12, $4  }
0x1e1: {  	v41 =	vand.u32 $0x7F, v62;
	v28 =	vand.u32 $0x7F, v25;
	v33 =	vld.idx.msk [tilespmem:v34+s3+$0x0], $0xffff;
	v25 =	vor.u32 v26, v27  }
0x1e2: {  	v31 =	vand.u32 $0x7F, v38;
	v27 =	vor.u32 v21, v28;
	v63 =	vnsel vm5, $0x0, v36  }
0x1e3: {  	s2 =	simm.s32 $0x7;
	s5 =	simm.s32 $0x8;
	p3 =	por $0x1, $0x1;
	vm3 =	vgt.s32 v20, $0x0;
	v31 =	vor.u32 v17, v31;
	v28 =	vld.idx.msk [tilespmem:v15+s24+$0x0], $0xffff;
	v20 =	vnsel vm6, $0x0, v37;
	[tilespmem:s15+$0x60] =	vst v63  }
0x1e4: {  	s1 =	simm.s32 $0xF180;
	s17 =	simm.s32 $0xF080;
	vm7 =	vgt.s32 v35, $0x0;
	s0 =	simm.s32 $0xF280;
	v32 =	vnsel vm3, $0x0, v39;
	[tilespmem:s16+$0x30] =	vst v20;
	v20 =	vor.u32 v10, v41;
	v37 =	vld.idx.msk [tilespmem:v40+s3+$0x0], $0xffff  }
.LBB2_23:
0x1e5: {  	p4 =	slt.u32 s5, $0x9E;
	v35 =	vmov s2;
	v23 =	vnsel vm7, $0x0, v23;
	[tilespmem:s0+$0x0] =	vst v32;
	v29 =	vnsel vm4, $0x0, v29;
	v30 =	vld.idx.msk [tilespmem:v30+s3+$0x0], $0xffff;
	v34 =	vmovc v21  }
0x1e6: {  	v21 =	vadd.s32 v5, v13;
	vm8 =	vmmov vm4;
	[tilespmem:s0+$0xFFFFFF80] =	vst v23;
	v23 =	vld.idx.msk [tilespmem:v25+s3+$0x0], $0xffff;
	v25 =	vnsel vm2, $0x0, v33  }
0x1e7: {  	v32 =	vadd.s32 v2, v24;
	vm4 =	vmmov vm7;
	v21 =	vand.u32 $0x7F, v21;
	v27 =	vld.idx.msk [tilespmem:v27+s3+$0x0], $0xffff;
	[tilespmem:s1+$0xFFFFFFB0] =	vst v29  }
0x1e8: {  	v32 =	vand.u32 $0x7F, v32;
	v29 =	vadd.s32 v2, v22;
	v33 =	vor.u32 v14, v21;
	v31 =	vld.idx.msk [tilespmem:v31+s3+$0x0], $0xffff;
	[tilespmem:s17+$0xFFFFFFE0] =	vst v25  }
0x1e9: {  	v21 =	vand.u32 $0x7F, v29;
	v25 =	vor.u32 v26, v32;
	v29 =	vadd.s32 v5, v8;
	v20 =	vld.idx.msk [tilespmem:v20+s3+$0x0], $0xffff  }
0x1ea: {  	v36 =	vor.u32 v34, v21;
	v21 =	vand.u32 $0x7F, v29;
	v29 =	vnsel vm5, $0x0, v37;
	v32 =	vld.idx.msk [tilespmem:v35+s24+$0x0], $0xffff  }
0x1eb: {  	vm5 =	vmmov vm6;
	v37 =	vor.u32 v17, v21;
	v30 =	vnsel vm6, $0x0, v30;
	[tilespmem:s17+$0x70] =	vst v29  }
0x1ec: {  	v21 =	vshll.u32 v15, $0x7;
	v29 =	vadd.s32 v0, v28;
	v23 =	vnsel vm3, $0x0, v23;
	[tilespmem:s1+$0x40] =	vst v30  }
0x1ed: {  	v29 =	vand.u32 $0x7F, v29;
	v27 =	vnsel vm4, $0x0, v27;
	v30 =	vadd.s32 v3, v22;
	[tilespmem:s0+$0x10] =	vst v23;
	v33 =	vld.idx.msk [tilespmem:v33+s3+$0x0], $0xffff  }
0x1ee: {  	v23 =	vor.u32 v21, v29;
	v29 =	vadd.s32 v6, v13;
	[tilespmem:s0+$0xFFFFFF90] =	vst v27;
	v25 =	vld.idx.msk [tilespmem:v25+s3+$0x0], $0xffff;
	v27 =	vnsel vm8, $0x0, v31  }
0x1ef: {  	v20 =	vnsel vm2, $0x0, v20;
	v31 =	vld.idx.msk [tilespmem:v36+s3+$0x0], $0xffff;
	v36 =	vadd.s32 v3, v24;
	[tilespmem:s1+$0xFFFFFFC0] =	vst v27;
	v27 =	vand.u32 $0x7F, v29  }
0x1f0: {  	v29 =	vadd.s32 v0, v32;
	v36 =	vand.u32 $0x7F, v36;
	v37 =	vld.idx.msk [tilespmem:v37+s3+$0x0], $0xffff;
	v27 =	vor.u32 v14, v27;
	[tilespmem:s17+$0xFFFFFFF0] =	vst v20;
	s17 =	smov.u32 s1;
	s1 =	smov.u32 s0  }
0x1f1: {  	v38 =	vshll.u32 v35, $0x7;
	v20 =	vand.u32 $0x7F, v29;
	v29 =	vor.u32 v26, v36  }
0x1f2: {  	v20 =	vor.u32 v38, v20;
	v36 =	vld.idx.msk [tilespmem:v15+s8+$0x0], $0xffff;
	v15 =	vand.u32 $0x7F, v30;
	v30 =	vadd.s32 v6, v8  }
0x1f3: {  	v23 =	vld.idx.msk [tilespmem:v23+s3+$0x0], $0xffff;
	v39 =	vor.u32 v34, v15;
	v15 =	vand.u32 $0x7F, v30;
	v30 =	vnsel vm5, $0x0, v33  }
0x1f4: {  	vm6 =	vmmov vm3;
	v25 =	vnsel vm3, $0x0, v25;
	v35 =	vld.idx.msk [tilespmem:v35+s8+$0x0], $0xffff;
	v33 =	vor.u32 v17, v15;
	[tilespmem:s17+$0x50] =	vst v30  }
0x1f5: {  	vm2 =	vmmov vm8;
	v15 =	vmov s5;
	v30 =	vnsel vm4, $0x0, v31;
	[tilespmem:s0+$0x20] =	vst v25;
	v31 =	vld.idx.msk [tilespmem:v27+s3+$0x0], $0xffff  }
0x1f6: {  	v41 =	vadd.s32 v7, v13;
	v8 =	vadd.s32 v7, v8;
	v25 =	vnsel vm2, $0x0, v37;
	[tilespmem:s0+$0xFFFFFFA0] =	vst v30;
	v40 =	vld.idx.msk [tilespmem:v29+s3+$0x0], $0xffff  }
0x1f7: {  	v37 =	vadd.s32 v4, v22;
	v27 =	vadd.s32 v4, v24;
	v30 =	vand.u32 $0x7F, v41;
	v20 =	vld.idx.msk [tilespmem:v20+s3+$0x0], $0xffff;
	[tilespmem:s17+$0xFFFFFFD0] =	vst v25  }
0x1f8: {  	v13 =	vmovc v24;
	v27 =	vand.u32 $0x7F, v27;
	v25 =	vadd.s32 v1, v32;
	v29 =	vld.idx.msk [tilespmem:v39+s3+$0x0], $0xffff;
	v39 =	vor.u32 v14, v30  }
.Ltmp13:
0x1f9: {  	v42 =	vadd.s32 v1, v28;
	v24 =	vmovc v32;
	v25 =	vand.u32 $0x7F, v25;
	v30 =	vor.u32 v26, v27;
	v33 =	vld.idx.msk [tilespmem:v33+s3+$0x0], $0xffff;
	(pc) =	sbr.rel @p4 .LBB2_23-.Ltmp13, $4  }
0x1fa: {  	v41 =	vand.u32 $0x7F, v8;
	v27 =	vand.u32 $0x7F, v42;
	v14 =	vmovc v26;
	v26 =	vmovc v38;
	v25 =	vor.u32 v38, v25  }
0x1fb: {  	v8 =	vmovc v22;
	v22 =	vmovc v28;
	v32 =	vand.u32 $0x7F, v37;
	v27 =	vor.u32 v21, v27;
	v37 =	vnsel vm5, $0x0, v31  }
0x1fc: {  	vm3 =	vgt.s32 v35, $0x0;
	v31 =	vor.u32 v34, v32;
	v35 =	vnsel vm6, $0x0, v40;
	v28 =	vld.idx.msk [tilespmem:v15+s24+$0x0], $0xffff;
	[tilespmem:s17+$0x60] =	vst v37  }
0x1fd: {  	s2 =	sadd.s32 $0x1, s5;
	s5 =	sadd.s32 $0x2, s5;
	s0 =	sadd.s32 $0x100, s0;
	vm7 =	vgt.s32 v36, $0x0;
	v32 =	vnsel vm3, $0x0, v20;
	v20 =	vor.u32 v17, v41;
	v17 =	vmovc v34;
	[tilespmem:s1+$0x30] =	vst v35;
	v37 =	vld.idx.msk [tilespmem:v39+s3+$0x0], $0xffff  }
0x1fe: {  	_ =	sdelay $0x1  }
0x1ff: {  	v35 =	vmov v13;
	v36 =	vmov v14  }
0x200: {  	v34 =	vmovc v8;
	v13 =	vmovc v24;
	v24 =	vmov v22;
	v14 =	vmov v26;
	v8 =	vmov v28  }
.LBB2_25:
0x201: {  	v28 =	vmov s2;
	_ =	sdelay $0x1  }
0x202: {  	v22 =	vnsel @p1 vm7, $0x0, v23  }
0x203: {  	[tilespmem:s0+$0xFFFFFF80] =	vst @p1 v22  }
0x204: {  	v23 =	vld.idx.msk @p1 [tilespmem:v27+s3+$0x0], $0xffff  }
0x205: {  	v22 =	vld.idx.msk [tilespmem:v28+s24+$0x0], $0xffff  }
0x206: {  	v26 =	vadd.s32 @p1 v2, v24  }
0x207: {  	v29 =	vnsel @p2 vm4, $0x0, v29;
	v39 =	vadd.s32 @p2 v5, v35;
	vm8 =	vmmov @p1 vm7  }
0x208: {  	vm7 =	vmmov @p2 vm4;
	v51 =	vadd.s32 v0, v8;
	v27 =	vmovc @p1 v21;
	v21 =	vand.u32 @p1 $0x7F, v26  }
0x209: {  	[tilespmem:s0+$0x0] =	vst @p1 v32;
	v40 =	vadd.s32 @p1 v2, v13;
	v38 =	vor.u32 @p1 v27, v21;
	v21 =	vnsel @p1 vm8, $0x0, v23  }
0x20a: {  	v32 =	vld.idx.msk @p1 [tilespmem:v25+s3+$0x0], $0xffff;
	v25 =	vand.u32 $0x7F, v51;
	[tilespmem:s0+$0xFFFFFF90] =	vst @p1 v21;
	v21 =	vshll.u32 v15, $0x7;
	v50 =	vadd.s32 v0, v22  }
0x20b: {  	v23 =	vshll.u32 v28, $0x7;
	v41 =	vor.u32 v21, v25;
	v52 =	vand.u32 $0x7F, v50  }
0x20c: {  	vm4 =	vmmov @p2 vm6;
	v26 =	vnsel @p3 vm2, $0x0, v33;
	v28 =	vld.idx.msk [tilespmem:v28+s8+$0x0], $0xffff;
	v33 =	vor.u32 v23, v52  }
0x20d: {  	v55 =	vadd.s32 v1, v8;
	v60 =	vadd.s32 v2, v8;
	v63 =	vadd.s32 v3, v8  }
0x20e: {  	v30 =	vld.idx.msk @p2 [tilespmem:v30+s3+$0x0], $0xffff;
	v11 =	vpsel p1, v13, v11;
	v43 =	vadd.s32 v4, v8;
	v39 =	vand.u32 @p2 $0x7F, v39  }
0x20f: {  	v53 =	vld.idx.msk [tilespmem:v15+s8+$0x0], $0xffff;
	v39 =	vor.u32 @p2 v36, v39;
	v25 =	vand.u32 @p1 $0x7F, v40;
	v40 =	vadd.s32 @p2 v5, v34  }
0x210: {  	[tilespmem:s1+$0xFFFFFFB0] =	vst @p2 v29;
	v29 =	vor.u32 @p1 v14, v25;
	v40 =	vand.u32 @p2 $0x7F, v40;
	v25 =	vnsel @p3 vm5, $0x0, v37;
	v41 =	vld.idx.msk [tilespmem:v41+s3+$0x0], $0xffff  }
0x211: {  	v54 =	vadd.s32 v1, v22;
	vm11 =	vgt.s32 v28, $0x0;
	v28 =	vand.u32 $0x7F, v55;
	v33 =	vld.idx.msk [tilespmem:v33+s3+$0x0], $0xffff  }
0x212: {  	v37 =	vor.u32 @p2 v17, v40;
	v40 =	vand.u32 $0x7F, v54;
	v28 =	vor.u32 v21, v28  }
0x213: {  	v30 =	vnsel @p2 vm6, $0x0, v30;
	v15 =	vadd.s32 @p2 v6, v35;
	v40 =	vor.u32 v23, v40  }
0x214: {  	s2 =	sadd.s32 @p1 $0x100, s0;
	vm12 =	vgt.s32 v53, $0x0;
	v32 =	vnsel @p1 vm3, $0x0, v32;
	[tilespmem:s1+$0x40] =	vst @p2 v30;
	v15 =	vand.u32 @p2 $0x7F, v15  }
0x215: {  	s16 =	smov.u32 @p1 s2;
	v31 =	vld.idx.msk @p2 [tilespmem:v31+s3+$0x0], $0xffff;
	v30 =	vadd.s32 @p1 v3, v24;
	[tilespmem:s0+$0x10] =	vst @p1 v32;
	v42 =	vor.u32 @p2 v36, v15;
	v57 =	vnsel vm12, $0x0, v41  }
0x216: {  	v32 =	vld.idx.msk @p2 [tilespmem:v39+s3+$0x0], $0xffff;
	v15 =	vand.u32 @p1 $0x7F, v30;
	v30 =	vadd.s32 @p2 v7, v35;
	[tilespmem:s16+$0xFFFFFF80] =	vst v57;
	v56 =	vnsel vm11, $0x0, v33  }
0x217: {  	v12 =	vpsel p1, v14, v12;
	v35 =	vor.u32 @p1 v27, v15;
	v15 =	vand.u32 @p2 $0x7F, v30;
	v28 =	vld.idx.msk [tilespmem:v28+s3+$0x0], $0xffff;
	[tilespmem:s16+$0x0] =	vst v56  }
0x218: {  	v59 =	vadd.s32 v2, v22;
	v15 =	vor.u32 @p2 v36, v15;
	v36 =	vand.u32 $0x7F, v60;
	v58 =	vld.idx.msk [tilespmem:v40+s3+$0x0], $0xffff  }
0x219: {  	v9 =	vpsel p1, v24, v9;
	v36 =	vor.u32 v21, v36;
	v29 =	vld.idx.msk @p1 [tilespmem:v29+s3+$0x0], $0xffff;
	v33 =	vand.u32 $0x7F, v59  }
0x21a: {  	v49 =	vadd.s32 v5, v8;
	v31 =	vnsel @p2 vm7, $0x0, v31;
	v38 =	vld.idx.msk @p1 [tilespmem:v38+s3+$0x0], $0xffff;
	v33 =	vor.u32 v23, v33  }
0x21b: {  	vm6 =	vmmov vm12;
	v39 =	vadd.s32 @p1 v3, v13;
	[tilespmem:s1+$0xFFFFFFC0] =	vst @p2 v31;
	v32 =	vnsel @p2 vm4, $0x0, v32  }
0x21c: {  	v39 =	vand.u32 @p1 $0x7F, v39;
	v31 =	vadd.s32 @p2 v6, v34;
	[tilespmem:s1+$0x50] =	vst @p2 v32;
	v28 =	vnsel vm6, $0x0, v28  }
0x21d: {  	v31 =	vand.u32 @p2 $0x7F, v31;
	v32 =	vld.idx.msk @p2 [tilespmem:v37+s3+$0x0], $0xffff;
	v37 =	vor.u32 @p1 v14, v39;
	[tilespmem:s16+$0xFFFFFF90] =	vst v28;
	v30 =	vnsel vm11, $0x0, v58  }
0x21e: {  	v34 =	vadd.s32 @p2 v7, v34;
	v62 =	vadd.s32 v3, v22;
	v29 =	vnsel @p1 vm3, $0x0, v29;
	v40 =	vld.idx.msk [tilespmem:v36+s3+$0x0], $0xffff;
	[tilespmem:s16+$0x10] =	vst v30  }
0x21f: {  	v38 =	vnsel @p1 vm8, $0x0, v38;
	[tilespmem:s0+$0x20] =	vst @p1 v29;
	v29 =	vand.u32 $0x7F, v63;
	v30 =	vadd.s32 @p1 v4, v13;
	v61 =	vld.idx.msk [tilespmem:v33+s3+$0x0], $0xffff  }
0x220: {  	[tilespmem:s0+$0xFFFFFFA0] =	vst @p1 v38;
	v29 =	vor.u32 v21, v29;
	v33 =	vand.u32 $0x7F, v62;
	v30 =	vand.u32 @p1 $0x7F, v30  }
0x221: {  	v31 =	vor.u32 @p2 v17, v31;
	v35 =	vld.idx.msk @p1 [tilespmem:v35+s3+$0x0], $0xffff;
	v33 =	vor.u32 v23, v33;
	v30 =	vor.u32 @p1 v14, v30  }
0x222: {  	v34 =	vand.u32 @p2 $0x7F, v34;
	v36 =	vld.idx.msk @p1 [tilespmem:v37+s3+$0x0], $0xffff;
	v18 =	vpsel p1, v30, v18;
	v30 =	vadd.s32 @p1 v4, v24  }
0x223: {  	v17 =	vor.u32 @p2 v17, v34;
	v34 =	vnsel vm6, $0x0, v40;
	v30 =	vand.u32 @p1 $0x7F, v30  }
0x224: {  	vm0 =	vmmov @p1 vm8;
	v38 =	vld.idx.msk @p2 [tilespmem:v42+s3+$0x0], $0xffff;
	[tilespmem:s16+$0xFFFFFFA0] =	vst v34;
	v30 =	vor.u32 @p1 v27, v30;
	v28 =	vnsel vm11, $0x0, v61  }
0x225: {  	v51 =	vand.u32 $0x7F, v49;
	v42 =	vadd.s32 v4, v22;
	v29 =	vld.idx.msk [tilespmem:v29+s3+$0x0], $0xffff;
	v19 =	vpsel p1, v30, v19;
	[tilespmem:s16+$0x20] =	vst v28  }
0x226: {  	vm3 =	vmmov @p1 vm3;
	v16 =	vpsel p1, v35, v16;
	v13 =	vand.u32 $0x7F, v43;
	v41 =	vld.idx.msk [tilespmem:v33+s3+$0x0], $0xffff  }
0x227: {  	v13 =	vor.u32 v21, v13;
	v28 =	vnsel @p1 vm3, $0x0, v36;
	v33 =	vand.u32 $0x7F, v42  }
0x228: {  	s15 =	smov.u32 @p1 s0;
	vm7 =	vmmov @p2 vm7;
	v16 =	vnsel @p1 vm0, $0x0, v16;
	v24 =	vmovc @p1 v27;
	[tilespmem:s0+$0x30] =	vst @p1 v28;
	v44 =	vor.u32 v23, v33  }
0x229: {  	vm5 =	vmmov vm11;
	[tilespmem:s15+$0xFFFFFFB0] =	vst @p1 v16;
	v10 =	vpsel p1, v24, v10;
	v28 =	vadd.s32 @p1 v5, v11;
	v18 =	vld.idx.msk @p1 [tilespmem:v18+s3+$0x0], $0xffff  }
0x22a: {  	v27 =	vadd.s32 @p1 v5, v9;
	v16 =	vand.u32 @p1 $0x7F, v28;
	v46 =	vnsel vm6, $0x0, v29;
	v19 =	vld.idx.msk @p1 [tilespmem:v19+s3+$0x0], $0xffff  }
0x22b: {  	v24 =	vand.u32 @p1 $0x7F, v27;
	v16 =	vor.u32 @p1 v12, v16;
	[tilespmem:s16+$0xFFFFFFB0] =	vst v46;
	v45 =	vnsel vm5, $0x0, v41  }
0x22c: {  	vm13 =	vmmov vm6;
	v47 =	vadd.s32 v5, v22;
	v24 =	vor.u32 @p1 v10, v24;
	v13 =	vld.idx.msk [tilespmem:v13+s3+$0x0], $0xffff;
	[tilespmem:s16+$0x30] =	vst v45  }
0x22d: {  	v48 =	vand.u32 $0x7F, v47;
	v54 =	vadd.s32 v6, v8;
	vm1 =	vmmov @p1 vm3;
	v14 =	vld.idx.msk [tilespmem:v44+s3+$0x0], $0xffff  }
0x22e: {  	v27 =	vor.u32 v21, v51;
	vm3 =	vmmov @p1 vm0;
	v18 =	vnsel @p1 vm1, $0x0, v18  }
0x22f: {  	v8 =	vadd.s32 v7, v8;
	v50 =	vor.u32 v23, v48;
	[tilespmem:s15+$0x40] =	vst @p1 v18;
	v19 =	vnsel @p1 vm3, $0x0, v19  }
0x230: {  	vm15 =	vmmov vm13;
	v52 =	vadd.s32 v6, v22;
	v28 =	vadd.s32 @p1 v6, v11;
	v16 =	vld.idx.msk @p1 [tilespmem:v16+s3+$0x0], $0xffff;
	[tilespmem:s15+$0xFFFFFFC0] =	vst @p1 v19  }
0x231: {  	v19 =	vand.u32 @p1 $0x7F, v28;
	v28 =	vadd.s32 @p1 v6, v9;
	v13 =	vnsel vm13, $0x0, v13;
	v24 =	vld.idx.msk @p1 [tilespmem:v24+s3+$0x0], $0xffff  }
0x232: {  	v19 =	vor.u32 @p1 v12, v19;
	v28 =	vand.u32 @p1 $0x7F, v28;
	[tilespmem:s16+$0xFFFFFFC0] =	vst v13;
	v14 =	vnsel vm5, $0x0, v14  }
0x233: {  	v17 =	vpsel p2, v17, v0;
	v32 =	vnsel @p2 vm7, $0x0, v32;
	v27 =	vld.idx.msk [tilespmem:v27+s3+$0x0], $0xffff;
	[tilespmem:s16+$0x40] =	vst v14;
	v14 =	vor.u32 @p1 v10, v28  }
0x234: {  	v53 =	vand.u32 $0x7F, v52;
	[tilespmem:s1+$0xFFFFFFD0] =	vst @p2 v32;
	vm1 =	vmmov @p1 vm1;
	v28 =	vand.u32 $0x7F, v54;
	v18 =	vld.idx.msk [tilespmem:v50+s3+$0x0], $0xffff  }
0x235: {  	v30 =	vld.idx.msk @p2 [tilespmem:v31+s3+$0x0], $0xffff;
	s0 =	smov.u32 @p1 s15;
	vm6 =	vmmov @p1 vm3;
	v13 =	vnsel @p1 vm1, $0x0, v16;
	v55 =	vor.u32 v21, v28  }
0x236: {  	v8 =	vand.u32 $0x7F, v8;
	v16 =	vor.u32 v23, v53;
	[tilespmem:s0+$0x50] =	vst @p1 v13;
	v13 =	vnsel @p1 vm6, $0x0, v24  }
0x237: {  	vm14 =	vmmov vm5;
	v32 =	vnsel @p2 vm4, $0x0, v38;
	v11 =	vadd.s32 @p1 v7, v11;
	v19 =	vld.idx.msk @p1 [tilespmem:v19+s3+$0x0], $0xffff;
	[tilespmem:s0+$0xFFFFFFD0] =	vst @p1 v13  }
0x238: {  	[tilespmem:s1+$0x60] =	vst @p2 v32;
	v11 =	vand.u32 @p1 $0x7F, v11;
	v9 =	vadd.s32 @p1 v7, v9;
	v57 =	vnsel vm15, $0x0, v27;
	v13 =	vld.idx.msk @p1 [tilespmem:v14+s3+$0x0], $0xffff  }
0x239: {  	v15 =	vld.idx.msk @p2 [tilespmem:v15+s3+$0x0], $0xffff;
	v11 =	vor.u32 @p1 v12, v11;
	v9 =	vand.u32 @p1 $0x7F, v9;
	[tilespmem:s16+$0xFFFFFFD0] =	vst v57;
	v56 =	vnsel vm14, $0x0, v18  }
0x23a: {  	vm0 =	vmmov @p2 vm7;
	v29 =	vpsel p2, v30, v0;
	v9 =	vor.u32 @p1 v10, v9;
	v61 =	vld.idx.msk [tilespmem:v55+s3+$0x0], $0xffff;
	[tilespmem:s16+$0x50] =	vst v56  }
0x23b: {  	[tilespmem:s17+$0xFFFFFFE0] =	vst @p3 v26;
	v59 =	vadd.s32 v7, v22;
	s1 =	smov.u32 @p2 s1;
	v9 =	vpsel p1, v9, v0;
	v14 =	vnsel @p2 vm0, $0x0, v29;
	v58 =	vld.idx.msk [tilespmem:v16+s3+$0x0], $0xffff  }
0x23c: {  	v8 =	vor.u32 v21, v8;
	v60 =	vand.u32 $0x7F, v59;
	v18 =	vld.idx.msk @p3 [tilespmem:v20+s3+$0x0], $0xffff;
	[tilespmem:s1+$0xFFFFFFE0] =	vst @p2 v14;
	v14 =	vnsel @p1 vm1, $0x0, v19  }
0x23d: {  	v12 =	vor.u32 v23, v60;
	vm6 =	vmmov @p1 vm6;
	v17 =	vld.idx.msk @p2 [tilespmem:v17+s3+$0x0], $0xffff;
	[tilespmem:s0+$0x60] =	vst @p1 v14;
	v13 =	vpsel p1, v13, v0  }
0x23e: {  	[tilespmem:s17+$0x70] =	vst @p3 v25;
	s0 =	smov.u32 @p1 s0;
	v11 =	vld.idx.msk @p1 [tilespmem:v11+s3+$0x0], $0xffff;
	v13 =	vnsel @p1 vm6, $0x0, v13  }
0x23f: {  	v62 =	vnsel vm15, $0x0, v61;
	[tilespmem:s0+$0xFFFFFFE0] =	vst @p1 v13  }
0x240: {  	[tilespmem:s16+$0xFFFFFFE0] =	vst v62;
	v10 =	vnsel vm14, $0x0, v58;
	v9 =	vld.idx.msk @p1 [tilespmem:v9+s3+$0x0], $0xffff  }
0x241: {  	v14 =	vpsel p2, v15, v0;
	v13 =	vnsel @p3 vm2, $0x0, v18;
	vm2 =	vmmov @p2 vm4;
	v8 =	vld.idx.msk [tilespmem:v8+s3+$0x0], $0xffff;
	[tilespmem:s16+$0x60] =	vst v10  }
0x242: {  	[tilespmem:s17+$0xFFFFFFF0] =	vst @p3 v13;
	v10 =	vnsel @p2 vm2, $0x0, v14;
	v12 =	vld.idx.msk [tilespmem:v12+s3+$0x0], $0xffff  }
0x243: {  	v11 =	vpsel p1, v11, v0;
	[tilespmem:s1+$0x70] =	vst @p2 v10;
	v10 =	vnsel @p2 vm0, $0x0, v17;
	vm0 =	vmmov @p1 vm1  }
0x244: {  	[tilespmem:s1+$0xFFFFFFF0] =	vst @p2 v10;
	v10 =	vnsel @p1 vm0, $0x0, v11  }
0x245: {  	[tilespmem:s0+$0x70] =	vst @p1 v10;
	v9 =	vnsel @p1 vm6, $0x0, v9  }
0x246: {  	v8 =	vnsel vm15, $0x0, v8;
	[tilespmem:s0+$0xFFFFFFF0] =	vst @p1 v9  }
0x247: {  	[tilespmem:s16+$0xFFFFFFF0] =	vst v8;
	v63 =	vnsel vm14, $0x0, v12  }
0x248: {  	[tilespmem:s16+$0x70] =	vst v63  }
0x249: {  	s17 =	simm.s32 $0xF000;
	s0 =	rddreg [dreg:$0x12]  }
0x24a: {  	[hbm4b:s0+s9] =	stream.linear.scatter [tilespmem:s17], [sflag:$0x8], $0x5000, $0x38;
	[tilespmem:$0x14880] =	vst v63  }
0x24b: {  	s26 =	simm.s32 $0x14500;
	s25 =	rddreg [dreg:$0x13]  }
0x24c: {  	[hbm4b:s25+s9] =	stream.linear.scatter [tilespmem:s26], [sflag:$0xA], $0xA0, $0x38;
	[tilespmem:$0x14880] =	vst v63  }
.LBB2_26:
0x24d: {  	s15 =	sshll.u32 s9, $0x6;
	s0 =	rddreg [dreg:$0x14]  }
0x24e: {  	s0 =	sadd.s32 s0, s15  }
0x24f: {  	s25 =	smul.u32 $0xA00, s0  }
0x250: {  	s1 =	rddreg [dreg:$0x0]  }
0x251: {  	s26 =	smul.u32 $0x14, s0;
	s1 =	sadd.s32 s1, s25  }
0x252: {  	[tilespmem:s3], [sflag:$0x2] =	stream.linear.gather [hbm4b:s1+s7], $0x5000, $0x38;
	[tilespmem:$0x14880] =	vst v63  }
0x253: {  	s0 =	sadd.s32 s23, s26  }
0x254: {  	[tilespmem:s8], [sflag:$0x4] =	stream.linear.gather [hbm4b:s0+s7], $0xA0, $0x38;
	[tilespmem:$0x14880] =	vst v63  }
0x255: {  	s17 =	simm.s32 $0x14300;
	s16 =	sadd.s32 s22, s26  }
0x256: {  	[tilespmem:s17], [sflag:$0x6] =	stream.linear.gather [hbm4b:s16+s7], $0xA0, $0x38;
	[tilespmem:$0x14880] =	vst v63  }
0x257: {  	_ =	swait.ge [sflag:s10], $0x5000  }
0x258: {  	[sflag:s10] =	ssyncset.done $0x0  }
0x259: {  	[sflag:s10] =	ssyncadd.s32 $0xFFFFB000  }
0x25a: {  	_ =	swait.ge [sflag:s11], $0xA0  }
0x25b: {  	[sflag:s11] =	ssyncset.done $0x0  }
0x25c: {  	[sflag:s11] =	ssyncadd.s32 $0xFFFFFF60  }
0x25d: {  	_ =	swait.ge [sflag:s12], $0xA0  }
0x25e: {  	[sflag:s12] =	ssyncset.done $0x0  }
0x25f: {  	[sflag:s12] =	ssyncadd.s32 $0xFFFFFF60  }
0x260: {  	_ =	swait.ge [sflag:s29], $0x5000  }
0x261: {  	[sflag:s29] =	ssyncset.done $0x0  }
0x262: {  	[sflag:s29] =	ssyncadd.s32 $0xFFFFB000  }
0x263: {  	_ =	swait.ge [sflag:s30], $0xA0  }
0x264: {  	[sflag:s30] =	ssyncset.done $0x0  }
0x265: {  	s1 =	simm.s32 $0x14000;
	[sflag:s30] =	ssyncadd.s32 $0xFFFFFF60  }
0x266: {  	v8 =	vld [tilespmem:s1+$0x0];
	_ =	sdelay $0x4  }
0x267: {  	v9 =	vadd.s32 $0xFFFFFFFF, v8  }
0x268: {  	s2 =	simm.s32 $0x14010;
	vm0 =	vgt.s32 v9, $0x0  }
0x269: {  	v10 =	vld [tilespmem:s2+$0x0];
	v9 =	vnsel vm0, $0x0, v9;
	_ =	sdelay $0x2  }
0x26a: {  	s6 =	simm.s32 $0x14020  }
0x26b: {  	v11 =	vld [tilespmem:s6+$0x0]  }
0x26c: {  	v13 =	vld.idx.msk [tilespmem:v9+s28+$0x0], $0xffff;
	v9 =	vadd.s32 $0xFFFFFFFF, v10  }
0x26d: {  	s5 =	simm.s32 $0x14200;
	vm13 =	vgt.s32 v9, $0x0  }
0x26e: {  	v12 =	vld [tilespmem:s5+$0x0];
	v14 =	vnsel vm13, $0x0, v9;
	_ =	sdelay $0x1  }
0x26f: {  	s16 =	simm.s32 $0x14030  }
0x270: {  	s2 =	simm.s32 $0x14040;
	v16 =	vadd.s32 $0xFFFFFFFF, v11;
	v9 =	vld [tilespmem:s16+$0x0];
	v15 =	vcvt.s32.f32 v13  }
0x271: {  	vm14 =	vgt.s32 v8, $0x0;
	v8 =	vld [tilespmem:s2+$0x0];
	vm15 =	vgt.s32 v16, $0x0  }
0x272: {  	v15 =	vsub.f32 v12, v15;
	v12 =	vld.idx.msk [tilespmem:v14+s28+$0x0], $0xffff;
	v14 =	vnsel vm15, $0x0, v16  }
0x273: {  	s5 =	simm.s32 $0x14210  }
0x274: {  	s17 =	simm.s32 $0x14400;
	v17 =	vsub.s32 $0x0, v13;
	v13 =	vld [tilespmem:s5+$0x0];
	v15 =	vnsel vm14, $0x0, v15  }
0x275: {  	s0 =	simm.s32 $0x14600;
	s6 =	simm.s32 $0x40;
	s1 =	simm.s32 $0x14410;
	v16 =	vadd.s32 $0xFFFFFFFF, v9;
	[tilespmem:s17+$0x0] =	vst v15;
	v15 =	vand.u32 $0x7F, v17  }
.LBB2_27:
0x276: {  	s6 =	sadd.s32 $0x10, s6  }
0x277: {  	s2 =	sadd.s32 $0x10, s2;
	vm0 =	vgt.s32 v16, $0x0;
	v17 =	vcvt.s32.f32 v12;
	[tilespmem:s0+$0x0] =	vst v15;
	s0 =	sadd.s32 $0x10, s0;
	v15 =	vmovc v12;
	v12 =	vld.idx.msk [tilespmem:v14+s28+$0x0], $0xffff;
	v18 =	vmov v8;
	p1 =	slt.u32 s6, $0x90  }
.Ltmp14:
0x278: {  	v8 =	vld [tilespmem:s2+$0x0];
	v14 =	vnsel vm0, $0x0, v16;
	(pc) =	sbr.rel @p1 .LBB2_27-.Ltmp14, $4  }
0x279: {  	s5 =	sadd.s32 $0x10, s5;
	v16 =	vsub.f32 v13, v17  }
0x27a: {  	vm0 =	vgt.s32 v10, $0x0;
	v10 =	vmovc v11;
	v11 =	vmov v9;
	v9 =	vmov v18;
	v13 =	vld [tilespmem:s5+$0x0]  }
0x27b: {  	v15 =	vsub.s32 $0x0, v15;
	v17 =	vnsel vm0, $0x0, v16  }
0x27c: {  	v15 =	vand.u32 $0x7F, v15;
	v16 =	vadd.s32 $0xFFFFFFFF, v9;
	[tilespmem:s1+$0x0] =	vst v17;
	s1 =	sadd.s32 $0x10, s1  }
0x27d: {  	vm0 =	vgt.s32 v16, $0x0  }
0x27e: {  	v17 =	vadd.s32 $0xFFFFFFFF, v8;
	v16 =	vnsel vm0, $0x0, v16  }
0x27f: {  	vm11 =	vgt.s32 v17, $0x0  }
0x280: {  	v17 =	vnsel vm11, $0x0, v17  }
0x281: {  	v14 =	vld.idx.msk [tilespmem:v14+s28+$0x0], $0xffff;
	s2 =	sadd.s32 $0x10, s5  }
0x282: {  	v18 =	vld [tilespmem:s2+$0x0]  }
0x283: {  	v19 =	vcvt.s32.f32 v12;
	s2 =	sadd.s32 $0x10, s2;
	v16 =	vld.idx.msk [tilespmem:v16+s28+$0x0], $0xffff  }
0x284: {  	v20 =	vld [tilespmem:s2+$0x0]  }
0x285: {  	v13 =	vsub.f32 v13, v19;
	v17 =	vld.idx.msk [tilespmem:v17+s28+$0x0], $0xffff  }
0x286: {  	vm12 =	vgt.s32 v10, $0x0;
	s2 =	sadd.s32 $0x10, s2;
	v21 =	vcvt.s32.f32 v14  }
0x287: {  	vm13 =	vgt.s32 v11, $0x0;
	v11 =	vsub.s32 $0x0, v12;
	v63 =	vld [tilespmem:s2+$0x0];
	v13 =	vnsel vm12, $0x0, v13  }
0x288: {  	s6 =	sadd.s32 $0x10, s0;
	v11 =	vand.u32 $0x7F, v11;
	[tilespmem:s1+$0x0] =	vst v13;
	v10 =	vsub.f32 v18, v21;
	v62 =	vcvt.s32.f32 v16  }
0x289: {  	vm14 =	vgt.s32 v9, $0x0;
	[tilespmem:s6+$0x0] =	vst v11;
	v11 =	vsub.s32 $0x0, v14  }
0x28a: {  	[tilespmem:s0+$0x0] =	vst v15;
	s16 =	sadd.s32 $0x10, s1;
	s17 =	simm.s32 $0x0;
	v10 =	vnsel vm13, $0x0, v10;
	v9 =	vcvt.s32.f32 v17;
	v12 =	vsub.f32 v20, v62  }
0x28b: {  	s0 =	sadd.s32 $0x10, s6;
	v15 =	vmov s17;
	[tilespmem:s16+$0x0] =	vst v10;
	v10 =	vand.u32 $0x7F, v11  }
0x28c: {  	p4 =	por $0x1, $0x1;
	s1 =	sadd.s32 $0x10, s16;
	[tilespmem:s0+$0x0] =	vst v10;
	v10 =	vsub.s32 $0x0, v16;
	v9 =	vsub.f32 v63, v9;
	v11 =	vnsel vm14, $0x0, v12  }
.Ltmp15:
0x28d: {  	vm15 =	vgt.s32 v8, $0x0;
	s0 =	sadd.s32 $0x10, s0;
	v10 =	vand.u32 $0x7F, v10;
	[tilespmem:s1+$0x0] =	vst v11;
	(pc) =	sbr.rel @!p4 .LBB2_29-.Ltmp15, $4  }
0x28e: {  	s1 =	sadd.s32 $0x10, s1;
	v8 =	vnsel vm15, $0x0, v9;
	v9 =	vsub.s32 $0x0, v17;
	[tilespmem:s0+$0x0] =	vst v10  }
0x28f: {  	s0 =	sadd.s32 $0x10, s0;
	[tilespmem:s1+$0x0] =	vst v8;
	v8 =	vand.u32 $0x7F, v9  }
0x290: {  	s5 =	simm.s32 $0x1;
	p1 =	por $0x0, $0x0;
	p2 =	por $0x0, $0x0;
	[tilespmem:s0+$0x0] =	vst v8  }
0x291: {  	p3 =	por $0x0, $0x0;
	s16 =	simm.s32 $0xA080;
	s0 =	simm.s32 $0x2;
	v9 =	vld.idx.msk [tilespmem:v15+s13+$0x0], $0xffff  }
0x292: {  	v8 =	vmov s5;
	_ =	sdelay $0x4  }
0x293: {  	v11 =	vld.idx.msk [tilespmem:v8+s13+$0x0], $0xffff;
	_ =	sdelay $0x4  }
0x294: {  	v10 =	vadd.s32 v0, v11  }
0x295: {  	v12 =	vshll.u32 v8, $0x7;
	v10 =	vand.u32 $0x7F, v10  }
0x296: {  	v13 =	vor.u32 v12, v10;
	_ =	sdelay $0x1  }
0x297: {  	v14 =	vadd.s32 v0, v9  }
0x298: {  	v16 =	vld.idx.msk [tilespmem:v15+s14+$0x0], $0xffff;
	v14 =	vand.u32 $0x7F, v14;
	v10 =	vshll.u32 v15, $0x7  }
0x299: {  	v8 =	vld.idx.msk [tilespmem:v8+s14+$0x0], $0xffff;
	v14 =	vor.u32 v10, v14  }
0x29a: {  	p4 =	por $0x1, $0x1;
	v15 =	vmov s0;
	v13 =	vld.idx.msk [tilespmem:v13+s7+$0x0], $0xffff  }
.Ltmp16:
0x29b: {  	_ = 	snop;
	(pc) =	sbr.rel @!p4 .LBB2_31-.Ltmp16, $4  }
0x29c: {  	_ = 	snop  }
0x29d: {  	v18 =	vadd.s32 v1, v9;
	vm7 =	vgt.s32 v16, $0x0;
	v17 =	vadd.s32 v1, v11  }
0x29e: {  	vm3 =	vgt.s32 v8, $0x0;
	v17 =	vand.u32 $0x7F, v17;
	v23 =	vld.idx.msk [tilespmem:v14+s7+$0x0], $0xffff;
	v14 =	vand.u32 $0x7F, v18  }
0x29f: {  	s5 =	simm.s32 $0x3;
	p1 =	por $0x1, $0x1;
	v25 =	vor.u32 v12, v17;
	s0 =	simm.s32 $0x4;
	v8 =	vld.idx.msk [tilespmem:v15+s13+$0x0], $0xffff;
	v27 =	vor.u32 v10, v14;
	v32 =	vnsel vm3, $0x0, v13  }
0x2a0: {  	_ =	sdelay $0x1  }
0x2a1: {  	v16 =	vmov s5  }
0x2a2: {  	[tilespmem:s16+$0x0] =	vst v32  }
0x2a3: {  	v17 =	vadd.s32 v2, v11;
	v14 =	vld.idx.msk [tilespmem:v25+s7+$0x0], $0xffff;
	v13 =	vnsel vm7, $0x0, v23  }
0x2a4: {  	[tilespmem:s16+$0xFFFFFF80] =	vst v13;
	v13 =	vand.u32 $0x7F, v17  }
0x2a5: {  	v17 =	vld.idx.msk [tilespmem:v27+s7+$0x0], $0xffff;
	v18 =	vor.u32 v12, v13  }
0x2a6: {  	v13 =	vld.idx.msk [tilespmem:v16+s13+$0x0], $0xffff;
	_ =	sdelay $0x1  }
0x2a7: {  	v19 =	vadd.s32 v2, v9;
	v14 =	vnsel vm3, $0x0, v14  }
0x2a8: {  	v19 =	vand.u32 $0x7F, v19;
	[tilespmem:s16+$0x10] =	vst v14  }
0x2a9: {  	vm0 =	vmmov vm7;
	v19 =	vor.u32 v10, v19;
	v14 =	vadd.s32 v3, v11;
	v18 =	vld.idx.msk [tilespmem:v18+s7+$0x0], $0xffff  }
0x2aa: {  	v21 =	vand.u32 $0x7F, v14;
	v17 =	vnsel vm0, $0x0, v17;
	v20 =	vadd.s32 v0, v13  }
0x2ab: {  	v14 =	vshll.u32 v16, $0x7;
	[tilespmem:s16+$0xFFFFFF90] =	vst v17;
	v17 =	vand.u32 $0x7F, v20;
	v20 =	vor.u32 v12, v21  }
0x2ac: {  	v24 =	vld.idx.msk [tilespmem:v15+s14+$0x0], $0xffff;
	v22 =	vor.u32 v14, v17  }
0x2ad: {  	v26 =	vld.idx.msk [tilespmem:v16+s14+$0x0], $0xffff;
	v21 =	vadd.s32 v0, v8  }
0x2ae: {  	v19 =	vld.idx.msk [tilespmem:v19+s7+$0x0], $0xffff;
	v17 =	vshll.u32 v15, $0x7;
	v21 =	vand.u32 $0x7F, v21;
	v15 =	vnsel vm3, $0x0, v18  }
0x2af: {  	v23 =	vadd.s32 v3, v9;
	v21 =	vor.u32 v17, v21;
	[tilespmem:s16+$0x20] =	vst v15  }
0x2b0: {  	v27 =	vadd.s32 v1, v8;
	v18 =	vand.u32 $0x7F, v23;
	v15 =	vmov s0;
	v20 =	vld.idx.msk [tilespmem:v20+s7+$0x0], $0xffff  }
0x2b1: {  	vm1 =	vmmov vm3;
	p4 =	por $0x1, $0x1;
	v27 =	vand.u32 $0x7F, v27;
	v16 =	vor.u32 v10, v18;
	v28 =	vld.idx.msk [tilespmem:v22+s7+$0x0], $0xffff  }
.Ltmp17:
0x2b2: {  	vm7 =	vgt.s32 v24, $0x0;
	v25 =	vadd.s32 v1, v13;
	v27 =	vor.u32 v17, v27;
	(pc) =	sbr.rel @!p4 .LBB2_33-.Ltmp17, $4  }
0x2b3: {  	vm3 =	vgt.s32 v26, $0x0;
	v18 =	vnsel vm0, $0x0, v19;
	v22 =	vadd.s32 v4, v11  }
0x2b4: {  	v19 =	vadd.s32 v4, v9;
	v23 =	vld.idx.msk [tilespmem:v21+s7+$0x0], $0xffff;
	v21 =	vand.u32 $0x7F, v22;
	v22 =	vand.u32 $0x7F, v25  }
0x2b5: {  	s5 =	simm.s32 $0x5;
	[tilespmem:s16+$0xFFFFFFA0] =	vst v18;
	v19 =	vand.u32 $0x7F, v19;
	v25 =	vor.u32 v14, v22;
	v22 =	vld.idx.msk [tilespmem:v15+s13+$0x0], $0xffff;
	v20 =	vnsel vm1, $0x0, v20  }
0x2b6: {  	s17 =	simm.s32 $0xA180;
	p2 =	por $0x1, $0x1;
	s0 =	simm.s32 $0x6;
	v18 =	vor.u32 v12, v21;
	v19 =	vor.u32 v10, v19;
	v16 =	vld.idx.msk [tilespmem:v16+s7+$0x0], $0xffff;
	v32 =	vnsel vm3, $0x0, v28;
	[tilespmem:s16+$0x30] =	vst v20  }
0x2b7: {  	_ =	sdelay $0x3  }
0x2b8: {  	v20 =	vmov s5;
	v26 =	vld.idx.msk [tilespmem:v18+s7+$0x0], $0xffff;
	[tilespmem:s17+$0x0] =	vst v32;
	v24 =	vadd.s32 v5, v11;
	vm2 =	vmmov vm0  }
0x2b9: {  	v28 =	vadd.s32 v2, v13;
	vm4 =	vmmov vm7;
	v25 =	vld.idx.msk [tilespmem:v25+s7+$0x0], $0xffff;
	v21 =	vnsel vm7, $0x0, v23  }
0x2ba: {  	vm5 =	vmmov vm1;
	[tilespmem:s17+$0xFFFFFF80] =	vst v21;
	v21 =	vand.u32 $0x7F, v24;
	v23 =	vnsel vm0, $0x0, v16  }
0x2bb: {  	v24 =	vadd.s32 v2, v8;
	v27 =	vld.idx.msk [tilespmem:v27+s7+$0x0], $0xffff;
	[tilespmem:s16+$0xFFFFFFB0] =	vst v23;
	v23 =	vand.u32 $0x7F, v28;
	v28 =	vor.u32 v12, v21  }
0x2bc: {  	v61 =	vadd.s32 v3, v8;
	v30 =	vand.u32 $0x7F, v24;
	v29 =	vld.idx.msk [tilespmem:v19+s7+$0x0], $0xffff;
	v23 =	vor.u32 v14, v23  }
0x2bd: {  	v60 =	vadd.s32 v0, v22;
	v21 =	vadd.s32 v5, v9;
	v24 =	vld.idx.msk [tilespmem:v20+s13+$0x0], $0xffff;
	v30 =	vor.u32 v17, v30  }
0x2be: {  	v26 =	vnsel vm1, $0x0, v26;
	v21 =	vand.u32 $0x7F, v21;
	v25 =	vnsel vm3, $0x0, v25  }
0x2bf: {  	[tilespmem:s16+$0x40] =	vst v26;
	v26 =	vand.u32 $0x7F, v60;
	v31 =	vor.u32 v10, v21;
	v21 =	vshll.u32 v15, $0x7  }
0x2c0: {  	[tilespmem:s17+$0x10] =	vst v25;
	v27 =	vnsel vm4, $0x0, v27;
	v25 =	vld.idx.msk [tilespmem:v28+s7+$0x0], $0xffff;
	v28 =	vor.u32 v21, v26;
	v26 =	vadd.s32 v6, v11  }
0x2c1: {  	[tilespmem:s17+$0xFFFFFF90] =	vst v27;
	v23 =	vld.idx.msk [tilespmem:v23+s7+$0x0], $0xffff;
	v27 =	vnsel vm2, $0x0, v29;
	v29 =	vadd.s32 v3, v13;
	v26 =	vand.u32 $0x7F, v26  }
0x2c2: {  	[tilespmem:s16+$0xFFFFFFC0] =	vst v27;
	v27 =	vadd.s32 v0, v24;
	v29 =	vand.u32 $0x7F, v29;
	v33 =	vor.u32 v12, v26  }
0x2c3: {  	v30 =	vld.idx.msk [tilespmem:v30+s7+$0x0], $0xffff;
	v26 =	vshll.u32 v20, $0x7;
	v27 =	vand.u32 $0x7F, v27;
	v29 =	vor.u32 v14, v29  }
0x2c4: {  	v34 =	vadd.s32 v6, v9;
	vm6 =	vmmov vm3;
	v31 =	vld.idx.msk [tilespmem:v31+s7+$0x0], $0xffff;
	v27 =	vor.u32 v26, v27  }
0x2c5: {  	v35 =	vld.idx.msk [tilespmem:v15+s14+$0x0], $0xffff;
	v62 =	vadd.s32 v7, v9;
	v32 =	vand.u32 $0x7F, v61;
	v25 =	vnsel vm5, $0x0, v25  }
0x2c6: {  	v34 =	vand.u32 $0x7F, v34;
	v32 =	vor.u32 v17, v32;
	v20 =	vld.idx.msk [tilespmem:v20+s14+$0x0], $0xffff;
	v23 =	vnsel vm3, $0x0, v23;
	[tilespmem:s16+$0x50] =	vst v25  }
0x2c7: {  	v38 =	vadd.s32 v4, v8;
	v34 =	vor.u32 v10, v34;
	v15 =	vmov s0;
	[tilespmem:s17+$0x20] =	vst v23;
	v36 =	vld.idx.msk [tilespmem:v33+s7+$0x0], $0xffff  }
0x2c8: {  	vm2 =	vmmov vm2;
	v25 =	vnsel vm4, $0x0, v30;
	v23 =	vadd.s32 v7, v11;
	v37 =	vld.idx.msk [tilespmem:v29+s7+$0x0], $0xffff  }
0x2c9: {  	v31 =	vnsel vm2, $0x0, v31;
	v29 =	vadd.s32 v4, v13;
	v23 =	vand.u32 $0x7F, v23;
	v39 =	vld.idx.msk [tilespmem:v27+s7+$0x0], $0xffff  }
0x2ca: {  	p4 =	por $0x1, $0x1;
	[tilespmem:s17+$0xFFFFFFA0] =	vst v25;
	v27 =	vadd.s32 v1, v24;
	v29 =	vand.u32 $0x7F, v29;
	v40 =	vor.u32 v12, v23;
	v23 =	vld.idx.msk [tilespmem:v28+s7+$0x0], $0xffff  }
.Ltmp18:
0x2cb: {  	v25 =	vadd.s32 v1, v22;
	[tilespmem:s16+$0xFFFFFFD0] =	vst v31;
	v27 =	vand.u32 $0x7F, v27;
	v30 =	vor.u32 v14, v29;
	v29 =	vld.idx.msk [tilespmem:v32+s7+$0x0], $0xffff;
	(pc) =	sbr.rel @!p4 .LBB2_35-.Ltmp18, $4  }
0x2cc: {  	v41 =	vand.u32 $0x7F, v62;
	v28 =	vand.u32 $0x7F, v25;
	v33 =	vld.idx.msk [tilespmem:v34+s7+$0x0], $0xffff;
	v25 =	vor.u32 v26, v27  }
0x2cd: {  	v31 =	vand.u32 $0x7F, v38;
	v27 =	vor.u32 v21, v28;
	v63 =	vnsel vm5, $0x0, v36  }
0x2ce: {  	s5 =	simm.s32 $0x7;
	s6 =	simm.s32 $0x8;
	s1 =	simm.s32 $0xA280;
	vm3 =	vgt.s32 v20, $0x0;
	v31 =	vor.u32 v17, v31;
	v28 =	vld.idx.msk [tilespmem:v15+s13+$0x0], $0xffff;
	v20 =	vnsel vm6, $0x0, v37;
	[tilespmem:s16+$0x60] =	vst v63  }
0x2cf: {  	p3 =	por $0x1, $0x1;
	s2 =	simm.s32 $0xA180;
	vm7 =	vgt.s32 v35, $0x0;
	s0 =	simm.s32 $0xA080;
	v32 =	vnsel vm3, $0x0, v39;
	[tilespmem:s17+$0x30] =	vst v20;
	v20 =	vor.u32 v10, v41;
	v37 =	vld.idx.msk [tilespmem:v40+s7+$0x0], $0xffff  }
.LBB2_36:
0x2d0: {  	p4 =	slt.u32 s6, $0x9E;
	v35 =	vmov s5;
	v23 =	vnsel vm7, $0x0, v23;
	[tilespmem:s1+$0x0] =	vst v32;
	v29 =	vnsel vm4, $0x0, v29;
	v30 =	vld.idx.msk [tilespmem:v30+s7+$0x0], $0xffff;
	v34 =	vmovc v21  }
0x2d1: {  	v21 =	vadd.s32 v5, v13;
	vm8 =	vmmov vm4;
	[tilespmem:s1+$0xFFFFFF80] =	vst v23;
	v23 =	vld.idx.msk [tilespmem:v25+s7+$0x0], $0xffff;
	v25 =	vnsel vm2, $0x0, v33  }
0x2d2: {  	v32 =	vadd.s32 v2, v24;
	vm4 =	vmmov vm7;
	v21 =	vand.u32 $0x7F, v21;
	v27 =	vld.idx.msk [tilespmem:v27+s7+$0x0], $0xffff;
	[tilespmem:s2+$0xFFFFFFB0] =	vst v29  }
0x2d3: {  	v32 =	vand.u32 $0x7F, v32;
	v29 =	vadd.s32 v2, v22;
	v33 =	vor.u32 v14, v21;
	v31 =	vld.idx.msk [tilespmem:v31+s7+$0x0], $0xffff;
	[tilespmem:s0+$0xFFFFFFE0] =	vst v25  }
0x2d4: {  	v21 =	vand.u32 $0x7F, v29;
	v25 =	vor.u32 v26, v32;
	v29 =	vadd.s32 v5, v8;
	v20 =	vld.idx.msk [tilespmem:v20+s7+$0x0], $0xffff  }
0x2d5: {  	v36 =	vor.u32 v34, v21;
	v21 =	vand.u32 $0x7F, v29;
	v29 =	vnsel vm5, $0x0, v37;
	v32 =	vld.idx.msk [tilespmem:v35+s13+$0x0], $0xffff  }
0x2d6: {  	vm5 =	vmmov vm6;
	v37 =	vor.u32 v17, v21;
	v30 =	vnsel vm6, $0x0, v30;
	[tilespmem:s0+$0x70] =	vst v29  }
0x2d7: {  	v21 =	vshll.u32 v15, $0x7;
	v29 =	vadd.s32 v0, v28;
	v23 =	vnsel vm3, $0x0, v23;
	[tilespmem:s2+$0x40] =	vst v30  }
0x2d8: {  	v29 =	vand.u32 $0x7F, v29;
	v27 =	vnsel vm4, $0x0, v27;
	v30 =	vadd.s32 v3, v22;
	[tilespmem:s1+$0x10] =	vst v23;
	v33 =	vld.idx.msk [tilespmem:v33+s7+$0x0], $0xffff  }
0x2d9: {  	v23 =	vor.u32 v21, v29;
	v29 =	vadd.s32 v6, v13;
	[tilespmem:s1+$0xFFFFFF90] =	vst v27;
	v25 =	vld.idx.msk [tilespmem:v25+s7+$0x0], $0xffff;
	v27 =	vnsel vm8, $0x0, v31  }
0x2da: {  	v20 =	vnsel vm2, $0x0, v20;
	v31 =	vld.idx.msk [tilespmem:v36+s7+$0x0], $0xffff;
	v36 =	vadd.s32 v3, v24;
	[tilespmem:s2+$0xFFFFFFC0] =	vst v27;
	v27 =	vand.u32 $0x7F, v29  }
0x2db: {  	v29 =	vadd.s32 v0, v32;
	v36 =	vand.u32 $0x7F, v36;
	v37 =	vld.idx.msk [tilespmem:v37+s7+$0x0], $0xffff;
	v27 =	vor.u32 v14, v27;
	[tilespmem:s0+$0xFFFFFFF0] =	vst v20;
	s0 =	smov.u32 s2;
	s2 =	smov.u32 s1  }
0x2dc: {  	v38 =	vshll.u32 v35, $0x7;
	v20 =	vand.u32 $0x7F, v29;
	v29 =	vor.u32 v26, v36  }
0x2dd: {  	v20 =	vor.u32 v38, v20;
	v36 =	vld.idx.msk [tilespmem:v15+s14+$0x0], $0xffff;
	v15 =	vand.u32 $0x7F, v30;
	v30 =	vadd.s32 v6, v8  }
0x2de: {  	v23 =	vld.idx.msk [tilespmem:v23+s7+$0x0], $0xffff;
	v39 =	vor.u32 v34, v15;
	v15 =	vand.u32 $0x7F, v30;
	v30 =	vnsel vm5, $0x0, v33  }
0x2df: {  	vm6 =	vmmov vm3;
	v25 =	vnsel vm3, $0x0, v25;
	v35 =	vld.idx.msk [tilespmem:v35+s14+$0x0], $0xffff;
	v33 =	vor.u32 v17, v15;
	[tilespmem:s0+$0x50] =	vst v30  }
0x2e0: {  	vm2 =	vmmov vm8;
	v15 =	vmov s6;
	v30 =	vnsel vm4, $0x0, v31;
	[tilespmem:s1+$0x20] =	vst v25;
	v31 =	vld.idx.msk [tilespmem:v27+s7+$0x0], $0xffff  }
0x2e1: {  	v41 =	vadd.s32 v7, v13;
	v8 =	vadd.s32 v7, v8;
	v25 =	vnsel vm2, $0x0, v37;
	[tilespmem:s1+$0xFFFFFFA0] =	vst v30;
	v40 =	vld.idx.msk [tilespmem:v29+s7+$0x0], $0xffff  }
0x2e2: {  	v37 =	vadd.s32 v4, v22;
	v27 =	vadd.s32 v4, v24;
	v30 =	vand.u32 $0x7F, v41;
	v20 =	vld.idx.msk [tilespmem:v20+s7+$0x0], $0xffff;
	[tilespmem:s0+$0xFFFFFFD0] =	vst v25  }
0x2e3: {  	v13 =	vmovc v24;
	v27 =	vand.u32 $0x7F, v27;
	v25 =	vadd.s32 v1, v32;
	v29 =	vld.idx.msk [tilespmem:v39+s7+$0x0], $0xffff;
	v39 =	vor.u32 v14, v30  }
.Ltmp19:
0x2e4: {  	v42 =	vadd.s32 v1, v28;
	v24 =	vmovc v32;
	v25 =	vand.u32 $0x7F, v25;
	v30 =	vor.u32 v26, v27;
	v33 =	vld.idx.msk [tilespmem:v33+s7+$0x0], $0xffff;
	(pc) =	sbr.rel @p4 .LBB2_36-.Ltmp19, $4  }
0x2e5: {  	v41 =	vand.u32 $0x7F, v8;
	v27 =	vand.u32 $0x7F, v42;
	v14 =	vmovc v26;
	v26 =	vmovc v38;
	v25 =	vor.u32 v38, v25  }
0x2e6: {  	v8 =	vmovc v22;
	v22 =	vmovc v28;
	v32 =	vand.u32 $0x7F, v37;
	v27 =	vor.u32 v21, v27;
	v37 =	vnsel vm5, $0x0, v31  }
0x2e7: {  	vm3 =	vgt.s32 v35, $0x0;
	v31 =	vor.u32 v34, v32;
	v35 =	vnsel vm6, $0x0, v40;
	v28 =	vld.idx.msk [tilespmem:v15+s13+$0x0], $0xffff;
	[tilespmem:s0+$0x60] =	vst v37  }
0x2e8: {  	s5 =	sadd.s32 $0x1, s6;
	s6 =	sadd.s32 $0x2, s6;
	s1 =	sadd.s32 $0x100, s1;
	vm7 =	vgt.s32 v36, $0x0;
	v32 =	vnsel vm3, $0x0, v20;
	v20 =	vor.u32 v17, v41;
	v17 =	vmovc v34;
	[tilespmem:s2+$0x30] =	vst v35;
	v37 =	vld.idx.msk [tilespmem:v39+s7+$0x0], $0xffff  }
0x2e9: {  	_ =	sdelay $0x1  }
0x2ea: {  	v35 =	vmov v13;
	v36 =	vmov v14  }
0x2eb: {  	v34 =	vmovc v8;
	v13 =	vmovc v24;
	v24 =	vmov v22;
	v14 =	vmov v26;
	v8 =	vmov v28  }
.LBB2_38:
0x2ec: {  	v28 =	vmov s5;
	_ =	sdelay $0x3  }
0x2ed: {  	v22 =	vnsel @p1 vm7, $0x0, v23  }
0x2ee: {  	[tilespmem:s1+$0xFFFFFF80] =	vst @p1 v22;
	v22 =	vld.idx.msk [tilespmem:v28+s13+$0x0], $0xffff  }
0x2ef: {  	v26 =	vadd.s32 @p1 v2, v24;
	v23 =	vld.idx.msk @p1 [tilespmem:v27+s7+$0x0], $0xffff  }
0x2f0: {  	v29 =	vnsel @p2 vm4, $0x0, v29;
	v39 =	vadd.s32 @p2 v5, v35;
	vm8 =	vmmov @p1 vm7  }
0x2f1: {  	vm7 =	vmmov @p2 vm4;
	v61 =	vadd.s32 v0, v8;
	v40 =	vadd.s32 @p1 v2, v13  }
0x2f2: {  	[tilespmem:s1+$0x0] =	vst @p1 v32;
	v44 =	vadd.s32 v1, v8;
	v48 =	vadd.s32 v2, v8;
	v27 =	vmovc @p1 v21;
	v21 =	vand.u32 @p1 $0x7F, v26  }
0x2f3: {  	v32 =	vld.idx.msk @p1 [tilespmem:v25+s7+$0x0], $0xffff;
	v25 =	vand.u32 $0x7F, v61;
	v38 =	vor.u32 @p1 v27, v21;
	v60 =	vadd.s32 v0, v22  }
0x2f4: {  	v30 =	vld.idx.msk @p2 [tilespmem:v30+s7+$0x0], $0xffff;
	v21 =	vnsel @p1 vm8, $0x0, v23;
	v23 =	vshll.u32 v28, $0x7;
	v62 =	vand.u32 $0x7F, v60  }
0x2f5: {  	v26 =	vnsel @p3 vm2, $0x0, v33;
	[tilespmem:s1+$0xFFFFFF90] =	vst @p1 v21;
	v21 =	vshll.u32 v15, $0x7;
	v33 =	vor.u32 v23, v62  }
0x2f6: {  	v51 =	vadd.s32 v3, v8;
	v11 =	vpsel p1, v13, v11;
	v41 =	vor.u32 v21, v25  }
0x2f7: {  	v12 =	vpsel p1, v14, v12;
	v9 =	vpsel p1, v24, v9;
	v39 =	vand.u32 @p2 $0x7F, v39;
	v28 =	vld.idx.msk [tilespmem:v28+s14+$0x0], $0xffff  }
0x2f8: {  	vm4 =	vmmov @p2 vm6;
	v59 =	vadd.s32 v5, v8;
	[tilespmem:s2+$0xFFFFFFB0] =	vst @p2 v29;
	v39 =	vor.u32 @p2 v36, v39;
	v15 =	vld.idx.msk [tilespmem:v15+s14+$0x0], $0xffff  }
0x2f9: {  	v31 =	vld.idx.msk @p2 [tilespmem:v31+s7+$0x0], $0xffff;
	v30 =	vnsel @p2 vm6, $0x0, v30;
	v25 =	vand.u32 @p1 $0x7F, v40;
	v40 =	vadd.s32 @p2 v5, v34  }
0x2fa: {  	v29 =	vor.u32 @p1 v14, v25;
	v40 =	vand.u32 @p2 $0x7F, v40;
	v63 =	vadd.s32 v1, v22;
	v33 =	vld.idx.msk [tilespmem:v33+s7+$0x0], $0xffff  }
0x2fb: {  	v25 =	vnsel @p3 vm5, $0x0, v37;
	v37 =	vor.u32 @p2 v17, v40;
	v40 =	vand.u32 $0x7F, v63;
	v41 =	vld.idx.msk [tilespmem:v41+s7+$0x0], $0xffff  }
0x2fc: {  	vm14 =	vgt.s32 v28, $0x0;
	v28 =	vand.u32 $0x7F, v44;
	v40 =	vor.u32 v23, v40  }
0x2fd: {  	vm15 =	vgt.s32 v15, $0x0;
	v15 =	vadd.s32 @p2 v6, v35;
	v28 =	vor.u32 v21, v28  }
0x2fe: {  	s5 =	sadd.s32 @p1 $0x100, s1;
	vm0 =	vmmov @p1 vm8;
	v32 =	vnsel @p1 vm3, $0x0, v32;
	[tilespmem:s2+$0x40] =	vst @p2 v30;
	v15 =	vand.u32 @p2 $0x7F, v15  }
0x2ff: {  	s17 =	smov.u32 @p1 s5;
	v30 =	vadd.s32 @p1 v3, v24;
	[tilespmem:s1+$0x10] =	vst @p1 v32;
	v42 =	vor.u32 @p2 v36, v15;
	v15 =	vnsel vm14, $0x0, v33  }
0x300: {  	v31 =	vnsel @p2 vm7, $0x0, v31;
	v32 =	vld.idx.msk @p2 [tilespmem:v39+s7+$0x0], $0xffff;
	v39 =	vadd.s32 @p1 v3, v13;
	v45 =	vnsel vm15, $0x0, v41;
	[tilespmem:s17+$0x0] =	vst v15  }
0x301: {  	v47 =	vadd.s32 v2, v22;
	[tilespmem:s17+$0xFFFFFF80] =	vst v45;
	v15 =	vand.u32 @p1 $0x7F, v30;
	v30 =	vadd.s32 @p2 v7, v35;
	v46 =	vld.idx.msk [tilespmem:v40+s7+$0x0], $0xffff  }
0x302: {  	v28 =	vld.idx.msk [tilespmem:v28+s7+$0x0], $0xffff;
	v33 =	vand.u32 $0x7F, v47;
	v35 =	vor.u32 @p1 v27, v15;
	v15 =	vand.u32 @p2 $0x7F, v30  }
0x303: {  	v38 =	vld.idx.msk @p1 [tilespmem:v38+s7+$0x0], $0xffff;
	v33 =	vor.u32 v23, v33;
	v15 =	vor.u32 @p2 v36, v15;
	v36 =	vand.u32 $0x7F, v48  }
0x304: {  	vm7 =	vmmov @p2 vm7;
	[tilespmem:s2+$0xFFFFFFC0] =	vst @p2 v31;
	v31 =	vadd.s32 @p2 v6, v34;
	v29 =	vld.idx.msk @p1 [tilespmem:v29+s7+$0x0], $0xffff;
	v36 =	vor.u32 v21, v36  }
0x305: {  	v39 =	vand.u32 @p1 $0x7F, v39;
	v31 =	vand.u32 @p2 $0x7F, v31;
	v32 =	vnsel @p2 vm4, $0x0, v32  }
0x306: {  	[tilespmem:s2+$0x50] =	vst @p2 v32;
	vm6 =	vmmov vm15;
	v32 =	vld.idx.msk @p2 [tilespmem:v37+s7+$0x0], $0xffff;
	v37 =	vor.u32 @p1 v14, v39;
	v30 =	vnsel vm14, $0x0, v46  }
0x307: {  	v34 =	vadd.s32 @p2 v7, v34;
	v31 =	vor.u32 @p2 v17, v31;
	v28 =	vnsel vm6, $0x0, v28;
	[tilespmem:s17+$0x10] =	vst v30  }
0x308: {  	v50 =	vadd.s32 v3, v22;
	v38 =	vnsel @p1 vm8, $0x0, v38;
	[tilespmem:s17+$0xFFFFFF90] =	vst v28;
	v30 =	vadd.s32 @p1 v4, v13;
	v49 =	vld.idx.msk [tilespmem:v33+s7+$0x0], $0xffff  }
0x309: {  	[tilespmem:s1+$0xFFFFFFA0] =	vst @p1 v38;
	v29 =	vnsel @p1 vm3, $0x0, v29;
	v52 =	vld.idx.msk [tilespmem:v36+s7+$0x0], $0xffff;
	v33 =	vand.u32 $0x7F, v50;
	v30 =	vand.u32 @p1 $0x7F, v30  }
0x30a: {  	[tilespmem:s1+$0x20] =	vst @p1 v29;
	v29 =	vand.u32 $0x7F, v51;
	v35 =	vld.idx.msk @p1 [tilespmem:v35+s7+$0x0], $0xffff;
	v33 =	vor.u32 v23, v33;
	v30 =	vor.u32 @p1 v14, v30  }
0x30b: {  	v29 =	vor.u32 v21, v29;
	v36 =	vld.idx.msk @p1 [tilespmem:v37+s7+$0x0], $0xffff;
	v18 =	vpsel p1, v30, v18;
	v30 =	vadd.s32 @p1 v4, v24  }
0x30c: {  	v34 =	vand.u32 @p2 $0x7F, v34;
	v54 =	vadd.s32 v4, v22;
	v30 =	vand.u32 @p1 $0x7F, v30  }
0x30d: {  	v57 =	vadd.s32 v5, v22;
	v30 =	vor.u32 @p1 v27, v30;
	v28 =	vnsel vm14, $0x0, v49  }
0x30e: {  	v17 =	vor.u32 @p2 v17, v34;
	v34 =	vnsel vm6, $0x0, v52;
	v19 =	vpsel p1, v30, v19;
	[tilespmem:s17+$0x20] =	vst v28  }
0x30f: {  	vm5 =	vmmov vm14;
	vm3 =	vmmov @p1 vm3;
	v13 =	vadd.s32 v4, v8;
	[tilespmem:s17+$0xFFFFFFA0] =	vst v34;
	v53 =	vld.idx.msk [tilespmem:v33+s7+$0x0], $0xffff  }
0x310: {  	v16 =	vpsel p1, v35, v16;
	v28 =	vnsel @p1 vm3, $0x0, v36;
	v29 =	vld.idx.msk [tilespmem:v29+s7+$0x0], $0xffff;
	v33 =	vand.u32 $0x7F, v54  }
0x311: {  	s16 =	smov.u32 @p1 s1;
	v13 =	vand.u32 $0x7F, v13;
	v16 =	vnsel @p1 vm0, $0x0, v16;
	[tilespmem:s1+$0x30] =	vst @p1 v28;
	v14 =	vor.u32 v23, v33  }
0x312: {  	v13 =	vor.u32 v21, v13;
	v24 =	vmov @p1 v27;
	[tilespmem:s16+$0xFFFFFFB0] =	vst @p1 v16;
	v28 =	vadd.s32 @p1 v5, v11;
	v18 =	vld.idx.msk @p1 [tilespmem:v18+s7+$0x0], $0xffff  }
0x313: {  	v10 =	vpsel p1, v24, v10;
	v27 =	vadd.s32 @p1 v5, v9;
	v16 =	vand.u32 @p1 $0x7F, v28;
	v19 =	vld.idx.msk @p1 [tilespmem:v19+s7+$0x0], $0xffff  }
0x314: {  	v24 =	vand.u32 @p1 $0x7F, v27;
	v16 =	vor.u32 @p1 v12, v16;
	v55 =	vnsel vm5, $0x0, v53  }
0x315: {  	v61 =	vadd.s32 v6, v22;
	v24 =	vor.u32 @p1 v10, v24;
	v56 =	vnsel vm6, $0x0, v29;
	[tilespmem:s17+$0x30] =	vst v55  }
0x316: {  	v58 =	vand.u32 $0x7F, v57;
	v60 =	vand.u32 $0x7F, v59;
	vm1 =	vmmov @p1 vm3;
	[tilespmem:s17+$0xFFFFFFB0] =	vst v56;
	v14 =	vld.idx.msk [tilespmem:v14+s7+$0x0], $0xffff  }
0x317: {  	v62 =	vadd.s32 v6, v8;
	vm3 =	vmmov @p1 vm0;
	v18 =	vnsel @p1 vm1, $0x0, v18;
	v13 =	vld.idx.msk [tilespmem:v13+s7+$0x0], $0xffff  }
0x318: {  	v17 =	vpsel p2, v17, v0;
	[tilespmem:s16+$0x40] =	vst @p1 v18;
	v18 =	vor.u32 v23, v58;
	v19 =	vnsel @p1 vm3, $0x0, v19  }
0x319: {  	vm9 =	vmmov vm6;
	v27 =	vor.u32 v21, v60;
	v28 =	vadd.s32 @p1 v6, v11;
	v16 =	vld.idx.msk @p1 [tilespmem:v16+s7+$0x0], $0xffff;
	[tilespmem:s16+$0xFFFFFFC0] =	vst @p1 v19  }
0x31a: {  	v32 =	vnsel @p2 vm7, $0x0, v32;
	v19 =	vand.u32 @p1 $0x7F, v28;
	v28 =	vadd.s32 @p1 v6, v9;
	v24 =	vld.idx.msk @p1 [tilespmem:v24+s7+$0x0], $0xffff  }
0x31b: {  	v38 =	vld.idx.msk @p2 [tilespmem:v42+s7+$0x0], $0xffff;
	[tilespmem:s2+$0xFFFFFFD0] =	vst @p2 v32;
	v19 =	vor.u32 @p1 v12, v19;
	v28 =	vand.u32 @p1 $0x7F, v28;
	v14 =	vnsel vm5, $0x0, v14  }
0x31c: {  	vm10 =	vmmov vm5;
	v30 =	vld.idx.msk @p2 [tilespmem:v31+s7+$0x0], $0xffff;
	v13 =	vnsel vm9, $0x0, v13;
	[tilespmem:s17+$0x40] =	vst v14;
	v14 =	vor.u32 @p1 v10, v28  }
0x31d: {  	vm11 =	vmmov vm9;
	v8 =	vadd.s32 v7, v8;
	vm1 =	vmmov @p1 vm1;
	[tilespmem:s17+$0xFFFFFFC0] =	vst v13;
	v18 =	vld.idx.msk [tilespmem:v18+s7+$0x0], $0xffff  }
0x31e: {  	s1 =	smov.u32 @p1 s16;
	vm6 =	vmmov @p1 vm3;
	v13 =	vnsel @p1 vm1, $0x0, v16;
	v16 =	vand.u32 $0x7F, v61;
	v27 =	vld.idx.msk [tilespmem:v27+s7+$0x0], $0xffff  }
0x31f: {  	v28 =	vand.u32 $0x7F, v62;
	v16 =	vor.u32 v23, v16;
	[tilespmem:s1+$0x50] =	vst @p1 v13;
	v13 =	vnsel @p1 vm6, $0x0, v24  }
0x320: {  	v32 =	vnsel @p2 vm4, $0x0, v38;
	v11 =	vadd.s32 @p1 v7, v11;
	v63 =	vor.u32 v21, v28;
	v19 =	vld.idx.msk @p1 [tilespmem:v19+s7+$0x0], $0xffff;
	[tilespmem:s1+$0xFFFFFFD0] =	vst @p1 v13  }
0x321: {  	[tilespmem:s2+$0x60] =	vst @p2 v32;
	v8 =	vand.u32 $0x7F, v8;
	vm0 =	vmmov @p2 vm7;
	v11 =	vand.u32 @p1 $0x7F, v11;
	v13 =	vld.idx.msk @p1 [tilespmem:v14+s7+$0x0], $0xffff  }
0x322: {  	[tilespmem:s0+$0xFFFFFFE0] =	vst @p3 v26;
	v15 =	vld.idx.msk @p2 [tilespmem:v15+s7+$0x0], $0xffff;
	v11 =	vor.u32 @p1 v12, v11;
	v9 =	vadd.s32 @p1 v7, v9;
	v14 =	vnsel vm10, $0x0, v18  }
0x323: {  	v29 =	vpsel p2, v30, v0;
	v9 =	vand.u32 @p1 $0x7F, v9;
	v18 =	vld.idx.msk @p3 [tilespmem:v20+s7+$0x0], $0xffff;
	v12 =	vnsel vm11, $0x0, v27;
	[tilespmem:s17+$0x50] =	vst v14  }
0x324: {  	s2 =	smov.u32 @p2 s2;
	v9 =	vor.u32 @p1 v10, v9;
	v14 =	vnsel @p2 vm0, $0x0, v29;
	[tilespmem:s17+$0xFFFFFFD0] =	vst v12;
	v10 =	vld.idx.msk [tilespmem:v16+s7+$0x0], $0xffff;
	v16 =	vadd.s32 v7, v22  }
0x325: {  	v9 =	vpsel p1, v9, v0;
	[tilespmem:s2+$0xFFFFFFE0] =	vst @p2 v14;
	v14 =	vnsel @p1 vm1, $0x0, v19;
	v12 =	vand.u32 $0x7F, v16;
	v16 =	vld.idx.msk [tilespmem:v63+s7+$0x0], $0xffff  }
0x326: {  	vm6 =	vmmov @p1 vm6;
	v17 =	vld.idx.msk @p2 [tilespmem:v17+s7+$0x0], $0xffff;
	[tilespmem:s1+$0x60] =	vst @p1 v14;
	v12 =	vor.u32 v23, v12;
	v13 =	vpsel p1, v13, v0  }
0x327: {  	[tilespmem:s0+$0x70] =	vst @p3 v25;
	v8 =	vor.u32 v21, v8;
	s1 =	smov.u32 @p1 s1;
	v11 =	vld.idx.msk @p1 [tilespmem:v11+s7+$0x0], $0xffff;
	v13 =	vnsel @p1 vm6, $0x0, v13  }
0x328: {  	[tilespmem:s1+$0xFFFFFFE0] =	vst @p1 v13;
	v13 =	vnsel @p3 vm2, $0x0, v18  }
0x329: {  	v10 =	vnsel vm10, $0x0, v10;
	[tilespmem:s0+$0xFFFFFFF0] =	vst @p3 v13  }
0x32a: {  	v14 =	vpsel p2, v15, v0;
	vm2 =	vmmov @p2 vm4;
	v9 =	vld.idx.msk @p1 [tilespmem:v9+s7+$0x0], $0xffff;
	[tilespmem:s17+$0x60] =	vst v10;
	v10 =	vnsel vm11, $0x0, v16  }
0x32b: {  	v12 =	vld.idx.msk [tilespmem:v12+s7+$0x0], $0xffff;
	[tilespmem:s17+$0xFFFFFFE0] =	vst v10;
	v10 =	vnsel @p2 vm2, $0x0, v14  }
0x32c: {  	v11 =	vpsel p1, v11, v0;
	v8 =	vld.idx.msk [tilespmem:v8+s7+$0x0], $0xffff;
	[tilespmem:s2+$0x70] =	vst @p2 v10;
	v10 =	vnsel @p2 vm0, $0x0, v17;
	vm0 =	vmmov @p1 vm1  }
0x32d: {  	[tilespmem:s2+$0xFFFFFFF0] =	vst @p2 v10;
	v10 =	vnsel @p1 vm0, $0x0, v11  }
0x32e: {  	[tilespmem:s1+$0x70] =	vst @p1 v10  }
0x32f: {  	v9 =	vnsel @p1 vm6, $0x0, v9;
	s0 =	rddreg [dreg:$0x15]  }
0x330: {  	[tilespmem:s1+$0xFFFFFFF0] =	vst @p1 v9;
	s0 =	sadd.s32 s0, s15;
	v9 =	vnsel vm10, $0x0, v12  }
0x331: {  	s16 =	smul.u32 $0xA00, s0;
	[tilespmem:s17+$0x70] =	vst v9;
	v8 =	vnsel vm11, $0x0, v8  }
0x332: {  	s5 =	simm.s32 $0xA000;
	[tilespmem:s17+$0xFFFFFFF0] =	vst v8;
	s17 =	rddreg [dreg:$0x4]  }
0x333: {  	s0 =	smul.u32 $0x14, s0;
	s1 =	sadd.s32 s17, s16;
	s6 =	rddreg [dreg:$0x16]  }
0x334: {  	[hbm4b:s1+s7] =	stream.linear.scatter [tilespmem:s5], [sflag:$0x7], $0x5000, $0x38;
	[tilespmem:$0x14880] =	vst v63  }
0x335: {  	s0 =	sadd.s32 s21, s0;
	s1 =	sadd.s32 s6, s15  }
0x336: {  	s17 =	simm.s32 $0x14400;
	s6 =	rddreg [dreg:$0x0];
	s16 =	smul.u32 $0xA00, s1  }
0x337: {  	[hbm4b:s0+s7] =	stream.linear.scatter [tilespmem:s17], [sflag:$0x9], $0xA0, $0x38;
	[tilespmem:$0x14880] =	vst v63  }
0x338: {  	s1 =	smul.u32 $0x14, s1;
	s0 =	sadd.s32 s6, s16  }
0x339: {  	[tilespmem:s7], [sflag:$0x1] =	stream.linear.gather [hbm4b:s0+s7], $0x5000, $0x38;
	[tilespmem:$0x14880] =	vst v63  }
0x33a: {  	s15 =	sadd.s32 s23, s1  }
0x33b: {  	[tilespmem:s14], [sflag:$0x3] =	stream.linear.gather [hbm4b:s15+s7], $0xA0, $0x38;
	[tilespmem:$0x14880] =	vst v63  }
0x33c: {  	s17 =	simm.s32 $0x14200;
	s16 =	sadd.s32 s22, s1  }
0x33d: {  	[tilespmem:s17], [sflag:$0x5] =	stream.linear.gather [hbm4b:s16+s7], $0xA0, $0x38;
	[tilespmem:$0x14880] =	vst v63  }
0x33e: {  	_ =	swait.ge [sflag:s18], $0x5000  }
0x33f: {  	[sflag:s18] =	ssyncset.done $0x0  }
0x340: {  	[sflag:s18] =	ssyncadd.s32 $0xFFFFB000  }
0x341: {  	_ =	swait.ge [sflag:s19], $0xA0  }
0x342: {  	[sflag:s19] =	ssyncset.done $0x0  }
0x343: {  	[sflag:s19] =	ssyncadd.s32 $0xFFFFFF60  }
0x344: {  	_ =	swait.ge [sflag:s20], $0xA0  }
0x345: {  	[sflag:s20] =	ssyncset.done $0x0  }
0x346: {  	[sflag:s20] =	ssyncadd.s32 $0xFFFFFF60  }
0x347: {  	_ =	swait.ge [sflag:s4], $0x5000  }
0x348: {  	[sflag:s4] =	ssyncset.done $0x0  }
0x349: {  	[sflag:s4] =	ssyncadd.s32 $0xFFFFB000  }
0x34a: {  	_ =	swait.ge [sflag:s31], $0xA0  }
0x34b: {  	[sflag:s31] =	ssyncset.done $0x0  }
0x34c: {  	s2 =	simm.s32 $0x14100;
	[sflag:s31] =	ssyncadd.s32 $0xFFFFFF60  }
0x34d: {  	v8 =	vld [tilespmem:s2+$0x0];
	_ =	sdelay $0x4  }
0x34e: {  	v9 =	vadd.s32 $0xFFFFFFFF, v8  }
0x34f: {  	s5 =	simm.s32 $0x14110;
	vm12 =	vgt.s32 v9, $0x0  }
0x350: {  	v10 =	vld [tilespmem:s5+$0x0];
	v9 =	vnsel vm12, $0x0, v9;
	_ =	sdelay $0x2  }
0x351: {  	s15 =	simm.s32 $0x14120  }
0x352: {  	v11 =	vld [tilespmem:s15+$0x0]  }
0x353: {  	v13 =	vld.idx.msk [tilespmem:v9+s28+$0x0], $0xffff;
	v9 =	vadd.s32 $0xFFFFFFFF, v10  }
0x354: {  	s6 =	simm.s32 $0x14300;
	vm13 =	vgt.s32 v9, $0x0  }
0x355: {  	v12 =	vld [tilespmem:s6+$0x0];
	v14 =	vnsel vm13, $0x0, v9;
	_ =	sdelay $0x1  }
0x356: {  	s16 =	simm.s32 $0x14130  }
0x357: {  	s5 =	simm.s32 $0x14140;
	v16 =	vadd.s32 $0xFFFFFFFF, v11;
	v9 =	vld [tilespmem:s16+$0x0];
	v15 =	vcvt.s32.f32 v13  }
0x358: {  	vm14 =	vgt.s32 v8, $0x0;
	v8 =	vld [tilespmem:s5+$0x0];
	vm15 =	vgt.s32 v16, $0x0  }
0x359: {  	v15 =	vsub.f32 v12, v15;
	v12 =	vld.idx.msk [tilespmem:v14+s28+$0x0], $0xffff;
	v14 =	vnsel vm15, $0x0, v16  }
0x35a: {  	s2 =	simm.s32 $0x14310  }
0x35b: {  	s17 =	simm.s32 $0x14500;
	v17 =	vsub.s32 $0x0, v13;
	v13 =	vld [tilespmem:s2+$0x0];
	v15 =	vnsel vm14, $0x0, v15  }
0x35c: {  	s1 =	simm.s32 $0x14510;
	s0 =	simm.s32 $0x14700;
	s6 =	simm.s32 $0x40;
	v16 =	vadd.s32 $0xFFFFFFFF, v9;
	[tilespmem:s17+$0x0] =	vst v15;
	v15 =	vand.u32 $0x7F, v17  }
.LBB2_39:
0x35d: {  	s6 =	sadd.s32 $0x10, s6  }
0x35e: {  	s5 =	sadd.s32 $0x10, s5;
	vm0 =	vgt.s32 v16, $0x0;
	v17 =	vcvt.s32.f32 v12;
	[tilespmem:s0+$0x0] =	vst v15;
	s0 =	sadd.s32 $0x10, s0;
	v15 =	vmovc v12;
	v12 =	vld.idx.msk [tilespmem:v14+s28+$0x0], $0xffff;
	v18 =	vmov v8;
	p1 =	slt.u32 s6, $0x90  }
.Ltmp20:
0x35f: {  	v8 =	vld [tilespmem:s5+$0x0];
	v14 =	vnsel vm0, $0x0, v16;
	(pc) =	sbr.rel @p1 .LBB2_39-.Ltmp20, $4  }
0x360: {  	s2 =	sadd.s32 $0x10, s2;
	v16 =	vsub.f32 v13, v17  }
0x361: {  	vm0 =	vgt.s32 v10, $0x0;
	v10 =	vmovc v11;
	v11 =	vmov v9;
	v9 =	vmov v18;
	v13 =	vld [tilespmem:s2+$0x0]  }
0x362: {  	v15 =	vsub.s32 $0x0, v15;
	v17 =	vnsel vm0, $0x0, v16  }
0x363: {  	v15 =	vand.u32 $0x7F, v15;
	v16 =	vadd.s32 $0xFFFFFFFF, v9;
	[tilespmem:s1+$0x0] =	vst v17;
	s1 =	sadd.s32 $0x10, s1  }
0x364: {  	vm0 =	vgt.s32 v16, $0x0  }
0x365: {  	v17 =	vadd.s32 $0xFFFFFFFF, v8;
	v16 =	vnsel vm0, $0x0, v16  }
0x366: {  	vm11 =	vgt.s32 v17, $0x0  }
0x367: {  	v17 =	vnsel vm11, $0x0, v17  }
0x368: {  	v14 =	vld.idx.msk [tilespmem:v14+s28+$0x0], $0xffff;
	s2 =	sadd.s32 $0x10, s2  }
0x369: {  	v18 =	vld [tilespmem:s2+$0x0]  }
0x36a: {  	v19 =	vcvt.s32.f32 v12;
	s2 =	sadd.s32 $0x10, s2;
	v16 =	vld.idx.msk [tilespmem:v16+s28+$0x0], $0xffff  }
0x36b: {  	v20 =	vld [tilespmem:s2+$0x0]  }
0x36c: {  	v13 =	vsub.f32 v13, v19;
	v17 =	vld.idx.msk [tilespmem:v17+s28+$0x0], $0xffff  }
0x36d: {  	vm12 =	vgt.s32 v10, $0x0;
	s2 =	sadd.s32 $0x10, s2;
	v21 =	vcvt.s32.f32 v14  }
0x36e: {  	vm13 =	vgt.s32 v11, $0x0;
	v11 =	vsub.s32 $0x0, v12;
	v63 =	vld [tilespmem:s2+$0x0];
	v13 =	vnsel vm12, $0x0, v13  }
0x36f: {  	s15 =	sadd.s32 $0x10, s0;
	v11 =	vand.u32 $0x7F, v11;
	[tilespmem:s1+$0x0] =	vst v13;
	v10 =	vsub.f32 v18, v21;
	v62 =	vcvt.s32.f32 v16  }
0x370: {  	vm14 =	vgt.s32 v9, $0x0;
	[tilespmem:s15+$0x0] =	vst v11;
	v11 =	vsub.s32 $0x0, v14  }
0x371: {  	[tilespmem:s0+$0x0] =	vst v15;
	s16 =	sadd.s32 $0x10, s1;
	s17 =	simm.s32 $0x0;
	v10 =	vnsel vm13, $0x0, v10;
	v9 =	vcvt.s32.f32 v17;
	v12 =	vsub.f32 v20, v62  }
0x372: {  	s0 =	sadd.s32 $0x10, s15;
	v15 =	vmov s17;
	[tilespmem:s16+$0x0] =	vst v10;
	v10 =	vand.u32 $0x7F, v11  }
0x373: {  	p4 =	por $0x1, $0x1;
	s1 =	sadd.s32 $0x10, s16;
	[tilespmem:s0+$0x0] =	vst v10;
	v10 =	vsub.s32 $0x0, v16;
	v9 =	vsub.f32 v63, v9;
	v11 =	vnsel vm14, $0x0, v12  }
.Ltmp21:
0x374: {  	vm15 =	vgt.s32 v8, $0x0;
	s0 =	sadd.s32 $0x10, s0;
	v10 =	vand.u32 $0x7F, v10;
	[tilespmem:s1+$0x0] =	vst v11;
	(pc) =	sbr.rel @!p4 .LBB2_41-.Ltmp21, $4  }
0x375: {  	s1 =	sadd.s32 $0x10, s1;
	v8 =	vnsel vm15, $0x0, v9;
	v9 =	vsub.s32 $0x0, v17;
	[tilespmem:s0+$0x0] =	vst v10  }
0x376: {  	s0 =	sadd.s32 $0x10, s0;
	[tilespmem:s1+$0x0] =	vst v8;
	v8 =	vand.u32 $0x7F, v9  }
0x377: {  	s5 =	simm.s32 $0x1;
	p1 =	por $0x0, $0x0;
	p2 =	por $0x0, $0x0;
	[tilespmem:s0+$0x0] =	vst v8  }
0x378: {  	p3 =	por $0x0, $0x0;
	s15 =	simm.s32 $0xF080;
	s0 =	simm.s32 $0x2;
	v9 =	vld.idx.msk [tilespmem:v15+s24+$0x0], $0xffff  }
0x379: {  	v8 =	vmov s5;
	_ =	sdelay $0x4  }
0x37a: {  	v11 =	vld.idx.msk [tilespmem:v8+s24+$0x0], $0xffff;
	_ =	sdelay $0x4  }
0x37b: {  	v10 =	vadd.s32 v0, v11  }
0x37c: {  	v12 =	vshll.u32 v8, $0x7;
	v10 =	vand.u32 $0x7F, v10  }
0x37d: {  	v13 =	vor.u32 v12, v10;
	_ =	sdelay $0x1  }
0x37e: {  	v14 =	vadd.s32 v0, v9  }
0x37f: {  	v16 =	vld.idx.msk [tilespmem:v15+s8+$0x0], $0xffff;
	v14 =	vand.u32 $0x7F, v14;
	v10 =	vshll.u32 v15, $0x7  }
0x380: {  	v8 =	vld.idx.msk [tilespmem:v8+s8+$0x0], $0xffff;
	v14 =	vor.u32 v10, v14  }
0x381: {  	p4 =	por $0x1, $0x1;
	v15 =	vmov s0;
	v13 =	vld.idx.msk [tilespmem:v13+s3+$0x0], $0xffff  }
.Ltmp22:
0x382: {  	_ = 	snop;
	(pc) =	sbr.rel @!p4 .LBB2_43-.Ltmp22, $4  }
0x383: {  	_ = 	snop  }
0x384: {  	v18 =	vadd.s32 v1, v9;
	vm7 =	vgt.s32 v16, $0x0;
	v17 =	vadd.s32 v1, v11  }
0x385: {  	vm3 =	vgt.s32 v8, $0x0;
	v17 =	vand.u32 $0x7F, v17;
	v23 =	vld.idx.msk [tilespmem:v14+s3+$0x0], $0xffff;
	v14 =	vand.u32 $0x7F, v18  }
0x386: {  	s5 =	simm.s32 $0x3;
	p1 =	por $0x1, $0x1;
	v25 =	vor.u32 v12, v17;
	s0 =	simm.s32 $0x4;
	v8 =	vld.idx.msk [tilespmem:v15+s24+$0x0], $0xffff;
	v27 =	vor.u32 v10, v14;
	v32 =	vnsel vm3, $0x0, v13  }
0x387: {  	_ =	sdelay $0x1  }
0x388: {  	v16 =	vmov s5  }
0x389: {  	[tilespmem:s15+$0x0] =	vst v32  }
0x38a: {  	v17 =	vadd.s32 v2, v11;
	v14 =	vld.idx.msk [tilespmem:v25+s3+$0x0], $0xffff;
	v13 =	vnsel vm7, $0x0, v23  }
0x38b: {  	[tilespmem:s15+$0xFFFFFF80] =	vst v13;
	v13 =	vand.u32 $0x7F, v17  }
0x38c: {  	v17 =	vld.idx.msk [tilespmem:v27+s3+$0x0], $0xffff;
	v18 =	vor.u32 v12, v13  }
0x38d: {  	v13 =	vld.idx.msk [tilespmem:v16+s24+$0x0], $0xffff;
	_ =	sdelay $0x1  }
0x38e: {  	v19 =	vadd.s32 v2, v9;
	v14 =	vnsel vm3, $0x0, v14  }
0x38f: {  	v19 =	vand.u32 $0x7F, v19;
	[tilespmem:s15+$0x10] =	vst v14  }
0x390: {  	vm0 =	vmmov vm7;
	v19 =	vor.u32 v10, v19;
	v14 =	vadd.s32 v3, v11;
	v18 =	vld.idx.msk [tilespmem:v18+s3+$0x0], $0xffff  }
0x391: {  	v21 =	vand.u32 $0x7F, v14;
	v17 =	vnsel vm0, $0x0, v17;
	v20 =	vadd.s32 v0, v13  }
0x392: {  	v14 =	vshll.u32 v16, $0x7;
	[tilespmem:s15+$0xFFFFFF90] =	vst v17;
	v17 =	vand.u32 $0x7F, v20;
	v20 =	vor.u32 v12, v21  }
0x393: {  	v24 =	vld.idx.msk [tilespmem:v15+s8+$0x0], $0xffff;
	v22 =	vor.u32 v14, v17  }
0x394: {  	v26 =	vld.idx.msk [tilespmem:v16+s8+$0x0], $0xffff;
	v21 =	vadd.s32 v0, v8  }
0x395: {  	v19 =	vld.idx.msk [tilespmem:v19+s3+$0x0], $0xffff;
	v17 =	vshll.u32 v15, $0x7;
	v21 =	vand.u32 $0x7F, v21;
	v15 =	vnsel vm3, $0x0, v18  }
0x396: {  	v23 =	vadd.s32 v3, v9;
	v21 =	vor.u32 v17, v21;
	[tilespmem:s15+$0x20] =	vst v15  }
0x397: {  	v27 =	vadd.s32 v1, v8;
	v18 =	vand.u32 $0x7F, v23;
	v15 =	vmov s0;
	v20 =	vld.idx.msk [tilespmem:v20+s3+$0x0], $0xffff  }
0x398: {  	vm1 =	vmmov vm3;
	p4 =	por $0x1, $0x1;
	v27 =	vand.u32 $0x7F, v27;
	v16 =	vor.u32 v10, v18;
	v28 =	vld.idx.msk [tilespmem:v22+s3+$0x0], $0xffff  }
.Ltmp23:
0x399: {  	vm7 =	vgt.s32 v24, $0x0;
	v25 =	vadd.s32 v1, v13;
	v27 =	vor.u32 v17, v27;
	(pc) =	sbr.rel @!p4 .LBB2_45-.Ltmp23, $4  }
0x39a: {  	vm3 =	vgt.s32 v26, $0x0;
	v18 =	vnsel vm0, $0x0, v19;
	v22 =	vadd.s32 v4, v11  }
0x39b: {  	v19 =	vadd.s32 v4, v9;
	v23 =	vld.idx.msk [tilespmem:v21+s3+$0x0], $0xffff;
	v21 =	vand.u32 $0x7F, v22;
	v22 =	vand.u32 $0x7F, v25  }
0x39c: {  	s5 =	simm.s32 $0x5;
	[tilespmem:s15+$0xFFFFFFA0] =	vst v18;
	v19 =	vand.u32 $0x7F, v19;
	v25 =	vor.u32 v14, v22;
	v22 =	vld.idx.msk [tilespmem:v15+s24+$0x0], $0xffff;
	v20 =	vnsel vm1, $0x0, v20  }
0x39d: {  	s16 =	simm.s32 $0xF180;
	p2 =	por $0x1, $0x1;
	s0 =	simm.s32 $0x6;
	v18 =	vor.u32 v12, v21;
	v19 =	vor.u32 v10, v19;
	v16 =	vld.idx.msk [tilespmem:v16+s3+$0x0], $0xffff;
	v32 =	vnsel vm3, $0x0, v28;
	[tilespmem:s15+$0x30] =	vst v20  }
0x39e: {  	_ =	sdelay $0x3  }
0x39f: {  	v20 =	vmov s5;
	v26 =	vld.idx.msk [tilespmem:v18+s3+$0x0], $0xffff;
	[tilespmem:s16+$0x0] =	vst v32;
	v24 =	vadd.s32 v5, v11;
	vm2 =	vmmov vm0  }
0x3a0: {  	v28 =	vadd.s32 v2, v13;
	vm4 =	vmmov vm7;
	v25 =	vld.idx.msk [tilespmem:v25+s3+$0x0], $0xffff;
	v21 =	vnsel vm7, $0x0, v23  }
0x3a1: {  	vm5 =	vmmov vm1;
	[tilespmem:s16+$0xFFFFFF80] =	vst v21;
	v21 =	vand.u32 $0x7F, v24;
	v23 =	vnsel vm0, $0x0, v16  }
0x3a2: {  	v24 =	vadd.s32 v2, v8;
	v27 =	vld.idx.msk [tilespmem:v27+s3+$0x0], $0xffff;
	[tilespmem:s15+$0xFFFFFFB0] =	vst v23;
	v23 =	vand.u32 $0x7F, v28;
	v28 =	vor.u32 v12, v21  }
0x3a3: {  	v61 =	vadd.s32 v3, v8;
	v30 =	vand.u32 $0x7F, v24;
	v29 =	vld.idx.msk [tilespmem:v19+s3+$0x0], $0xffff;
	v23 =	vor.u32 v14, v23  }
0x3a4: {  	v60 =	vadd.s32 v0, v22;
	v21 =	vadd.s32 v5, v9;
	v24 =	vld.idx.msk [tilespmem:v20+s24+$0x0], $0xffff;
	v30 =	vor.u32 v17, v30  }
0x3a5: {  	v26 =	vnsel vm1, $0x0, v26;
	v21 =	vand.u32 $0x7F, v21;
	v25 =	vnsel vm3, $0x0, v25  }
0x3a6: {  	[tilespmem:s15+$0x40] =	vst v26;
	v26 =	vand.u32 $0x7F, v60;
	v31 =	vor.u32 v10, v21;
	v21 =	vshll.u32 v15, $0x7  }
0x3a7: {  	[tilespmem:s16+$0x10] =	vst v25;
	v27 =	vnsel vm4, $0x0, v27;
	v25 =	vld.idx.msk [tilespmem:v28+s3+$0x0], $0xffff;
	v28 =	vor.u32 v21, v26;
	v26 =	vadd.s32 v6, v11  }
0x3a8: {  	[tilespmem:s16+$0xFFFFFF90] =	vst v27;
	v23 =	vld.idx.msk [tilespmem:v23+s3+$0x0], $0xffff;
	v27 =	vnsel vm2, $0x0, v29;
	v29 =	vadd.s32 v3, v13;
	v26 =	vand.u32 $0x7F, v26  }
0x3a9: {  	[tilespmem:s15+$0xFFFFFFC0] =	vst v27;
	v27 =	vadd.s32 v0, v24;
	v29 =	vand.u32 $0x7F, v29;
	v33 =	vor.u32 v12, v26  }
0x3aa: {  	v30 =	vld.idx.msk [tilespmem:v30+s3+$0x0], $0xffff;
	v26 =	vshll.u32 v20, $0x7;
	v27 =	vand.u32 $0x7F, v27;
	v29 =	vor.u32 v14, v29  }
0x3ab: {  	v34 =	vadd.s32 v6, v9;
	vm6 =	vmmov vm3;
	v31 =	vld.idx.msk [tilespmem:v31+s3+$0x0], $0xffff;
	v27 =	vor.u32 v26, v27  }
0x3ac: {  	v35 =	vld.idx.msk [tilespmem:v15+s8+$0x0], $0xffff;
	v62 =	vadd.s32 v7, v9;
	v32 =	vand.u32 $0x7F, v61;
	v25 =	vnsel vm5, $0x0, v25  }
0x3ad: {  	v34 =	vand.u32 $0x7F, v34;
	v32 =	vor.u32 v17, v32;
	v20 =	vld.idx.msk [tilespmem:v20+s8+$0x0], $0xffff;
	v23 =	vnsel vm3, $0x0, v23;
	[tilespmem:s15+$0x50] =	vst v25  }
0x3ae: {  	v38 =	vadd.s32 v4, v8;
	v34 =	vor.u32 v10, v34;
	v15 =	vmov s0;
	[tilespmem:s16+$0x20] =	vst v23;
	v36 =	vld.idx.msk [tilespmem:v33+s3+$0x0], $0xffff  }
0x3af: {  	vm2 =	vmmov vm2;
	v25 =	vnsel vm4, $0x0, v30;
	v23 =	vadd.s32 v7, v11;
	v37 =	vld.idx.msk [tilespmem:v29+s3+$0x0], $0xffff  }
0x3b0: {  	v31 =	vnsel vm2, $0x0, v31;
	v29 =	vadd.s32 v4, v13;
	v23 =	vand.u32 $0x7F, v23;
	v39 =	vld.idx.msk [tilespmem:v27+s3+$0x0], $0xffff  }
0x3b1: {  	p4 =	por $0x1, $0x1;
	[tilespmem:s16+$0xFFFFFFA0] =	vst v25;
	v27 =	vadd.s32 v1, v24;
	v29 =	vand.u32 $0x7F, v29;
	v40 =	vor.u32 v12, v23;
	v23 =	vld.idx.msk [tilespmem:v28+s3+$0x0], $0xffff  }
.Ltmp24:
0x3b2: {  	v25 =	vadd.s32 v1, v22;
	[tilespmem:s15+$0xFFFFFFD0] =	vst v31;
	v27 =	vand.u32 $0x7F, v27;
	v30 =	vor.u32 v14, v29;
	v29 =	vld.idx.msk [tilespmem:v32+s3+$0x0], $0xffff;
	(pc) =	sbr.rel @!p4 .LBB2_47-.Ltmp24, $4  }
0x3b3: {  	v41 =	vand.u32 $0x7F, v62;
	v28 =	vand.u32 $0x7F, v25;
	v33 =	vld.idx.msk [tilespmem:v34+s3+$0x0], $0xffff;
	v25 =	vor.u32 v26, v27  }
0x3b4: {  	v31 =	vand.u32 $0x7F, v38;
	v27 =	vor.u32 v21, v28;
	v63 =	vnsel vm5, $0x0, v36  }
0x3b5: {  	s5 =	simm.s32 $0x7;
	s6 =	simm.s32 $0x8;
	s1 =	simm.s32 $0xF280;
	vm3 =	vgt.s32 v20, $0x0;
	v31 =	vor.u32 v17, v31;
	v28 =	vld.idx.msk [tilespmem:v15+s24+$0x0], $0xffff;
	v20 =	vnsel vm6, $0x0, v37;
	[tilespmem:s15+$0x60] =	vst v63  }
0x3b6: {  	p3 =	por $0x1, $0x1;
	s2 =	simm.s32 $0xF180;
	vm7 =	vgt.s32 v35, $0x0;
	s0 =	simm.s32 $0xF080;
	v32 =	vnsel vm3, $0x0, v39;
	[tilespmem:s16+$0x30] =	vst v20;
	v20 =	vor.u32 v10, v41;
	v37 =	vld.idx.msk [tilespmem:v40+s3+$0x0], $0xffff  }
.LBB2_48:
0x3b7: {  	p4 =	slt.u32 s6, $0x9E;
	v35 =	vmov s5;
	v23 =	vnsel vm7, $0x0, v23;
	[tilespmem:s1+$0x0] =	vst v32;
	v29 =	vnsel vm4, $0x0, v29;
	v30 =	vld.idx.msk [tilespmem:v30+s3+$0x0], $0xffff;
	v34 =	vmovc v21  }
0x3b8: {  	v21 =	vadd.s32 v5, v13;
	vm8 =	vmmov vm4;
	[tilespmem:s1+$0xFFFFFF80] =	vst v23;
	v23 =	vld.idx.msk [tilespmem:v25+s3+$0x0], $0xffff;
	v25 =	vnsel vm2, $0x0, v33  }
0x3b9: {  	v32 =	vadd.s32 v2, v24;
	vm4 =	vmmov vm7;
	v21 =	vand.u32 $0x7F, v21;
	v27 =	vld.idx.msk [tilespmem:v27+s3+$0x0], $0xffff;
	[tilespmem:s2+$0xFFFFFFB0] =	vst v29  }
0x3ba: {  	v32 =	vand.u32 $0x7F, v32;
	v29 =	vadd.s32 v2, v22;
	v33 =	vor.u32 v14, v21;
	v31 =	vld.idx.msk [tilespmem:v31+s3+$0x0], $0xffff;
	[tilespmem:s0+$0xFFFFFFE0] =	vst v25  }
0x3bb: {  	v21 =	vand.u32 $0x7F, v29;
	v25 =	vor.u32 v26, v32;
	v29 =	vadd.s32 v5, v8;
	v20 =	vld.idx.msk [tilespmem:v20+s3+$0x0], $0xffff  }
0x3bc: {  	v36 =	vor.u32 v34, v21;
	v21 =	vand.u32 $0x7F, v29;
	v29 =	vnsel vm5, $0x0, v37;
	v32 =	vld.idx.msk [tilespmem:v35+s24+$0x0], $0xffff  }
0x3bd: {  	vm5 =	vmmov vm6;
	v37 =	vor.u32 v17, v21;
	v30 =	vnsel vm6, $0x0, v30;
	[tilespmem:s0+$0x70] =	vst v29  }
0x3be: {  	v21 =	vshll.u32 v15, $0x7;
	v29 =	vadd.s32 v0, v28;
	v23 =	vnsel vm3, $0x0, v23;
	[tilespmem:s2+$0x40] =	vst v30  }
0x3bf: {  	v29 =	vand.u32 $0x7F, v29;
	v27 =	vnsel vm4, $0x0, v27;
	v30 =	vadd.s32 v3, v22;
	[tilespmem:s1+$0x10] =	vst v23;
	v33 =	vld.idx.msk [tilespmem:v33+s3+$0x0], $0xffff  }
0x3c0: {  	v23 =	vor.u32 v21, v29;
	v29 =	vadd.s32 v6, v13;
	[tilespmem:s1+$0xFFFFFF90] =	vst v27;
	v25 =	vld.idx.msk [tilespmem:v25+s3+$0x0], $0xffff;
	v27 =	vnsel vm8, $0x0, v31  }
0x3c1: {  	v20 =	vnsel vm2, $0x0, v20;
	v31 =	vld.idx.msk [tilespmem:v36+s3+$0x0], $0xffff;
	v36 =	vadd.s32 v3, v24;
	[tilespmem:s2+$0xFFFFFFC0] =	vst v27;
	v27 =	vand.u32 $0x7F, v29  }
0x3c2: {  	v29 =	vadd.s32 v0, v32;
	v36 =	vand.u32 $0x7F, v36;
	v37 =	vld.idx.msk [tilespmem:v37+s3+$0x0], $0xffff;
	v27 =	vor.u32 v14, v27;
	[tilespmem:s0+$0xFFFFFFF0] =	vst v20;
	s0 =	smov.u32 s2;
	s2 =	smov.u32 s1  }
0x3c3: {  	v38 =	vshll.u32 v35, $0x7;
	v20 =	vand.u32 $0x7F, v29;
	v29 =	vor.u32 v26, v36  }
0x3c4: {  	v20 =	vor.u32 v38, v20;
	v36 =	vld.idx.msk [tilespmem:v15+s8+$0x0], $0xffff;
	v15 =	vand.u32 $0x7F, v30;
	v30 =	vadd.s32 v6, v8  }
0x3c5: {  	v23 =	vld.idx.msk [tilespmem:v23+s3+$0x0], $0xffff;
	v39 =	vor.u32 v34, v15;
	v15 =	vand.u32 $0x7F, v30;
	v30 =	vnsel vm5, $0x0, v33  }
0x3c6: {  	vm6 =	vmmov vm3;
	v25 =	vnsel vm3, $0x0, v25;
	v35 =	vld.idx.msk [tilespmem:v35+s8+$0x0], $0xffff;
	v33 =	vor.u32 v17, v15;
	[tilespmem:s0+$0x50] =	vst v30  }
0x3c7: {  	vm2 =	vmmov vm8;
	v15 =	vmov s6;
	v30 =	vnsel vm4, $0x0, v31;
	[tilespmem:s1+$0x20] =	vst v25;
	v31 =	vld.idx.msk [tilespmem:v27+s3+$0x0], $0xffff  }
0x3c8: {  	v41 =	vadd.s32 v7, v13;
	v8 =	vadd.s32 v7, v8;
	v25 =	vnsel vm2, $0x0, v37;
	[tilespmem:s1+$0xFFFFFFA0] =	vst v30;
	v40 =	vld.idx.msk [tilespmem:v29+s3+$0x0], $0xffff  }
0x3c9: {  	v37 =	vadd.s32 v4, v22;
	v27 =	vadd.s32 v4, v24;
	v30 =	vand.u32 $0x7F, v41;
	v20 =	vld.idx.msk [tilespmem:v20+s3+$0x0], $0xffff;
	[tilespmem:s0+$0xFFFFFFD0] =	vst v25  }
0x3ca: {  	v13 =	vmovc v24;
	v27 =	vand.u32 $0x7F, v27;
	v25 =	vadd.s32 v1, v32;
	v29 =	vld.idx.msk [tilespmem:v39+s3+$0x0], $0xffff;
	v39 =	vor.u32 v14, v30  }
.Ltmp25:
0x3cb: {  	v42 =	vadd.s32 v1, v28;
	v24 =	vmovc v32;
	v25 =	vand.u32 $0x7F, v25;
	v30 =	vor.u32 v26, v27;
	v33 =	vld.idx.msk [tilespmem:v33+s3+$0x0], $0xffff;
	(pc) =	sbr.rel @p4 .LBB2_48-.Ltmp25, $4  }
0x3cc: {  	v41 =	vand.u32 $0x7F, v8;
	v27 =	vand.u32 $0x7F, v42;
	v14 =	vmovc v26;
	v26 =	vmovc v38;
	v25 =	vor.u32 v38, v25  }
0x3cd: {  	v8 =	vmovc v22;
	v22 =	vmovc v28;
	v32 =	vand.u32 $0x7F, v37;
	v27 =	vor.u32 v21, v27;
	v37 =	vnsel vm5, $0x0, v31  }
0x3ce: {  	vm3 =	vgt.s32 v35, $0x0;
	v31 =	vor.u32 v34, v32;
	v35 =	vnsel vm6, $0x0, v40;
	v28 =	vld.idx.msk [tilespmem:v15+s24+$0x0], $0xffff;
	[tilespmem:s0+$0x60] =	vst v37  }
0x3cf: {  	s5 =	sadd.s32 $0x1, s6;
	s6 =	sadd.s32 $0x2, s6;
	s1 =	sadd.s32 $0x100, s1;
	vm7 =	vgt.s32 v36, $0x0;
	v32 =	vnsel vm3, $0x0, v20;
	v20 =	vor.u32 v17, v41;
	v17 =	vmovc v34;
	[tilespmem:s2+$0x30] =	vst v35;
	v37 =	vld.idx.msk [tilespmem:v39+s3+$0x0], $0xffff  }
0x3d0: {  	_ =	sdelay $0x1  }
0x3d1: {  	v35 =	vmov v13;
	v36 =	vmov v14  }
0x3d2: {  	v34 =	vmovc v8;
	v13 =	vmovc v24;
	v24 =	vmov v22;
	v14 =	vmov v26;
	v8 =	vmov v28  }
.LBB2_50:
0x3d3: {  	v28 =	vmov s5;
	_ =	sdelay $0x1  }
0x3d4: {  	v22 =	vnsel @p1 vm7, $0x0, v23  }
0x3d5: {  	[tilespmem:s1+$0xFFFFFF80] =	vst @p1 v22  }
0x3d6: {  	v23 =	vld.idx.msk @p1 [tilespmem:v27+s3+$0x0], $0xffff  }
0x3d7: {  	v22 =	vld.idx.msk [tilespmem:v28+s24+$0x0], $0xffff  }
0x3d8: {  	v26 =	vadd.s32 @p1 v2, v24  }
0x3d9: {  	v29 =	vnsel @p2 vm4, $0x0, v29;
	v39 =	vadd.s32 @p2 v5, v35;
	vm8 =	vmmov @p1 vm7  }
0x3da: {  	vm7 =	vmmov @p2 vm4;
	v51 =	vadd.s32 v0, v8;
	v27 =	vmovc @p1 v21;
	v21 =	vand.u32 @p1 $0x7F, v26  }
0x3db: {  	[tilespmem:s1+$0x0] =	vst @p1 v32;
	v40 =	vadd.s32 @p1 v2, v13;
	v38 =	vor.u32 @p1 v27, v21;
	v21 =	vnsel @p1 vm8, $0x0, v23  }
0x3dc: {  	v32 =	vld.idx.msk @p1 [tilespmem:v25+s3+$0x0], $0xffff;
	v25 =	vand.u32 $0x7F, v51;
	[tilespmem:s1+$0xFFFFFF90] =	vst @p1 v21;
	v21 =	vshll.u32 v15, $0x7;
	v50 =	vadd.s32 v0, v22  }
0x3dd: {  	v23 =	vshll.u32 v28, $0x7;
	v41 =	vor.u32 v21, v25;
	v52 =	vand.u32 $0x7F, v50  }
0x3de: {  	vm4 =	vmmov @p2 vm6;
	v26 =	vnsel @p3 vm2, $0x0, v33;
	v28 =	vld.idx.msk [tilespmem:v28+s8+$0x0], $0xffff;
	v33 =	vor.u32 v23, v52  }
0x3df: {  	v55 =	vadd.s32 v1, v8;
	v60 =	vadd.s32 v2, v8;
	v63 =	vadd.s32 v3, v8  }
0x3e0: {  	v30 =	vld.idx.msk @p2 [tilespmem:v30+s3+$0x0], $0xffff;
	v11 =	vpsel p1, v13, v11;
	v43 =	vadd.s32 v4, v8;
	v39 =	vand.u32 @p2 $0x7F, v39  }
0x3e1: {  	v53 =	vld.idx.msk [tilespmem:v15+s8+$0x0], $0xffff;
	v39 =	vor.u32 @p2 v36, v39;
	v25 =	vand.u32 @p1 $0x7F, v40;
	v40 =	vadd.s32 @p2 v5, v34  }
0x3e2: {  	[tilespmem:s2+$0xFFFFFFB0] =	vst @p2 v29;
	v29 =	vor.u32 @p1 v14, v25;
	v40 =	vand.u32 @p2 $0x7F, v40;
	v25 =	vnsel @p3 vm5, $0x0, v37;
	v41 =	vld.idx.msk [tilespmem:v41+s3+$0x0], $0xffff  }
0x3e3: {  	v54 =	vadd.s32 v1, v22;
	vm11 =	vgt.s32 v28, $0x0;
	v28 =	vand.u32 $0x7F, v55;
	v33 =	vld.idx.msk [tilespmem:v33+s3+$0x0], $0xffff  }
0x3e4: {  	v37 =	vor.u32 @p2 v17, v40;
	v40 =	vand.u32 $0x7F, v54;
	v28 =	vor.u32 v21, v28  }
0x3e5: {  	v30 =	vnsel @p2 vm6, $0x0, v30;
	v15 =	vadd.s32 @p2 v6, v35;
	v40 =	vor.u32 v23, v40  }
0x3e6: {  	s5 =	sadd.s32 @p1 $0x100, s1;
	vm12 =	vgt.s32 v53, $0x0;
	v32 =	vnsel @p1 vm3, $0x0, v32;
	[tilespmem:s2+$0x40] =	vst @p2 v30;
	v15 =	vand.u32 @p2 $0x7F, v15  }
0x3e7: {  	s16 =	smov.u32 @p1 s5;
	v31 =	vld.idx.msk @p2 [tilespmem:v31+s3+$0x0], $0xffff;
	v30 =	vadd.s32 @p1 v3, v24;
	[tilespmem:s1+$0x10] =	vst @p1 v32;
	v42 =	vor.u32 @p2 v36, v15;
	v57 =	vnsel vm12, $0x0, v41  }
0x3e8: {  	v32 =	vld.idx.msk @p2 [tilespmem:v39+s3+$0x0], $0xffff;
	v15 =	vand.u32 @p1 $0x7F, v30;
	v30 =	vadd.s32 @p2 v7, v35;
	[tilespmem:s16+$0xFFFFFF80] =	vst v57;
	v56 =	vnsel vm11, $0x0, v33  }
0x3e9: {  	v12 =	vpsel p1, v14, v12;
	v35 =	vor.u32 @p1 v27, v15;
	v15 =	vand.u32 @p2 $0x7F, v30;
	v28 =	vld.idx.msk [tilespmem:v28+s3+$0x0], $0xffff;
	[tilespmem:s16+$0x0] =	vst v56  }
0x3ea: {  	v59 =	vadd.s32 v2, v22;
	v15 =	vor.u32 @p2 v36, v15;
	v36 =	vand.u32 $0x7F, v60;
	v58 =	vld.idx.msk [tilespmem:v40+s3+$0x0], $0xffff  }
0x3eb: {  	v9 =	vpsel p1, v24, v9;
	v36 =	vor.u32 v21, v36;
	v29 =	vld.idx.msk @p1 [tilespmem:v29+s3+$0x0], $0xffff;
	v33 =	vand.u32 $0x7F, v59  }
0x3ec: {  	v49 =	vadd.s32 v5, v8;
	v31 =	vnsel @p2 vm7, $0x0, v31;
	v38 =	vld.idx.msk @p1 [tilespmem:v38+s3+$0x0], $0xffff;
	v33 =	vor.u32 v23, v33  }
0x3ed: {  	vm6 =	vmmov vm12;
	v39 =	vadd.s32 @p1 v3, v13;
	[tilespmem:s2+$0xFFFFFFC0] =	vst @p2 v31;
	v32 =	vnsel @p2 vm4, $0x0, v32  }
0x3ee: {  	v39 =	vand.u32 @p1 $0x7F, v39;
	v31 =	vadd.s32 @p2 v6, v34;
	[tilespmem:s2+$0x50] =	vst @p2 v32;
	v28 =	vnsel vm6, $0x0, v28  }
0x3ef: {  	v31 =	vand.u32 @p2 $0x7F, v31;
	v32 =	vld.idx.msk @p2 [tilespmem:v37+s3+$0x0], $0xffff;
	v37 =	vor.u32 @p1 v14, v39;
	[tilespmem:s16+$0xFFFFFF90] =	vst v28;
	v30 =	vnsel vm11, $0x0, v58  }
0x3f0: {  	v34 =	vadd.s32 @p2 v7, v34;
	v62 =	vadd.s32 v3, v22;
	v29 =	vnsel @p1 vm3, $0x0, v29;
	v40 =	vld.idx.msk [tilespmem:v36+s3+$0x0], $0xffff;
	[tilespmem:s16+$0x10] =	vst v30  }
0x3f1: {  	v38 =	vnsel @p1 vm8, $0x0, v38;
	[tilespmem:s1+$0x20] =	vst @p1 v29;
	v29 =	vand.u32 $0x7F, v63;
	v30 =	vadd.s32 @p1 v4, v13;
	v61 =	vld.idx.msk [tilespmem:v33+s3+$0x0], $0xffff  }
0x3f2: {  	[tilespmem:s1+$0xFFFFFFA0] =	vst @p1 v38;
	v29 =	vor.u32 v21, v29;
	v33 =	vand.u32 $0x7F, v62;
	v30 =	vand.u32 @p1 $0x7F, v30  }
0x3f3: {  	v31 =	vor.u32 @p2 v17, v31;
	v35 =	vld.idx.msk @p1 [tilespmem:v35+s3+$0x0], $0xffff;
	v33 =	vor.u32 v23, v33;
	v30 =	vor.u32 @p1 v14, v30  }
0x3f4: {  	v34 =	vand.u32 @p2 $0x7F, v34;
	v36 =	vld.idx.msk @p1 [tilespmem:v37+s3+$0x0], $0xffff;
	v18 =	vpsel p1, v30, v18;
	v30 =	vadd.s32 @p1 v4, v24  }
0x3f5: {  	v17 =	vor.u32 @p2 v17, v34;
	v34 =	vnsel vm6, $0x0, v40;
	v30 =	vand.u32 @p1 $0x7F, v30  }
0x3f6: {  	vm0 =	vmmov @p1 vm8;
	v38 =	vld.idx.msk @p2 [tilespmem:v42+s3+$0x0], $0xffff;
	[tilespmem:s16+$0xFFFFFFA0] =	vst v34;
	v30 =	vor.u32 @p1 v27, v30;
	v28 =	vnsel vm11, $0x0, v61  }
0x3f7: {  	v51 =	vand.u32 $0x7F, v49;
	v42 =	vadd.s32 v4, v22;
	v29 =	vld.idx.msk [tilespmem:v29+s3+$0x0], $0xffff;
	v19 =	vpsel p1, v30, v19;
	[tilespmem:s16+$0x20] =	vst v28  }
0x3f8: {  	vm3 =	vmmov @p1 vm3;
	v16 =	vpsel p1, v35, v16;
	v13 =	vand.u32 $0x7F, v43;
	v41 =	vld.idx.msk [tilespmem:v33+s3+$0x0], $0xffff  }
0x3f9: {  	v13 =	vor.u32 v21, v13;
	v28 =	vnsel @p1 vm3, $0x0, v36;
	v33 =	vand.u32 $0x7F, v42  }
0x3fa: {  	s15 =	smov.u32 @p1 s1;
	vm7 =	vmmov @p2 vm7;
	v16 =	vnsel @p1 vm0, $0x0, v16;
	v24 =	vmovc @p1 v27;
	[tilespmem:s1+$0x30] =	vst @p1 v28;
	v44 =	vor.u32 v23, v33  }
0x3fb: {  	vm5 =	vmmov vm11;
	[tilespmem:s15+$0xFFFFFFB0] =	vst @p1 v16;
	v10 =	vpsel p1, v24, v10;
	v28 =	vadd.s32 @p1 v5, v11;
	v18 =	vld.idx.msk @p1 [tilespmem:v18+s3+$0x0], $0xffff  }
0x3fc: {  	v27 =	vadd.s32 @p1 v5, v9;
	v16 =	vand.u32 @p1 $0x7F, v28;
	v46 =	vnsel vm6, $0x0, v29;
	v19 =	vld.idx.msk @p1 [tilespmem:v19+s3+$0x0], $0xffff  }
0x3fd: {  	v24 =	vand.u32 @p1 $0x7F, v27;
	v16 =	vor.u32 @p1 v12, v16;
	[tilespmem:s16+$0xFFFFFFB0] =	vst v46;
	v45 =	vnsel vm5, $0x0, v41  }
0x3fe: {  	vm13 =	vmmov vm6;
	v47 =	vadd.s32 v5, v22;
	v24 =	vor.u32 @p1 v10, v24;
	v13 =	vld.idx.msk [tilespmem:v13+s3+$0x0], $0xffff;
	[tilespmem:s16+$0x30] =	vst v45  }
0x3ff: {  	v48 =	vand.u32 $0x7F, v47;
	v54 =	vadd.s32 v6, v8;
	vm1 =	vmmov @p1 vm3;
	v14 =	vld.idx.msk [tilespmem:v44+s3+$0x0], $0xffff  }
0x400: {  	v27 =	vor.u32 v21, v51;
	vm3 =	vmmov @p1 vm0;
	v18 =	vnsel @p1 vm1, $0x0, v18  }
0x401: {  	v8 =	vadd.s32 v7, v8;
	v50 =	vor.u32 v23, v48;
	[tilespmem:s15+$0x40] =	vst @p1 v18;
	v19 =	vnsel @p1 vm3, $0x0, v19  }
0x402: {  	vm15 =	vmmov vm13;
	v52 =	vadd.s32 v6, v22;
	v28 =	vadd.s32 @p1 v6, v11;
	v16 =	vld.idx.msk @p1 [tilespmem:v16+s3+$0x0], $0xffff;
	[tilespmem:s15+$0xFFFFFFC0] =	vst @p1 v19  }
0x403: {  	v19 =	vand.u32 @p1 $0x7F, v28;
	v28 =	vadd.s32 @p1 v6, v9;
	v13 =	vnsel vm13, $0x0, v13;
	v24 =	vld.idx.msk @p1 [tilespmem:v24+s3+$0x0], $0xffff  }
0x404: {  	v19 =	vor.u32 @p1 v12, v19;
	v28 =	vand.u32 @p1 $0x7F, v28;
	[tilespmem:s16+$0xFFFFFFC0] =	vst v13;
	v14 =	vnsel vm5, $0x0, v14  }
0x405: {  	v17 =	vpsel p2, v17, v0;
	v32 =	vnsel @p2 vm7, $0x0, v32;
	v27 =	vld.idx.msk [tilespmem:v27+s3+$0x0], $0xffff;
	[tilespmem:s16+$0x40] =	vst v14;
	v14 =	vor.u32 @p1 v10, v28  }
0x406: {  	v53 =	vand.u32 $0x7F, v52;
	[tilespmem:s2+$0xFFFFFFD0] =	vst @p2 v32;
	vm1 =	vmmov @p1 vm1;
	v28 =	vand.u32 $0x7F, v54;
	v18 =	vld.idx.msk [tilespmem:v50+s3+$0x0], $0xffff  }
0x407: {  	v30 =	vld.idx.msk @p2 [tilespmem:v31+s3+$0x0], $0xffff;
	s1 =	smov.u32 @p1 s15;
	vm6 =	vmmov @p1 vm3;
	v13 =	vnsel @p1 vm1, $0x0, v16;
	v55 =	vor.u32 v21, v28  }
0x408: {  	v8 =	vand.u32 $0x7F, v8;
	v16 =	vor.u32 v23, v53;
	[tilespmem:s1+$0x50] =	vst @p1 v13;
	v13 =	vnsel @p1 vm6, $0x0, v24  }
0x409: {  	vm14 =	vmmov vm5;
	v32 =	vnsel @p2 vm4, $0x0, v38;
	v11 =	vadd.s32 @p1 v7, v11;
	v19 =	vld.idx.msk @p1 [tilespmem:v19+s3+$0x0], $0xffff;
	[tilespmem:s1+$0xFFFFFFD0] =	vst @p1 v13  }
0x40a: {  	[tilespmem:s2+$0x60] =	vst @p2 v32;
	v11 =	vand.u32 @p1 $0x7F, v11;
	v9 =	vadd.s32 @p1 v7, v9;
	v57 =	vnsel vm15, $0x0, v27;
	v13 =	vld.idx.msk @p1 [tilespmem:v14+s3+$0x0], $0xffff  }
0x40b: {  	v15 =	vld.idx.msk @p2 [tilespmem:v15+s3+$0x0], $0xffff;
	v11 =	vor.u32 @p1 v12, v11;
	v9 =	vand.u32 @p1 $0x7F, v9;
	[tilespmem:s16+$0xFFFFFFD0] =	vst v57;
	v56 =	vnsel vm14, $0x0, v18  }
0x40c: {  	vm0 =	vmmov @p2 vm7;
	v29 =	vpsel p2, v30, v0;
	v9 =	vor.u32 @p1 v10, v9;
	v61 =	vld.idx.msk [tilespmem:v55+s3+$0x0], $0xffff;
	[tilespmem:s16+$0x50] =	vst v56  }
0x40d: {  	[tilespmem:s0+$0xFFFFFFE0] =	vst @p3 v26;
	v59 =	vadd.s32 v7, v22;
	s2 =	smov.u32 @p2 s2;
	v9 =	vpsel p1, v9, v0;
	v14 =	vnsel @p2 vm0, $0x0, v29;
	v58 =	vld.idx.msk [tilespmem:v16+s3+$0x0], $0xffff  }
0x40e: {  	v8 =	vor.u32 v21, v8;
	v60 =	vand.u32 $0x7F, v59;
	v18 =	vld.idx.msk @p3 [tilespmem:v20+s3+$0x0], $0xffff;
	[tilespmem:s2+$0xFFFFFFE0] =	vst @p2 v14;
	v14 =	vnsel @p1 vm1, $0x0, v19  }
0x40f: {  	v12 =	vor.u32 v23, v60;
	vm6 =	vmmov @p1 vm6;
	v17 =	vld.idx.msk @p2 [tilespmem:v17+s3+$0x0], $0xffff;
	[tilespmem:s1+$0x60] =	vst @p1 v14;
	v13 =	vpsel p1, v13, v0  }
0x410: {  	s1 =	smov.u32 @p1 s1;
	v11 =	vld.idx.msk @p1 [tilespmem:v11+s3+$0x0], $0xffff;
	v13 =	vnsel @p1 vm6, $0x0, v13  }
0x411: {  	v62 =	vnsel vm15, $0x0, v61;
	[tilespmem:s1+$0xFFFFFFE0] =	vst @p1 v13  }
0x412: {  	[tilespmem:s16+$0xFFFFFFE0] =	vst v62;
	v10 =	vnsel vm14, $0x0, v58;
	v9 =	vld.idx.msk @p1 [tilespmem:v9+s3+$0x0], $0xffff  }
0x413: {  	v14 =	vpsel p2, v15, v0;
	v13 =	vnsel @p3 vm2, $0x0, v18;
	vm2 =	vmmov @p2 vm4;
	v8 =	vld.idx.msk [tilespmem:v8+s3+$0x0], $0xffff;
	[tilespmem:s16+$0x60] =	vst v10  }
0x414: {  	[tilespmem:s0+$0x70] =	vst @p3 v25;
	v10 =	vnsel @p2 vm2, $0x0, v14;
	v12 =	vld.idx.msk [tilespmem:v12+s3+$0x0], $0xffff  }
0x415: {  	v11 =	vpsel p1, v11, v0;
	[tilespmem:s2+$0x70] =	vst @p2 v10;
	v10 =	vnsel @p2 vm0, $0x0, v17;
	vm0 =	vmmov @p1 vm1  }
0x416: {  	[tilespmem:s2+$0xFFFFFFF0] =	vst @p2 v10;
	v10 =	vnsel @p1 vm0, $0x0, v11  }
0x417: {  	[tilespmem:s1+$0x70] =	vst @p1 v10;
	v9 =	vnsel @p1 vm6, $0x0, v9  }
0x418: {  	s9 =	sadd.s32 $0x1, s9;
	v8 =	vnsel vm15, $0x0, v8;
	[tilespmem:s1+$0xFFFFFFF0] =	vst @p1 v9  }
0x419: {  	[tilespmem:s16+$0xFFFFFFF0] =	vst v8;
	p1 =	sne.s32 s9, $0x12;
	v63 =	vnsel vm14, $0x0, v12  }
.Ltmp26:
0x41a: {  	[tilespmem:s16+$0x70] =	vst v63;
	s16 =	rddreg [dreg:$0x4];
	(pc) =	sbr.rel @p1 .LBB2_26-.Ltmp26, $4  }
.Ltmp27:
0x41b: {  	s17 =	simm.s32 $0xF000;
	[tilespmem:s0+$0xFFFFFFF0] =	vst @p3 v13;
	s0 =	sadd.s32 s16, s25;
	(pc) =	sbr.rel @!p1 .LBB2_51-.Ltmp27, $4  }
0x41c: {  	[hbm4b:s0+s7] =	stream.linear.scatter [tilespmem:s17], [sflag:$0x8], $0x5000, $0x38;
	[tilespmem:$0x14880] =	vst v63  }
0x41d: {  	s25 =	sadd.s32 s21, s26;
	s26 =	simm.s32 $0x14500  }
0x41e: {  	[hbm4b:s25+s7] =	stream.linear.scatter [tilespmem:s26], [sflag:$0xA], $0xA0, $0x38;
	[tilespmem:$0x14880] =	vst v63  }
0x41f: {  	_ = 	snop  }
.LBB2_29:
.Ltmp28:
0x420: {  	_ = 	snop;
	(pc) =	sbr.rel .LBB2_38-.Ltmp28, $2  }
0x421: {  	_ =	sdelay $0x2  }
0x422: {  	s1 =	simm.s32 $0xA080;
	s17 =	simm.s32 $0xA080;
	v8 =	vmov v9  }
.LBB2_41:
.Ltmp29:
0x423: {  	_ = 	snop;
	(pc) =	sbr.rel .LBB2_50-.Ltmp29, $2  }
0x424: {  	_ =	sdelay $0x2  }
0x425: {  	s1 =	simm.s32 $0xF080;
	s16 =	simm.s32 $0xF080;
	v8 =	vmov v9  }
.LBB2_31:
.Ltmp30:
0x426: {  	(pc) =	sbr.rel .LBB2_38-.Ltmp30, $2  }
0x427: {  	_ =	sdelay $0x2  }
0x428: {  	v21 =	vmovc v10;
	v13 =	vmov v11;
	v24 =	vmov v9;
	v14 =	vmov v12;
	s1 =	simm.s32 $0xA080;
	s17 =	simm.s32 $0xA080  }
.LBB2_43:
.Ltmp31:
0x429: {  	(pc) =	sbr.rel .LBB2_50-.Ltmp31, $2  }
0x42a: {  	_ =	sdelay $0x2  }
0x42b: {  	v21 =	vmovc v10;
	v13 =	vmov v11;
	v24 =	vmov v9;
	v14 =	vmov v12;
	s1 =	simm.s32 $0xF080;
	s16 =	simm.s32 $0xF080  }
.LBB2_33:
.Ltmp32:
0x42c: {  	_ = 	snop;
	(pc) =	sbr.rel .LBB2_38-.Ltmp32, $4  }
0x42d: {  	_ = 	snop  }
0x42e: {  	v21 =	vmov v17;
	v24 =	vmov v8  }
0x42f: {  	vm4 =	vmmov vm0;
	v30 =	vmovc v18;
	v35 =	vmovc v11;
	v31 =	vmov v19;
	v36 =	vmov v12  }
0x430: {  	s1 =	simm.s32 $0xA180;
	s2 =	simm.s32 $0xA080;
	v34 =	vmovc v9;
	v17 =	vmovc v10;
	vm6 =	vmmov vm1;
	v8 =	vmov v22;
	v29 =	vmov v16  }
.LBB2_45:
.Ltmp33:
0x431: {  	_ = 	snop;
	(pc) =	sbr.rel .LBB2_50-.Ltmp33, $4  }
0x432: {  	_ = 	snop  }
0x433: {  	v21 =	vmov v17;
	v24 =	vmov v8  }
0x434: {  	vm4 =	vmmov vm0;
	v30 =	vmovc v18;
	v35 =	vmovc v11;
	v31 =	vmov v19;
	v36 =	vmov v12  }
0x435: {  	s1 =	simm.s32 $0xF180;
	s2 =	simm.s32 $0xF080;
	v34 =	vmovc v9;
	v17 =	vmovc v10;
	vm6 =	vmmov vm1;
	v8 =	vmov v22;
	v29 =	vmov v16  }
.LBB2_35:
.Ltmp34:
0x436: {  	(pc) =	sbr.rel .LBB2_38-.Ltmp34, $3  }
0x437: {  	_ =	sdelay $0x1  }
0x438: {  	v35 =	vmov v13;
	v36 =	vmov v14  }
0x439: {  	v34 =	vmovc v8;
	v13 =	vmovc v24;
	s2 =	simm.s32 $0xA180;
	v24 =	vmov v22;
	s0 =	simm.s32 $0xA080;
	v14 =	vmov v26;
	v8 =	vmov v28  }
.LBB2_47:
.Ltmp35:
0x43a: {  	(pc) =	sbr.rel .LBB2_50-.Ltmp35, $3  }
0x43b: {  	_ =	sdelay $0x1  }
0x43c: {  	v35 =	vmov v13;
	v36 =	vmov v14  }
0x43d: {  	v34 =	vmovc v8;
	v13 =	vmovc v24;
	s2 =	simm.s32 $0xF180;
	v24 =	vmov v22;
	s0 =	simm.s32 $0xF080;
	v14 =	vmov v26;
	v8 =	vmov v28  }
.LBB2_51:
0x43e: {  	s0 =	simm.s32 @!p0 $0x0;
	s1 =	simm.s32 @!p0 $0x5000;
	s2 =	rddreg [dreg:$0x19]  }
0x43f: {  	[tilespmem:s1], [sflag:$0x2] =	stream.linear.gather @!p0 [hbm4b:s2+s0], $0x5000, $0x38;
	[tilespmem:$0x14880] =	vst v63  }
0x440: {  	s1 =	simm.s32 @!p0 $0x14100;
	s2 =	rddreg [dreg:$0x1b]  }
0x441: {  	[tilespmem:s1], [sflag:$0x4] =	stream.linear.gather @!p0 [hbm4b:s2+s0], $0xA0, $0x38;
	[tilespmem:$0x14880] =	vst v63  }
0x442: {  	s1 =	simm.s32 @!p0 $0x14300;
	s2 =	rddreg [dreg:$0x1c]  }
0x443: {  	[tilespmem:s1], [sflag:$0x6] =	stream.linear.gather @!p0 [hbm4b:s2+s0], $0xA0, $0x38;
	[tilespmem:$0x14880] =	vst v63  }
0x444: {  	_ =	swait.ge [sflag:s10], $0x5000  }
0x445: {  	[sflag:s10] =	ssyncset.done $0x0  }
0x446: {  	[sflag:s10] =	ssyncadd.s32 $0xFFFFB000  }
0x447: {  	_ =	swait.ge [sflag:s11], $0xA0  }
0x448: {  	[sflag:s11] =	ssyncset.done $0x0  }
0x449: {  	[sflag:s11] =	ssyncadd.s32 $0xFFFFFF60  }
0x44a: {  	_ =	swait.ge [sflag:s12], $0xA0  }
0x44b: {  	[sflag:s12] =	ssyncset.done $0x0  }
0x44c: {  	[sflag:s12] =	ssyncadd.s32 $0xFFFFFF60  }
0x44d: {  	_ =	swait.ge [sflag:s29], $0x5000  }
0x44e: {  	[sflag:s29] =	ssyncset.done $0x0  }
0x44f: {  	[sflag:s29] =	ssyncadd.s32 $0xFFFFB000  }
0x450: {  	_ =	swait.ge [sflag:s30], $0xA0  }
0x451: {  	[sflag:s30] =	ssyncset.done $0x0  }
0x452: {  	s9 =	simm.s32 $0x14000;
	[sflag:s30] =	ssyncadd.s32 $0xFFFFFF60  }
0x453: {  	v8 =	vld [tilespmem:s9+$0x0];
	_ =	sdelay $0x4  }
0x454: {  	v9 =	vadd.s32 $0xFFFFFFFF, v8  }
0x455: {  	s15 =	simm.s32 $0x14010;
	vm0 =	vgt.s32 v9, $0x0  }
0x456: {  	v10 =	vld [tilespmem:s15+$0x0];
	v9 =	vnsel vm0, $0x0, v9;
	_ =	sdelay $0x2  }
0x457: {  	s17 =	simm.s32 $0x14020  }
0x458: {  	v11 =	vld [tilespmem:s17+$0x0]  }
0x459: {  	v13 =	vld.idx.msk [tilespmem:v9+s28+$0x0], $0xffff;
	v9 =	vadd.s32 $0xFFFFFFFF, v10  }
0x45a: {  	s16 =	simm.s32 $0x14200;
	vm13 =	vgt.s32 v9, $0x0  }
0x45b: {  	v12 =	vld [tilespmem:s16+$0x0];
	v14 =	vnsel vm13, $0x0, v9;
	_ =	sdelay $0x1  }
0x45c: {  	s25 =	simm.s32 $0x14030  }
0x45d: {  	s2 =	simm.s32 $0x14040;
	v16 =	vadd.s32 $0xFFFFFFFF, v11;
	v9 =	vld [tilespmem:s25+$0x0];
	v15 =	vcvt.s32.f32 v13  }
0x45e: {  	vm14 =	vgt.s32 v8, $0x0;
	v8 =	vld [tilespmem:s2+$0x0];
	vm15 =	vgt.s32 v16, $0x0  }
0x45f: {  	v15 =	vsub.f32 v12, v15;
	v12 =	vld.idx.msk [tilespmem:v14+s28+$0x0], $0xffff;
	v14 =	vnsel vm15, $0x0, v16  }
0x460: {  	s5 =	simm.s32 $0x14210  }
0x461: {  	s26 =	simm.s32 $0x14400;
	v17 =	vsub.s32 $0x0, v13;
	v13 =	vld [tilespmem:s5+$0x0];
	v15 =	vnsel vm14, $0x0, v15  }
0x462: {  	s6 =	simm.s32 $0x40;
	s0 =	simm.s32 $0x14600;
	s1 =	simm.s32 $0x14410;
	v16 =	vadd.s32 $0xFFFFFFFF, v9;
	[tilespmem:s26+$0x0] =	vst v15;
	v15 =	vand.u32 $0x7F, v17  }
.LBB2_52:
0x463: {  	s6 =	sadd.s32 $0x10, s6  }
0x464: {  	s2 =	sadd.s32 $0x10, s2;
	vm0 =	vgt.s32 v16, $0x0;
	v17 =	vcvt.s32.f32 v12;
	[tilespmem:s0+$0x0] =	vst v15;
	s0 =	sadd.s32 $0x10, s0;
	v15 =	vmovc v12;
	v12 =	vld.idx.msk [tilespmem:v14+s28+$0x0], $0xffff;
	v18 =	vmov v8;
	p1 =	slt.u32 s6, $0x90  }
.Ltmp36:
0x465: {  	v8 =	vld [tilespmem:s2+$0x0];
	v14 =	vnsel vm0, $0x0, v16;
	(pc) =	sbr.rel @p1 .LBB2_52-.Ltmp36, $4  }
0x466: {  	s5 =	sadd.s32 $0x10, s5;
	v16 =	vsub.f32 v13, v17  }
0x467: {  	vm0 =	vgt.s32 v10, $0x0;
	v10 =	vmovc v11;
	v11 =	vmov v9;
	v9 =	vmov v18;
	v13 =	vld [tilespmem:s5+$0x0]  }
0x468: {  	v15 =	vsub.s32 $0x0, v15;
	v17 =	vnsel vm0, $0x0, v16  }
0x469: {  	v15 =	vand.u32 $0x7F, v15;
	v16 =	vadd.s32 $0xFFFFFFFF, v9;
	[tilespmem:s1+$0x0] =	vst v17;
	s1 =	sadd.s32 $0x10, s1  }
0x46a: {  	vm0 =	vgt.s32 v16, $0x0  }
0x46b: {  	v17 =	vadd.s32 $0xFFFFFFFF, v8;
	v16 =	vnsel vm0, $0x0, v16  }
0x46c: {  	vm11 =	vgt.s32 v17, $0x0  }
0x46d: {  	v17 =	vnsel vm11, $0x0, v17  }
0x46e: {  	v14 =	vld.idx.msk [tilespmem:v14+s28+$0x0], $0xffff;
	s2 =	sadd.s32 $0x10, s5  }
0x46f: {  	v18 =	vld [tilespmem:s2+$0x0]  }
0x470: {  	v19 =	vcvt.s32.f32 v12;
	s2 =	sadd.s32 $0x10, s2;
	v16 =	vld.idx.msk [tilespmem:v16+s28+$0x0], $0xffff  }
0x471: {  	v20 =	vld [tilespmem:s2+$0x0]  }
0x472: {  	v13 =	vsub.f32 v13, v19;
	v17 =	vld.idx.msk [tilespmem:v17+s28+$0x0], $0xffff  }
0x473: {  	vm12 =	vgt.s32 v10, $0x0;
	s2 =	sadd.s32 $0x10, s2;
	v21 =	vcvt.s32.f32 v14  }
0x474: {  	vm13 =	vgt.s32 v11, $0x0;
	v11 =	vsub.s32 $0x0, v12;
	v63 =	vld [tilespmem:s2+$0x0];
	v13 =	vnsel vm12, $0x0, v13  }
0x475: {  	s17 =	sadd.s32 $0x10, s0;
	v11 =	vand.u32 $0x7F, v11;
	[tilespmem:s1+$0x0] =	vst v13;
	v10 =	vsub.f32 v18, v21;
	v62 =	vcvt.s32.f32 v16  }
0x476: {  	vm14 =	vgt.s32 v9, $0x0;
	[tilespmem:s17+$0x0] =	vst v11;
	v11 =	vsub.s32 $0x0, v14  }
0x477: {  	[tilespmem:s0+$0x0] =	vst v15;
	s25 =	sadd.s32 $0x10, s1;
	s26 =	simm.s32 $0x0;
	v10 =	vnsel vm13, $0x0, v10;
	v9 =	vcvt.s32.f32 v17;
	v12 =	vsub.f32 v20, v62  }
0x478: {  	s0 =	sadd.s32 $0x10, s17;
	v15 =	vmov s26;
	[tilespmem:s25+$0x0] =	vst v10;
	v10 =	vand.u32 $0x7F, v11  }
0x479: {  	p4 =	por $0x1, $0x1;
	s1 =	sadd.s32 $0x10, s25;
	[tilespmem:s0+$0x0] =	vst v10;
	v10 =	vsub.s32 $0x0, v16;
	v9 =	vsub.f32 v63, v9;
	v11 =	vnsel vm14, $0x0, v12  }
.Ltmp37:
0x47a: {  	vm15 =	vgt.s32 v8, $0x0;
	s0 =	sadd.s32 $0x10, s0;
	v10 =	vand.u32 $0x7F, v10;
	[tilespmem:s1+$0x0] =	vst v11;
	(pc) =	sbr.rel @!p4 .LBB2_54-.Ltmp37, $4  }
0x47b: {  	s1 =	sadd.s32 $0x10, s1;
	v8 =	vnsel vm15, $0x0, v9;
	v9 =	vsub.s32 $0x0, v17;
	[tilespmem:s0+$0x0] =	vst v10  }
0x47c: {  	s9 =	simm.s32 $0xA080;
	s0 =	sadd.s32 $0x10, s0;
	[tilespmem:s1+$0x0] =	vst v8;
	v8 =	vand.u32 $0x7F, v9  }
0x47d: {  	s5 =	simm.s32 $0x1;
	p1 =	por $0x0, $0x0;
	p2 =	por $0x0, $0x0;
	[tilespmem:s0+$0x0] =	vst v8  }
0x47e: {  	p3 =	por $0x0, $0x0;
	s0 =	simm.s32 $0x2;
	v9 =	vld.idx.msk [tilespmem:v15+s13+$0x0], $0xffff;
	s17 =	rddreg [dreg:$0x1f]  }
0x47f: {  	v8 =	vmov s5;
	_ =	sdelay $0x4  }
0x480: {  	v11 =	vld.idx.msk [tilespmem:v8+s13+$0x0], $0xffff;
	_ =	sdelay $0x4  }
0x481: {  	v10 =	vadd.s32 v0, v11  }
0x482: {  	v12 =	vshll.u32 v8, $0x7;
	v10 =	vand.u32 $0x7F, v10  }
0x483: {  	v13 =	vor.u32 v12, v10;
	_ =	sdelay $0x1  }
0x484: {  	v14 =	vadd.s32 v0, v9  }
0x485: {  	v16 =	vld.idx.msk [tilespmem:v15+s14+$0x0], $0xffff;
	v14 =	vand.u32 $0x7F, v14;
	v10 =	vshll.u32 v15, $0x7  }
0x486: {  	v8 =	vld.idx.msk [tilespmem:v8+s14+$0x0], $0xffff;
	v14 =	vor.u32 v10, v14  }
0x487: {  	p4 =	por $0x1, $0x1;
	v15 =	vmov s0;
	v13 =	vld.idx.msk [tilespmem:v13+s7+$0x0], $0xffff  }
.Ltmp38:
0x488: {  	_ = 	snop;
	(pc) =	sbr.rel @!p4 .LBB2_56-.Ltmp38, $4  }
0x489: {  	_ = 	snop  }
0x48a: {  	v18 =	vadd.s32 v1, v9;
	vm7 =	vgt.s32 v16, $0x0;
	v17 =	vadd.s32 v1, v11  }
0x48b: {  	vm3 =	vgt.s32 v8, $0x0;
	v17 =	vand.u32 $0x7F, v17;
	v23 =	vld.idx.msk [tilespmem:v14+s7+$0x0], $0xffff;
	v14 =	vand.u32 $0x7F, v18  }
0x48c: {  	s5 =	simm.s32 $0x3;
	p1 =	por $0x1, $0x1;
	v25 =	vor.u32 v12, v17;
	s0 =	simm.s32 $0x4;
	v8 =	vld.idx.msk [tilespmem:v15+s13+$0x0], $0xffff;
	v27 =	vor.u32 v10, v14;
	v32 =	vnsel vm3, $0x0, v13  }
0x48d: {  	_ =	sdelay $0x1  }
0x48e: {  	v16 =	vmov s5  }
0x48f: {  	[tilespmem:s9+$0x0] =	vst v32  }
0x490: {  	v17 =	vadd.s32 v2, v11;
	v14 =	vld.idx.msk [tilespmem:v25+s7+$0x0], $0xffff;
	v13 =	vnsel vm7, $0x0, v23  }
0x491: {  	[tilespmem:s9+$0xFFFFFF80] =	vst v13;
	v13 =	vand.u32 $0x7F, v17  }
0x492: {  	v17 =	vld.idx.msk [tilespmem:v27+s7+$0x0], $0xffff;
	v18 =	vor.u32 v12, v13  }
0x493: {  	v13 =	vld.idx.msk [tilespmem:v16+s13+$0x0], $0xffff;
	_ =	sdelay $0x1  }
0x494: {  	v19 =	vadd.s32 v2, v9;
	v14 =	vnsel vm3, $0x0, v14  }
0x495: {  	v19 =	vand.u32 $0x7F, v19;
	[tilespmem:s9+$0x10] =	vst v14  }
0x496: {  	vm0 =	vmmov vm7;
	v19 =	vor.u32 v10, v19;
	v14 =	vadd.s32 v3, v11;
	v18 =	vld.idx.msk [tilespmem:v18+s7+$0x0], $0xffff  }
0x497: {  	v21 =	vand.u32 $0x7F, v14;
	v17 =	vnsel vm0, $0x0, v17;
	v20 =	vadd.s32 v0, v13  }
0x498: {  	v14 =	vshll.u32 v16, $0x7;
	[tilespmem:s9+$0xFFFFFF90] =	vst v17;
	v17 =	vand.u32 $0x7F, v20;
	v20 =	vor.u32 v12, v21  }
0x499: {  	v24 =	vld.idx.msk [tilespmem:v15+s14+$0x0], $0xffff;
	v22 =	vor.u32 v14, v17  }
0x49a: {  	v26 =	vld.idx.msk [tilespmem:v16+s14+$0x0], $0xffff;
	v21 =	vadd.s32 v0, v8  }
0x49b: {  	v19 =	vld.idx.msk [tilespmem:v19+s7+$0x0], $0xffff;
	v17 =	vshll.u32 v15, $0x7;
	v21 =	vand.u32 $0x7F, v21;
	v15 =	vnsel vm3, $0x0, v18  }
0x49c: {  	v23 =	vadd.s32 v3, v9;
	v21 =	vor.u32 v17, v21;
	[tilespmem:s9+$0x20] =	vst v15  }
0x49d: {  	v27 =	vadd.s32 v1, v8;
	v18 =	vand.u32 $0x7F, v23;
	v15 =	vmov s0;
	v20 =	vld.idx.msk [tilespmem:v20+s7+$0x0], $0xffff  }
0x49e: {  	vm1 =	vmmov vm3;
	p4 =	por $0x1, $0x1;
	v27 =	vand.u32 $0x7F, v27;
	v16 =	vor.u32 v10, v18;
	v28 =	vld.idx.msk [tilespmem:v22+s7+$0x0], $0xffff  }
.Ltmp39:
0x49f: {  	vm7 =	vgt.s32 v24, $0x0;
	v25 =	vadd.s32 v1, v13;
	v27 =	vor.u32 v17, v27;
	(pc) =	sbr.rel @!p4 .LBB2_58-.Ltmp39, $4  }
0x4a0: {  	vm3 =	vgt.s32 v26, $0x0;
	v18 =	vnsel vm0, $0x0, v19;
	v22 =	vadd.s32 v4, v11  }
0x4a1: {  	v19 =	vadd.s32 v4, v9;
	v23 =	vld.idx.msk [tilespmem:v21+s7+$0x0], $0xffff;
	v21 =	vand.u32 $0x7F, v22;
	v22 =	vand.u32 $0x7F, v25  }
0x4a2: {  	s5 =	simm.s32 $0x5;
	[tilespmem:s9+$0xFFFFFFA0] =	vst v18;
	v19 =	vand.u32 $0x7F, v19;
	v25 =	vor.u32 v14, v22;
	v22 =	vld.idx.msk [tilespmem:v15+s13+$0x0], $0xffff;
	v20 =	vnsel vm1, $0x0, v20  }
0x4a3: {  	s15 =	simm.s32 $0xA180;
	p2 =	por $0x1, $0x1;
	s0 =	simm.s32 $0x6;
	v18 =	vor.u32 v12, v21;
	v19 =	vor.u32 v10, v19;
	v16 =	vld.idx.msk [tilespmem:v16+s7+$0x0], $0xffff;
	v32 =	vnsel vm3, $0x0, v28;
	[tilespmem:s9+$0x30] =	vst v20  }
0x4a4: {  	_ =	sdelay $0x3  }
0x4a5: {  	v20 =	vmov s5;
	v26 =	vld.idx.msk [tilespmem:v18+s7+$0x0], $0xffff;
	[tilespmem:s15+$0x0] =	vst v32;
	v24 =	vadd.s32 v5, v11;
	vm2 =	vmmov vm0  }
0x4a6: {  	v28 =	vadd.s32 v2, v13;
	vm4 =	vmmov vm7;
	v25 =	vld.idx.msk [tilespmem:v25+s7+$0x0], $0xffff;
	v21 =	vnsel vm7, $0x0, v23  }
0x4a7: {  	vm5 =	vmmov vm1;
	[tilespmem:s15+$0xFFFFFF80] =	vst v21;
	v21 =	vand.u32 $0x7F, v24;
	v23 =	vnsel vm0, $0x0, v16  }
0x4a8: {  	v24 =	vadd.s32 v2, v8;
	v27 =	vld.idx.msk [tilespmem:v27+s7+$0x0], $0xffff;
	[tilespmem:s9+$0xFFFFFFB0] =	vst v23;
	v23 =	vand.u32 $0x7F, v28;
	v28 =	vor.u32 v12, v21  }
0x4a9: {  	v61 =	vadd.s32 v3, v8;
	v30 =	vand.u32 $0x7F, v24;
	v29 =	vld.idx.msk [tilespmem:v19+s7+$0x0], $0xffff;
	v23 =	vor.u32 v14, v23  }
0x4aa: {  	v60 =	vadd.s32 v0, v22;
	v21 =	vadd.s32 v5, v9;
	v24 =	vld.idx.msk [tilespmem:v20+s13+$0x0], $0xffff;
	v30 =	vor.u32 v17, v30  }
0x4ab: {  	v26 =	vnsel vm1, $0x0, v26;
	v21 =	vand.u32 $0x7F, v21;
	v25 =	vnsel vm3, $0x0, v25  }
0x4ac: {  	[tilespmem:s9+$0x40] =	vst v26;
	v26 =	vand.u32 $0x7F, v60;
	v31 =	vor.u32 v10, v21;
	v21 =	vshll.u32 v15, $0x7  }
0x4ad: {  	[tilespmem:s15+$0x10] =	vst v25;
	v27 =	vnsel vm4, $0x0, v27;
	v25 =	vld.idx.msk [tilespmem:v28+s7+$0x0], $0xffff;
	v28 =	vor.u32 v21, v26;
	v26 =	vadd.s32 v6, v11  }
0x4ae: {  	[tilespmem:s15+$0xFFFFFF90] =	vst v27;
	v23 =	vld.idx.msk [tilespmem:v23+s7+$0x0], $0xffff;
	v27 =	vnsel vm2, $0x0, v29;
	v29 =	vadd.s32 v3, v13;
	v26 =	vand.u32 $0x7F, v26  }
0x4af: {  	[tilespmem:s9+$0xFFFFFFC0] =	vst v27;
	v27 =	vadd.s32 v0, v24;
	v29 =	vand.u32 $0x7F, v29;
	v33 =	vor.u32 v12, v26  }
0x4b0: {  	v30 =	vld.idx.msk [tilespmem:v30+s7+$0x0], $0xffff;
	v26 =	vshll.u32 v20, $0x7;
	v27 =	vand.u32 $0x7F, v27;
	v29 =	vor.u32 v14, v29  }
0x4b1: {  	v34 =	vadd.s32 v6, v9;
	vm6 =	vmmov vm3;
	v31 =	vld.idx.msk [tilespmem:v31+s7+$0x0], $0xffff;
	v27 =	vor.u32 v26, v27  }
0x4b2: {  	v35 =	vld.idx.msk [tilespmem:v15+s14+$0x0], $0xffff;
	v62 =	vadd.s32 v7, v9;
	v32 =	vand.u32 $0x7F, v61;
	v25 =	vnsel vm5, $0x0, v25  }
0x4b3: {  	v34 =	vand.u32 $0x7F, v34;
	v32 =	vor.u32 v17, v32;
	v20 =	vld.idx.msk [tilespmem:v20+s14+$0x0], $0xffff;
	v23 =	vnsel vm3, $0x0, v23;
	[tilespmem:s9+$0x50] =	vst v25  }
0x4b4: {  	v38 =	vadd.s32 v4, v8;
	v34 =	vor.u32 v10, v34;
	v15 =	vmov s0;
	[tilespmem:s15+$0x20] =	vst v23;
	v36 =	vld.idx.msk [tilespmem:v33+s7+$0x0], $0xffff  }
0x4b5: {  	vm2 =	vmmov vm2;
	v25 =	vnsel vm4, $0x0, v30;
	v23 =	vadd.s32 v7, v11;
	v37 =	vld.idx.msk [tilespmem:v29+s7+$0x0], $0xffff  }
0x4b6: {  	v31 =	vnsel vm2, $0x0, v31;
	v29 =	vadd.s32 v4, v13;
	v23 =	vand.u32 $0x7F, v23;
	v39 =	vld.idx.msk [tilespmem:v27+s7+$0x0], $0xffff  }
0x4b7: {  	p4 =	por $0x1, $0x1;
	[tilespmem:s15+$0xFFFFFFA0] =	vst v25;
	v27 =	vadd.s32 v1, v24;
	v29 =	vand.u32 $0x7F, v29;
	v40 =	vor.u32 v12, v23;
	v23 =	vld.idx.msk [tilespmem:v28+s7+$0x0], $0xffff  }
.Ltmp40:
0x4b8: {  	v25 =	vadd.s32 v1, v22;
	[tilespmem:s9+$0xFFFFFFD0] =	vst v31;
	v27 =	vand.u32 $0x7F, v27;
	v30 =	vor.u32 v14, v29;
	v29 =	vld.idx.msk [tilespmem:v32+s7+$0x0], $0xffff;
	(pc) =	sbr.rel @!p4 .LBB2_60-.Ltmp40, $4  }
0x4b9: {  	v41 =	vand.u32 $0x7F, v62;
	v28 =	vand.u32 $0x7F, v25;
	v33 =	vld.idx.msk [tilespmem:v34+s7+$0x0], $0xffff;
	v25 =	vor.u32 v26, v27  }
0x4ba: {  	v31 =	vand.u32 $0x7F, v38;
	v27 =	vor.u32 v21, v28;
	v63 =	vnsel vm5, $0x0, v36  }
0x4bb: {  	s5 =	simm.s32 $0x7;
	s6 =	simm.s32 $0x8;
	s1 =	simm.s32 $0xA280;
	vm3 =	vgt.s32 v20, $0x0;
	v31 =	vor.u32 v17, v31;
	v28 =	vld.idx.msk [tilespmem:v15+s13+$0x0], $0xffff;
	v20 =	vnsel vm6, $0x0, v37;
	[tilespmem:s9+$0x60] =	vst v63  }
0x4bc: {  	p3 =	por $0x1, $0x1;
	s2 =	simm.s32 $0xA180;
	vm7 =	vgt.s32 v35, $0x0;
	s0 =	simm.s32 $0xA080;
	v32 =	vnsel vm3, $0x0, v39;
	[tilespmem:s15+$0x30] =	vst v20;
	v20 =	vor.u32 v10, v41;
	v37 =	vld.idx.msk [tilespmem:v40+s7+$0x0], $0xffff  }
.LBB2_61:
0x4bd: {  	p4 =	slt.u32 s6, $0x9E;
	v35 =	vmov s5;
	v23 =	vnsel vm7, $0x0, v23;
	[tilespmem:s1+$0x0] =	vst v32;
	v29 =	vnsel vm4, $0x0, v29;
	v30 =	vld.idx.msk [tilespmem:v30+s7+$0x0], $0xffff;
	v34 =	vmovc v21  }
0x4be: {  	v21 =	vadd.s32 v5, v13;
	vm8 =	vmmov vm4;
	[tilespmem:s1+$0xFFFFFF80] =	vst v23;
	v23 =	vld.idx.msk [tilespmem:v25+s7+$0x0], $0xffff;
	v25 =	vnsel vm2, $0x0, v33  }
0x4bf: {  	v32 =	vadd.s32 v2, v24;
	vm4 =	vmmov vm7;
	v21 =	vand.u32 $0x7F, v21;
	v27 =	vld.idx.msk [tilespmem:v27+s7+$0x0], $0xffff;
	[tilespmem:s2+$0xFFFFFFB0] =	vst v29  }
0x4c0: {  	v32 =	vand.u32 $0x7F, v32;
	v29 =	vadd.s32 v2, v22;
	v33 =	vor.u32 v14, v21;
	v31 =	vld.idx.msk [tilespmem:v31+s7+$0x0], $0xffff;
	[tilespmem:s0+$0xFFFFFFE0] =	vst v25  }
0x4c1: {  	v21 =	vand.u32 $0x7F, v29;
	v25 =	vor.u32 v26, v32;
	v29 =	vadd.s32 v5, v8;
	v20 =	vld.idx.msk [tilespmem:v20+s7+$0x0], $0xffff  }
0x4c2: {  	v36 =	vor.u32 v34, v21;
	v21 =	vand.u32 $0x7F, v29;
	v29 =	vnsel vm5, $0x0, v37;
	v32 =	vld.idx.msk [tilespmem:v35+s13+$0x0], $0xffff  }
0x4c3: {  	vm5 =	vmmov vm6;
	v37 =	vor.u32 v17, v21;
	v30 =	vnsel vm6, $0x0, v30;
	[tilespmem:s0+$0x70] =	vst v29  }
0x4c4: {  	v21 =	vshll.u32 v15, $0x7;
	v29 =	vadd.s32 v0, v28;
	v23 =	vnsel vm3, $0x0, v23;
	[tilespmem:s2+$0x40] =	vst v30  }
0x4c5: {  	v29 =	vand.u32 $0x7F, v29;
	v27 =	vnsel vm4, $0x0, v27;
	v30 =	vadd.s32 v3, v22;
	[tilespmem:s1+$0x10] =	vst v23;
	v33 =	vld.idx.msk [tilespmem:v33+s7+$0x0], $0xffff  }
0x4c6: {  	v23 =	vor.u32 v21, v29;
	v29 =	vadd.s32 v6, v13;
	[tilespmem:s1+$0xFFFFFF90] =	vst v27;
	v25 =	vld.idx.msk [tilespmem:v25+s7+$0x0], $0xffff;
	v27 =	vnsel vm8, $0x0, v31  }
0x4c7: {  	v20 =	vnsel vm2, $0x0, v20;
	v31 =	vld.idx.msk [tilespmem:v36+s7+$0x0], $0xffff;
	v36 =	vadd.s32 v3, v24;
	[tilespmem:s2+$0xFFFFFFC0] =	vst v27;
	v27 =	vand.u32 $0x7F, v29  }
0x4c8: {  	v29 =	vadd.s32 v0, v32;
	v36 =	vand.u32 $0x7F, v36;
	v37 =	vld.idx.msk [tilespmem:v37+s7+$0x0], $0xffff;
	v27 =	vor.u32 v14, v27;
	[tilespmem:s0+$0xFFFFFFF0] =	vst v20;
	s0 =	smov.u32 s2;
	s2 =	smov.u32 s1  }
0x4c9: {  	v38 =	vshll.u32 v35, $0x7;
	v20 =	vand.u32 $0x7F, v29;
	v29 =	vor.u32 v26, v36  }
0x4ca: {  	v20 =	vor.u32 v38, v20;
	v36 =	vld.idx.msk [tilespmem:v15+s14+$0x0], $0xffff;
	v15 =	vand.u32 $0x7F, v30;
	v30 =	vadd.s32 v6, v8  }
0x4cb: {  	v23 =	vld.idx.msk [tilespmem:v23+s7+$0x0], $0xffff;
	v39 =	vor.u32 v34, v15;
	v15 =	vand.u32 $0x7F, v30;
	v30 =	vnsel vm5, $0x0, v33  }
0x4cc: {  	vm6 =	vmmov vm3;
	v25 =	vnsel vm3, $0x0, v25;
	v35 =	vld.idx.msk [tilespmem:v35+s14+$0x0], $0xffff;
	v33 =	vor.u32 v17, v15;
	[tilespmem:s0+$0x50] =	vst v30  }
0x4cd: {  	vm2 =	vmmov vm8;
	v15 =	vmov s6;
	v30 =	vnsel vm4, $0x0, v31;
	[tilespmem:s1+$0x20] =	vst v25;
	v31 =	vld.idx.msk [tilespmem:v27+s7+$0x0], $0xffff  }
0x4ce: {  	v41 =	vadd.s32 v7, v13;
	v8 =	vadd.s32 v7, v8;
	v25 =	vnsel vm2, $0x0, v37;
	[tilespmem:s1+$0xFFFFFFA0] =	vst v30;
	v40 =	vld.idx.msk [tilespmem:v29+s7+$0x0], $0xffff  }
0x4cf: {  	v37 =	vadd.s32 v4, v22;
	v27 =	vadd.s32 v4, v24;
	v30 =	vand.u32 $0x7F, v41;
	v20 =	vld.idx.msk [tilespmem:v20+s7+$0x0], $0xffff;
	[tilespmem:s0+$0xFFFFFFD0] =	vst v25  }
0x4d0: {  	v13 =	vmovc v24;
	v27 =	vand.u32 $0x7F, v27;
	v25 =	vadd.s32 v1, v32;
	v29 =	vld.idx.msk [tilespmem:v39+s7+$0x0], $0xffff;
	v39 =	vor.u32 v14, v30  }
.Ltmp41:
0x4d1: {  	v42 =	vadd.s32 v1, v28;
	v24 =	vmovc v32;
	v25 =	vand.u32 $0x7F, v25;
	v30 =	vor.u32 v26, v27;
	v33 =	vld.idx.msk [tilespmem:v33+s7+$0x0], $0xffff;
	(pc) =	sbr.rel @p4 .LBB2_61-.Ltmp41, $4  }
0x4d2: {  	v41 =	vand.u32 $0x7F, v8;
	v27 =	vand.u32 $0x7F, v42;
	v14 =	vmovc v26;
	v26 =	vmovc v38;
	v25 =	vor.u32 v38, v25  }
0x4d3: {  	v8 =	vmovc v22;
	v22 =	vmovc v28;
	v32 =	vand.u32 $0x7F, v37;
	v27 =	vor.u32 v21, v27;
	v37 =	vnsel vm5, $0x0, v31  }
0x4d4: {  	vm3 =	vgt.s32 v35, $0x0;
	v31 =	vor.u32 v34, v32;
	v35 =	vnsel vm6, $0x0, v40;
	v28 =	vld.idx.msk [tilespmem:v15+s13+$0x0], $0xffff;
	[tilespmem:s0+$0x60] =	vst v37  }
0x4d5: {  	s5 =	sadd.s32 $0x1, s6;
	s6 =	sadd.s32 $0x2, s6;
	s1 =	sadd.s32 $0x100, s1;
	vm7 =	vgt.s32 v36, $0x0;
	v32 =	vnsel vm3, $0x0, v20;
	v20 =	vor.u32 v17, v41;
	v17 =	vmovc v34;
	[tilespmem:s2+$0x30] =	vst v35;
	v37 =	vld.idx.msk [tilespmem:v39+s7+$0x0], $0xffff  }
0x4d6: {  	_ =	sdelay $0x1  }
0x4d7: {  	v35 =	vmov v13;
	v36 =	vmov v14  }
0x4d8: {  	v34 =	vmovc v8;
	v13 =	vmovc v24;
	v24 =	vmov v22;
	v14 =	vmov v26;
	v8 =	vmov v28  }
.LBB2_63:
0x4d9: {  	v28 =	vmov s5;
	_ =	sdelay $0x1  }
0x4da: {  	v22 =	vnsel @p1 vm7, $0x0, v23  }
0x4db: {  	[tilespmem:s1+$0xFFFFFF80] =	vst @p1 v22  }
0x4dc: {  	v23 =	vld.idx.msk @p1 [tilespmem:v27+s7+$0x0], $0xffff  }
0x4dd: {  	v22 =	vld.idx.msk [tilespmem:v28+s13+$0x0], $0xffff  }
0x4de: {  	v26 =	vadd.s32 @p1 v2, v24  }
0x4df: {  	v29 =	vnsel @p2 vm4, $0x0, v29;
	v39 =	vadd.s32 @p2 v5, v35;
	vm8 =	vmmov @p1 vm7  }
0x4e0: {  	vm7 =	vmmov @p2 vm4;
	v51 =	vadd.s32 v0, v8;
	v27 =	vmovc @p1 v21;
	v21 =	vand.u32 @p1 $0x7F, v26  }
0x4e1: {  	[tilespmem:s1+$0x0] =	vst @p1 v32;
	v40 =	vadd.s32 @p1 v2, v13;
	v38 =	vor.u32 @p1 v27, v21;
	v21 =	vnsel @p1 vm8, $0x0, v23  }
0x4e2: {  	v32 =	vld.idx.msk @p1 [tilespmem:v25+s7+$0x0], $0xffff;
	v25 =	vand.u32 $0x7F, v51;
	[tilespmem:s1+$0xFFFFFF90] =	vst @p1 v21;
	v21 =	vshll.u32 v15, $0x7;
	v50 =	vadd.s32 v0, v22  }
0x4e3: {  	v23 =	vshll.u32 v28, $0x7;
	v41 =	vor.u32 v21, v25;
	v52 =	vand.u32 $0x7F, v50  }
0x4e4: {  	vm4 =	vmmov @p2 vm6;
	v26 =	vnsel @p3 vm2, $0x0, v33;
	v28 =	vld.idx.msk [tilespmem:v28+s14+$0x0], $0xffff;
	v33 =	vor.u32 v23, v52  }
0x4e5: {  	v55 =	vadd.s32 v1, v8;
	v60 =	vadd.s32 v2, v8;
	v63 =	vadd.s32 v3, v8  }
0x4e6: {  	v30 =	vld.idx.msk @p2 [tilespmem:v30+s7+$0x0], $0xffff;
	v11 =	vpsel p1, v13, v11;
	v43 =	vadd.s32 v4, v8;
	v39 =	vand.u32 @p2 $0x7F, v39  }
0x4e7: {  	v53 =	vld.idx.msk [tilespmem:v15+s14+$0x0], $0xffff;
	v39 =	vor.u32 @p2 v36, v39;
	v25 =	vand.u32 @p1 $0x7F, v40;
	v40 =	vadd.s32 @p2 v5, v34  }
0x4e8: {  	[tilespmem:s2+$0xFFFFFFB0] =	vst @p2 v29;
	v29 =	vor.u32 @p1 v14, v25;
	v40 =	vand.u32 @p2 $0x7F, v40;
	v25 =	vnsel @p3 vm5, $0x0, v37;
	v41 =	vld.idx.msk [tilespmem:v41+s7+$0x0], $0xffff  }
0x4e9: {  	v54 =	vadd.s32 v1, v22;
	vm11 =	vgt.s32 v28, $0x0;
	v28 =	vand.u32 $0x7F, v55;
	v33 =	vld.idx.msk [tilespmem:v33+s7+$0x0], $0xffff  }
0x4ea: {  	v37 =	vor.u32 @p2 v17, v40;
	v40 =	vand.u32 $0x7F, v54;
	v28 =	vor.u32 v21, v28  }
0x4eb: {  	v30 =	vnsel @p2 vm6, $0x0, v30;
	v15 =	vadd.s32 @p2 v6, v35;
	v40 =	vor.u32 v23, v40  }
0x4ec: {  	s5 =	sadd.s32 @p1 $0x100, s1;
	vm12 =	vgt.s32 v53, $0x0;
	v32 =	vnsel @p1 vm3, $0x0, v32;
	[tilespmem:s2+$0x40] =	vst @p2 v30;
	v15 =	vand.u32 @p2 $0x7F, v15  }
0x4ed: {  	s15 =	smov.u32 @p1 s5;
	v31 =	vld.idx.msk @p2 [tilespmem:v31+s7+$0x0], $0xffff;
	v30 =	vadd.s32 @p1 v3, v24;
	[tilespmem:s1+$0x10] =	vst @p1 v32;
	v42 =	vor.u32 @p2 v36, v15;
	v57 =	vnsel vm12, $0x0, v41  }
0x4ee: {  	v32 =	vld.idx.msk @p2 [tilespmem:v39+s7+$0x0], $0xffff;
	v15 =	vand.u32 @p1 $0x7F, v30;
	v30 =	vadd.s32 @p2 v7, v35;
	[tilespmem:s15+$0xFFFFFF80] =	vst v57;
	v56 =	vnsel vm11, $0x0, v33  }
0x4ef: {  	v12 =	vpsel p1, v14, v12;
	v35 =	vor.u32 @p1 v27, v15;
	v15 =	vand.u32 @p2 $0x7F, v30;
	v28 =	vld.idx.msk [tilespmem:v28+s7+$0x0], $0xffff;
	[tilespmem:s15+$0x0] =	vst v56  }
0x4f0: {  	v59 =	vadd.s32 v2, v22;
	v15 =	vor.u32 @p2 v36, v15;
	v36 =	vand.u32 $0x7F, v60;
	v58 =	vld.idx.msk [tilespmem:v40+s7+$0x0], $0xffff  }
0x4f1: {  	v9 =	vpsel p1, v24, v9;
	v36 =	vor.u32 v21, v36;
	v29 =	vld.idx.msk @p1 [tilespmem:v29+s7+$0x0], $0xffff;
	v33 =	vand.u32 $0x7F, v59  }
0x4f2: {  	v49 =	vadd.s32 v5, v8;
	v31 =	vnsel @p2 vm7, $0x0, v31;
	v38 =	vld.idx.msk @p1 [tilespmem:v38+s7+$0x0], $0xffff;
	v33 =	vor.u32 v23, v33  }
0x4f3: {  	vm6 =	vmmov vm12;
	v39 =	vadd.s32 @p1 v3, v13;
	[tilespmem:s2+$0xFFFFFFC0] =	vst @p2 v31;
	v32 =	vnsel @p2 vm4, $0x0, v32  }
0x4f4: {  	v39 =	vand.u32 @p1 $0x7F, v39;
	v31 =	vadd.s32 @p2 v6, v34;
	[tilespmem:s2+$0x50] =	vst @p2 v32;
	v28 =	vnsel vm6, $0x0, v28  }
0x4f5: {  	v31 =	vand.u32 @p2 $0x7F, v31;
	v32 =	vld.idx.msk @p2 [tilespmem:v37+s7+$0x0], $0xffff;
	v37 =	vor.u32 @p1 v14, v39;
	[tilespmem:s15+$0xFFFFFF90] =	vst v28;
	v30 =	vnsel vm11, $0x0, v58  }
0x4f6: {  	v34 =	vadd.s32 @p2 v7, v34;
	v62 =	vadd.s32 v3, v22;
	v29 =	vnsel @p1 vm3, $0x0, v29;
	v40 =	vld.idx.msk [tilespmem:v36+s7+$0x0], $0xffff;
	[tilespmem:s15+$0x10] =	vst v30  }
0x4f7: {  	v38 =	vnsel @p1 vm8, $0x0, v38;
	[tilespmem:s1+$0x20] =	vst @p1 v29;
	v29 =	vand.u32 $0x7F, v63;
	v30 =	vadd.s32 @p1 v4, v13;
	v61 =	vld.idx.msk [tilespmem:v33+s7+$0x0], $0xffff  }
0x4f8: {  	[tilespmem:s1+$0xFFFFFFA0] =	vst @p1 v38;
	v29 =	vor.u32 v21, v29;
	v33 =	vand.u32 $0x7F, v62;
	v30 =	vand.u32 @p1 $0x7F, v30  }
0x4f9: {  	v31 =	vor.u32 @p2 v17, v31;
	v35 =	vld.idx.msk @p1 [tilespmem:v35+s7+$0x0], $0xffff;
	v33 =	vor.u32 v23, v33;
	v30 =	vor.u32 @p1 v14, v30  }
0x4fa: {  	v34 =	vand.u32 @p2 $0x7F, v34;
	v36 =	vld.idx.msk @p1 [tilespmem:v37+s7+$0x0], $0xffff;
	v18 =	vpsel p1, v30, v18;
	v30 =	vadd.s32 @p1 v4, v24  }
0x4fb: {  	v17 =	vor.u32 @p2 v17, v34;
	v34 =	vnsel vm6, $0x0, v40;
	v30 =	vand.u32 @p1 $0x7F, v30  }
0x4fc: {  	vm0 =	vmmov @p1 vm8;
	v38 =	vld.idx.msk @p2 [tilespmem:v42+s7+$0x0], $0xffff;
	[tilespmem:s15+$0xFFFFFFA0] =	vst v34;
	v30 =	vor.u32 @p1 v27, v30;
	v28 =	vnsel vm11, $0x0, v61  }
0x4fd: {  	v51 =	vand.u32 $0x7F, v49;
	v42 =	vadd.s32 v4, v22;
	v29 =	vld.idx.msk [tilespmem:v29+s7+$0x0], $0xffff;
	v19 =	vpsel p1, v30, v19;
	[tilespmem:s15+$0x20] =	vst v28  }
0x4fe: {  	vm3 =	vmmov @p1 vm3;
	v16 =	vpsel p1, v35, v16;
	v13 =	vand.u32 $0x7F, v43;
	v41 =	vld.idx.msk [tilespmem:v33+s7+$0x0], $0xffff  }
0x4ff: {  	v13 =	vor.u32 v21, v13;
	v28 =	vnsel @p1 vm3, $0x0, v36;
	v33 =	vand.u32 $0x7F, v42  }
0x500: {  	s9 =	smov.u32 @p1 s1;
	vm7 =	vmmov @p2 vm7;
	v16 =	vnsel @p1 vm0, $0x0, v16;
	v24 =	vmovc @p1 v27;
	[tilespmem:s1+$0x30] =	vst @p1 v28;
	v44 =	vor.u32 v23, v33  }
0x501: {  	vm5 =	vmmov vm11;
	[tilespmem:s9+$0xFFFFFFB0] =	vst @p1 v16;
	v10 =	vpsel p1, v24, v10;
	v28 =	vadd.s32 @p1 v5, v11;
	v18 =	vld.idx.msk @p1 [tilespmem:v18+s7+$0x0], $0xffff  }
0x502: {  	v27 =	vadd.s32 @p1 v5, v9;
	v16 =	vand.u32 @p1 $0x7F, v28;
	v46 =	vnsel vm6, $0x0, v29;
	v19 =	vld.idx.msk @p1 [tilespmem:v19+s7+$0x0], $0xffff  }
0x503: {  	v24 =	vand.u32 @p1 $0x7F, v27;
	v16 =	vor.u32 @p1 v12, v16;
	[tilespmem:s15+$0xFFFFFFB0] =	vst v46;
	v45 =	vnsel vm5, $0x0, v41  }
0x504: {  	vm13 =	vmmov vm6;
	v47 =	vadd.s32 v5, v22;
	v24 =	vor.u32 @p1 v10, v24;
	v13 =	vld.idx.msk [tilespmem:v13+s7+$0x0], $0xffff;
	[tilespmem:s15+$0x30] =	vst v45  }
0x505: {  	v48 =	vand.u32 $0x7F, v47;
	v54 =	vadd.s32 v6, v8;
	vm1 =	vmmov @p1 vm3;
	v14 =	vld.idx.msk [tilespmem:v44+s7+$0x0], $0xffff  }
0x506: {  	v27 =	vor.u32 v21, v51;
	vm3 =	vmmov @p1 vm0;
	v18 =	vnsel @p1 vm1, $0x0, v18  }
0x507: {  	v8 =	vadd.s32 v7, v8;
	v50 =	vor.u32 v23, v48;
	[tilespmem:s9+$0x40] =	vst @p1 v18;
	v19 =	vnsel @p1 vm3, $0x0, v19  }
0x508: {  	vm15 =	vmmov vm13;
	v52 =	vadd.s32 v6, v22;
	v28 =	vadd.s32 @p1 v6, v11;
	v16 =	vld.idx.msk @p1 [tilespmem:v16+s7+$0x0], $0xffff;
	[tilespmem:s9+$0xFFFFFFC0] =	vst @p1 v19  }
0x509: {  	v19 =	vand.u32 @p1 $0x7F, v28;
	v28 =	vadd.s32 @p1 v6, v9;
	v13 =	vnsel vm13, $0x0, v13;
	v24 =	vld.idx.msk @p1 [tilespmem:v24+s7+$0x0], $0xffff  }
0x50a: {  	v19 =	vor.u32 @p1 v12, v19;
	v28 =	vand.u32 @p1 $0x7F, v28;
	[tilespmem:s15+$0xFFFFFFC0] =	vst v13;
	v14 =	vnsel vm5, $0x0, v14  }
0x50b: {  	v17 =	vpsel p2, v17, v0;
	v32 =	vnsel @p2 vm7, $0x0, v32;
	v27 =	vld.idx.msk [tilespmem:v27+s7+$0x0], $0xffff;
	[tilespmem:s15+$0x40] =	vst v14;
	v14 =	vor.u32 @p1 v10, v28  }
0x50c: {  	v53 =	vand.u32 $0x7F, v52;
	[tilespmem:s2+$0xFFFFFFD0] =	vst @p2 v32;
	vm1 =	vmmov @p1 vm1;
	v28 =	vand.u32 $0x7F, v54;
	v18 =	vld.idx.msk [tilespmem:v50+s7+$0x0], $0xffff  }
0x50d: {  	v30 =	vld.idx.msk @p2 [tilespmem:v31+s7+$0x0], $0xffff;
	s1 =	smov.u32 @p1 s9;
	vm6 =	vmmov @p1 vm3;
	v13 =	vnsel @p1 vm1, $0x0, v16;
	v55 =	vor.u32 v21, v28  }
0x50e: {  	v8 =	vand.u32 $0x7F, v8;
	v16 =	vor.u32 v23, v53;
	[tilespmem:s1+$0x50] =	vst @p1 v13;
	v13 =	vnsel @p1 vm6, $0x0, v24  }
0x50f: {  	vm14 =	vmmov vm5;
	v32 =	vnsel @p2 vm4, $0x0, v38;
	v11 =	vadd.s32 @p1 v7, v11;
	v19 =	vld.idx.msk @p1 [tilespmem:v19+s7+$0x0], $0xffff;
	[tilespmem:s1+$0xFFFFFFD0] =	vst @p1 v13  }
0x510: {  	[tilespmem:s2+$0x60] =	vst @p2 v32;
	v11 =	vand.u32 @p1 $0x7F, v11;
	v9 =	vadd.s32 @p1 v7, v9;
	v57 =	vnsel vm15, $0x0, v27;
	v13 =	vld.idx.msk @p1 [tilespmem:v14+s7+$0x0], $0xffff  }
0x511: {  	v15 =	vld.idx.msk @p2 [tilespmem:v15+s7+$0x0], $0xffff;
	v11 =	vor.u32 @p1 v12, v11;
	v9 =	vand.u32 @p1 $0x7F, v9;
	[tilespmem:s15+$0xFFFFFFD0] =	vst v57;
	v56 =	vnsel vm14, $0x0, v18  }
0x512: {  	vm0 =	vmmov @p2 vm7;
	v29 =	vpsel p2, v30, v0;
	v9 =	vor.u32 @p1 v10, v9;
	v61 =	vld.idx.msk [tilespmem:v55+s7+$0x0], $0xffff;
	[tilespmem:s15+$0x50] =	vst v56  }
0x513: {  	[tilespmem:s0+$0xFFFFFFE0] =	vst @p3 v26;
	v59 =	vadd.s32 v7, v22;
	s2 =	smov.u32 @p2 s2;
	v9 =	vpsel p1, v9, v0;
	v14 =	vnsel @p2 vm0, $0x0, v29;
	v58 =	vld.idx.msk [tilespmem:v16+s7+$0x0], $0xffff  }
0x514: {  	v8 =	vor.u32 v21, v8;
	v60 =	vand.u32 $0x7F, v59;
	v18 =	vld.idx.msk @p3 [tilespmem:v20+s7+$0x0], $0xffff;
	[tilespmem:s2+$0xFFFFFFE0] =	vst @p2 v14;
	v14 =	vnsel @p1 vm1, $0x0, v19  }
0x515: {  	v12 =	vor.u32 v23, v60;
	vm6 =	vmmov @p1 vm6;
	v17 =	vld.idx.msk @p2 [tilespmem:v17+s7+$0x0], $0xffff;
	[tilespmem:s1+$0x60] =	vst @p1 v14;
	v13 =	vpsel p1, v13, v0  }
0x516: {  	[tilespmem:s0+$0x70] =	vst @p3 v25;
	s1 =	smov.u32 @p1 s1;
	v11 =	vld.idx.msk @p1 [tilespmem:v11+s7+$0x0], $0xffff;
	v13 =	vnsel @p1 vm6, $0x0, v13  }
0x517: {  	v62 =	vnsel vm15, $0x0, v61;
	[tilespmem:s1+$0xFFFFFFE0] =	vst @p1 v13  }
0x518: {  	[tilespmem:s15+$0xFFFFFFE0] =	vst v62;
	v10 =	vnsel vm14, $0x0, v58;
	v9 =	vld.idx.msk @p1 [tilespmem:v9+s7+$0x0], $0xffff  }
0x519: {  	v14 =	vpsel p2, v15, v0;
	v13 =	vnsel @p3 vm2, $0x0, v18;
	vm2 =	vmmov @p2 vm4;
	v8 =	vld.idx.msk [tilespmem:v8+s7+$0x0], $0xffff;
	[tilespmem:s15+$0x60] =	vst v10  }
0x51a: {  	[tilespmem:s0+$0xFFFFFFF0] =	vst @p3 v13;
	v10 =	vnsel @p2 vm2, $0x0, v14;
	v12 =	vld.idx.msk [tilespmem:v12+s7+$0x0], $0xffff  }
0x51b: {  	v11 =	vpsel p1, v11, v0;
	[tilespmem:s2+$0x70] =	vst @p2 v10;
	v10 =	vnsel @p2 vm0, $0x0, v17;
	vm0 =	vmmov @p1 vm1  }
0x51c: {  	[tilespmem:s2+$0xFFFFFFF0] =	vst @p2 v10;
	v10 =	vnsel @p1 vm0, $0x0, v11  }
0x51d: {  	[tilespmem:s1+$0x70] =	vst @p1 v10;
	v9 =	vnsel @p1 vm6, $0x0, v9  }
0x51e: {  	v8 =	vnsel vm15, $0x0, v8;
	[tilespmem:s1+$0xFFFFFFF0] =	vst @p1 v9  }
0x51f: {  	[tilespmem:s15+$0xFFFFFFF0] =	vst v8;
	v63 =	vnsel vm14, $0x0, v12  }
.Ltmp42:
0x520: {  	[tilespmem:s15+$0x70] =	vst v63;
	(pc) =	sbr.rel @p0 .LBB2_77-.Ltmp42, $4  }
0x521: {  	s16 =	simm.s32 $0xA000;
	s0 =	rddreg [dreg:$0x17]  }
0x522: {  	[hbm4b:s0+s7] =	stream.linear.scatter [tilespmem:s16], [sflag:$0x7], $0x5000, $0x38;
	[tilespmem:$0x14880] =	vst v63  }
0x523: {  	s26 =	simm.s32 $0x14400;
	s25 =	rddreg [dreg:$0x18]  }
0x524: {  	[hbm4b:s25+s7] =	stream.linear.scatter [tilespmem:s26], [sflag:$0x9], $0xA0, $0x38;
	[tilespmem:$0x14880] =	vst v63  }
0x525: {  	_ =	swait.ge [sflag:s18], $0x5000  }
0x526: {  	[sflag:s18] =	ssyncset.done $0x0  }
0x527: {  	[sflag:s18] =	ssyncadd.s32 $0xFFFFB000  }
0x528: {  	_ =	swait.ge [sflag:s19], $0xA0  }
0x529: {  	[sflag:s19] =	ssyncset.done $0x0  }
0x52a: {  	[sflag:s19] =	ssyncadd.s32 $0xFFFFFF60  }
0x52b: {  	_ =	swait.ge [sflag:s20], $0xA0  }
0x52c: {  	[sflag:s20] =	ssyncset.done $0x0  }
0x52d: {  	[sflag:s20] =	ssyncadd.s32 $0xFFFFFF60  }
0x52e: {  	_ =	swait.ge [sflag:s4], $0x5000  }
0x52f: {  	[sflag:s4] =	ssyncset.done $0x0  }
0x530: {  	[sflag:s4] =	ssyncadd.s32 $0xFFFFB000  }
0x531: {  	_ =	swait.ge [sflag:s31], $0xA0  }
0x532: {  	[sflag:s31] =	ssyncset.done $0x0  }
0x533: {  	s0 =	simm.s32 $0x14100;
	[sflag:s31] =	ssyncadd.s32 $0xFFFFFF60  }
0x534: {  	v8 =	vld [tilespmem:s0+$0x0];
	_ =	sdelay $0x4  }
0x535: {  	v9 =	vadd.s32 $0xFFFFFFFF, v8  }
0x536: {  	s15 =	simm.s32 $0x14110;
	vm0 =	vgt.s32 v9, $0x0  }
0x537: {  	v10 =	vld [tilespmem:s15+$0x0];
	v9 =	vnsel vm0, $0x0, v9;
	_ =	sdelay $0x2  }
0x538: {  	s1 =	simm.s32 $0x14120  }
0x539: {  	v11 =	vld [tilespmem:s1+$0x0]  }
0x53a: {  	v13 =	vld.idx.msk [tilespmem:v9+s28+$0x0], $0xffff;
	v9 =	vadd.s32 $0xFFFFFFFF, v10  }
0x53b: {  	s16 =	simm.s32 $0x14300;
	vm13 =	vgt.s32 v9, $0x0  }
0x53c: {  	v12 =	vld [tilespmem:s16+$0x0];
	v14 =	vnsel vm13, $0x0, v9;
	_ =	sdelay $0x1  }
0x53d: {  	s25 =	simm.s32 $0x14130  }
0x53e: {  	s2 =	simm.s32 $0x14140;
	v16 =	vadd.s32 $0xFFFFFFFF, v11;
	v9 =	vld [tilespmem:s25+$0x0];
	v15 =	vcvt.s32.f32 v13  }
0x53f: {  	vm14 =	vgt.s32 v8, $0x0;
	v8 =	vld [tilespmem:s2+$0x0];
	vm15 =	vgt.s32 v16, $0x0  }
0x540: {  	v15 =	vsub.f32 v12, v15;
	v12 =	vld.idx.msk [tilespmem:v14+s28+$0x0], $0xffff;
	v14 =	vnsel vm15, $0x0, v16  }
0x541: {  	s5 =	simm.s32 $0x14310  }
0x542: {  	s26 =	simm.s32 $0x14500;
	v17 =	vsub.s32 $0x0, v13;
	v13 =	vld [tilespmem:s5+$0x0];
	v15 =	vnsel vm14, $0x0, v15  }
0x543: {  	s6 =	simm.s32 $0x40;
	s0 =	simm.s32 $0x14700;
	s1 =	simm.s32 $0x14510;
	v16 =	vadd.s32 $0xFFFFFFFF, v9;
	[tilespmem:s26+$0x0] =	vst v15;
	v15 =	vand.u32 $0x7F, v17  }
.LBB2_65:
0x544: {  	s6 =	sadd.s32 $0x10, s6  }
0x545: {  	s2 =	sadd.s32 $0x10, s2;
	vm0 =	vgt.s32 v16, $0x0;
	v17 =	vcvt.s32.f32 v12;
	[tilespmem:s0+$0x0] =	vst v15;
	s0 =	sadd.s32 $0x10, s0;
	v15 =	vmovc v12;
	v12 =	vld.idx.msk [tilespmem:v14+s28+$0x0], $0xffff;
	v18 =	vmov v8;
	p1 =	slt.u32 s6, $0x90  }
.Ltmp43:
0x546: {  	v8 =	vld [tilespmem:s2+$0x0];
	v14 =	vnsel vm0, $0x0, v16;
	(pc) =	sbr.rel @p1 .LBB2_65-.Ltmp43, $4  }
0x547: {  	s5 =	sadd.s32 $0x10, s5;
	v16 =	vsub.f32 v13, v17  }
0x548: {  	vm0 =	vgt.s32 v10, $0x0;
	v10 =	vmovc v11;
	v11 =	vmov v9;
	v9 =	vmov v18;
	v13 =	vld [tilespmem:s5+$0x0]  }
0x549: {  	v15 =	vsub.s32 $0x0, v15;
	v17 =	vnsel vm0, $0x0, v16  }
0x54a: {  	v15 =	vand.u32 $0x7F, v15;
	v16 =	vadd.s32 $0xFFFFFFFF, v9;
	[tilespmem:s1+$0x0] =	vst v17;
	s1 =	sadd.s32 $0x10, s1  }
0x54b: {  	vm0 =	vgt.s32 v16, $0x0  }
0x54c: {  	v17 =	vadd.s32 $0xFFFFFFFF, v8;
	v16 =	vnsel vm0, $0x0, v16  }
0x54d: {  	vm11 =	vgt.s32 v17, $0x0  }
0x54e: {  	v17 =	vnsel vm11, $0x0, v17  }
0x54f: {  	v14 =	vld.idx.msk [tilespmem:v14+s28+$0x0], $0xffff;
	s2 =	sadd.s32 $0x10, s5  }
0x550: {  	v18 =	vld [tilespmem:s2+$0x0]  }
0x551: {  	v19 =	vcvt.s32.f32 v12;
	s2 =	sadd.s32 $0x10, s2;
	v16 =	vld.idx.msk [tilespmem:v16+s28+$0x0], $0xffff  }
0x552: {  	v20 =	vld [tilespmem:s2+$0x0]  }
0x553: {  	v13 =	vsub.f32 v13, v19;
	v17 =	vld.idx.msk [tilespmem:v17+s28+$0x0], $0xffff  }
0x554: {  	vm12 =	vgt.s32 v10, $0x0;
	s2 =	sadd.s32 $0x10, s2;
	v21 =	vcvt.s32.f32 v14  }
0x555: {  	vm13 =	vgt.s32 v11, $0x0;
	v11 =	vsub.s32 $0x0, v12;
	v63 =	vld [tilespmem:s2+$0x0];
	v13 =	vnsel vm12, $0x0, v13  }
0x556: {  	s16 =	sadd.s32 $0x10, s0;
	v11 =	vand.u32 $0x7F, v11;
	[tilespmem:s1+$0x0] =	vst v13;
	v10 =	vsub.f32 v18, v21;
	v62 =	vcvt.s32.f32 v16  }
0x557: {  	vm14 =	vgt.s32 v9, $0x0;
	[tilespmem:s16+$0x0] =	vst v11;
	v11 =	vsub.s32 $0x0, v14  }
0x558: {  	[tilespmem:s0+$0x0] =	vst v15;
	s25 =	sadd.s32 $0x10, s1;
	s26 =	simm.s32 $0x0;
	v10 =	vnsel vm13, $0x0, v10;
	v9 =	vcvt.s32.f32 v17;
	v12 =	vsub.f32 v20, v62  }
0x559: {  	s0 =	sadd.s32 $0x10, s16;
	v15 =	vmov s26;
	[tilespmem:s25+$0x0] =	vst v10;
	v10 =	vand.u32 $0x7F, v11  }
0x55a: {  	s1 =	sadd.s32 $0x10, s25;
	[tilespmem:s0+$0x0] =	vst v10;
	v10 =	vsub.s32 $0x0, v16;
	v9 =	vsub.f32 v63, v9;
	v11 =	vnsel vm14, $0x0, v12  }
0x55b: {  	vm15 =	vgt.s32 v8, $0x0;
	s0 =	sadd.s32 $0x10, s0;
	v10 =	vand.u32 $0x7F, v10;
	[tilespmem:s1+$0x0] =	vst v11  }
0x55c: {  	s1 =	sadd.s32 $0x10, s1;
	v8 =	vnsel vm15, $0x0, v9;
	v9 =	vsub.s32 $0x0, v17;
	[tilespmem:s0+$0x0] =	vst v10  }
0x55d: {  	s0 =	sadd.s32 $0x10, s0;
	[tilespmem:s1+$0x0] =	vst v8;
	v8 =	vand.u32 $0x7F, v9  }
0x55e: {  	p4 =	por $0x1, $0x1;
	[tilespmem:s0+$0x0] =	vst v8  }
.Ltmp44:
0x55f: {  	v9 =	vld.idx.msk [tilespmem:v15+s24+$0x0], $0xffff;
	(pc) =	sbr.rel @!p4 .LBB2_67-.Ltmp44, $3  }
0x560: {  	_ =	sdelay $0x1  }
0x561: {  	s9 =	simm.s32 $0xF080;
	s5 =	simm.s32 $0x1;
	p1 =	por $0x0, $0x0  }
0x562: {  	p2 =	por $0x0, $0x0;
	p3 =	por $0x0, $0x0;
	s0 =	simm.s32 $0x2  }
0x563: {  	v8 =	vmov s5;
	_ =	sdelay $0x4  }
0x564: {  	v11 =	vld.idx.msk [tilespmem:v8+s24+$0x0], $0xffff;
	_ =	sdelay $0x4  }
0x565: {  	v10 =	vadd.s32 v0, v11  }
0x566: {  	v12 =	vshll.u32 v8, $0x7;
	v10 =	vand.u32 $0x7F, v10  }
0x567: {  	v13 =	vor.u32 v12, v10  }
0x568: {  	v14 =	vadd.s32 v0, v9  }
0x569: {  	v14 =	vand.u32 $0x7F, v14;
	v10 =	vshll.u32 v15, $0x7  }
0x56a: {  	v16 =	vld.idx.msk [tilespmem:v15+s8+$0x0], $0xffff;
	v14 =	vor.u32 v10, v14  }
0x56b: {  	v8 =	vld.idx.msk [tilespmem:v8+s8+$0x0], $0xffff  }
0x56c: {  	p4 =	por $0x1, $0x1;
	v15 =	vmov s0;
	v13 =	vld.idx.msk [tilespmem:v13+s3+$0x0], $0xffff  }
.Ltmp45:
0x56d: {  	_ = 	snop;
	(pc) =	sbr.rel @!p4 .LBB2_69-.Ltmp45, $4  }
0x56e: {  	_ = 	snop  }
0x56f: {  	v18 =	vadd.s32 v1, v9;
	vm7 =	vgt.s32 v16, $0x0;
	v17 =	vadd.s32 v1, v11;
	v23 =	vld.idx.msk [tilespmem:v14+s3+$0x0], $0xffff  }
0x570: {  	vm3 =	vgt.s32 v8, $0x0;
	v17 =	vand.u32 $0x7F, v17;
	v14 =	vand.u32 $0x7F, v18  }
0x571: {  	s5 =	simm.s32 $0x3;
	p1 =	por $0x1, $0x1;
	v25 =	vor.u32 v12, v17;
	s0 =	simm.s32 $0x4;
	v8 =	vld.idx.msk [tilespmem:v15+s24+$0x0], $0xffff;
	v27 =	vor.u32 v10, v14;
	v32 =	vnsel vm3, $0x0, v13  }
0x572: {  	_ =	sdelay $0x1  }
0x573: {  	v16 =	vmov s5  }
0x574: {  	[tilespmem:s9+$0x0] =	vst v32  }
0x575: {  	v17 =	vadd.s32 v2, v11;
	v14 =	vld.idx.msk [tilespmem:v25+s3+$0x0], $0xffff;
	v13 =	vnsel vm7, $0x0, v23  }
0x576: {  	[tilespmem:s9+$0xFFFFFF80] =	vst v13;
	v13 =	vand.u32 $0x7F, v17  }
0x577: {  	v17 =	vld.idx.msk [tilespmem:v27+s3+$0x0], $0xffff;
	v18 =	vor.u32 v12, v13  }
0x578: {  	v13 =	vld.idx.msk [tilespmem:v16+s24+$0x0], $0xffff;
	_ =	sdelay $0x1  }
0x579: {  	v19 =	vadd.s32 v2, v9;
	v14 =	vnsel vm3, $0x0, v14  }
0x57a: {  	v19 =	vand.u32 $0x7F, v19;
	[tilespmem:s9+$0x10] =	vst v14  }
0x57b: {  	vm0 =	vmmov vm7;
	v19 =	vor.u32 v10, v19;
	v14 =	vadd.s32 v3, v11;
	v18 =	vld.idx.msk [tilespmem:v18+s3+$0x0], $0xffff  }
0x57c: {  	v21 =	vand.u32 $0x7F, v14;
	v17 =	vnsel vm0, $0x0, v17;
	v20 =	vadd.s32 v0, v13  }
0x57d: {  	v14 =	vshll.u32 v16, $0x7;
	[tilespmem:s9+$0xFFFFFF90] =	vst v17;
	v17 =	vand.u32 $0x7F, v20;
	v20 =	vor.u32 v12, v21  }
0x57e: {  	v24 =	vld.idx.msk [tilespmem:v15+s8+$0x0], $0xffff;
	v22 =	vor.u32 v14, v17  }
0x57f: {  	v26 =	vld.idx.msk [tilespmem:v16+s8+$0x0], $0xffff;
	v21 =	vadd.s32 v0, v8  }
0x580: {  	v19 =	vld.idx.msk [tilespmem:v19+s3+$0x0], $0xffff;
	v17 =	vshll.u32 v15, $0x7;
	v21 =	vand.u32 $0x7F, v21;
	v15 =	vnsel vm3, $0x0, v18  }
0x581: {  	v23 =	vadd.s32 v3, v9;
	v21 =	vor.u32 v17, v21;
	[tilespmem:s9+$0x20] =	vst v15  }
0x582: {  	v27 =	vadd.s32 v1, v8;
	v18 =	vand.u32 $0x7F, v23;
	v15 =	vmov s0;
	v20 =	vld.idx.msk [tilespmem:v20+s3+$0x0], $0xffff  }
0x583: {  	vm1 =	vmmov vm3;
	p4 =	por $0x1, $0x1;
	v27 =	vand.u32 $0x7F, v27;
	v16 =	vor.u32 v10, v18;
	v28 =	vld.idx.msk [tilespmem:v22+s3+$0x0], $0xffff  }
.Ltmp46:
0x584: {  	vm7 =	vgt.s32 v24, $0x0;
	v25 =	vadd.s32 v1, v13;
	v27 =	vor.u32 v17, v27;
	(pc) =	sbr.rel @!p4 .LBB2_71-.Ltmp46, $4  }
0x585: {  	vm3 =	vgt.s32 v26, $0x0;
	v18 =	vnsel vm0, $0x0, v19;
	v22 =	vadd.s32 v4, v11  }
0x586: {  	v19 =	vadd.s32 v4, v9;
	v23 =	vld.idx.msk [tilespmem:v21+s3+$0x0], $0xffff;
	v21 =	vand.u32 $0x7F, v22;
	v22 =	vand.u32 $0x7F, v25  }
0x587: {  	s5 =	simm.s32 $0x5;
	[tilespmem:s9+$0xFFFFFFA0] =	vst v18;
	v19 =	vand.u32 $0x7F, v19;
	v25 =	vor.u32 v14, v22;
	v22 =	vld.idx.msk [tilespmem:v15+s24+$0x0], $0xffff;
	v20 =	vnsel vm1, $0x0, v20  }
0x588: {  	s15 =	simm.s32 $0xF180;
	p2 =	por $0x1, $0x1;
	s0 =	simm.s32 $0x6;
	v19 =	vor.u32 v10, v19;
	v18 =	vor.u32 v12, v21;
	v16 =	vld.idx.msk [tilespmem:v16+s3+$0x0], $0xffff;
	v32 =	vnsel vm3, $0x0, v28;
	[tilespmem:s9+$0x30] =	vst v20  }
0x589: {  	_ =	sdelay $0x3  }
0x58a: {  	v20 =	vmov s5;
	v26 =	vld.idx.msk [tilespmem:v18+s3+$0x0], $0xffff;
	[tilespmem:s15+$0x0] =	vst v32;
	v24 =	vadd.s32 v5, v11;
	vm2 =	vmmov vm0  }
0x58b: {  	v28 =	vadd.s32 v2, v13;
	vm4 =	vmmov vm7;
	v25 =	vld.idx.msk [tilespmem:v25+s3+$0x0], $0xffff;
	v21 =	vnsel vm7, $0x0, v23  }
0x58c: {  	vm5 =	vmmov vm1;
	[tilespmem:s15+$0xFFFFFF80] =	vst v21;
	v21 =	vand.u32 $0x7F, v24;
	v23 =	vnsel vm0, $0x0, v16  }
0x58d: {  	v24 =	vadd.s32 v2, v8;
	v27 =	vld.idx.msk [tilespmem:v27+s3+$0x0], $0xffff;
	[tilespmem:s9+$0xFFFFFFB0] =	vst v23;
	v23 =	vand.u32 $0x7F, v28;
	v28 =	vor.u32 v12, v21  }
0x58e: {  	v61 =	vadd.s32 v3, v8;
	v30 =	vand.u32 $0x7F, v24;
	v29 =	vld.idx.msk [tilespmem:v19+s3+$0x0], $0xffff;
	v23 =	vor.u32 v14, v23  }
0x58f: {  	v60 =	vadd.s32 v0, v22;
	v21 =	vadd.s32 v5, v9;
	v24 =	vld.idx.msk [tilespmem:v20+s24+$0x0], $0xffff;
	v30 =	vor.u32 v17, v30  }
0x590: {  	v26 =	vnsel vm1, $0x0, v26;
	v21 =	vand.u32 $0x7F, v21;
	v25 =	vnsel vm3, $0x0, v25  }
0x591: {  	[tilespmem:s9+$0x40] =	vst v26;
	v26 =	vand.u32 $0x7F, v60;
	v31 =	vor.u32 v10, v21;
	v21 =	vshll.u32 v15, $0x7  }
0x592: {  	[tilespmem:s15+$0x10] =	vst v25;
	v27 =	vnsel vm4, $0x0, v27;
	v25 =	vld.idx.msk [tilespmem:v28+s3+$0x0], $0xffff;
	v28 =	vor.u32 v21, v26;
	v26 =	vadd.s32 v6, v11  }
0x593: {  	[tilespmem:s15+$0xFFFFFF90] =	vst v27;
	v23 =	vld.idx.msk [tilespmem:v23+s3+$0x0], $0xffff;
	v27 =	vnsel vm2, $0x0, v29;
	v29 =	vadd.s32 v3, v13;
	v26 =	vand.u32 $0x7F, v26  }
0x594: {  	[tilespmem:s9+$0xFFFFFFC0] =	vst v27;
	v27 =	vadd.s32 v0, v24;
	v29 =	vand.u32 $0x7F, v29;
	v33 =	vor.u32 v12, v26  }
0x595: {  	v30 =	vld.idx.msk [tilespmem:v30+s3+$0x0], $0xffff;
	v26 =	vshll.u32 v20, $0x7;
	v27 =	vand.u32 $0x7F, v27;
	v29 =	vor.u32 v14, v29  }
0x596: {  	v34 =	vadd.s32 v6, v9;
	vm6 =	vmmov vm3;
	v31 =	vld.idx.msk [tilespmem:v31+s3+$0x0], $0xffff;
	v27 =	vor.u32 v26, v27  }
0x597: {  	v35 =	vld.idx.msk [tilespmem:v15+s8+$0x0], $0xffff;
	v62 =	vadd.s32 v7, v9;
	v32 =	vand.u32 $0x7F, v61;
	v25 =	vnsel vm5, $0x0, v25  }
0x598: {  	v34 =	vand.u32 $0x7F, v34;
	v32 =	vor.u32 v17, v32;
	v20 =	vld.idx.msk [tilespmem:v20+s8+$0x0], $0xffff;
	v23 =	vnsel vm3, $0x0, v23;
	[tilespmem:s9+$0x50] =	vst v25  }
0x599: {  	v38 =	vadd.s32 v4, v8;
	v34 =	vor.u32 v10, v34;
	v15 =	vmov s0;
	[tilespmem:s15+$0x20] =	vst v23;
	v36 =	vld.idx.msk [tilespmem:v33+s3+$0x0], $0xffff  }
0x59a: {  	vm2 =	vmmov vm2;
	v25 =	vnsel vm4, $0x0, v30;
	v23 =	vadd.s32 v7, v11;
	v37 =	vld.idx.msk [tilespmem:v29+s3+$0x0], $0xffff  }
0x59b: {  	v31 =	vnsel vm2, $0x0, v31;
	v29 =	vadd.s32 v4, v13;
	v23 =	vand.u32 $0x7F, v23;
	v39 =	vld.idx.msk [tilespmem:v27+s3+$0x0], $0xffff  }
0x59c: {  	p4 =	por $0x1, $0x1;
	[tilespmem:s15+$0xFFFFFFA0] =	vst v25;
	v27 =	vadd.s32 v1, v24;
	v29 =	vand.u32 $0x7F, v29;
	v40 =	vor.u32 v12, v23;
	v23 =	vld.idx.msk [tilespmem:v28+s3+$0x0], $0xffff  }
.Ltmp47:
0x59d: {  	v25 =	vadd.s32 v1, v22;
	[tilespmem:s9+$0xFFFFFFD0] =	vst v31;
	v27 =	vand.u32 $0x7F, v27;
	v30 =	vor.u32 v14, v29;
	v29 =	vld.idx.msk [tilespmem:v32+s3+$0x0], $0xffff;
	(pc) =	sbr.rel @!p4 .LBB2_73-.Ltmp47, $4  }
0x59e: {  	v41 =	vand.u32 $0x7F, v62;
	v28 =	vand.u32 $0x7F, v25;
	v33 =	vld.idx.msk [tilespmem:v34+s3+$0x0], $0xffff;
	v25 =	vor.u32 v26, v27  }
0x59f: {  	v31 =	vand.u32 $0x7F, v38;
	v27 =	vor.u32 v21, v28;
	v63 =	vnsel vm5, $0x0, v36  }
0x5a0: {  	s5 =	simm.s32 $0x7;
	s6 =	simm.s32 $0x8;
	s1 =	simm.s32 $0xF280;
	vm3 =	vgt.s32 v20, $0x0;
	v31 =	vor.u32 v17, v31;
	v28 =	vld.idx.msk [tilespmem:v15+s24+$0x0], $0xffff;
	v20 =	vnsel vm6, $0x0, v37;
	[tilespmem:s9+$0x60] =	vst v63  }
0x5a1: {  	p3 =	por $0x1, $0x1;
	s2 =	simm.s32 $0xF180;
	vm7 =	vgt.s32 v35, $0x0;
	s0 =	simm.s32 $0xF080;
	v32 =	vnsel vm3, $0x0, v39;
	[tilespmem:s15+$0x30] =	vst v20;
	v20 =	vor.u32 v10, v41;
	v37 =	vld.idx.msk [tilespmem:v40+s3+$0x0], $0xffff  }
.LBB2_74:
0x5a2: {  	p4 =	slt.u32 s6, $0x9E;
	v35 =	vmov s5;
	v23 =	vnsel vm7, $0x0, v23;
	[tilespmem:s1+$0x0] =	vst v32;
	v29 =	vnsel vm4, $0x0, v29;
	v30 =	vld.idx.msk [tilespmem:v30+s3+$0x0], $0xffff;
	v34 =	vmovc v21  }
0x5a3: {  	v21 =	vadd.s32 v5, v13;
	vm8 =	vmmov vm4;
	[tilespmem:s1+$0xFFFFFF80] =	vst v23;
	v23 =	vld.idx.msk [tilespmem:v25+s3+$0x0], $0xffff;
	v25 =	vnsel vm2, $0x0, v33  }
0x5a4: {  	v32 =	vadd.s32 v2, v24;
	vm4 =	vmmov vm7;
	v21 =	vand.u32 $0x7F, v21;
	v27 =	vld.idx.msk [tilespmem:v27+s3+$0x0], $0xffff;
	[tilespmem:s2+$0xFFFFFFB0] =	vst v29  }
0x5a5: {  	v32 =	vand.u32 $0x7F, v32;
	v29 =	vadd.s32 v2, v22;
	v33 =	vor.u32 v14, v21;
	v31 =	vld.idx.msk [tilespmem:v31+s3+$0x0], $0xffff;
	[tilespmem:s0+$0xFFFFFFE0] =	vst v25  }
0x5a6: {  	v21 =	vand.u32 $0x7F, v29;
	v25 =	vor.u32 v26, v32;
	v29 =	vadd.s32 v5, v8;
	v20 =	vld.idx.msk [tilespmem:v20+s3+$0x0], $0xffff  }
0x5a7: {  	v36 =	vor.u32 v34, v21;
	v21 =	vand.u32 $0x7F, v29;
	v29 =	vnsel vm5, $0x0, v37;
	v32 =	vld.idx.msk [tilespmem:v35+s24+$0x0], $0xffff  }
0x5a8: {  	vm5 =	vmmov vm6;
	v37 =	vor.u32 v17, v21;
	v30 =	vnsel vm6, $0x0, v30;
	[tilespmem:s0+$0x70] =	vst v29  }
0x5a9: {  	v21 =	vshll.u32 v15, $0x7;
	v29 =	vadd.s32 v0, v28;
	v23 =	vnsel vm3, $0x0, v23;
	[tilespmem:s2+$0x40] =	vst v30  }
0x5aa: {  	v29 =	vand.u32 $0x7F, v29;
	v27 =	vnsel vm4, $0x0, v27;
	v30 =	vadd.s32 v3, v22;
	[tilespmem:s1+$0x10] =	vst v23;
	v33 =	vld.idx.msk [tilespmem:v33+s3+$0x0], $0xffff  }
0x5ab: {  	v23 =	vor.u32 v21, v29;
	v29 =	vadd.s32 v6, v13;
	[tilespmem:s1+$0xFFFFFF90] =	vst v27;
	v25 =	vld.idx.msk [tilespmem:v25+s3+$0x0], $0xffff;
	v27 =	vnsel vm8, $0x0, v31  }
0x5ac: {  	v20 =	vnsel vm2, $0x0, v20;
	v31 =	vld.idx.msk [tilespmem:v36+s3+$0x0], $0xffff;
	v36 =	vadd.s32 v3, v24;
	[tilespmem:s2+$0xFFFFFFC0] =	vst v27;
	v27 =	vand.u32 $0x7F, v29  }
0x5ad: {  	v29 =	vadd.s32 v0, v32;
	v36 =	vand.u32 $0x7F, v36;
	v37 =	vld.idx.msk [tilespmem:v37+s3+$0x0], $0xffff;
	v27 =	vor.u32 v14, v27;
	[tilespmem:s0+$0xFFFFFFF0] =	vst v20;
	s0 =	smov.u32 s2;
	s2 =	smov.u32 s1  }
0x5ae: {  	v38 =	vshll.u32 v35, $0x7;
	v20 =	vand.u32 $0x7F, v29;
	v29 =	vor.u32 v26, v36  }
0x5af: {  	v20 =	vor.u32 v38, v20;
	v36 =	vld.idx.msk [tilespmem:v15+s8+$0x0], $0xffff;
	v15 =	vand.u32 $0x7F, v30;
	v30 =	vadd.s32 v6, v8  }
0x5b0: {  	v23 =	vld.idx.msk [tilespmem:v23+s3+$0x0], $0xffff;
	v39 =	vor.u32 v34, v15;
	v15 =	vand.u32 $0x7F, v30;
	v30 =	vnsel vm5, $0x0, v33  }
0x5b1: {  	vm6 =	vmmov vm3;
	v25 =	vnsel vm3, $0x0, v25;
	v35 =	vld.idx.msk [tilespmem:v35+s8+$0x0], $0xffff;
	v33 =	vor.u32 v17, v15;
	[tilespmem:s0+$0x50] =	vst v30  }
0x5b2: {  	vm2 =	vmmov vm8;
	v15 =	vmov s6;
	v30 =	vnsel vm4, $0x0, v31;
	[tilespmem:s1+$0x20] =	vst v25;
	v31 =	vld.idx.msk [tilespmem:v27+s3+$0x0], $0xffff  }
0x5b3: {  	v41 =	vadd.s32 v7, v13;
	v8 =	vadd.s32 v7, v8;
	v25 =	vnsel vm2, $0x0, v37;
	[tilespmem:s1+$0xFFFFFFA0] =	vst v30;
	v40 =	vld.idx.msk [tilespmem:v29+s3+$0x0], $0xffff  }
0x5b4: {  	v37 =	vadd.s32 v4, v22;
	v27 =	vadd.s32 v4, v24;
	v30 =	vand.u32 $0x7F, v41;
	v20 =	vld.idx.msk [tilespmem:v20+s3+$0x0], $0xffff;
	[tilespmem:s0+$0xFFFFFFD0] =	vst v25  }
0x5b5: {  	v13 =	vmovc v24;
	v27 =	vand.u32 $0x7F, v27;
	v25 =	vadd.s32 v1, v32;
	v29 =	vld.idx.msk [tilespmem:v39+s3+$0x0], $0xffff;
	v39 =	vor.u32 v14, v30  }
.Ltmp48:
0x5b6: {  	v42 =	vadd.s32 v1, v28;
	v24 =	vmovc v32;
	v25 =	vand.u32 $0x7F, v25;
	v30 =	vor.u32 v26, v27;
	v33 =	vld.idx.msk [tilespmem:v33+s3+$0x0], $0xffff;
	(pc) =	sbr.rel @p4 .LBB2_74-.Ltmp48, $4  }
0x5b7: {  	v41 =	vand.u32 $0x7F, v8;
	v27 =	vand.u32 $0x7F, v42;
	v14 =	vmovc v26;
	v26 =	vmovc v38;
	v25 =	vor.u32 v38, v25  }
0x5b8: {  	v8 =	vmovc v22;
	v22 =	vmovc v28;
	v32 =	vand.u32 $0x7F, v37;
	v27 =	vor.u32 v21, v27;
	v37 =	vnsel vm5, $0x0, v31  }
0x5b9: {  	vm3 =	vgt.s32 v35, $0x0;
	v31 =	vor.u32 v34, v32;
	v35 =	vnsel vm6, $0x0, v40;
	v28 =	vld.idx.msk [tilespmem:v15+s24+$0x0], $0xffff;
	[tilespmem:s0+$0x60] =	vst v37  }
0x5ba: {  	s5 =	sadd.s32 $0x1, s6;
	s6 =	sadd.s32 $0x2, s6;
	s1 =	sadd.s32 $0x100, s1;
	vm7 =	vgt.s32 v36, $0x0;
	v32 =	vnsel vm3, $0x0, v20;
	v20 =	vor.u32 v17, v41;
	v17 =	vmovc v34;
	[tilespmem:s2+$0x30] =	vst v35;
	v37 =	vld.idx.msk [tilespmem:v39+s3+$0x0], $0xffff  }
.Ltmp49:
0x5bb: {  	(pc) =	sbr.rel .LBB2_76-.Ltmp49, $3  }
0x5bc: {  	_ =	sdelay $0x1  }
0x5bd: {  	v35 =	vmov v13;
	v36 =	vmov v14  }
0x5be: {  	v34 =	vmovc v8;
	v13 =	vmovc v24;
	v24 =	vmov v22;
	v14 =	vmov v26;
	v8 =	vmov v28  }
.LBB2_4:
.Ltmp50:
0x5bf: {  	_ = 	snop;
	(pc) =	sbr.rel .LBB2_13-.Ltmp50, $2  }
0x5c0: {  	_ =	sdelay $0x2  }
0x5c1: {  	s0 =	simm.s32 $0xA080;
	s15 =	simm.s32 $0xA080;
	v8 =	vmov v9  }
.LBB2_16:
.Ltmp51:
0x5c2: {  	_ = 	snop;
	(pc) =	sbr.rel .LBB2_25-.Ltmp51, $2  }
0x5c3: {  	_ =	sdelay $0x2  }
0x5c4: {  	s0 =	simm.s32 $0xF080;
	s16 =	simm.s32 $0xF080;
	v8 =	vmov v9  }
.LBB2_54:
.Ltmp52:
0x5c5: {  	_ = 	snop;
	(pc) =	sbr.rel .LBB2_63-.Ltmp52, $2  }
0x5c6: {  	_ =	sdelay $0x2  }
0x5c7: {  	s1 =	simm.s32 $0xA080;
	s15 =	simm.s32 $0xA080;
	v8 =	vmov v9  }
.LBB2_6:
.Ltmp53:
0x5c8: {  	(pc) =	sbr.rel .LBB2_13-.Ltmp53, $2  }
0x5c9: {  	_ =	sdelay $0x2  }
0x5ca: {  	v21 =	vmovc v10;
	v13 =	vmov v11;
	v24 =	vmov v9;
	v14 =	vmov v12;
	s0 =	simm.s32 $0xA080;
	s15 =	simm.s32 $0xA080  }
.LBB2_18:
.Ltmp54:
0x5cb: {  	(pc) =	sbr.rel .LBB2_25-.Ltmp54, $2  }
0x5cc: {  	_ =	sdelay $0x2  }
0x5cd: {  	v21 =	vmovc v10;
	v13 =	vmov v11;
	v24 =	vmov v9;
	v14 =	vmov v12;
	s0 =	simm.s32 $0xF080;
	s16 =	simm.s32 $0xF080  }
.LBB2_56:
.Ltmp55:
0x5ce: {  	(pc) =	sbr.rel .LBB2_63-.Ltmp55, $2  }
0x5cf: {  	_ =	sdelay $0x2  }
0x5d0: {  	v21 =	vmovc v10;
	v13 =	vmov v11;
	v24 =	vmov v9;
	v14 =	vmov v12;
	s1 =	simm.s32 $0xA080;
	s15 =	simm.s32 $0xA080  }
.LBB2_8:
.Ltmp56:
0x5d1: {  	_ = 	snop;
	(pc) =	sbr.rel .LBB2_13-.Ltmp56, $4  }
0x5d2: {  	_ = 	snop  }
0x5d3: {  	v21 =	vmov v17;
	v24 =	vmov v8  }
0x5d4: {  	vm4 =	vmmov vm0;
	v30 =	vmovc v18;
	v35 =	vmovc v11;
	v31 =	vmov v19;
	v36 =	vmov v12  }
0x5d5: {  	s0 =	simm.s32 $0xA180;
	s1 =	simm.s32 $0xA080;
	v34 =	vmovc v9;
	v17 =	vmovc v10;
	vm6 =	vmmov vm1;
	v8 =	vmov v22;
	v29 =	vmov v16  }
.LBB2_20:
.Ltmp57:
0x5d6: {  	_ = 	snop;
	(pc) =	sbr.rel .LBB2_25-.Ltmp57, $4  }
0x5d7: {  	_ = 	snop  }
0x5d8: {  	v21 =	vmov v17;
	v24 =	vmov v8  }
0x5d9: {  	vm4 =	vmmov vm0;
	v30 =	vmovc v18;
	v35 =	vmovc v11;
	v31 =	vmov v19;
	v36 =	vmov v12  }
0x5da: {  	s0 =	simm.s32 $0xF180;
	s1 =	simm.s32 $0xF080;
	v34 =	vmovc v9;
	v17 =	vmovc v10;
	vm6 =	vmmov vm1;
	v8 =	vmov v22;
	v29 =	vmov v16  }
.LBB2_58:
.Ltmp58:
0x5db: {  	_ = 	snop;
	(pc) =	sbr.rel .LBB2_63-.Ltmp58, $4  }
0x5dc: {  	_ = 	snop  }
0x5dd: {  	v21 =	vmov v17;
	v24 =	vmov v8  }
0x5de: {  	vm4 =	vmmov vm0;
	v30 =	vmovc v18;
	v35 =	vmovc v11;
	v31 =	vmov v19;
	v36 =	vmov v12  }
0x5df: {  	s1 =	simm.s32 $0xA180;
	s2 =	simm.s32 $0xA080;
	v34 =	vmovc v9;
	v17 =	vmovc v10;
	vm6 =	vmmov vm1;
	v8 =	vmov v22;
	v29 =	vmov v16  }
.LBB2_10:
.Ltmp59:
0x5e0: {  	(pc) =	sbr.rel .LBB2_13-.Ltmp59, $3  }
0x5e1: {  	_ =	sdelay $0x1  }
0x5e2: {  	v35 =	vmov v13;
	v36 =	vmov v14  }
0x5e3: {  	v34 =	vmovc v8;
	v13 =	vmovc v24;
	s1 =	simm.s32 $0xA180;
	v24 =	vmov v22;
	s16 =	simm.s32 $0xA080;
	v14 =	vmov v26;
	v8 =	vmov v28  }
.LBB2_22:
.Ltmp60:
0x5e4: {  	(pc) =	sbr.rel .LBB2_25-.Ltmp60, $3  }
0x5e5: {  	_ =	sdelay $0x1  }
0x5e6: {  	v35 =	vmov v13;
	v36 =	vmov v14  }
0x5e7: {  	v34 =	vmovc v8;
	v13 =	vmovc v24;
	s1 =	simm.s32 $0xF180;
	v24 =	vmov v22;
	s17 =	simm.s32 $0xF080;
	v14 =	vmov v26;
	v8 =	vmov v28  }
.LBB2_60:
.Ltmp61:
0x5e8: {  	(pc) =	sbr.rel .LBB2_63-.Ltmp61, $3  }
0x5e9: {  	_ =	sdelay $0x1  }
0x5ea: {  	v35 =	vmov v13;
	v36 =	vmov v14  }
0x5eb: {  	v34 =	vmovc v8;
	v13 =	vmovc v24;
	s2 =	simm.s32 $0xA180;
	v24 =	vmov v22;
	s0 =	simm.s32 $0xA080;
	v14 =	vmov v26;
	v8 =	vmov v28  }
.LBB2_69:
.Ltmp62:
0x5ec: {  	(pc) =	sbr.rel .LBB2_76-.Ltmp62, $2  }
0x5ed: {  	_ =	sdelay $0x2  }
0x5ee: {  	v21 =	vmovc v10;
	v13 =	vmov v11;
	v24 =	vmov v9;
	v14 =	vmov v12;
	s1 =	simm.s32 $0xF080;
	s15 =	simm.s32 $0xF080  }
.LBB2_71:
.Ltmp63:
0x5ef: {  	_ = 	snop;
	(pc) =	sbr.rel .LBB2_76-.Ltmp63, $4  }
0x5f0: {  	_ = 	snop  }
0x5f1: {  	v21 =	vmov v17;
	v24 =	vmov v8  }
0x5f2: {  	vm4 =	vmmov vm0;
	v30 =	vmovc v18;
	v35 =	vmovc v11;
	v31 =	vmov v19;
	v36 =	vmov v12  }
0x5f3: {  	s1 =	simm.s32 $0xF180;
	s2 =	simm.s32 $0xF080;
	v34 =	vmovc v9;
	v17 =	vmovc v10;
	vm6 =	vmmov vm1;
	v8 =	vmov v22;
	v29 =	vmov v16  }
.LBB2_73:
.Ltmp64:
0x5f4: {  	(pc) =	sbr.rel .LBB2_76-.Ltmp64, $3  }
0x5f5: {  	_ =	sdelay $0x1  }
0x5f6: {  	v35 =	vmov v13;
	v36 =	vmov v14  }
0x5f7: {  	v34 =	vmovc v8;
	v13 =	vmovc v24;
	s2 =	simm.s32 $0xF180;
	v24 =	vmov v22;
	s0 =	simm.s32 $0xF080;
	v14 =	vmov v26;
	v8 =	vmov v28  }
.LBB2_78:
0x5f8: {  	_ =	sfence.sel $0x180000  }
0x5f9: {  	[bflag:$0x0] =	sbarrier.arrive $0xFFFF  }
0x5fa: {  	_ =	strace $0x90000047  }
0x5fb: {  	[bflag:$0x2] =	sbarrier.arrive $0xFFFF  }
0x5fc: {  	s0 =	rddreg [dreg:$0x6]  }
0x5fd: {  	s0 =	sadd.s32 @!p0 $0x100000, s0  }
0x5fe: {  	[sflag:s0] =	ssyncadd.tile.s32 @!p0 $0x1;
	_ =	shalt  }
.Lfunc_end2:
_tile_overlayer_lowered:
.L_overlay_start_2:
0x5ff: {  	(tag) =	ssettag $0x2  }
0x600: {  	s0 =	rddreg [dreg:$0x0];
	s2 =	stileid.u32  }
0x601: {  	s1 =	rddreg [dreg:$0x1];
	p0 =	sne.s32 s2, $0x0  }
0x602: {  	s3 =	rddreg [dreg:$0x2];
	[bflag:$0x3] =	sbarrier.arrive $0xFFFF;
	s2 =	simm.s32 @!p0 $0x1C0B  }
0x603: {  	[timem:s3], [sflag:s2] =	dma.local @!p0 [hbm:s0], s1  }
0x604: {  	s0 =	simm.s32 @!p0 $0xB  }
0x605: {  	_ =	swait.ge @!p0 [sflag:s0], s1  }
0x606: {  	s1 =	ssub.s32 @!p0 $0x0, s1;
	[sflag:s0] =	ssyncset.done @!p0 $0x0  }
0x607: {  	[sflag:s0] =	ssyncadd.s32 @!p0 s1  }
0x608: {  	[bflag:$0x3] =	sbarrier.arrive $0xFFFF  }
0x609: {  	_ =	shalt  }

</sc_bundles>
